<compile_context>
chip_gen: v7x
topology: tpu7x:2x2x1
jax: 0.10.2.dev20260603
libtpu: 0.0.44.dev20260713+nightly
codegen_flags: <defaults>
</compile_context>

<pallas_src>
import functools

import jax
import jax.numpy as jnp
from jax import lax
from jax.experimental import pallas as pl
from jax.experimental.pallas import tpu as pltpu
from jax.experimental.pallas import tpu_sc as plsc

NB = 2048
NCLS = 7
NBINS = NCLS * NB
NW = 32
H = 512
W = 512
ROWS_PER_W = H // 8
RCHUNK = 8
NCHUNK = ROWS_PER_W // RCHUNK
GROUPS = RCHUNK * W // 16


def _i32(x):
    return jnp.int32(x)


def _sc_hist_kernel(logits_hbm, targets_hbm, out_hbm,
                    lbuf_a, tbuf_a, lbuf_b, tbuf_b, hist, sem_a, sem_b):
    wid = (lax.axis_index("s").astype(jnp.int32) * _i32(2)
           + lax.axis_index("c").astype(jnp.int32))
    b = wid // _i32(8)
    h_base = (wid % _i32(8)) * _i32(ROWS_PER_W)

    zeros16 = jnp.zeros((16,), jnp.int32)
    one16 = jnp.full((16,), 1, jnp.int32)
    fg16 = jnp.full((16,), 65536, jnp.int32)

    def issue(ci, lbuf, tbuf, sem):
        h0 = h_base + ci * _i32(RCHUNK)
        for k in range(8):
            pltpu.async_copy(
                logits_hbm.at[b, _i32(k), pl.ds(h0, RCHUNK), :], lbuf.at[_i32(k)], sem
            )
        pltpu.async_copy(targets_hbm.at[b, pl.ds(h0, RCHUNK), :], tbuf, sem)

    def drain(ci, lbuf, tbuf, sem):
        h0 = h_base + ci * _i32(RCHUNK)
        for k in range(8):
            pltpu.make_async_copy(
                logits_hbm.at[b, _i32(k), pl.ds(h0, RCHUNK), :], lbuf.at[_i32(k)], sem
            ).wait()
        pltpu.make_async_copy(
            targets_hbm.at[b, pl.ds(h0, RCHUNK), :], tbuf, sem
        ).wait()

    def compute(lbuf, tbuf):
        def one_group(g):
            r = g >> _i32(5)
            col = (g & _i32(31)) * _i32(16)
            t = tbuf[r, pl.ds(col, 16)]
            ex = [jnp.exp(lbuf[k, r, pl.ds(col, 16)]) for k in range(8)]
            s = ((ex[0] + ex[1]) + (ex[2] + ex[3])) + ((ex[4] + ex[5]) + (ex[6] + ex[7]))
            inv_nb = jnp.float32(NB) / s
            for c in range(1, 8):
                q0 = (ex[c] * inv_nb).astype(jnp.int32)
                fg = t == _i32(c)
                plsc.addupdate_scatter(hist.at[pl.ds((c - 1) * NB, NB + 16)],
                                       [q0], jnp.where(fg, fg16, one16))

        @plsc.parallel_loop(_i32(0), _i32(GROUPS), step=_i32(1), unroll=3)
        def _group_loop(g):
            one_group(g)

    issue(_i32(0), lbuf_a, tbuf_a, sem_a)

    def zero_body(i, _):
        hist[pl.ds(i * _i32(16), 16)] = zeros16
        return _

    lax.fori_loop(_i32(0), _i32((NBINS + 16) // 16), zero_body, None)

    def pair_body(cp, _):
        ci = cp * _i32(2)
        issue(ci + _i32(1), lbuf_b, tbuf_b, sem_b)
        drain(ci, lbuf_a, tbuf_a, sem_a)
        compute(lbuf_a, tbuf_a)

        @pl.when(ci + _i32(2) < _i32(NCHUNK))
        def _():
            issue(ci + _i32(2), lbuf_a, tbuf_a, sem_a)

        drain(ci + _i32(1), lbuf_b, tbuf_b, sem_b)
        compute(lbuf_b, tbuf_b)
        return _

    lax.fori_loop(_i32(0), _i32(NCHUNK // 2), pair_body, None)

    pltpu.sync_copy(hist.at[pl.ds(0, NBINS)], out_hbm.at[wid])


@functools.partial(
    pl.kernel,
    out_type=jax.ShapeDtypeStruct((NW, NBINS), jnp.int32),
    mesh=plsc.VectorSubcoreMesh(core_axis_name="c", subcore_axis_name="s"),
    scratch_types=[
        pltpu.VMEM((8, RCHUNK, W), jnp.float32),
        pltpu.VMEM((RCHUNK, W), jnp.int32),
        pltpu.VMEM((8, RCHUNK, W), jnp.float32),
        pltpu.VMEM((RCHUNK, W), jnp.int32),
        pltpu.VMEM((NBINS + 16,), jnp.int32),
        pltpu.SemaphoreType.DMA,
        pltpu.SemaphoreType.DMA,
    ],
    compiler_params=pltpu.CompilerParams(
        needs_layout_passes=False, use_tc_tiling_on_sc=True
    ),
)
def _sc_hist(logits_hbm, targets_hbm, out_hbm,
             lbuf_a, tbuf_a, lbuf_b, tbuf_b, hist, sem_a, sem_b):
    _sc_hist_kernel(logits_hbm, targets_hbm, out_hbm,
                    lbuf_a, tbuf_a, lbuf_b, tbuf_b, hist, sem_a, sem_b)


def _tc_reduce_kernel(hist_ref, out_ref):
    hp = hist_ref[...]
    n0f = jnp.sum((hp & _i32(0xFFFF)).astype(jnp.float32), axis=0, keepdims=True)
    n1f = jnp.sum(((hp >> _i32(16)) & _i32(0xFFFF)).astype(jnp.float32), axis=0,
                  keepdims=True)
    n0 = jnp.concatenate([n0f[:, c * NB:(c + 1) * NB] for c in range(NCLS)], axis=0)
    n1p = jnp.concatenate([n1f[:, c * NB:(c + 1) * NB] for c in range(NCLS)], axis=0)
    rcol = lax.broadcasted_iota(jnp.int32, (NCLS, NB), 1)
    n1 = n1p
    bb = 1
    while bb < NB:
        n1 = jnp.where((rcol & _i32(bb)) != 0,
                       pltpu.roll(n1, _i32(bb), 1),
                       pltpu.roll(n1, _i32(NB - bb), 1))
        bb *= 2
    n = n0 + n1

    cat = jnp.concatenate([n, n1], axis=0)
    col = lax.broadcasted_iota(jnp.int32, (2 * NCLS, NB), 1)
    cs = cat
    k = 1
    while k < NB:
        cs = cs + jnp.where(col >= _i32(k), pltpu.roll(cs, _i32(k), 1), 0.0)
        k *= 2

    pn = cs[:NCLS, :]
    p1 = cs[NCLS:, :]
    ntot = pn[:, NB - 1:NB]
    g = p1[:, NB - 1:NB]
    rb = ntot - pn
    fb = g - p1
    re_ = rb + n
    fe = fb + n1
    u0 = g + rb - fb
    u1 = g + re_ - fe
    j0 = jnp.where(u0 > 0, 1.0 - (g - fb) / jnp.where(u0 > 0, u0, 1.0), 0.0)
    j1 = jnp.where(u1 > 0, 1.0 - (g - fe) / jnp.where(u1 > 0, u1, 1.0), 0.0)
    ev = (lax.broadcasted_iota(jnp.int32, (NCLS, NB), 1).astype(jnp.float32)
          + 0.5) * (1.0 / NB)
    loss_rows = jnp.sum(ev * n * 0.5 * (j0 + j1), axis=1, keepdims=True)
    present = (g > 0).astype(jnp.float32)
    total = jnp.sum(loss_rows * present)
    count = jnp.sum(present)
    out_ref[...] = jnp.broadcast_to(total / jnp.maximum(count, 1.0), (1, 1))


def kernel(logits, targets):
    targets32 = targets.astype(jnp.int32)
    hist3 = _sc_hist(logits, targets32)
    out = pl.pallas_call(
        _tc_reduce_kernel,
        out_shape=jax.ShapeDtypeStruct((1, 1), jnp.float32),
    )(hist3)
    return out.reshape(())

# --- scband reference (transcript-rebuilt; emitter-appended) ---
"""Pipeline reference for scband-lovasz-softmax-loss-2920577761458 (READ-ONLY COPY).

The authoritative reference and input builder live on the scoring server;
editing this copy changes nothing except your own understanding.
"""

import jax, jax.numpy as jnp
import numpy as np
jax.config.update("jax_enable_x64", True)


def setup_inputs(seed: int = 0) -> dict:
    key = jax.random.key(seed)
    k1, k2 = jax.random.split(key)
    logits = jax.random.normal(k1, (4, 8, 512, 512), dtype=jnp.float32)
    targets = jax.random.randint(k2, (4, 512, 512), 0, 8, dtype=jnp.int64)
    return {"logits": logits, "targets": targets}


def _lovasz_grad(gt_sorted):
    gts = jnp.sum(gt_sorted)
    intersection = gts - jnp.cumsum(gt_sorted)
    union = gts + jnp.cumsum(1.0 - gt_sorted)
    jaccard = 1.0 - intersection / union
    return jaccard


def reference(logits, targets):
    probs = jax.nn.softmax(logits, axis=1)
    B, C, H, W = probs.shape
    total = jnp.zeros((), dtype=jnp.float32)
    count = jnp.zeros((), dtype=jnp.float32)
    for c in range(1, C):
        fg = (targets == c).astype(jnp.float32)
        errors = jnp.abs(fg - probs[:, c])
        errors_flat = errors.reshape(-1)
        # descending sort (torch.sort(..., descending=True))
        perm = jnp.argsort(-errors_flat)
        errors_sorted = errors_flat[perm]
        fg_sorted = fg.reshape(-1)[perm]
        grad = _lovasz_grad(fg_sorted)
        loss_c = jnp.dot(errors_sorted, grad)
        # torch code skips classes with fg.sum() == 0; with random targets all
        # classes are present, mask keeps the math identical and jit-safe
        present = (jnp.sum(fg_sorted) > 0).astype(jnp.float32)
        total = total + present * loss_c
        count = count + present
    return total / count

if __name__ == "__main__":
    import jax
    _d = setup_inputs()
    print(jax.jit(kernel)(*tuple(_d.values())))

</pallas_src>

<mosaic_0001>
#map = affine_map<(d0, d1) -> (0, 0, 0, 0)>
#map1 = affine_map<(d0, d1) -> (0, 0, 0)>
#map2 = affine_map<(d0, d1) -> (0, 0)>
module attributes {stable_mosaic.version = 14 : i64} {
  func.func @_sc_hist(%arg0: i32, %arg1: i32, %arg2: memref<4x8x512x512xf32, #tpu.memory_space<hbm>>, %arg3: memref<4x512x512xi32, #tpu.memory_space<hbm>>, %arg4: memref<32x14336xi32, #tpu.memory_space<hbm>>, %arg5: memref<8x8x512xf32, #tpu.memory_space<vmem>>, %arg6: memref<8x512xi32, #tpu.memory_space<vmem>>, %arg7: memref<8x8x512xf32, #tpu.memory_space<vmem>>, %arg8: memref<8x512xi32, #tpu.memory_space<vmem>>, %arg9: memref<14352xi32, #tpu.memory_space<vmem>>, %arg10: memref<!tpu.dma_semaphore, #tpu.memory_space<semaphore_mem>>, %arg11: memref<!tpu.dma_semaphore, #tpu.memory_space<semaphore_mem>>) attributes {dimension_semantics = [#tpu.dimension_semantics<core_parallel>, #tpu.dimension_semantics<subcore_parallel>], iteration_bounds = array<i64: 2, 16>, scalar_prefetch = 0 : i64, scratch_operands = 7 : i64, tpu.core_type = #tpu.core_type<sc_vector_subcore>, window_params = [{transform_indices = #map}, {transform_indices = #map1}, {transform_indices = #map2}]} {
    %mul3A = arith.constant 2 : i32
    %mul3A_0 = arith.muli %arg1, %mul3A : i32
    %add3A = arith.addi %mul3A_0, %arg0 : i32
    %jit3A = arith.constant 8 : i32
    %div3A = arith.divsi %add3A, %jit3A : i32
    %sign3A = arith.constant 0 : i32
    %sign3A_1 = arith.cmpi sgt, %add3A, %sign3A : i32
    %sign3A_2 = arith.extui %sign3A_1 : i1 to i32
    %sign3A_3 = arith.constant 0 : i32
    %sign3A_4 = arith.cmpi slt, %add3A, %sign3A_3 : i32
    %sign3A_5 = arith.extui %sign3A_4 : i1 to i32
    %sign3A_6 = arith.subi %sign3A_2, %sign3A_5 : i32
    %sign3A_7 = arith.constant 0 : i32
    %sign3A_8 = arith.cmpi sgt, %jit3A, %sign3A_7 : i32
    %sign3A_9 = arith.extui %sign3A_8 : i1 to i32
    %sign3A_10 = arith.constant 0 : i32
    %sign3A_11 = arith.cmpi slt, %jit3A, %sign3A_10 : i32
    %sign3A_12 = arith.extui %sign3A_11 : i1 to i32
    %sign3A_13 = arith.subi %sign3A_9, %sign3A_12 : i32
    %ne3A = arith.cmpi ne, %sign3A_6, %sign3A_13 : i32
    %rem3A = arith.remsi %add3A, %jit3A : i32
    %ne3A_14 = arith.constant 0 : i32
    %ne3A_15 = arith.cmpi ne, %rem3A, %ne3A_14 : i32
    %and3A = arith.andi %ne3A, %ne3A_15 : i1
    %sub3A = arith.constant 1 : i32
    %sub3A_16 = arith.subi %div3A, %sub3A : i32
    %select_n3A = arith.select %and3A, %sub3A_16, %div3A : i32
    %jit3A_17 = arith.constant 8 : i32
    %eq3A = arith.constant 0 : i32
    %eq3A_18 = arith.cmpi eq, %jit3A_17, %eq3A : i32
    %jit3A_19 = arith.constant 1 : i32
    %select_n3A_20 = arith.select %eq3A_18, %jit3A_19, %jit3A_17 : i32
    %rem3A_21 = arith.remsi %add3A, %select_n3A_20 : i32
    %ne3A_22 = arith.constant 0 : i32
    %ne3A_23 = arith.cmpi ne, %rem3A_21, %ne3A_22 : i32
    %lt3A = arith.constant 0 : i32
    %lt3A_24 = arith.cmpi slt, %rem3A_21, %lt3A : i32
    %lt3A_25 = arith.constant 0 : i32
    %lt3A_26 = arith.cmpi slt, %select_n3A_20, %lt3A_25 : i32
    %ne3A_27 = arith.xori %lt3A_24, %lt3A_26 : i1
    %and3A_28 = arith.andi %ne3A_27, %ne3A_23 : i1
    %add3A_29 = arith.addi %rem3A_21, %select_n3A_20 : i32
    %select_n3A_30 = arith.select %and3A_28, %add3A_29, %rem3A_21 : i32
    %mul3A_31 = arith.constant 64 : i32
    %mul3A_32 = arith.muli %select_n3A_30, %mul3A_31 : i32
    %broadcast_in_dim3A = arith.constant 0 : i32
    %broadcast_in_dim3A_33 = vector.broadcast %broadcast_in_dim3A : i32 to vector<16xi32>
    %broadcast_in_dim3A_34 = arith.constant 1 : i32
    %broadcast_in_dim3A_35 = vector.broadcast %broadcast_in_dim3A_34 : i32 to vector<16xi32>
    %broadcast_in_dim3A_36 = arith.constant 65536 : i32
    %broadcast_in_dim3A_37 = vector.broadcast %broadcast_in_dim3A_36 : i32 to vector<16xi32>
    %mul3A_38 = arith.constant 0 : i32
    %mul3A_39 = arith.constant 8 : i32
    %mul3A_40 = arith.muli %mul3A_38, %mul3A_39 : i32
    %add3A_41 = arith.addi %mul3A_32, %mul3A_40 : i32
    %dma_start3A = arith.constant 0 : i32
    %dma_start3A_42 = arith.constant 0 : i32
    %dma_start3A_43 = arith.constant 0 : i32
    %dma_start3A_44 = arith.constant 0 : i32
    %dma_start3A_45 = tpu.memref_slice %arg5[%dma_start3A_42, %dma_start3A_43, %dma_start3A_44] : memref<8x8x512xf32, #tpu.memory_space<vmem>> -> memref<1x8x512xf32, #tpu.memory_space<vmem>>
    %dma_start3A_46 = tpu.memref_squeeze %dma_start3A_45 : memref<1x8x512xf32, #tpu.memory_space<vmem>> -> memref<8x512xf32, #tpu.memory_space<vmem>>
    %dma_start3A_47 = arith.constant 0 : i32
    %dma_start3A_48 = tpu.memref_slice %arg2[%select_n3A, %dma_start3A, %add3A_41, %dma_start3A_47] : memref<4x8x512x512xf32, #tpu.memory_space<hbm>> -> memref<1x1x8x512xf32, #tpu.memory_space<hbm>>
    %dma_start3A_49 = tpu.memref_squeeze %dma_start3A_48 : memref<1x1x8x512xf32, #tpu.memory_space<hbm>> -> memref<8x512xf32, #tpu.memory_space<hbm>>
    %dma_start3A_50 = arith.constant 0 : i32
    %dma_start3A_51 = arith.constant 0 : i32
    %dma_start3A_52 = tpu.memref_slice %arg5[%dma_start3A_42, %dma_start3A_50, %dma_start3A_51] : memref<8x8x512xf32, #tpu.memory_space<vmem>> -> memref<1x8x512xf32, #tpu.memory_space<vmem>>
    %dma_start3A_53 = tpu.memref_squeeze %dma_start3A_52 : memref<1x8x512xf32, #tpu.memory_space<vmem>> -> memref<8x512xf32, #tpu.memory_space<vmem>>
    %dma_start3A_54 = arith.constant 0 : i32
    %dma_start3A_55 = tpu.memref_slice %arg2[%select_n3A, %dma_start3A, %add3A_41, %dma_start3A_54] : memref<4x8x512x512xf32, #tpu.memory_space<hbm>> -> memref<1x1x8x512xf32, #tpu.memory_space<hbm>>
    %dma_start3A_56 = tpu.memref_squeeze %dma_start3A_55 : memref<1x1x8x512xf32, #tpu.memory_space<hbm>> -> memref<8x512xf32, #tpu.memory_space<hbm>>
    tpu.enqueue_dma source(%dma_start3A_56 : memref<8x512xf32, #tpu.memory_space<hbm>>) target(%dma_start3A_53 : memref<8x512xf32, #tpu.memory_space<vmem>>) target_semaphore(%arg10 : memref<!tpu.dma_semaphore, #tpu.memory_space<semaphore_mem>>)
    %dma_start3A_57 = arith.constant 1 : i32
    %dma_start3A_58 = arith.constant 1 : i32
    %dma_start3A_59 = arith.constant 0 : i32
    %dma_start3A_60 = arith.constant 0 : i32
    %dma_start3A_61 = tpu.memref_slice %arg5[%dma_start3A_58, %dma_start3A_59, %dma_start3A_60] : memref<8x8x512xf32, #tpu.memory_space<vmem>> -> memref<1x8x512xf32, #tpu.memory_space<vmem>>
    %dma_start3A_62 = tpu.memref_squeeze %dma_start3A_61 : memref<1x8x512xf32, #tpu.memory_space<vmem>> -> memref<8x512xf32, #tpu.memory_space<vmem>>
    %dma_start3A_63 = arith.constant 0 : i32
    %dma_start3A_64 = tpu.memref_slice %arg2[%select_n3A, %dma_start3A_57, %add3A_41, %dma_start3A_63] : memref<4x8x512x512xf32, #tpu.memory_space<hbm>> -> memref<1x1x8x512xf32, #tpu.memory_space<hbm>>
    %dma_start3A_65 = tpu.memref_squeeze %dma_start3A_64 : memref<1x1x8x512xf32, #tpu.memory_space<hbm>> -> memref<8x512xf32, #tpu.memory_space<hbm>>
    %dma_start3A_66 = arith.constant 0 : i32
    %dma_start3A_67 = arith.constant 0 : i32
    %dma_start3A_68 = tpu.memref_slice %arg5[%dma_start3A_58, %dma_start3A_66, %dma_start3A_67] : memref<8x8x512xf32, #tpu.memory_space<vmem>> -> memref<1x8x512xf32, #tpu.memory_space<vmem>>
    %dma_start3A_69 = tpu.memref_squeeze %dma_start3A_68 : memref<1x8x512xf32, #tpu.memory_space<vmem>> -> memref<8x512xf32, #tpu.memory_space<vmem>>
    %dma_start3A_70 = arith.constant 0 : i32
    %dma_start3A_71 = tpu.memref_slice %arg2[%select_n3A, %dma_start3A_57, %add3A_41, %dma_start3A_70] : memref<4x8x512x512xf32, #tpu.memory_space<hbm>> -> memref<1x1x8x512xf32, #tpu.memory_space<hbm>>
    %dma_start3A_72 = tpu.memref_squeeze %dma_start3A_71 : memref<1x1x8x512xf32, #tpu.memory_space<hbm>> -> memref<8x512xf32, #tpu.memory_space<hbm>>
    tpu.enqueue_dma source(%dma_start3A_72 : memref<8x512xf32, #tpu.memory_space<hbm>>) target(%dma_start3A_69 : memref<8x512xf32, #tpu.memory_space<vmem>>) target_semaphore(%arg10 : memref<!tpu.dma_semaphore, #tpu.memory_space<semaphore_mem>>)
    %dma_start3A_73 = arith.constant 2 : i32
    %dma_start3A_74 = arith.constant 2 : i32
    %dma_start3A_75 = arith.constant 0 : i32
    %dma_start3A_76 = arith.constant 0 : i32
    %dma_start3A_77 = tpu.memref_slice %arg5[%dma_start3A_74, %dma_start3A_75, %dma_start3A_76] : memref<8x8x512xf32, #tpu.memory_space<vmem>> -> memref<1x8x512xf32, #tpu.memory_space<vmem>>
    %dma_start3A_78 = tpu.memref_squeeze %dma_start3A_77 : memref<1x8x512xf32, #tpu.memory_space<vmem>> -> memref<8x512xf32, #tpu.memory_space<vmem>>
    %dma_start3A_79 = arith.constant 0 : i32
    %dma_start3A_80 = tpu.memref_slice %arg2[%select_n3A, %dma_start3A_73, %add3A_41, %dma_start3A_79] : memref<4x8x512x512xf32, #tpu.memory_space<hbm>> -> memref<1x1x8x512xf32, #tpu.memory_space<hbm>>
    %dma_start3A_81 = tpu.memref_squeeze %dma_start3A_80 : memref<1x1x8x512xf32, #tpu.memory_space<hbm>> -> memref<8x512xf32, #tpu.memory_space<hbm>>
    %dma_start3A_82 = arith.constant 0 : i32
    %dma_start3A_83 = arith.constant 0 : i32
    %dma_start3A_84 = tpu.memref_slice %arg5[%dma_start3A_74, %dma_start3A_82, %dma_start3A_83] : memref<8x8x512xf32, #tpu.memory_space<vmem>> -> memref<1x8x512xf32, #tpu.memory_space<vmem>>
    %dma_start3A_85 = tpu.memref_squeeze %dma_start3A_84 : memref<1x8x512xf32, #tpu.memory_space<vmem>> -> memref<8x512xf32, #tpu.memory_space<vmem>>
    %dma_start3A_86 = arith.constant 0 : i32
    %dma_start3A_87 = tpu.memref_slice %arg2[%select_n3A, %dma_start3A_73, %add3A_41, %dma_start3A_86] : memref<4x8x512x512xf32, #tpu.memory_space<hbm>> -> memref<1x1x8x512xf32, #tpu.memory_space<hbm>>
    %dma_start3A_88 = tpu.memref_squeeze %dma_start3A_87 : memref<1x1x8x512xf32, #tpu.memory_space<hbm>> -> memref<8x512xf32, #tpu.memory_space<hbm>>
    tpu.enqueue_dma source(%dma_start3A_88 : memref<8x512xf32, #tpu.memory_space<hbm>>) target(%dma_start3A_85 : memref<8x512xf32, #tpu.memory_space<vmem>>) target_semaphore(%arg10 : memref<!tpu.dma_semaphore, #tpu.memory_space<semaphore_mem>>)
    %dma_start3A_89 = arith.constant 3 : i32
    %dma_start3A_90 = arith.constant 3 : i32
    %dma_start3A_91 = arith.constant 0 : i32
    %dma_start3A_92 = arith.constant 0 : i32
    %dma_start3A_93 = tpu.memref_slice %arg5[%dma_start3A_90, %dma_start3A_91, %dma_start3A_92] : memref<8x8x512xf32, #tpu.memory_space<vmem>> -> memref<1x8x512xf32, #tpu.memory_space<vmem>>
    %dma_start3A_94 = tpu.memref_squeeze %dma_start3A_93 : memref<1x8x512xf32, #tpu.memory_space<vmem>> -> memref<8x512xf32, #tpu.memory_space<vmem>>
    %dma_start3A_95 = arith.constant 0 : i32
    %dma_start3A_96 = tpu.memref_slice %arg2[%select_n3A, %dma_start3A_89, %add3A_41, %dma_start3A_95] : memref<4x8x512x512xf32, #tpu.memory_space<hbm>> -> memref<1x1x8x512xf32, #tpu.memory_space<hbm>>
    %dma_start3A_97 = tpu.memref_squeeze %dma_start3A_96 : memref<1x1x8x512xf32, #tpu.memory_space<hbm>> -> memref<8x512xf32, #tpu.memory_space<hbm>>
    %dma_start3A_98 = arith.constant 0 : i32
    %dma_start3A_99 = arith.constant 0 : i32
    %dma_start3A_100 = tpu.memref_slice %arg5[%dma_start3A_90, %dma_start3A_98, %dma_start3A_99] : memref<8x8x512xf32, #tpu.memory_space<vmem>> -> memref<1x8x512xf32, #tpu.memory_space<vmem>>
    %dma_start3A_101 = tpu.memref_squeeze %dma_start3A_100 : memref<1x8x512xf32, #tpu.memory_space<vmem>> -> memref<8x512xf32, #tpu.memory_space<vmem>>
    %dma_start3A_102 = arith.constant 0 : i32
    %dma_start3A_103 = tpu.memref_slice %arg2[%select_n3A, %dma_start3A_89, %add3A_41, %dma_start3A_102] : memref<4x8x512x512xf32, #tpu.memory_space<hbm>> -> memref<1x1x8x512xf32, #tpu.memory_space<hbm>>
    %dma_start3A_104 = tpu.memref_squeeze %dma_start3A_103 : memref<1x1x8x512xf32, #tpu.memory_space<hbm>> -> memref<8x512xf32, #tpu.memory_space<hbm>>
    tpu.enqueue_dma source(%dma_start3A_104 : memref<8x512xf32, #tpu.memory_space<hbm>>) target(%dma_start3A_101 : memref<8x512xf32, #tpu.memory_space<vmem>>) target_semaphore(%arg10 : memref<!tpu.dma_semaphore, #tpu.memory_space<semaphore_mem>>)
    %dma_start3A_105 = arith.constant 4 : i32
    %dma_start3A_106 = arith.constant 4 : i32
    %dma_start3A_107 = arith.constant 0 : i32
    %dma_start3A_108 = arith.constant 0 : i32
    %dma_start3A_109 = tpu.memref_slice %arg5[%dma_start3A_106, %dma_start3A_107, %dma_start3A_108] : memref<8x8x512xf32, #tpu.memory_space<vmem>> -> memref<1x8x512xf32, #tpu.memory_space<vmem>>
    %dma_start3A_110 = tpu.memref_squeeze %dma_start3A_109 : memref<1x8x512xf32, #tpu.memory_space<vmem>> -> memref<8x512xf32, #tpu.memory_space<vmem>>
    %dma_start3A_111 = arith.constant 0 : i32
    %dma_start3A_112 = tpu.memref_slice %arg2[%select_n3A, %dma_start3A_105, %add3A_41, %dma_start3A_111] : memref<4x8x512x512xf32, #tpu.memory_space<hbm>> -> memref<1x1x8x512xf32, #tpu.memory_space<hbm>>
    %dma_start3A_113 = tpu.memref_squeeze %dma_start3A_112 : memref<1x1x8x512xf32, #tpu.memory_space<hbm>> -> memref<8x512xf32, #tpu.memory_space<hbm>>
    %dma_start3A_114 = arith.constant 0 : i32
    %dma_start3A_115 = arith.constant 0 : i32
    %dma_start3A_116 = tpu.memref_slice %arg5[%dma_start3A_106, %dma_start3A_114, %dma_start3A_115] : memref<8x8x512xf32, #tpu.memory_space<vmem>> -> memref<1x8x512xf32, #tpu.memory_space<vmem>>
    %dma_start3A_117 = tpu.memref_squeeze %dma_start3A_116 : memref<1x8x512xf32, #tpu.memory_space<vmem>> -> memref<8x512xf32, #tpu.memory_space<vmem>>
    %dma_start3A_118 = arith.constant 0 : i32
    %dma_start3A_119 = tpu.memref_slice %arg2[%select_n3A, %dma_start3A_105, %add3A_41, %dma_start3A_118] : memref<4x8x512x512xf32, #tpu.memory_space<hbm>> -> memref<1x1x8x512xf32, #tpu.memory_space<hbm>>
    %dma_start3A_120 = tpu.memref_squeeze %dma_start3A_119 : memref<1x1x8x512xf32, #tpu.memory_space<hbm>> -> memref<8x512xf32, #tpu.memory_space<hbm>>
    tpu.enqueue_dma source(%dma_start3A_120 : memref<8x512xf32, #tpu.memory_space<hbm>>) target(%dma_start3A_117 : memref<8x512xf32, #tpu.memory_space<vmem>>) target_semaphore(%arg10 : memref<!tpu.dma_semaphore, #tpu.memory_space<semaphore_mem>>)
    %dma_start3A_121 = arith.constant 5 : i32
    %dma_start3A_122 = arith.constant 5 : i32
    %dma_start3A_123 = arith.constant 0 : i32
    %dma_start3A_124 = arith.constant 0 : i32
    %dma_start3A_125 = tpu.memref_slice %arg5[%dma_start3A_122, %dma_start3A_123, %dma_start3A_124] : memref<8x8x512xf32, #tpu.memory_space<vmem>> -> memref<1x8x512xf32, #tpu.memory_space<vmem>>
    %dma_start3A_126 = tpu.memref_squeeze %dma_start3A_125 : memref<1x8x512xf32, #tpu.memory_space<vmem>> -> memref<8x512xf32, #tpu.memory_space<vmem>>
    %dma_start3A_127 = arith.constant 0 : i32
    %dma_start3A_128 = tpu.memref_slice %arg2[%select_n3A, %dma_start3A_121, %add3A_41, %dma_start3A_127] : memref<4x8x512x512xf32, #tpu.memory_space<hbm>> -> memref<1x1x8x512xf32, #tpu.memory_space<hbm>>
    %dma_start3A_129 = tpu.memref_squeeze %dma_start3A_128 : memref<1x1x8x512xf32, #tpu.memory_space<hbm>> -> memref<8x512xf32, #tpu.memory_space<hbm>>
    %dma_start3A_130 = arith.constant 0 : i32
    %dma_start3A_131 = arith.constant 0 : i32
    %dma_start3A_132 = tpu.memref_slice %arg5[%dma_start3A_122, %dma_start3A_130, %dma_start3A_131] : memref<8x8x512xf32, #tpu.memory_space<vmem>> -> memref<1x8x512xf32, #tpu.memory_space<vmem>>
    %dma_start3A_133 = tpu.memref_squeeze %dma_start3A_132 : memref<1x8x512xf32, #tpu.memory_space<vmem>> -> memref<8x512xf32, #tpu.memory_space<vmem>>
    %dma_start3A_134 = arith.constant 0 : i32
    %dma_start3A_135 = tpu.memref_slice %arg2[%select_n3A, %dma_start3A_121, %add3A_41, %dma_start3A_134] : memref<4x8x512x512xf32, #tpu.memory_space<hbm>> -> memref<1x1x8x512xf32, #tpu.memory_space<hbm>>
    %dma_start3A_136 = tpu.memref_squeeze %dma_start3A_135 : memref<1x1x8x512xf32, #tpu.memory_space<hbm>> -> memref<8x512xf32, #tpu.memory_space<hbm>>
    tpu.enqueue_dma source(%dma_start3A_136 : memref<8x512xf32, #tpu.memory_space<hbm>>) target(%dma_start3A_133 : memref<8x512xf32, #tpu.memory_space<vmem>>) target_semaphore(%arg10 : memref<!tpu.dma_semaphore, #tpu.memory_space<semaphore_mem>>)
    %dma_start3A_137 = arith.constant 6 : i32
    %dma_start3A_138 = arith.constant 6 : i32
    %dma_start3A_139 = arith.constant 0 : i32
    %dma_start3A_140 = arith.constant 0 : i32
    %dma_start3A_141 = tpu.memref_slice %arg5[%dma_start3A_138, %dma_start3A_139, %dma_start3A_140] : memref<8x8x512xf32, #tpu.memory_space<vmem>> -> memref<1x8x512xf32, #tpu.memory_space<vmem>>
    %dma_start3A_142 = tpu.memref_squeeze %dma_start3A_141 : memref<1x8x512xf32, #tpu.memory_space<vmem>> -> memref<8x512xf32, #tpu.memory_space<vmem>>
    %dma_start3A_143 = arith.constant 0 : i32
    %dma_start3A_144 = tpu.memref_slice %arg2[%select_n3A, %dma_start3A_137, %add3A_41, %dma_start3A_143] : memref<4x8x512x512xf32, #tpu.memory_space<hbm>> -> memref<1x1x8x512xf32, #tpu.memory_space<hbm>>
    %dma_start3A_145 = tpu.memref_squeeze %dma_start3A_144 : memref<1x1x8x512xf32, #tpu.memory_space<hbm>> -> memref<8x512xf32, #tpu.memory_space<hbm>>
    %dma_start3A_146 = arith.constant 0 : i32
    %dma_start3A_147 = arith.constant 0 : i32
    %dma_start3A_148 = tpu.memref_slice %arg5[%dma_start3A_138, %dma_start3A_146, %dma_start3A_147] : memref<8x8x512xf32, #tpu.memory_space<vmem>> -> memref<1x8x512xf32, #tpu.memory_space<vmem>>
    %dma_start3A_149 = tpu.memref_squeeze %dma_start3A_148 : memref<1x8x512xf32, #tpu.memory_space<vmem>> -> memref<8x512xf32, #tpu.memory_space<vmem>>
    %dma_start3A_150 = arith.constant 0 : i32
    %dma_start3A_151 = tpu.memref_slice %arg2[%select_n3A, %dma_start3A_137, %add3A_41, %dma_start3A_150] : memref<4x8x512x512xf32, #tpu.memory_space<hbm>> -> memref<1x1x8x512xf32, #tpu.memory_space<hbm>>
    %dma_start3A_152 = tpu.memref_squeeze %dma_start3A_151 : memref<1x1x8x512xf32, #tpu.memory_space<hbm>> -> memref<8x512xf32, #tpu.memory_space<hbm>>
    tpu.enqueue_dma source(%dma_start3A_152 : memref<8x512xf32, #tpu.memory_space<hbm>>) target(%dma_start3A_149 : memref<8x512xf32, #tpu.memory_space<vmem>>) target_semaphore(%arg10 : memref<!tpu.dma_semaphore, #tpu.memory_space<semaphore_mem>>)
    %dma_start3A_153 = arith.constant 7 : i32
    %dma_start3A_154 = arith.constant 7 : i32
    %dma_start3A_155 = arith.constant 0 : i32
    %dma_start3A_156 = arith.constant 0 : i32
    %dma_start3A_157 = tpu.memref_slice %arg5[%dma_start3A_154, %dma_start3A_155, %dma_start3A_156] : memref<8x8x512xf32, #tpu.memory_space<vmem>> -> memref<1x8x512xf32, #tpu.memory_space<vmem>>
    %dma_start3A_158 = tpu.memref_squeeze %dma_start3A_157 : memref<1x8x512xf32, #tpu.memory_space<vmem>> -> memref<8x512xf32, #tpu.memory_space<vmem>>
    %dma_start3A_159 = arith.constant 0 : i32
    %dma_start3A_160 = tpu.memref_slice %arg2[%select_n3A, %dma_start3A_153, %add3A_41, %dma_start3A_159] : memref<4x8x512x512xf32, #tpu.memory_space<hbm>> -> memref<1x1x8x512xf32, #tpu.memory_space<hbm>>
    %dma_start3A_161 = tpu.memref_squeeze %dma_start3A_160 : memref<1x1x8x512xf32, #tpu.memory_space<hbm>> -> memref<8x512xf32, #tpu.memory_space<hbm>>
    %dma_start3A_162 = arith.constant 0 : i32
    %dma_start3A_163 = arith.constant 0 : i32
    %dma_start3A_164 = tpu.memref_slice %arg5[%dma_start3A_154, %dma_start3A_162, %dma_start3A_163] : memref<8x8x512xf32, #tpu.memory_space<vmem>> -> memref<1x8x512xf32, #tpu.memory_space<vmem>>
    %dma_start3A_165 = tpu.memref_squeeze %dma_start3A_164 : memref<1x8x512xf32, #tpu.memory_space<vmem>> -> memref<8x512xf32, #tpu.memory_space<vmem>>
    %dma_start3A_166 = arith.constant 0 : i32
    %dma_start3A_167 = tpu.memref_slice %arg2[%select_n3A, %dma_start3A_153, %add3A_41, %dma_start3A_166] : memref<4x8x512x512xf32, #tpu.memory_space<hbm>> -> memref<1x1x8x512xf32, #tpu.memory_space<hbm>>
    %dma_start3A_168 = tpu.memref_squeeze %dma_start3A_167 : memref<1x1x8x512xf32, #tpu.memory_space<hbm>> -> memref<8x512xf32, #tpu.memory_space<hbm>>
    tpu.enqueue_dma source(%dma_start3A_168 : memref<8x512xf32, #tpu.memory_space<hbm>>) target(%dma_start3A_165 : memref<8x512xf32, #tpu.memory_space<vmem>>) target_semaphore(%arg10 : memref<!tpu.dma_semaphore, #tpu.memory_space<semaphore_mem>>)
    %dma_start3A_169 = arith.constant 0 : i32
    %dma_start3A_170 = tpu.memref_slice %arg3[%select_n3A, %add3A_41, %dma_start3A_169] : memref<4x512x512xi32, #tpu.memory_space<hbm>> -> memref<1x8x512xi32, #tpu.memory_space<hbm>>
    %dma_start3A_171 = tpu.memref_squeeze %dma_start3A_170 : memref<1x8x512xi32, #tpu.memory_space<hbm>> -> memref<8x512xi32, #tpu.memory_space<hbm>>
    %dma_start3A_172 = arith.constant 0 : i32
    %dma_start3A_173 = tpu.memref_slice %arg3[%select_n3A, %add3A_41, %dma_start3A_172] : memref<4x512x512xi32, #tpu.memory_space<hbm>> -> memref<1x8x512xi32, #tpu.memory_space<hbm>>
    %dma_start3A_174 = tpu.memref_squeeze %dma_start3A_173 : memref<1x8x512xi32, #tpu.memory_space<hbm>> -> memref<8x512xi32, #tpu.memory_space<hbm>>
    tpu.enqueue_dma source(%dma_start3A_174 : memref<8x512xi32, #tpu.memory_space<hbm>>) target(%arg6 : memref<8x512xi32, #tpu.memory_space<vmem>>) target_semaphore(%arg10 : memref<!tpu.dma_semaphore, #tpu.memory_space<semaphore_mem>>)
    %while3A = arith.constant 0 : i32
    %while3A_175 = arith.constant 897 : i32
    %while3A_176 = arith.subi %while3A_175, %while3A : i32
    %while3A_177 = arith.addi %while3A, %while3A_176 : i32
    %while3A_178 = arith.constant 1 : i32
    %while3A_179 = arith.divsi %while3A_176, %while3A_178 : i32
    %while3A_180 = arith.muli %while3A_179, %while3A_178 : i32
    %while3A_181 = arith.addi %while3A, %while3A_180 : i32
    %while3A_182 = arith.constant 1 : i32
    scf.for %while3A_194 = %while3A to %while3A_181 step %while3A_182  : i32 {
      %mul3A_195 = arith.constant 16 : i32
      %mul3A_196 = arith.muli %while3A_194, %mul3A_195 : i32
      %swap3A = arith.index_cast %mul3A_196 : i32 to index
      %swap3A_197 = tpu.vector_load %arg9[%swap3A] {strides = array<i32>} : memref<14352xi32, #tpu.memory_space<vmem>>, vector<16xi32>,
      tpu.vector_store %arg9[%swap3A], %broadcast_in_dim3A_33 {strides = array<i32>} : memref<14352xi32, #tpu.memory_space<vmem>>, vector<16xi32>,
    }
    %while3A_183 = arith.constant 1 : i32
    scf.for %while3A_194 = %while3A_181 to %while3A_177 step %while3A_183  : i32 {
      %mul3A_195 = arith.constant 16 : i32
      %mul3A_196 = arith.muli %while3A_194, %mul3A_195 : i32
      %swap3A = arith.index_cast %mul3A_196 : i32 to index
      %swap3A_197 = tpu.vector_load %arg9[%swap3A] {strides = array<i32>} : memref<14352xi32, #tpu.memory_space<vmem>>, vector<16xi32>,
      tpu.vector_store %arg9[%swap3A], %broadcast_in_dim3A_33 {strides = array<i32>} : memref<14352xi32, #tpu.memory_space<vmem>>, vector<16xi32>,
    }
    %while3A_184 = arith.constant 0 : i32
    %while3A_185 = arith.constant 4 : i32
    %while3A_186 = arith.subi %while3A_185, %while3A_184 : i32
    %while3A_187 = arith.addi %while3A_184, %while3A_186 : i32
    %while3A_188 = arith.constant 1 : i32
    %while3A_189 = arith.divsi %while3A_186, %while3A_188 : i32
    %while3A_190 = arith.muli %while3A_189, %while3A_188 : i32
    %while3A_191 = arith.addi %while3A_184, %while3A_190 : i32
    %while3A_192 = arith.constant 1 : i32
    scf.for %while3A_194 = %while3A_184 to %while3A_191 step %while3A_192  : i32 {
      %mul3A_195 = arith.constant 2 : i32
      %mul3A_196 = arith.muli %while3A_194, %mul3A_195 : i32
      %add3A_197 = arith.constant 1 : i32
      %add3A_198 = arith.addi %mul3A_196, %add3A_197 : i32
      %mul3A_199 = arith.constant 8 : i32
      %mul3A_200 = arith.muli %add3A_198, %mul3A_199 : i32
      %add3A_201 = arith.addi %mul3A_32, %mul3A_200 : i32
      %dma_start3A_202 = arith.constant 0 : i32
      %dma_start3A_203 = arith.constant 0 : i32
      %dma_start3A_204 = arith.constant 0 : i32
      %dma_start3A_205 = arith.constant 0 : i32
      %dma_start3A_206 = tpu.memref_slice %arg7[%dma_start3A_203, %dma_start3A_204, %dma_start3A_205] : memref<8x8x512xf32, #tpu.memory_space<vmem>> -> memref<1x8x512xf32, #tpu.memory_space<vmem>>
      %dma_start3A_207 = tpu.memref_squeeze %dma_start3A_206 : memref<1x8x512xf32, #tpu.memory_space<vmem>> -> memref<8x512xf32, #tpu.memory_space<vmem>>
      %dma_start3A_208 = arith.constant 0 : i32
      %dma_start3A_209 = tpu.memref_slice %arg2[%select_n3A, %dma_start3A_202, %add3A_201, %dma_start3A_208] : memref<4x8x512x512xf32, #tpu.memory_space<hbm>> -> memref<1x1x8x512xf32, #tpu.memory_space<hbm>>
      %dma_start3A_210 = tpu.memref_squeeze %dma_start3A_209 : memref<1x1x8x512xf32, #tpu.memory_space<hbm>> -> memref<8x512xf32, #tpu.memory_space<hbm>>
      %dma_start3A_211 = arith.constant 0 : i32
      %dma_start3A_212 = arith.constant 0 : i32
      %dma_start3A_213 = tpu.memref_slice %arg7[%dma_start3A_203, %dma_start3A_211, %dma_start3A_212] : memref<8x8x512xf32, #tpu.memory_space<vmem>> -> memref<1x8x512xf32, #tpu.memory_space<vmem>>
      %dma_start3A_214 = tpu.memref_squeeze %dma_start3A_213 : memref<1x8x512xf32, #tpu.memory_space<vmem>> -> memref<8x512xf32, #tpu.memory_space<vmem>>
      %dma_start3A_215 = arith.constant 0 : i32
      %dma_start3A_216 = tpu.memref_slice %arg2[%select_n3A, %dma_start3A_202, %add3A_201, %dma_start3A_215] : memref<4x8x512x512xf32, #tpu.memory_space<hbm>> -> memref<1x1x8x512xf32, #tpu.memory_space<hbm>>
      %dma_start3A_217 = tpu.memref_squeeze %dma_start3A_216 : memref<1x1x8x512xf32, #tpu.memory_space<hbm>> -> memref<8x512xf32, #tpu.memory_space<hbm>>
      tpu.enqueue_dma source(%dma_start3A_217 : memref<8x512xf32, #tpu.memory_space<hbm>>) target(%dma_start3A_214 : memref<8x512xf32, #tpu.memory_space<vmem>>) target_semaphore(%arg11 : memref<!tpu.dma_semaphore, #tpu.memory_space<semaphore_mem>>)
      %dma_start3A_218 = arith.constant 1 : i32
      %dma_start3A_219 = arith.constant 1 : i32
      %dma_start3A_220 = arith.constant 0 : i32
      %dma_start3A_221 = arith.constant 0 : i32
      %dma_start3A_222 = tpu.memref_slice %arg7[%dma_start3A_219, %dma_start3A_220, %dma_start3A_221] : memref<8x8x512xf32, #tpu.memory_space<vmem>> -> memref<1x8x512xf32, #tpu.memory_space<vmem>>
      %dma_start3A_223 = tpu.memref_squeeze %dma_start3A_222 : memref<1x8x512xf32, #tpu.memory_space<vmem>> -> memref<8x512xf32, #tpu.memory_space<vmem>>
      %dma_start3A_224 = arith.constant 0 : i32
      %dma_start3A_225 = tpu.memref_slice %arg2[%select_n3A, %dma_start3A_218, %add3A_201, %dma_start3A_224] : memref<4x8x512x512xf32, #tpu.memory_space<hbm>> -> memref<1x1x8x512xf32, #tpu.memory_space<hbm>>
      %dma_start3A_226 = tpu.memref_squeeze %dma_start3A_225 : memref<1x1x8x512xf32, #tpu.memory_space<hbm>> -> memref<8x512xf32, #tpu.memory_space<hbm>>
      %dma_start3A_227 = arith.constant 0 : i32
      %dma_start3A_228 = arith.constant 0 : i32
      %dma_start3A_229 = tpu.memref_slice %arg7[%dma_start3A_219, %dma_start3A_227, %dma_start3A_228] : memref<8x8x512xf32, #tpu.memory_space<vmem>> -> memref<1x8x512xf32, #tpu.memory_space<vmem>>
      %dma_start3A_230 = tpu.memref_squeeze %dma_start3A_229 : memref<1x8x512xf32, #tpu.memory_space<vmem>> -> memref<8x512xf32, #tpu.memory_space<vmem>>
      %dma_start3A_231 = arith.constant 0 : i32
      %dma_start3A_232 = tpu.memref_slice %arg2[%select_n3A, %dma_start3A_218, %add3A_201, %dma_start3A_231] : memref<4x8x512x512xf32, #tpu.memory_space<hbm>> -> memref<1x1x8x512xf32, #tpu.memory_space<hbm>>
      %dma_start3A_233 = tpu.memref_squeeze %dma_start3A_232 : memref<1x1x8x512xf32, #tpu.memory_space<hbm>> -> memref<8x512xf32, #tpu.memory_space<hbm>>
      tpu.enqueue_dma source(%dma_start3A_233 : memref<8x512xf32, #tpu.memory_space<hbm>>) target(%dma_start3A_230 : memref<8x512xf32, #tpu.memory_space<vmem>>) target_semaphore(%arg11 : memref<!tpu.dma_semaphore, #tpu.memory_space<semaphore_mem>>)
      %dma_start3A_234 = arith.constant 2 : i32
      %dma_start3A_235 = arith.constant 2 : i32
      %dma_start3A_236 = arith.constant 0 : i32
      %dma_start3A_237 = arith.constant 0 : i32
      %dma_start3A_238 = tpu.memref_slice %arg7[%dma_start3A_235, %dma_start3A_236, %dma_start3A_237] : memref<8x8x512xf32, #tpu.memory_space<vmem>> -> memref<1x8x512xf32, #tpu.memory_space<vmem>>
      %dma_start3A_239 = tpu.memref_squeeze %dma_start3A_238 : memref<1x8x512xf32, #tpu.memory_space<vmem>> -> memref<8x512xf32, #tpu.memory_space<vmem>>
      %dma_start3A_240 = arith.constant 0 : i32
      %dma_start3A_241 = tpu.memref_slice %arg2[%select_n3A, %dma_start3A_234, %add3A_201, %dma_start3A_240] : memref<4x8x512x512xf32, #tpu.memory_space<hbm>> -> memref<1x1x8x512xf32, #tpu.memory_space<hbm>>
      %dma_start3A_242 = tpu.memref_squeeze %dma_start3A_241 : memref<1x1x8x512xf32, #tpu.memory_space<hbm>> -> memref<8x512xf32, #tpu.memory_space<hbm>>
      %dma_start3A_243 = arith.constant 0 : i32
      %dma_start3A_244 = arith.constant 0 : i32
      %dma_start3A_245 = tpu.memref_slice %arg7[%dma_start3A_235, %dma_start3A_243, %dma_start3A_244] : memref<8x8x512xf32, #tpu.memory_space<vmem>> -> memref<1x8x512xf32, #tpu.memory_space<vmem>>
      %dma_start3A_246 = tpu.memref_squeeze %dma_start3A_245 : memref<1x8x512xf32, #tpu.memory_space<vmem>> -> memref<8x512xf32, #tpu.memory_space<vmem>>
      %dma_start3A_247 = arith.constant 0 : i32
      %dma_start3A_248 = tpu.memref_slice %arg2[%select_n3A, %dma_start3A_234, %add3A_201, %dma_start3A_247] : memref<4x8x512x512xf32, #tpu.memory_space<hbm>> -> memref<1x1x8x512xf32, #tpu.memory_space<hbm>>
      %dma_start3A_249 = tpu.memref_squeeze %dma_start3A_248 : memref<1x1x8x512xf32, #tpu.memory_space<hbm>> -> memref<8x512xf32, #tpu.memory_space<hbm>>
      tpu.enqueue_dma source(%dma_start3A_249 : memref<8x512xf32, #tpu.memory_space<hbm>>) target(%dma_start3A_246 : memref<8x512xf32, #tpu.memory_space<vmem>>) target_semaphore(%arg11 : memref<!tpu.dma_semaphore, #tpu.memory_space<semaphore_mem>>)
      %dma_start3A_250 = arith.constant 3 : i32
      %dma_start3A_251 = arith.constant 3 : i32
      %dma_start3A_252 = arith.constant 0 : i32
      %dma_start3A_253 = arith.constant 0 : i32
      %dma_start3A_254 = tpu.memref_slice %arg7[%dma_start3A_251, %dma_start3A_252, %dma_start3A_253] : memref<8x8x512xf32, #tpu.memory_space<vmem>> -> memref<1x8x512xf32, #tpu.memory_space<vmem>>
      %dma_start3A_255 = tpu.memref_squeeze %dma_start3A_254 : memref<1x8x512xf32, #tpu.memory_space<vmem>> -> memref<8x512xf32, #tpu.memory_space<vmem>>
      %dma_start3A_256 = arith.constant 0 : i32
      %dma_start3A_257 = tpu.memref_slice %arg2[%select_n3A, %dma_start3A_250, %add3A_201, %dma_start3A_256] : memref<4x8x512x512xf32, #tpu.memory_space<hbm>> -> memref<1x1x8x512xf32, #tpu.memory_space<hbm>>
      %dma_start3A_258 = tpu.memref_squeeze %dma_start3A_257 : memref<1x1x8x512xf32, #tpu.memory_space<hbm>> -> memref<8x512xf32, #tpu.memory_space<hbm>>
      %dma_start3A_259 = arith.constant 0 : i32
      %dma_start3A_260 = arith.constant 0 : i32
      %dma_start3A_261 = tpu.memref_slice %arg7[%dma_start3A_251, %dma_start3A_259, %dma_start3A_260] : memref<8x8x512xf32, #tpu.memory_space<vmem>> -> memref<1x8x512xf32, #tpu.memory_space<vmem>>
      %dma_start3A_262 = tpu.memref_squeeze %dma_start3A_261 : memref<1x8x512xf32, #tpu.memory_space<vmem>> -> memref<8x512xf32, #tpu.memory_space<vmem>>
      %dma_start3A_263 = arith.constant 0 : i32
      %dma_start3A_264 = tpu.memref_slice %arg2[%select_n3A, %dma_start3A_250, %add3A_201, %dma_start3A_263] : memref<4x8x512x512xf32, #tpu.memory_space<hbm>> -> memref<1x1x8x512xf32, #tpu.memory_space<hbm>>
      %dma_start3A_265 = tpu.memref_squeeze %dma_start3A_264 : memref<1x1x8x512xf32, #tpu.memory_space<hbm>> -> memref<8x512xf32, #tpu.memory_space<hbm>>
      tpu.enqueue_dma source(%dma_start3A_265 : memref<8x512xf32, #tpu.memory_space<hbm>>) target(%dma_start3A_262 : memref<8x512xf32, #tpu.memory_space<vmem>>) target_semaphore(%arg11 : memref<!tpu.dma_semaphore, #tpu.memory_space<semaphore_mem>>)
      %dma_start3A_266 = arith.constant 4 : i32
      %dma_start3A_267 = arith.constant 4 : i32
      %dma_start3A_268 = arith.constant 0 : i32
      %dma_start3A_269 = arith.constant 0 : i32
      %dma_start3A_270 = tpu.memref_slice %arg7[%dma_start3A_267, %dma_start3A_268, %dma_start3A_269] : memref<8x8x512xf32, #tpu.memory_space<vmem>> -> memref<1x8x512xf32, #tpu.memory_space<vmem>>
      %dma_start3A_271 = tpu.memref_squeeze %dma_start3A_270 : memref<1x8x512xf32, #tpu.memory_space<vmem>> -> memref<8x512xf32, #tpu.memory_space<vmem>>
      %dma_start3A_272 = arith.constant 0 : i32
      %dma_start3A_273 = tpu.memref_slice %arg2[%select_n3A, %dma_start3A_266, %add3A_201, %dma_start3A_272] : memref<4x8x512x512xf32, #tpu.memory_space<hbm>> -> memref<1x1x8x512xf32, #tpu.memory_space<hbm>>
      %dma_start3A_274 = tpu.memref_squeeze %dma_start3A_273 : memref<1x1x8x512xf32, #tpu.memory_space<hbm>> -> memref<8x512xf32, #tpu.memory_space<hbm>>
      %dma_start3A_275 = arith.constant 0 : i32
      %dma_start3A_276 = arith.constant 0 : i32
      %dma_start3A_277 = tpu.memref_slice %arg7[%dma_start3A_267, %dma_start3A_275, %dma_start3A_276] : memref<8x8x512xf32, #tpu.memory_space<vmem>> -> memref<1x8x512xf32, #tpu.memory_space<vmem>>
      %dma_start3A_278 = tpu.memref_squeeze %dma_start3A_277 : memref<1x8x512xf32, #tpu.memory_space<vmem>> -> memref<8x512xf32, #tpu.memory_space<vmem>>
      %dma_start3A_279 = arith.constant 0 : i32
      %dma_start3A_280 = tpu.memref_slice %arg2[%select_n3A, %dma_start3A_266, %add3A_201, %dma_start3A_279] : memref<4x8x512x512xf32, #tpu.memory_space<hbm>> -> memref<1x1x8x512xf32, #tpu.memory_space<hbm>>
      %dma_start3A_281 = tpu.memref_squeeze %dma_start3A_280 : memref<1x1x8x512xf32, #tpu.memory_space<hbm>> -> memref<8x512xf32, #tpu.memory_space<hbm>>
      tpu.enqueue_dma source(%dma_start3A_281 : memref<8x512xf32, #tpu.memory_space<hbm>>) target(%dma_start3A_278 : memref<8x512xf32, #tpu.memory_space<vmem>>) target_semaphore(%arg11 : memref<!tpu.dma_semaphore, #tpu.memory_space<semaphore_mem>>)
      %dma_start3A_282 = arith.constant 5 : i32
      %dma_start3A_283 = arith.constant 5 : i32
      %dma_start3A_284 = arith.constant 0 : i32
      %dma_start3A_285 = arith.constant 0 : i32
      %dma_start3A_286 = tpu.memref_slice %arg7[%dma_start3A_283, %dma_start3A_284, %dma_start3A_285] : memref<8x8x512xf32, #tpu.memory_space<vmem>> -> memref<1x8x512xf32, #tpu.memory_space<vmem>>
      %dma_start3A_287 = tpu.memref_squeeze %dma_start3A_286 : memref<1x8x512xf32, #tpu.memory_space<vmem>> -> memref<8x512xf32, #tpu.memory_space<vmem>>
      %dma_start3A_288 = arith.constant 0 : i32
      %dma_start3A_289 = tpu.memref_slice %arg2[%select_n3A, %dma_start3A_282, %add3A_201, %dma_start3A_288] : memref<4x8x512x512xf32, #tpu.memory_space<hbm>> -> memref<1x1x8x512xf32, #tpu.memory_space<hbm>>
      %dma_start3A_290 = tpu.memref_squeeze %dma_start3A_289 : memref<1x1x8x512xf32, #tpu.memory_space<hbm>> -> memref<8x512xf32, #tpu.memory_space<hbm>>
      %dma_start3A_291 = arith.constant 0 : i32
      %dma_start3A_292 = arith.constant 0 : i32
      %dma_start3A_293 = tpu.memref_slice %arg7[%dma_start3A_283, %dma_start3A_291, %dma_start3A_292] : memref<8x8x512xf32, #tpu.memory_space<vmem>> -> memref<1x8x512xf32, #tpu.memory_space<vmem>>
      %dma_start3A_294 = tpu.memref_squeeze %dma_start3A_293 : memref<1x8x512xf32, #tpu.memory_space<vmem>> -> memref<8x512xf32, #tpu.memory_space<vmem>>
      %dma_start3A_295 = arith.constant 0 : i32
      %dma_start3A_296 = tpu.memref_slice %arg2[%select_n3A, %dma_start3A_282, %add3A_201, %dma_start3A_295] : memref<4x8x512x512xf32, #tpu.memory_space<hbm>> -> memref<1x1x8x512xf32, #tpu.memory_space<hbm>>
      %dma_start3A_297 = tpu.memref_squeeze %dma_start3A_296 : memref<1x1x8x512xf32, #tpu.memory_space<hbm>> -> memref<8x512xf32, #tpu.memory_space<hbm>>
      tpu.enqueue_dma source(%dma_start3A_297 : memref<8x512xf32, #tpu.memory_space<hbm>>) target(%dma_start3A_294 : memref<8x512xf32, #tpu.memory_space<vmem>>) target_semaphore(%arg11 : memref<!tpu.dma_semaphore, #tpu.memory_space<semaphore_mem>>)
      %dma_start3A_298 = arith.constant 6 : i32
      %dma_start3A_299 = arith.constant 6 : i32
      %dma_start3A_300 = arith.constant 0 : i32
      %dma_start3A_301 = arith.constant 0 : i32
      %dma_start3A_302 = tpu.memref_slice %arg7[%dma_start3A_299, %dma_start3A_300, %dma_start3A_301] : memref<8x8x512xf32, #tpu.memory_space<vmem>> -> memref<1x8x512xf32, #tpu.memory_space<vmem>>
      %dma_start3A_303 = tpu.memref_squeeze %dma_start3A_302 : memref<1x8x512xf32, #tpu.memory_space<vmem>> -> memref<8x512xf32, #tpu.memory_space<vmem>>
      %dma_start3A_304 = arith.constant 0 : i32
      %dma_start3A_305 = tpu.memref_slice %arg2[%select_n3A, %dma_start3A_298, %add3A_201, %dma_start3A_304] : memref<4x8x512x512xf32, #tpu.memory_space<hbm>> -> memref<1x1x8x512xf32, #tpu.memory_space<hbm>>
      %dma_start3A_306 = tpu.memref_squeeze %dma_start3A_305 : memref<1x1x8x512xf32, #tpu.memory_space<hbm>> -> memref<8x512xf32, #tpu.memory_space<hbm>>
      %dma_start3A_307 = arith.constant 0 : i32
      %dma_start3A_308 = arith.constant 0 : i32
      %dma_start3A_309 = tpu.memref_slice %arg7[%dma_start3A_299, %dma_start3A_307, %dma_start3A_308] : memref<8x8x512xf32, #tpu.memory_space<vmem>> -> memref<1x8x512xf32, #tpu.memory_space<vmem>>
      %dma_start3A_310 = tpu.memref_squeeze %dma_start3A_309 : memref<1x8x512xf32, #tpu.memory_space<vmem>> -> memref<8x512xf32, #tpu.memory_space<vmem>>
      %dma_start3A_311 = arith.constant 0 : i32
      %dma_start3A_312 = tpu.memref_slice %arg2[%select_n3A, %dma_start3A_298, %add3A_201, %dma_start3A_311] : memref<4x8x512x512xf32, #tpu.memory_space<hbm>> -> memref<1x1x8x512xf32, #tpu.memory_space<hbm>>
      %dma_start3A_313 = tpu.memref_squeeze %dma_start3A_312 : memref<1x1x8x512xf32, #tpu.memory_space<hbm>> -> memref<8x512xf32, #tpu.memory_space<hbm>>
      tpu.enqueue_dma source(%dma_start3A_313 : memref<8x512xf32, #tpu.memory_space<hbm>>) target(%dma_start3A_310 : memref<8x512xf32, #tpu.memory_space<vmem>>) target_semaphore(%arg11 : memref<!tpu.dma_semaphore, #tpu.memory_space<semaphore_mem>>)
      %dma_start3A_314 = arith.constant 7 : i32
      %dma_start3A_315 = arith.constant 7 : i32
      %dma_start3A_316 = arith.constant 0 : i32
      %dma_start3A_317 = arith.constant 0 : i32
      %dma_start3A_318 = tpu.memref_slice %arg7[%dma_start3A_315, %dma_start3A_316, %dma_start3A_317] : memref<8x8x512xf32, #tpu.memory_space<vmem>> -> memref<1x8x512xf32, #tpu.memory_space<vmem>>
      %dma_start3A_319 = tpu.memref_squeeze %dma_start3A_318 : memref<1x8x512xf32, #tpu.memory_space<vmem>> -> memref<8x512xf32, #tpu.memory_space<vmem>>
      %dma_start3A_320 = arith.constant 0 : i32
      %dma_start3A_321 = tpu.memref_slice %arg2[%select_n3A, %dma_start3A_314, %add3A_201, %dma_start3A_320] : memref<4x8x512x512xf32, #tpu.memory_space<hbm>> -> memref<1x1x8x512xf32, #tpu.memory_space<hbm>>
      %dma_start3A_322 = tpu.memref_squeeze %dma_start3A_321 : memref<1x1x8x512xf32, #tpu.memory_space<hbm>> -> memref<8x512xf32, #tpu.memory_space<hbm>>
      %dma_start3A_323 = arith.constant 0 : i32
      %dma_start3A_324 = arith.constant 0 : i32
      %dma_start3A_325 = tpu.memref_slice %arg7[%dma_start3A_315, %dma_start3A_323, %dma_start3A_324] : memref<8x8x512xf32, #tpu.memory_space<vmem>> -> memref<1x8x512xf32, #tpu.memory_space<vmem>>
      %dma_start3A_326 = tpu.memref_squeeze %dma_start3A_325 : memref<1x8x512xf32, #tpu.memory_space<vmem>> -> memref<8x512xf32, #tpu.memory_space<vmem>>
      %dma_start3A_327 = arith.constant 0 : i32
      %dma_start3A_328 = tpu.memref_slice %arg2[%select_n3A, %dma_start3A_314, %add3A_201, %dma_start3A_327] : memref<4x8x512x512xf32, #tpu.memory_space<hbm>> -> memref<1x1x8x512xf32, #tpu.memory_space<hbm>>
      %dma_start3A_329 = tpu.memref_squeeze %dma_start3A_328 : memref<1x1x8x512xf32, #tpu.memory_space<hbm>> -> memref<8x512xf32, #tpu.memory_space<hbm>>
      tpu.enqueue_dma source(%dma_start3A_329 : memref<8x512xf32, #tpu.memory_space<hbm>>) target(%dma_start3A_326 : memref<8x512xf32, #tpu.memory_space<vmem>>) target_semaphore(%arg11 : memref<!tpu.dma_semaphore, #tpu.memory_space<semaphore_mem>>)
      %dma_start3A_330 = arith.constant 0 : i32
      %dma_start3A_331 = tpu.memref_slice %arg3[%select_n3A, %add3A_201, %dma_start3A_330] : memref<4x512x512xi32, #tpu.memory_space<hbm>> -> memref<1x8x512xi32, #tpu.memory_space<hbm>>
      %dma_start3A_332 = tpu.memref_squeeze %dma_start3A_331 : memref<1x8x512xi32, #tpu.memory_space<hbm>> -> memref<8x512xi32, #tpu.memory_space<hbm>>
      %dma_start3A_333 = arith.constant 0 : i32
      %dma_start3A_334 = tpu.memref_slice %arg3[%select_n3A, %add3A_201, %dma_start3A_333] : memref<4x512x512xi32, #tpu.memory_space<hbm>> -> memref<1x8x512xi32, #tpu.memory_space<hbm>>
      %dma_start3A_335 = tpu.memref_squeeze %dma_start3A_334 : memref<1x8x512xi32, #tpu.memory_space<hbm>> -> memref<8x512xi32, #tpu.memory_space<hbm>>
      tpu.enqueue_dma source(%dma_start3A_335 : memref<8x512xi32, #tpu.memory_space<hbm>>) target(%arg8 : memref<8x512xi32, #tpu.memory_space<vmem>>) target_semaphore(%arg11 : memref<!tpu.dma_semaphore, #tpu.memory_space<semaphore_mem>>)
      %mul3A_336 = arith.constant 8 : i32
      %mul3A_337 = arith.muli %mul3A_196, %mul3A_336 : i32
      %add3A_338 = arith.addi %mul3A_32, %mul3A_337 : i32
      %dma_wait3A = arith.constant 0 : i32
      %dma_wait3A_339 = arith.constant 0 : i32
      %dma_wait3A_340 = arith.constant 0 : i32
      %dma_wait3A_341 = arith.constant 0 : i32
      %dma_wait3A_342 = tpu.memref_slice %arg5[%dma_wait3A_339, %dma_wait3A_340, %dma_wait3A_341] : memref<8x8x512xf32, #tpu.memory_space<vmem>> -> memref<1x8x512xf32, #tpu.memory_space<vmem>>
      %dma_wait3A_343 = tpu.memref_squeeze %dma_wait3A_342 : memref<1x8x512xf32, #tpu.memory_space<vmem>> -> memref<8x512xf32, #tpu.memory_space<vmem>>
      %dma_wait3A_344 = arith.constant 0 : i32
      %dma_wait3A_345 = tpu.memref_slice %arg2[%select_n3A, %dma_wait3A, %add3A_338, %dma_wait3A_344] : memref<4x8x512x512xf32, #tpu.memory_space<hbm>> -> memref<1x1x8x512xf32, #tpu.memory_space<hbm>>
      %dma_wait3A_346 = tpu.memref_squeeze %dma_wait3A_345 : memref<1x1x8x512xf32, #tpu.memory_space<hbm>> -> memref<8x512xf32, #tpu.memory_space<hbm>>
      %dma_wait3A_347 = arith.constant 0 : i32
      %dma_wait3A_348 = arith.constant 0 : i32
      %dma_wait3A_349 = tpu.memref_slice %arg5[%dma_wait3A_339, %dma_wait3A_347, %dma_wait3A_348] : memref<8x8x512xf32, #tpu.memory_space<vmem>> -> memref<1x8x512xf32, #tpu.memory_space<vmem>>
      %dma_wait3A_350 = tpu.memref_squeeze %dma_wait3A_349 : memref<1x8x512xf32, #tpu.memory_space<vmem>> -> memref<8x512xf32, #tpu.memory_space<vmem>>
      %dma_wait3A_351 = arith.constant 0 : i32
      %dma_wait3A_352 = tpu.memref_slice %arg2[%select_n3A, %dma_wait3A, %add3A_338, %dma_wait3A_351] : memref<4x8x512x512xf32, #tpu.memory_space<hbm>> -> memref<1x1x8x512xf32, #tpu.memory_space<hbm>>
      %dma_wait3A_353 = tpu.memref_squeeze %dma_wait3A_352 : memref<1x1x8x512xf32, #tpu.memory_space<hbm>> -> memref<8x512xf32, #tpu.memory_space<hbm>>
      tpu.wait_dma2 semaphore(%arg10 : memref<!tpu.dma_semaphore, #tpu.memory_space<semaphore_mem>>) src(%dma_wait3A_353 : memref<8x512xf32, #tpu.memory_space<hbm>>) dst(%dma_wait3A_350 : memref<8x512xf32, #tpu.memory_space<vmem>>)
      %dma_wait3A_354 = arith.constant 1 : i32
      %dma_wait3A_355 = arith.constant 1 : i32
      %dma_wait3A_356 = arith.constant 0 : i32
      %dma_wait3A_357 = arith.constant 0 : i32
      %dma_wait3A_358 = tpu.memref_slice %arg5[%dma_wait3A_355, %dma_wait3A_356, %dma_wait3A_357] : memref<8x8x512xf32, #tpu.memory_space<vmem>> -> memref<1x8x512xf32, #tpu.memory_space<vmem>>
      %dma_wait3A_359 = tpu.memref_squeeze %dma_wait3A_358 : memref<1x8x512xf32, #tpu.memory_space<vmem>> -> memref<8x512xf32, #tpu.memory_space<vmem>>
      %dma_wait3A_360 = arith.constant 0 : i32
      %dma_wait3A_361 = tpu.memref_slice %arg2[%select_n3A, %dma_wait3A_354, %add3A_338, %dma_wait3A_360] : memref<4x8x512x512xf32, #tpu.memory_space<hbm>> -> memref<1x1x8x512xf32, #tpu.memory_space<hbm>>
      %dma_wait3A_362 = tpu.memref_squeeze %dma_wait3A_361 : memref<1x1x8x512xf32, #tpu.memory_space<hbm>> -> memref<8x512xf32, #tpu.memory_space<hbm>>
      %dma_wait3A_363 = arith.constant 0 : i32
      %dma_wait3A_364 = arith.constant 0 : i32
      %dma_wait3A_365 = tpu.memref_slice %arg5[%dma_wait3A_355, %dma_wait3A_363, %dma_wait3A_364] : memref<8x8x512xf32, #tpu.memory_space<vmem>> -> memref<1x8x512xf32, #tpu.memory_space<vmem>>
      %dma_wait3A_366 = tpu.memref_squeeze %dma_wait3A_365 : memref<1x8x512xf32, #tpu.memory_space<vmem>> -> memref<8x512xf32, #tpu.memory_space<vmem>>
      %dma_wait3A_367 = arith.constant 0 : i32
      %dma_wait3A_368 = tpu.memref_slice %arg2[%select_n3A, %dma_wait3A_354, %add3A_338, %dma_wait3A_367] : memref<4x8x512x512xf32, #tpu.memory_space<hbm>> -> memref<1x1x8x512xf32, #tpu.memory_space<hbm>>
      %dma_wait3A_369 = tpu.memref_squeeze %dma_wait3A_368 : memref<1x1x8x512xf32, #tpu.memory_space<hbm>> -> memref<8x512xf32, #tpu.memory_space<hbm>>
      tpu.wait_dma2 semaphore(%arg10 : memref<!tpu.dma_semaphore, #tpu.memory_space<semaphore_mem>>) src(%dma_wait3A_369 : memref<8x512xf32, #tpu.memory_space<hbm>>) dst(%dma_wait3A_366 : memref<8x512xf32, #tpu.memory_space<vmem>>)
      %dma_wait3A_370 = arith.constant 2 : i32
      %dma_wait3A_371 = arith.constant 2 : i32
      %dma_wait3A_372 = arith.constant 0 : i32
      %dma_wait3A_373 = arith.constant 0 : i32
      %dma_wait3A_374 = tpu.memref_slice %arg5[%dma_wait3A_371, %dma_wait3A_372, %dma_wait3A_373] : memref<8x8x512xf32, #tpu.memory_space<vmem>> -> memref<1x8x512xf32, #tpu.memory_space<vmem>>
      %dma_wait3A_375 = tpu.memref_squeeze %dma_wait3A_374 : memref<1x8x512xf32, #tpu.memory_space<vmem>> -> memref<8x512xf32, #tpu.memory_space<vmem>>
      %dma_wait3A_376 = arith.constant 0 : i32
      %dma_wait3A_377 = tpu.memref_slice %arg2[%select_n3A, %dma_wait3A_370, %add3A_338, %dma_wait3A_376] : memref<4x8x512x512xf32, #tpu.memory_space<hbm>> -> memref<1x1x8x512xf32, #tpu.memory_space<hbm>>
      %dma_wait3A_378 = tpu.memref_squeeze %dma_wait3A_377 : memref<1x1x8x512xf32, #tpu.memory_space<hbm>> -> memref<8x512xf32, #tpu.memory_space<hbm>>
      %dma_wait3A_379 = arith.constant 0 : i32
      %dma_wait3A_380 = arith.constant 0 : i32
      %dma_wait3A_381 = tpu.memref_slice %arg5[%dma_wait3A_371, %dma_wait3A_379, %dma_wait3A_380] : memref<8x8x512xf32, #tpu.memory_space<vmem>> -> memref<1x8x512xf32, #tpu.memory_space<vmem>>
      %dma_wait3A_382 = tpu.memref_squeeze %dma_wait3A_381 : memref<1x8x512xf32, #tpu.memory_space<vmem>> -> memref<8x512xf32, #tpu.memory_space<vmem>>
      %dma_wait3A_383 = arith.constant 0 : i32
      %dma_wait3A_384 = tpu.memref_slice %arg2[%select_n3A, %dma_wait3A_370, %add3A_338, %dma_wait3A_383] : memref<4x8x512x512xf32, #tpu.memory_space<hbm>> -> memref<1x1x8x512xf32, #tpu.memory_space<hbm>>
      %dma_wait3A_385 = tpu.memref_squeeze %dma_wait3A_384 : memref<1x1x8x512xf32, #tpu.memory_space<hbm>> -> memref<8x512xf32, #tpu.memory_space<hbm>>
      tpu.wait_dma2 semaphore(%arg10 : memref<!tpu.dma_semaphore, #tpu.memory_space<semaphore_mem>>) src(%dma_wait3A_385 : memref<8x512xf32, #tpu.memory_space<hbm>>) dst(%dma_wait3A_382 : memref<8x512xf32, #tpu.memory_space<vmem>>)
      %dma_wait3A_386 = arith.constant 3 : i32
      %dma_wait3A_387 = arith.constant 3 : i32
      %dma_wait3A_388 = arith.constant 0 : i32
      %dma_wait3A_389 = arith.constant 0 : i32
      %dma_wait3A_390 = tpu.memref_slice %arg5[%dma_wait3A_387, %dma_wait3A_388, %dma_wait3A_389] : memref<8x8x512xf32, #tpu.memory_space<vmem>> -> memref<1x8x512xf32, #tpu.memory_space<vmem>>
      %dma_wait3A_391 = tpu.memref_squeeze %dma_wait3A_390 : memref<1x8x512xf32, #tpu.memory_space<vmem>> -> memref<8x512xf32, #tpu.memory_space<vmem>>
      %dma_wait3A_392 = arith.constant 0 : i32
      %dma_wait3A_393 = tpu.memref_slice %arg2[%select_n3A, %dma_wait3A_386, %add3A_338, %dma_wait3A_392] : memref<4x8x512x512xf32, #tpu.memory_space<hbm>> -> memref<1x1x8x512xf32, #tpu.memory_space<hbm>>
      %dma_wait3A_394 = tpu.memref_squeeze %dma_wait3A_393 : memref<1x1x8x512xf32, #tpu.memory_space<hbm>> -> memref<8x512xf32, #tpu.memory_space<hbm>>
      %dma_wait3A_395 = arith.constant 0 : i32
      %dma_wait3A_396 = arith.constant 0 : i32
      %dma_wait3A_397 = tpu.memref_slice %arg5[%dma_wait3A_387, %dma_wait3A_395, %dma_wait3A_396] : memref<8x8x512xf32, #tpu.memory_space<vmem>> -> memref<1x8x512xf32, #tpu.memory_space<vmem>>
      %dma_wait3A_398 = tpu.memref_squeeze %dma_wait3A_397 : memref<1x8x512xf32, #tpu.memory_space<vmem>> -> memref<8x512xf32, #tpu.memory_space<vmem>>
      %dma_wait3A_399 = arith.constant 0 : i32
      %dma_wait3A_400 = tpu.memref_slice %arg2[%select_n3A, %dma_wait3A_386, %add3A_338, %dma_wait3A_399] : memref<4x8x512x512xf32, #tpu.memory_space<hbm>> -> memref<1x1x8x512xf32, #tpu.memory_space<hbm>>
      %dma_wait3A_401 = tpu.memref_squeeze %dma_wait3A_400 : memref<1x1x8x512xf32, #tpu.memory_space<hbm>> -> memref<8x512xf32, #tpu.memory_space<hbm>>
      tpu.wait_dma2 semaphore(%arg10 : memref<!tpu.dma_semaphore, #tpu.memory_space<semaphore_mem>>) src(%dma_wait3A_401 : memref<8x512xf32, #tpu.memory_space<hbm>>) dst(%dma_wait3A_398 : memref<8x512xf32, #tpu.memory_space<vmem>>)
      %dma_wait3A_402 = arith.constant 4 : i32
      %dma_wait3A_403 = arith.constant 4 : i32
      %dma_wait3A_404 = arith.constant 0 : i32
      %dma_wait3A_405 = arith.constant 0 : i32
      %dma_wait3A_406 = tpu.memref_slice %arg5[%dma_wait3A_403, %dma_wait3A_404, %dma_wait3A_405] : memref<8x8x512xf32, #tpu.memory_space<vmem>> -> memref<1x8x512xf32, #tpu.memory_space<vmem>>
      %dma_wait3A_407 = tpu.memref_squeeze %dma_wait3A_406 : memref<1x8x512xf32, #tpu.memory_space<vmem>> -> memref<8x512xf32, #tpu.memory_space<vmem>>
      %dma_wait3A_408 = arith.constant 0 : i32
      %dma_wait3A_409 = tpu.memref_slice %arg2[%select_n3A, %dma_wait3A_402, %add3A_338, %dma_wait3A_408] : memref<4x8x512x512xf32, #tpu.memory_space<hbm>> -> memref<1x1x8x512xf32, #tpu.memory_space<hbm>>
      %dma_wait3A_410 = tpu.memref_squeeze %dma_wait3A_409 : memref<1x1x8x512xf32, #tpu.memory_space<hbm>> -> memref<8x512xf32, #tpu.memory_space<hbm>>
      %dma_wait3A_411 = arith.constant 0 : i32
      %dma_wait3A_412 = arith.constant 0 : i32
      %dma_wait3A_413 = tpu.memref_slice %arg5[%dma_wait3A_403, %dma_wait3A_411, %dma_wait3A_412] : memref<8x8x512xf32, #tpu.memory_space<vmem>> -> memref<1x8x512xf32, #tpu.memory_space<vmem>>
      %dma_wait3A_414 = tpu.memref_squeeze %dma_wait3A_413 : memref<1x8x512xf32, #tpu.memory_space<vmem>> -> memref<8x512xf32, #tpu.memory_space<vmem>>
      %dma_wait3A_415 = arith.constant 0 : i32
      %dma_wait3A_416 = tpu.memref_slice %arg2[%select_n3A, %dma_wait3A_402, %add3A_338, %dma_wait3A_415] : memref<4x8x512x512xf32, #tpu.memory_space<hbm>> -> memref<1x1x8x512xf32, #tpu.memory_space<hbm>>
      %dma_wait3A_417 = tpu.memref_squeeze %dma_wait3A_416 : memref<1x1x8x512xf32, #tpu.memory_space<hbm>> -> memref<8x512xf32, #tpu.memory_space<hbm>>
      tpu.wait_dma2 semaphore(%arg10 : memref<!tpu.dma_semaphore, #tpu.memory_space<semaphore_mem>>) src(%dma_wait3A_417 : memref<8x512xf32, #tpu.memory_space<hbm>>) dst(%dma_wait3A_414 : memref<8x512xf32, #tpu.memory_space<vmem>>)
      %dma_wait3A_418 = arith.constant 5 : i32
      %dma_wait3A_419 = arith.constant 5 : i32
      %dma_wait3A_420 = arith.constant 0 : i32
      %dma_wait3A_421 = arith.constant 0 : i32
      %dma_wait3A_422 = tpu.memref_slice %arg5[%dma_wait3A_419, %dma_wait3A_420, %dma_wait3A_421] : memref<8x8x512xf32, #tpu.memory_space<vmem>> -> memref<1x8x512xf32, #tpu.memory_space<vmem>>
      %dma_wait3A_423 = tpu.memref_squeeze %dma_wait3A_422 : memref<1x8x512xf32, #tpu.memory_space<vmem>> -> memref<8x512xf32, #tpu.memory_space<vmem>>
      %dma_wait3A_424 = arith.constant 0 : i32
      %dma_wait3A_425 = tpu.memref_slice %arg2[%select_n3A, %dma_wait3A_418, %add3A_338, %dma_wait3A_424] : memref<4x8x512x512xf32, #tpu.memory_space<hbm>> -> memref<1x1x8x512xf32, #tpu.memory_space<hbm>>
      %dma_wait3A_426 = tpu.memref_squeeze %dma_wait3A_425 : memref<1x1x8x512xf32, #tpu.memory_space<hbm>> -> memref<8x512xf32, #tpu.memory_space<hbm>>
      %dma_wait3A_427 = arith.constant 0 : i32
      %dma_wait3A_428 = arith.constant 0 : i32
      %dma_wait3A_429 = tpu.memref_slice %arg5[%dma_wait3A_419, %dma_wait3A_427, %dma_wait3A_428] : memref<8x8x512xf32, #tpu.memory_space<vmem>> -> memref<1x8x512xf32, #tpu.memory_space<vmem>>
      %dma_wait3A_430 = tpu.memref_squeeze %dma_wait3A_429 : memref<1x8x512xf32, #tpu.memory_space<vmem>> -> memref<8x512xf32, #tpu.memory_space<vmem>>
      %dma_wait3A_431 = arith.constant 0 : i32
      %dma_wait3A_432 = tpu.memref_slice %arg2[%select_n3A, %dma_wait3A_418, %add3A_338, %dma_wait3A_431] : memref<4x8x512x512xf32, #tpu.memory_space<hbm>> -> memref<1x1x8x512xf32, #tpu.memory_space<hbm>>
      %dma_wait3A_433 = tpu.memref_squeeze %dma_wait3A_432 : memref<1x1x8x512xf32, #tpu.memory_space<hbm>> -> memref<8x512xf32, #tpu.memory_space<hbm>>
      tpu.wait_dma2 semaphore(%arg10 : memref<!tpu.dma_semaphore, #tpu.memory_space<semaphore_mem>>) src(%dma_wait3A_433 : memref<8x512xf32, #tpu.memory_space<hbm>>) dst(%dma_wait3A_430 : memref<8x512xf32, #tpu.memory_space<vmem>>)
      %dma_wait3A_434 = arith.constant 6 : i32
      %dma_wait3A_435 = arith.constant 6 : i32
      %dma_wait3A_436 = arith.constant 0 : i32
      %dma_wait3A_437 = arith.constant 0 : i32
      %dma_wait3A_438 = tpu.memref_slice %arg5[%dma_wait3A_435, %dma_wait3A_436, %dma_wait3A_437] : memref<8x8x512xf32, #tpu.memory_space<vmem>> -> memref<1x8x512xf32, #tpu.memory_space<vmem>>
      %dma_wait3A_439 = tpu.memref_squeeze %dma_wait3A_438 : memref<1x8x512xf32, #tpu.memory_space<vmem>> -> memref<8x512xf32, #tpu.memory_space<vmem>>
      %dma_wait3A_440 = arith.constant 0 : i32
      %dma_wait3A_441 = tpu.memref_slice %arg2[%select_n3A, %dma_wait3A_434, %add3A_338, %dma_wait3A_440] : memref<4x8x512x512xf32, #tpu.memory_space<hbm>> -> memref<1x1x8x512xf32, #tpu.memory_space<hbm>>
      %dma_wait3A_442 = tpu.memref_squeeze %dma_wait3A_441 : memref<1x1x8x512xf32, #tpu.memory_space<hbm>> -> memref<8x512xf32, #tpu.memory_space<hbm>>
      %dma_wait3A_443 = arith.constant 0 : i32
      %dma_wait3A_444 = arith.constant 0 : i32
      %dma_wait3A_445 = tpu.memref_slice %arg5[%dma_wait3A_435, %dma_wait3A_443, %dma_wait3A_444] : memref<8x8x512xf32, #tpu.memory_space<vmem>> -> memref<1x8x512xf32, #tpu.memory_space<vmem>>
      %dma_wait3A_446 = tpu.memref_squeeze %dma_wait3A_445 : memref<1x8x512xf32, #tpu.memory_space<vmem>> -> memref<8x512xf32, #tpu.memory_space<vmem>>
      %dma_wait3A_447 = arith.constant 0 : i32
      %dma_wait3A_448 = tpu.memref_slice %arg2[%select_n3A, %dma_wait3A_434, %add3A_338, %dma_wait3A_447] : memref<4x8x512x512xf32, #tpu.memory_space<hbm>> -> memref<1x1x8x512xf32, #tpu.memory_space<hbm>>
      %dma_wait3A_449 = tpu.memref_squeeze %dma_wait3A_448 : memref<1x1x8x512xf32, #tpu.memory_space<hbm>> -> memref<8x512xf32, #tpu.memory_space<hbm>>
      tpu.wait_dma2 semaphore(%arg10 : memref<!tpu.dma_semaphore, #tpu.memory_space<semaphore_mem>>) src(%dma_wait3A_449 : memref<8x512xf32, #tpu.memory_space<hbm>>) dst(%dma_wait3A_446 : memref<8x512xf32, #tpu.memory_space<vmem>>)
      %dma_wait3A_450 = arith.constant 7 : i32
      %dma_wait3A_451 = arith.constant 7 : i32
      %dma_wait3A_452 = arith.constant 0 : i32
      %dma_wait3A_453 = arith.constant 0 : i32
      %dma_wait3A_454 = tpu.memref_slice %arg5[%dma_wait3A_451, %dma_wait3A_452, %dma_wait3A_453] : memref<8x8x512xf32, #tpu.memory_space<vmem>> -> memref<1x8x512xf32, #tpu.memory_space<vmem>>
      %dma_wait3A_455 = tpu.memref_squeeze %dma_wait3A_454 : memref<1x8x512xf32, #tpu.memory_space<vmem>> -> memref<8x512xf32, #tpu.memory_space<vmem>>
      %dma_wait3A_456 = arith.constant 0 : i32
      %dma_wait3A_457 = tpu.memref_slice %arg2[%select_n3A, %dma_wait3A_450, %add3A_338, %dma_wait3A_456] : memref<4x8x512x512xf32, #tpu.memory_space<hbm>> -> memref<1x1x8x512xf32, #tpu.memory_space<hbm>>
      %dma_wait3A_458 = tpu.memref_squeeze %dma_wait3A_457 : memref<1x1x8x512xf32, #tpu.memory_space<hbm>> -> memref<8x512xf32, #tpu.memory_space<hbm>>
      %dma_wait3A_459 = arith.constant 0 : i32
      %dma_wait3A_460 = arith.constant 0 : i32
      %dma_wait3A_461 = tpu.memref_slice %arg5[%dma_wait3A_451, %dma_wait3A_459, %dma_wait3A_460] : memref<8x8x512xf32, #tpu.memory_space<vmem>> -> memref<1x8x512xf32, #tpu.memory_space<vmem>>
      %dma_wait3A_462 = tpu.memref_squeeze %dma_wait3A_461 : memref<1x8x512xf32, #tpu.memory_space<vmem>> -> memref<8x512xf32, #tpu.memory_space<vmem>>
      %dma_wait3A_463 = arith.constant 0 : i32
      %dma_wait3A_464 = tpu.memref_slice %arg2[%select_n3A, %dma_wait3A_450, %add3A_338, %dma_wait3A_463] : memref<4x8x512x512xf32, #tpu.memory_space<hbm>> -> memref<1x1x8x512xf32, #tpu.memory_space<hbm>>
      %dma_wait3A_465 = tpu.memref_squeeze %dma_wait3A_464 : memref<1x1x8x512xf32, #tpu.memory_space<hbm>> -> memref<8x512xf32, #tpu.memory_space<hbm>>
      tpu.wait_dma2 semaphore(%arg10 : memref<!tpu.dma_semaphore, #tpu.memory_space<semaphore_mem>>) src(%dma_wait3A_465 : memref<8x512xf32, #tpu.memory_space<hbm>>) dst(%dma_wait3A_462 : memref<8x512xf32, #tpu.memory_space<vmem>>)
      %dma_wait3A_466 = arith.constant 0 : i32
      %dma_wait3A_467 = tpu.memref_slice %arg3[%select_n3A, %add3A_338, %dma_wait3A_466] : memref<4x512x512xi32, #tpu.memory_space<hbm>> -> memref<1x8x512xi32, #tpu.memory_space<hbm>>
      %dma_wait3A_468 = tpu.memref_squeeze %dma_wait3A_467 : memref<1x8x512xi32, #tpu.memory_space<hbm>> -> memref<8x512xi32, #tpu.memory_space<hbm>>
      %dma_wait3A_469 = arith.constant 0 : i32
      %dma_wait3A_470 = tpu.memref_slice %arg3[%select_n3A, %add3A_338, %dma_wait3A_469] : memref<4x512x512xi32, #tpu.memory_space<hbm>> -> memref<1x8x512xi32, #tpu.memory_space<hbm>>
      %dma_wait3A_471 = tpu.memref_squeeze %dma_wait3A_470 : memref<1x8x512xi32, #tpu.memory_space<hbm>> -> memref<8x512xi32, #tpu.memory_space<hbm>>
      tpu.wait_dma2 semaphore(%arg10 : memref<!tpu.dma_semaphore, #tpu.memory_space<semaphore_mem>>) src(%dma_wait3A_471 : memref<8x512xi32, #tpu.memory_space<hbm>>) dst(%arg6 : memref<8x512xi32, #tpu.memory_space<vmem>>)
      %parallel_loop3A = arith.constant 0 : i32
      %parallel_loop3A_472 = arith.constant 256 : i32
      %parallel_loop3A_473 = arith.constant 1 : i32
      scf.for %parallel_loop3A_621 = %parallel_loop3A to %parallel_loop3A_472 step %parallel_loop3A_473  : i32 {
        %parallel_loop3A_622 = arith.constant 5 : i32
        %parallel_loop3A_623 = arith.shrsi %parallel_loop3A_621, %parallel_loop3A_622 : i32
        %parallel_loop3A_624 = arith.constant 31 : i32
        %parallel_loop3A_625 = arith.andi %parallel_loop3A_621, %parallel_loop3A_624 : i32
        %parallel_loop3A_626 = arith.constant 16 : i32
        %parallel_loop3A_627 = arith.muli %parallel_loop3A_625, %parallel_loop3A_626 : i32
        %parallel_loop3A_628 = arith.index_cast %parallel_loop3A_623 : i32 to index
        %parallel_loop3A_629 = arith.index_cast %parallel_loop3A_627 : i32 to index
        %parallel_loop3A_630 = tpu.vector_load %arg6[%parallel_loop3A_628, %parallel_loop3A_629] {strides = array<i32>} : memref<8x512xi32, #tpu.memory_space<vmem>>, vector<16xi32>,
        %parallel_loop3A_631 = arith.constant 0 : i64
        %parallel_loop3A_632 = arith.index_cast %parallel_loop3A_631 : i64 to index
        %parallel_loop3A_633 = arith.index_cast %parallel_loop3A_623 : i32 to index
        %parallel_loop3A_634 = arith.index_cast %parallel_loop3A_627 : i32 to index
        %parallel_loop3A_635 = tpu.vector_load %arg5[%parallel_loop3A_632, %parallel_loop3A_633, %parallel_loop3A_634] {strides = array<i32>} : memref<8x8x512xf32, #tpu.memory_space<vmem>>, vector<16xf32>,
        %parallel_loop3A_636 = math.exp %parallel_loop3A_635 : vector<16xf32>
        %parallel_loop3A_637 = arith.constant 1 : i64
        %parallel_loop3A_638 = arith.index_cast %parallel_loop3A_637 : i64 to index
        %parallel_loop3A_639 = arith.index_cast %parallel_loop3A_623 : i32 to index
        %parallel_loop3A_640 = arith.index_cast %parallel_loop3A_627 : i32 to index
        %parallel_loop3A_641 = tpu.vector_load %arg5[%parallel_loop3A_638, %parallel_loop3A_639, %parallel_loop3A_640] {strides = array<i32>} : memref<8x8x512xf32, #tpu.memory_space<vmem>>, vector<16xf32>,
        %parallel_loop3A_642 = math.exp %parallel_loop3A_641 : vector<16xf32>
        %parallel_loop3A_643 = arith.constant 2 : i64
        %parallel_loop3A_644 = arith.index_cast %parallel_loop3A_643 : i64 to index
        %parallel_loop3A_645 = arith.index_cast %parallel_loop3A_623 : i32 to index
        %parallel_loop3A_646 = arith.index_cast %parallel_loop3A_627 : i32 to index
        %parallel_loop3A_647 = tpu.vector_load %arg5[%parallel_loop3A_644, %parallel_loop3A_645, %parallel_loop3A_646] {strides = array<i32>} : memref<8x8x512xf32, #tpu.memory_space<vmem>>, vector<16xf32>,
        %parallel_loop3A_648 = math.exp %parallel_loop3A_647 : vector<16xf32>
        %parallel_loop3A_649 = arith.constant 3 : i64
        %parallel_loop3A_650 = arith.index_cast %parallel_loop3A_649 : i64 to index
        %parallel_loop3A_651 = arith.index_cast %parallel_loop3A_623 : i32 to index
        %parallel_loop3A_652 = arith.index_cast %parallel_loop3A_627 : i32 to index
        %parallel_loop3A_653 = tpu.vector_load %arg5[%parallel_loop3A_650, %parallel_loop3A_651, %parallel_loop3A_652] {strides = array<i32>} : memref<8x8x512xf32, #tpu.memory_space<vmem>>, vector<16xf32>,
        %parallel_loop3A_654 = math.exp %parallel_loop3A_653 : vector<16xf32>
        %parallel_loop3A_655 = arith.constant 4 : i64
        %parallel_loop3A_656 = arith.index_cast %parallel_loop3A_655 : i64 to index
        %parallel_loop3A_657 = arith.index_cast %parallel_loop3A_623 : i32 to index
        %parallel_loop3A_658 = arith.index_cast %parallel_loop3A_627 : i32 to index
        %parallel_loop3A_659 = tpu.vector_load %arg5[%parallel_loop3A_656, %parallel_loop3A_657, %parallel_loop3A_658] {strides = array<i32>} : memref<8x8x512xf32, #tpu.memory_space<vmem>>, vector<16xf32>,
        %parallel_loop3A_660 = math.exp %parallel_loop3A_659 : vector<16xf32>
        %parallel_loop3A_661 = arith.constant 5 : i64
        %parallel_loop3A_662 = arith.index_cast %parallel_loop3A_661 : i64 to index
        %parallel_loop3A_663 = arith.index_cast %parallel_loop3A_623 : i32 to index
        %parallel_loop3A_664 = arith.index_cast %parallel_loop3A_627 : i32 to index
        %parallel_loop3A_665 = tpu.vector_load %arg5[%parallel_loop3A_662, %parallel_loop3A_663, %parallel_loop3A_664] {strides = array<i32>} : memref<8x8x512xf32, #tpu.memory_space<vmem>>, vector<16xf32>,
        %parallel_loop3A_666 = math.exp %parallel_loop3A_665 : vector<16xf32>
        %parallel_loop3A_667 = arith.constant 6 : i64
        %parallel_loop3A_668 = arith.index_cast %parallel_loop3A_667 : i64 to index
        %parallel_loop3A_669 = arith.index_cast %parallel_loop3A_623 : i32 to index
        %parallel_loop3A_670 = arith.index_cast %parallel_loop3A_627 : i32 to index
        %parallel_loop3A_671 = tpu.vector_load %arg5[%parallel_loop3A_668, %parallel_loop3A_669, %parallel_loop3A_670] {strides = array<i32>} : memref<8x8x512xf32, #tpu.memory_space<vmem>>, vector<16xf32>,
        %parallel_loop3A_672 = math.exp %parallel_loop3A_671 : vector<16xf32>
        %parallel_loop3A_673 = arith.constant 7 : i64
        %parallel_loop3A_674 = arith.index_cast %parallel_loop3A_673 : i64 to index
        %parallel_loop3A_675 = arith.index_cast %parallel_loop3A_623 : i32 to index
        %parallel_loop3A_676 = arith.index_cast %parallel_loop3A_627 : i32 to index
        %parallel_loop3A_677 = tpu.vector_load %arg5[%parallel_loop3A_674, %parallel_loop3A_675, %parallel_loop3A_676] {strides = array<i32>} : memref<8x8x512xf32, #tpu.memory_space<vmem>>, vector<16xf32>,
        %parallel_loop3A_678 = math.exp %parallel_loop3A_677 : vector<16xf32>
        %parallel_loop3A_679 = arith.addf %parallel_loop3A_636, %parallel_loop3A_642 : vector<16xf32>
        %parallel_loop3A_680 = arith.addf %parallel_loop3A_648, %parallel_loop3A_654 : vector<16xf32>
        %parallel_loop3A_681 = arith.addf %parallel_loop3A_679, %parallel_loop3A_680 : vector<16xf32>
        %parallel_loop3A_682 = arith.addf %parallel_loop3A_660, %parallel_loop3A_666 : vector<16xf32>
        %parallel_loop3A_683 = arith.addf %parallel_loop3A_672, %parallel_loop3A_678 : vector<16xf32>
        %parallel_loop3A_684 = arith.addf %parallel_loop3A_682, %parallel_loop3A_683 : vector<16xf32>
        %parallel_loop3A_685 = arith.addf %parallel_loop3A_681, %parallel_loop3A_684 : vector<16xf32>
        %parallel_loop3A_686 = arith.constant 2.048000e+03 : f32
        %parallel_loop3A_687 = vector.broadcast %parallel_loop3A_686 : f32 to vector<16xf32>
        %parallel_loop3A_688 = arith.divf %parallel_loop3A_687, %parallel_loop3A_685 : vector<16xf32>
        %parallel_loop3A_689 = arith.mulf %parallel_loop3A_642, %parallel_loop3A_688 : vector<16xf32>
        %parallel_loop3A_690 = arith.fptosi %parallel_loop3A_689 : vector<16xf32> to vector<16xi32>
        %parallel_loop3A_691 = arith.constant 1 : i32
        %parallel_loop3A_692 = vector.broadcast %parallel_loop3A_691 : i32 to vector<16xi32>
        %parallel_loop3A_693 = arith.cmpi eq, %parallel_loop3A_630, %parallel_loop3A_692 : vector<16xi32>
        %parallel_loop3A_694 = arith.select %parallel_loop3A_693, %broadcast_in_dim3A_37, %broadcast_in_dim3A_35 : vector<16xi1>, vector<16xi32>
        %parallel_loop3A_695 = arith.constant 0 : i32
        %parallel_loop3A_696 = tpu.memref_slice %arg9[%parallel_loop3A_695] : memref<14352xi32, #tpu.memory_space<vmem>> -> memref<2064xi32, #tpu.memory_space<vmem>>
        tpu.vector_store_idx %parallel_loop3A_696[%parallel_loop3A_690], %parallel_loop3A_694 {add = true} : memref<2064xi32, #tpu.memory_space<vmem>>[vector<16xi32>], vector<16xi32>,
        %parallel_loop3A_697 = arith.mulf %parallel_loop3A_648, %parallel_loop3A_688 : vector<16xf32>
        %parallel_loop3A_698 = arith.fptosi %parallel_loop3A_697 : vector<16xf32> to vector<16xi32>
        %parallel_loop3A_699 = arith.constant 2 : i32
        %parallel_loop3A_700 = vector.broadcast %parallel_loop3A_699 : i32 to vector<16xi32>
        %parallel_loop3A_701 = arith.cmpi eq, %parallel_loop3A_630, %parallel_loop3A_700 : vector<16xi32>
        %parallel_loop3A_702 = arith.select %parallel_loop3A_701, %broadcast_in_dim3A_37, %broadcast_in_dim3A_35 : vector<16xi1>, vector<16xi32>
        %parallel_loop3A_703 = arith.constant 2048 : i32
        %parallel_loop3A_704 = tpu.memref_slice %arg9[%parallel_loop3A_703] : memref<14352xi32, #tpu.memory_space<vmem>> -> memref<2064xi32, #tpu.memory_space<vmem>>
        tpu.vector_store_idx %parallel_loop3A_704[%parallel_loop3A_698], %parallel_loop3A_702 {add = true} : memref<2064xi32, #tpu.memory_space<vmem>>[vector<16xi32>], vector<16xi32>,
        %parallel_loop3A_705 = arith.mulf %parallel_loop3A_654, %parallel_loop3A_688 : vector<16xf32>
        %parallel_loop3A_706 = arith.fptosi %parallel_loop3A_705 : vector<16xf32> to vector<16xi32>
        %parallel_loop3A_707 = arith.constant 3 : i32
        %parallel_loop3A_708 = vector.broadcast %parallel_loop3A_707 : i32 to vector<16xi32>
        %parallel_loop3A_709 = arith.cmpi eq, %parallel_loop3A_630, %parallel_loop3A_708 : vector<16xi32>
        %parallel_loop3A_710 = arith.select %parallel_loop3A_709, %broadcast_in_dim3A_37, %broadcast_in_dim3A_35 : vector<16xi1>, vector<16xi32>
        %parallel_loop3A_711 = arith.constant 4096 : i32
        %parallel_loop3A_712 = tpu.memref_slice %arg9[%parallel_loop3A_711] : memref<14352xi32, #tpu.memory_space<vmem>> -> memref<2064xi32, #tpu.memory_space<vmem>>
        tpu.vector_store_idx %parallel_loop3A_712[%parallel_loop3A_706], %parallel_loop3A_710 {add = true} : memref<2064xi32, #tpu.memory_space<vmem>>[vector<16xi32>], vector<16xi32>,
        %parallel_loop3A_713 = arith.mulf %parallel_loop3A_660, %parallel_loop3A_688 : vector<16xf32>
        %parallel_loop3A_714 = arith.fptosi %parallel_loop3A_713 : vector<16xf32> to vector<16xi32>
        %parallel_loop3A_715 = arith.constant 4 : i32
        %parallel_loop3A_716 = vector.broadcast %parallel_loop3A_715 : i32 to vector<16xi32>
        %parallel_loop3A_717 = arith.cmpi eq, %parallel_loop3A_630, %parallel_loop3A_716 : vector<16xi32>
        %parallel_loop3A_718 = arith.select %parallel_loop3A_717, %broadcast_in_dim3A_37, %broadcast_in_dim3A_35 : vector<16xi1>, vector<16xi32>
        %parallel_loop3A_719 = arith.constant 6144 : i32
        %parallel_loop3A_720 = tpu.memref_slice %arg9[%parallel_loop3A_719] : memref<14352xi32, #tpu.memory_space<vmem>> -> memref<2064xi32, #tpu.memory_space<vmem>>
        tpu.vector_store_idx %parallel_loop3A_720[%parallel_loop3A_714], %parallel_loop3A_718 {add = true} : memref<2064xi32, #tpu.memory_space<vmem>>[vector<16xi32>], vector<16xi32>,
        %parallel_loop3A_721 = arith.mulf %parallel_loop3A_666, %parallel_loop3A_688 : vector<16xf32>
        %parallel_loop3A_722 = arith.fptosi %parallel_loop3A_721 : vector<16xf32> to vector<16xi32>
        %parallel_loop3A_723 = arith.constant 5 : i32
        %parallel_loop3A_724 = vector.broadcast %parallel_loop3A_723 : i32 to vector<16xi32>
        %parallel_loop3A_725 = arith.cmpi eq, %parallel_loop3A_630, %parallel_loop3A_724 : vector<16xi32>
        %parallel_loop3A_726 = arith.select %parallel_loop3A_725, %broadcast_in_dim3A_37, %broadcast_in_dim3A_35 : vector<16xi1>, vector<16xi32>
        %parallel_loop3A_727 = arith.constant 8192 : i32
        %parallel_loop3A_728 = tpu.memref_slice %arg9[%parallel_loop3A_727] : memref<14352xi32, #tpu.memory_space<vmem>> -> memref<2064xi32, #tpu.memory_space<vmem>>
        tpu.vector_store_idx %parallel_loop3A_728[%parallel_loop3A_722], %parallel_loop3A_726 {add = true} : memref<2064xi32, #tpu.memory_space<vmem>>[vector<16xi32>], vector<16xi32>,
        %parallel_loop3A_729 = arith.mulf %parallel_loop3A_672, %parallel_loop3A_688 : vector<16xf32>
        %parallel_loop3A_730 = arith.fptosi %parallel_loop3A_729 : vector<16xf32> to vector<16xi32>
        %parallel_loop3A_731 = arith.constant 6 : i32
        %parallel_loop3A_732 = vector.broadcast %parallel_loop3A_731 : i32 to vector<16xi32>
        %parallel_loop3A_733 = arith.cmpi eq, %parallel_loop3A_630, %parallel_loop3A_732 : vector<16xi32>
        %parallel_loop3A_734 = arith.select %parallel_loop3A_733, %broadcast_in_dim3A_37, %broadcast_in_dim3A_35 : vector<16xi1>, vector<16xi32>
        %parallel_loop3A_735 = arith.constant 10240 : i32
        %parallel_loop3A_736 = tpu.memref_slice %arg9[%parallel_loop3A_735] : memref<14352xi32, #tpu.memory_space<vmem>> -> memref<2064xi32, #tpu.memory_space<vmem>>
        tpu.vector_store_idx %parallel_loop3A_736[%parallel_loop3A_730], %parallel_loop3A_734 {add = true} : memref<2064xi32, #tpu.memory_space<vmem>>[vector<16xi32>], vector<16xi32>,
        %parallel_loop3A_737 = arith.mulf %parallel_loop3A_678, %parallel_loop3A_688 : vector<16xf32>
        %parallel_loop3A_738 = arith.fptosi %parallel_loop3A_737 : vector<16xf32> to vector<16xi32>
        %parallel_loop3A_739 = arith.constant 7 : i32
        %parallel_loop3A_740 = vector.broadcast %parallel_loop3A_739 : i32 to vector<16xi32>
        %parallel_loop3A_741 = arith.cmpi eq, %parallel_loop3A_630, %parallel_loop3A_740 : vector<16xi32>
        %parallel_loop3A_742 = arith.select %parallel_loop3A_741, %broadcast_in_dim3A_37, %broadcast_in_dim3A_35 : vector<16xi1>, vector<16xi32>
        %parallel_loop3A_743 = arith.constant 12288 : i32
        %parallel_loop3A_744 = tpu.memref_slice %arg9[%parallel_loop3A_743] : memref<14352xi32, #tpu.memory_space<vmem>> -> memref<2064xi32, #tpu.memory_space<vmem>>
        tpu.vector_store_idx %parallel_loop3A_744[%parallel_loop3A_738], %parallel_loop3A_742 {add = true} : memref<2064xi32, #tpu.memory_space<vmem>>[vector<16xi32>], vector<16xi32>,
      } {sc.loop_unroll_factor = 3 : i64, sc.parallel_access}
      %add3A_474 = arith.constant 2 : i32
      %add3A_475 = arith.addi %mul3A_196, %add3A_474 : i32
      %lt3A_476 = arith.constant 8 : i32
      %lt3A_477 = arith.cmpi slt, %add3A_475, %lt3A_476 : i32
      %convert_element_type3A = arith.extui %lt3A_477 : i1 to i32
      %cond3A = arith.constant 0 : i32
      %cond3A_478 = arith.cmpi ne, %convert_element_type3A, %cond3A : i32
      scf.if %cond3A_478 {
        %add3A_621 = arith.constant 2 : i32
        %add3A_622 = arith.addi %mul3A_196, %add3A_621 : i32
        %mul3A_623 = arith.constant 8 : i32
        %mul3A_624 = arith.muli %add3A_622, %mul3A_623 : i32
        %add3A_625 = arith.addi %mul3A_32, %mul3A_624 : i32
        %dma_start3A_626 = arith.constant 0 : i32
        %dma_start3A_627 = arith.constant 0 : i32
        %dma_start3A_628 = arith.constant 0 : i32
        %dma_start3A_629 = arith.constant 0 : i32
        %dma_start3A_630 = tpu.memref_slice %arg5[%dma_start3A_627, %dma_start3A_628, %dma_start3A_629] : memref<8x8x512xf32, #tpu.memory_space<vmem>> -> memref<1x8x512xf32, #tpu.memory_space<vmem>>
        %dma_start3A_631 = tpu.memref_squeeze %dma_start3A_630 : memref<1x8x512xf32, #tpu.memory_space<vmem>> -> memref<8x512xf32, #tpu.memory_space<vmem>>
        %dma_start3A_632 = arith.constant 0 : i32
        %dma_start3A_633 = tpu.memref_slice %arg2[%select_n3A, %dma_start3A_626, %add3A_625, %dma_start3A_632] : memref<4x8x512x512xf32, #tpu.memory_space<hbm>> -> memref<1x1x8x512xf32, #tpu.memory_space<hbm>>
        %dma_start3A_634 = tpu.memref_squeeze %dma_start3A_633 : memref<1x1x8x512xf32, #tpu.memory_space<hbm>> -> memref<8x512xf32, #tpu.memory_space<hbm>>
        %dma_start3A_635 = arith.constant 0 : i32
        %dma_start3A_636 = arith.constant 0 : i32
        %dma_start3A_637 = tpu.memref_slice %arg5[%dma_start3A_627, %dma_start3A_635, %dma_start3A_636] : memref<8x8x512xf32, #tpu.memory_space<vmem>> -> memref<1x8x512xf32, #tpu.memory_space<vmem>>
        %dma_start3A_638 = tpu.memref_squeeze %dma_start3A_637 : memref<1x8x512xf32, #tpu.memory_space<vmem>> -> memref<8x512xf32, #tpu.memory_space<vmem>>
        %dma_start3A_639 = arith.constant 0 : i32
        %dma_start3A_640 = tpu.memref_slice %arg2[%select_n3A, %dma_start3A_626, %add3A_625, %dma_start3A_639] : memref<4x8x512x512xf32, #tpu.memory_space<hbm>> -> memref<1x1x8x512xf32, #tpu.memory_space<hbm>>
        %dma_start3A_641 = tpu.memref_squeeze %dma_start3A_640 : memref<1x1x8x512xf32, #tpu.memory_space<hbm>> -> memref<8x512xf32, #tpu.memory_space<hbm>>
        tpu.enqueue_dma source(%dma_start3A_641 : memref<8x512xf32, #tpu.memory_space<hbm>>) target(%dma_start3A_638 : memref<8x512xf32, #tpu.memory_space<vmem>>) target_semaphore(%arg10 : memref<!tpu.dma_semaphore, #tpu.memory_space<semaphore_mem>>)
        %dma_start3A_642 = arith.constant 1 : i32
        %dma_start3A_643 = arith.constant 1 : i32
        %dma_start3A_644 = arith.constant 0 : i32
        %dma_start3A_645 = arith.constant 0 : i32
        %dma_start3A_646 = tpu.memref_slice %arg5[%dma_start3A_643, %dma_start3A_644, %dma_start3A_645] : memref<8x8x512xf32, #tpu.memory_space<vmem>> -> memref<1x8x512xf32, #tpu.memory_space<vmem>>
        %dma_start3A_647 = tpu.memref_squeeze %dma_start3A_646 : memref<1x8x512xf32, #tpu.memory_space<vmem>> -> memref<8x512xf32, #tpu.memory_space<vmem>>
        %dma_start3A_648 = arith.constant 0 : i32
        %dma_start3A_649 = tpu.memref_slice %arg2[%select_n3A, %dma_start3A_642, %add3A_625, %dma_start3A_648] : memref<4x8x512x512xf32, #tpu.memory_space<hbm>> -> memref<1x1x8x512xf32, #tpu.memory_space<hbm>>
        %dma_start3A_650 = tpu.memref_squeeze %dma_start3A_649 : memref<1x1x8x512xf32, #tpu.memory_space<hbm>> -> memref<8x512xf32, #tpu.memory_space<hbm>>
        %dma_start3A_651 = arith.constant 0 : i32
        %dma_start3A_652 = arith.constant 0 : i32
        %dma_start3A_653 = tpu.memref_slice %arg5[%dma_start3A_643, %dma_start3A_651, %dma_start3A_652] : memref<8x8x512xf32, #tpu.memory_space<vmem>> -> memref<1x8x512xf32, #tpu.memory_space<vmem>>
        %dma_start3A_654 = tpu.memref_squeeze %dma_start3A_653 : memref<1x8x512xf32, #tpu.memory_space<vmem>> -> memref<8x512xf32, #tpu.memory_space<vmem>>
        %dma_start3A_655 = arith.constant 0 : i32
        %dma_start3A_656 = tpu.memref_slice %arg2[%select_n3A, %dma_start3A_642, %add3A_625, %dma_start3A_655] : memref<4x8x512x512xf32, #tpu.memory_space<hbm>> -> memref<1x1x8x512xf32, #tpu.memory_space<hbm>>
        %dma_start3A_657 = tpu.memref_squeeze %dma_start3A_656 : memref<1x1x8x512xf32, #tpu.memory_space<hbm>> -> memref<8x512xf32, #tpu.memory_space<hbm>>
        tpu.enqueue_dma source(%dma_start3A_657 : memref<8x512xf32, #tpu.memory_space<hbm>>) target(%dma_start3A_654 : memref<8x512xf32, #tpu.memory_space<vmem>>) target_semaphore(%arg10 : memref<!tpu.dma_semaphore, #tpu.memory_space<semaphore_mem>>)
        %dma_start3A_658 = arith.constant 2 : i32
        %dma_start3A_659 = arith.constant 2 : i32
        %dma_start3A_660 = arith.constant 0 : i32
        %dma_start3A_661 = arith.constant 0 : i32
        %dma_start3A_662 = tpu.memref_slice %arg5[%dma_start3A_659, %dma_start3A_660, %dma_start3A_661] : memref<8x8x512xf32, #tpu.memory_space<vmem>> -> memref<1x8x512xf32, #tpu.memory_space<vmem>>
        %dma_start3A_663 = tpu.memref_squeeze %dma_start3A_662 : memref<1x8x512xf32, #tpu.memory_space<vmem>> -> memref<8x512xf32, #tpu.memory_space<vmem>>
        %dma_start3A_664 = arith.constant 0 : i32
        %dma_start3A_665 = tpu.memref_slice %arg2[%select_n3A, %dma_start3A_658, %add3A_625, %dma_start3A_664] : memref<4x8x512x512xf32, #tpu.memory_space<hbm>> -> memref<1x1x8x512xf32, #tpu.memory_space<hbm>>
        %dma_start3A_666 = tpu.memref_squeeze %dma_start3A_665 : memref<1x1x8x512xf32, #tpu.memory_space<hbm>> -> memref<8x512xf32, #tpu.memory_space<hbm>>
        %dma_start3A_667 = arith.constant 0 : i32
        %dma_start3A_668 = arith.constant 0 : i32
        %dma_start3A_669 = tpu.memref_slice %arg5[%dma_start3A_659, %dma_start3A_667, %dma_start3A_668] : memref<8x8x512xf32, #tpu.memory_space<vmem>> -> memref<1x8x512xf32, #tpu.memory_space<vmem>>
        %dma_start3A_670 = tpu.memref_squeeze %dma_start3A_669 : memref<1x8x512xf32, #tpu.memory_space<vmem>> -> memref<8x512xf32, #tpu.memory_space<vmem>>
        %dma_start3A_671 = arith.constant 0 : i32
        %dma_start3A_672 = tpu.memref_slice %arg2[%select_n3A, %dma_start3A_658, %add3A_625, %dma_start3A_671] : memref<4x8x512x512xf32, #tpu.memory_space<hbm>> -> memref<1x1x8x512xf32, #tpu.memory_space<hbm>>
        %dma_start3A_673 = tpu.memref_squeeze %dma_start3A_672 : memref<1x1x8x512xf32, #tpu.memory_space<hbm>> -> memref<8x512xf32, #tpu.memory_space<hbm>>
        tpu.enqueue_dma source(%dma_start3A_673 : memref<8x512xf32, #tpu.memory_space<hbm>>) target(%dma_start3A_670 : memref<8x512xf32, #tpu.memory_space<vmem>>) target_semaphore(%arg10 : memref<!tpu.dma_semaphore, #tpu.memory_space<semaphore_mem>>)
        %dma_start3A_674 = arith.constant 3 : i32
        %dma_start3A_675 = arith.constant 3 : i32
        %dma_start3A_676 = arith.constant 0 : i32
        %dma_start3A_677 = arith.constant 0 : i32
        %dma_start3A_678 = tpu.memref_slice %arg5[%dma_start3A_675, %dma_start3A_676, %dma_start3A_677] : memref<8x8x512xf32, #tpu.memory_space<vmem>> -> memref<1x8x512xf32, #tpu.memory_space<vmem>>
        %dma_start3A_679 = tpu.memref_squeeze %dma_start3A_678 : memref<1x8x512xf32, #tpu.memory_space<vmem>> -> memref<8x512xf32, #tpu.memory_space<vmem>>
        %dma_start3A_680 = arith.constant 0 : i32
        %dma_start3A_681 = tpu.memref_slice %arg2[%select_n3A, %dma_start3A_674, %add3A_625, %dma_start3A_680] : memref<4x8x512x512xf32, #tpu.memory_space<hbm>> -> memref<1x1x8x512xf32, #tpu.memory_space<hbm>>
        %dma_start3A_682 = tpu.memref_squeeze %dma_start3A_681 : memref<1x1x8x512xf32, #tpu.memory_space<hbm>> -> memref<8x512xf32, #tpu.memory_space<hbm>>
        %dma_start3A_683 = arith.constant 0 : i32
        %dma_start3A_684 = arith.constant 0 : i32
        %dma_start3A_685 = tpu.memref_slice %arg5[%dma_start3A_675, %dma_start3A_683, %dma_start3A_684] : memref<8x8x512xf32, #tpu.memory_space<vmem>> -> memref<1x8x512xf32, #tpu.memory_space<vmem>>
        %dma_start3A_686 = tpu.memref_squeeze %dma_start3A_685 : memref<1x8x512xf32, #tpu.memory_space<vmem>> -> memref<8x512xf32, #tpu.memory_space<vmem>>
        %dma_start3A_687 = arith.constant 0 : i32
        %dma_start3A_688 = tpu.memref_slice %arg2[%select_n3A, %dma_start3A_674, %add3A_625, %dma_start3A_687] : memref<4x8x512x512xf32, #tpu.memory_space<hbm>> -> memref<1x1x8x512xf32, #tpu.memory_space<hbm>>
        %dma_start3A_689 = tpu.memref_squeeze %dma_start3A_688 : memref<1x1x8x512xf32, #tpu.memory_space<hbm>> -> memref<8x512xf32, #tpu.memory_space<hbm>>
        tpu.enqueue_dma source(%dma_start3A_689 : memref<8x512xf32, #tpu.memory_space<hbm>>) target(%dma_start3A_686 : memref<8x512xf32, #tpu.memory_space<vmem>>) target_semaphore(%arg10 : memref<!tpu.dma_semaphore, #tpu.memory_space<semaphore_mem>>)
        %dma_start3A_690 = arith.constant 4 : i32
        %dma_start3A_691 = arith.constant 4 : i32
        %dma_start3A_692 = arith.constant 0 : i32
        %dma_start3A_693 = arith.constant 0 : i32
        %dma_start3A_694 = tpu.memref_slice %arg5[%dma_start3A_691, %dma_start3A_692, %dma_start3A_693] : memref<8x8x512xf32, #tpu.memory_space<vmem>> -> memref<1x8x512xf32, #tpu.memory_space<vmem>>
        %dma_start3A_695 = tpu.memref_squeeze %dma_start3A_694 : memref<1x8x512xf32, #tpu.memory_space<vmem>> -> memref<8x512xf32, #tpu.memory_space<vmem>>
        %dma_start3A_696 = arith.constant 0 : i32
        %dma_start3A_697 = tpu.memref_slice %arg2[%select_n3A, %dma_start3A_690, %add3A_625, %dma_start3A_696] : memref<4x8x512x512xf32, #tpu.memory_space<hbm>> -> memref<1x1x8x512xf32, #tpu.memory_space<hbm>>
        %dma_start3A_698 = tpu.memref_squeeze %dma_start3A_697 : memref<1x1x8x512xf32, #tpu.memory_space<hbm>> -> memref<8x512xf32, #tpu.memory_space<hbm>>
        %dma_start3A_699 = arith.constant 0 : i32
        %dma_start3A_700 = arith.constant 0 : i32
        %dma_start3A_701 = tpu.memref_slice %arg5[%dma_start3A_691, %dma_start3A_699, %dma_start3A_700] : memref<8x8x512xf32, #tpu.memory_space<vmem>> -> memref<1x8x512xf32, #tpu.memory_space<vmem>>
        %dma_start3A_702 = tpu.memref_squeeze %dma_start3A_701 : memref<1x8x512xf32, #tpu.memory_space<vmem>> -> memref<8x512xf32, #tpu.memory_space<vmem>>
        %dma_start3A_703 = arith.constant 0 : i32
        %dma_start3A_704 = tpu.memref_slice %arg2[%select_n3A, %dma_start3A_690, %add3A_625, %dma_start3A_703] : memref<4x8x512x512xf32, #tpu.memory_space<hbm>> -> memref<1x1x8x512xf32, #tpu.memory_space<hbm>>
        %dma_start3A_705 = tpu.memref_squeeze %dma_start3A_704 : memref<1x1x8x512xf32, #tpu.memory_space<hbm>> -> memref<8x512xf32, #tpu.memory_space<hbm>>
        tpu.enqueue_dma source(%dma_start3A_705 : memref<8x512xf32, #tpu.memory_space<hbm>>) target(%dma_start3A_702 : memref<8x512xf32, #tpu.memory_space<vmem>>) target_semaphore(%arg10 : memref<!tpu.dma_semaphore, #tpu.memory_space<semaphore_mem>>)
        %dma_start3A_706 = arith.constant 5 : i32
        %dma_start3A_707 = arith.constant 5 : i32
        %dma_start3A_708 = arith.constant 0 : i32
        %dma_start3A_709 = arith.constant 0 : i32
        %dma_start3A_710 = tpu.memref_slice %arg5[%dma_start3A_707, %dma_start3A_708, %dma_start3A_709] : memref<8x8x512xf32, #tpu.memory_space<vmem>> -> memref<1x8x512xf32, #tpu.memory_space<vmem>>
        %dma_start3A_711 = tpu.memref_squeeze %dma_start3A_710 : memref<1x8x512xf32, #tpu.memory_space<vmem>> -> memref<8x512xf32, #tpu.memory_space<vmem>>
        %dma_start3A_712 = arith.constant 0 : i32
        %dma_start3A_713 = tpu.memref_slice %arg2[%select_n3A, %dma_start3A_706, %add3A_625, %dma_start3A_712] : memref<4x8x512x512xf32, #tpu.memory_space<hbm>> -> memref<1x1x8x512xf32, #tpu.memory_space<hbm>>
        %dma_start3A_714 = tpu.memref_squeeze %dma_start3A_713 : memref<1x1x8x512xf32, #tpu.memory_space<hbm>> -> memref<8x512xf32, #tpu.memory_space<hbm>>
        %dma_start3A_715 = arith.constant 0 : i32
        %dma_start3A_716 = arith.constant 0 : i32
        %dma_start3A_717 = tpu.memref_slice %arg5[%dma_start3A_707, %dma_start3A_715, %dma_start3A_716] : memref<8x8x512xf32, #tpu.memory_space<vmem>> -> memref<1x8x512xf32, #tpu.memory_space<vmem>>
        %dma_start3A_718 = tpu.memref_squeeze %dma_start3A_717 : memref<1x8x512xf32, #tpu.memory_space<vmem>> -> memref<8x512xf32, #tpu.memory_space<vmem>>
        %dma_start3A_719 = arith.constant 0 : i32
        %dma_start3A_720 = tpu.memref_slice %arg2[%select_n3A, %dma_start3A_706, %add3A_625, %dma_start3A_719] : memref<4x8x512x512xf32, #tpu.memory_space<hbm>> -> memref<1x1x8x512xf32, #tpu.memory_space<hbm>>
        %dma_start3A_721 = tpu.memref_squeeze %dma_start3A_720 : memref<1x1x8x512xf32, #tpu.memory_space<hbm>> -> memref<8x512xf32, #tpu.memory_space<hbm>>
        tpu.enqueue_dma source(%dma_start3A_721 : memref<8x512xf32, #tpu.memory_space<hbm>>) target(%dma_start3A_718 : memref<8x512xf32, #tpu.memory_space<vmem>>) target_semaphore(%arg10 : memref<!tpu.dma_semaphore, #tpu.memory_space<semaphore_mem>>)
        %dma_start3A_722 = arith.constant 6 : i32
        %dma_start3A_723 = arith.constant 6 : i32
        %dma_start3A_724 = arith.constant 0 : i32
        %dma_start3A_725 = arith.constant 0 : i32
        %dma_start3A_726 = tpu.memref_slice %arg5[%dma_start3A_723, %dma_start3A_724, %dma_start3A_725] : memref<8x8x512xf32, #tpu.memory_space<vmem>> -> memref<1x8x512xf32, #tpu.memory_space<vmem>>
        %dma_start3A_727 = tpu.memref_squeeze %dma_start3A_726 : memref<1x8x512xf32, #tpu.memory_space<vmem>> -> memref<8x512xf32, #tpu.memory_space<vmem>>
        %dma_start3A_728 = arith.constant 0 : i32
        %dma_start3A_729 = tpu.memref_slice %arg2[%select_n3A, %dma_start3A_722, %add3A_625, %dma_start3A_728] : memref<4x8x512x512xf32, #tpu.memory_space<hbm>> -> memref<1x1x8x512xf32, #tpu.memory_space<hbm>>
        %dma_start3A_730 = tpu.memref_squeeze %dma_start3A_729 : memref<1x1x8x512xf32, #tpu.memory_space<hbm>> -> memref<8x512xf32, #tpu.memory_space<hbm>>
        %dma_start3A_731 = arith.constant 0 : i32
        %dma_start3A_732 = arith.constant 0 : i32
        %dma_start3A_733 = tpu.memref_slice %arg5[%dma_start3A_723, %dma_start3A_731, %dma_start3A_732] : memref<8x8x512xf32, #tpu.memory_space<vmem>> -> memref<1x8x512xf32, #tpu.memory_space<vmem>>
        %dma_start3A_734 = tpu.memref_squeeze %dma_start3A_733 : memref<1x8x512xf32, #tpu.memory_space<vmem>> -> memref<8x512xf32, #tpu.memory_space<vmem>>
        %dma_start3A_735 = arith.constant 0 : i32
        %dma_start3A_736 = tpu.memref_slice %arg2[%select_n3A, %dma_start3A_722, %add3A_625, %dma_start3A_735] : memref<4x8x512x512xf32, #tpu.memory_space<hbm>> -> memref<1x1x8x512xf32, #tpu.memory_space<hbm>>
        %dma_start3A_737 = tpu.memref_squeeze %dma_start3A_736 : memref<1x1x8x512xf32, #tpu.memory_space<hbm>> -> memref<8x512xf32, #tpu.memory_space<hbm>>
        tpu.enqueue_dma source(%dma_start3A_737 : memref<8x512xf32, #tpu.memory_space<hbm>>) target(%dma_start3A_734 : memref<8x512xf32, #tpu.memory_space<vmem>>) target_semaphore(%arg10 : memref<!tpu.dma_semaphore, #tpu.memory_space<semaphore_mem>>)
        %dma_start3A_738 = arith.constant 7 : i32
        %dma_start3A_739 = arith.constant 7 : i32
        %dma_start3A_740 = arith.constant 0 : i32
        %dma_start3A_741 = arith.constant 0 : i32
        %dma_start3A_742 = tpu.memref_slice %arg5[%dma_start3A_739, %dma_start3A_740, %dma_start3A_741] : memref<8x8x512xf32, #tpu.memory_space<vmem>> -> memref<1x8x512xf32, #tpu.memory_space<vmem>>
        %dma_start3A_743 = tpu.memref_squeeze %dma_start3A_742 : memref<1x8x512xf32, #tpu.memory_space<vmem>> -> memref<8x512xf32, #tpu.memory_space<vmem>>
        %dma_start3A_744 = arith.constant 0 : i32
        %dma_start3A_745 = tpu.memref_slice %arg2[%select_n3A, %dma_start3A_738, %add3A_625, %dma_start3A_744] : memref<4x8x512x512xf32, #tpu.memory_space<hbm>> -> memref<1x1x8x512xf32, #tpu.memory_space<hbm>>
        %dma_start3A_746 = tpu.memref_squeeze %dma_start3A_745 : memref<1x1x8x512xf32, #tpu.memory_space<hbm>> -> memref<8x512xf32, #tpu.memory_space<hbm>>
        %dma_start3A_747 = arith.constant 0 : i32
        %dma_start3A_748 = arith.constant 0 : i32
        %dma_start3A_749 = tpu.memref_slice %arg5[%dma_start3A_739, %dma_start3A_747, %dma_start3A_748] : memref<8x8x512xf32, #tpu.memory_space<vmem>> -> memref<1x8x512xf32, #tpu.memory_space<vmem>>
        %dma_start3A_750 = tpu.memref_squeeze %dma_start3A_749 : memref<1x8x512xf32, #tpu.memory_space<vmem>> -> memref<8x512xf32, #tpu.memory_space<vmem>>
        %dma_start3A_751 = arith.constant 0 : i32
        %dma_start3A_752 = tpu.memref_slice %arg2[%select_n3A, %dma_start3A_738, %add3A_625, %dma_start3A_751] : memref<4x8x512x512xf32, #tpu.memory_space<hbm>> -> memref<1x1x8x512xf32, #tpu.memory_space<hbm>>
        %dma_start3A_753 = tpu.memref_squeeze %dma_start3A_752 : memref<1x1x8x512xf32, #tpu.memory_space<hbm>> -> memref<8x512xf32, #tpu.memory_space<hbm>>
        tpu.enqueue_dma source(%dma_start3A_753 : memref<8x512xf32, #tpu.memory_space<hbm>>) target(%dma_start3A_750 : memref<8x512xf32, #tpu.memory_space<vmem>>) target_semaphore(%arg10 : memref<!tpu.dma_semaphore, #tpu.memory_space<semaphore_mem>>)
        %dma_start3A_754 = arith.constant 0 : i32
        %dma_start3A_755 = tpu.memref_slice %arg3[%select_n3A, %add3A_625, %dma_start3A_754] : memref<4x512x512xi32, #tpu.memory_space<hbm>> -> memref<1x8x512xi32, #tpu.memory_space<hbm>>
        %dma_start3A_756 = tpu.memref_squeeze %dma_start3A_755 : memref<1x8x512xi32, #tpu.memory_space<hbm>> -> memref<8x512xi32, #tpu.memory_space<hbm>>
        %dma_start3A_757 = arith.constant 0 : i32
        %dma_start3A_758 = tpu.memref_slice %arg3[%select_n3A, %add3A_625, %dma_start3A_757] : memref<4x512x512xi32, #tpu.memory_space<hbm>> -> memref<1x8x512xi32, #tpu.memory_space<hbm>>
        %dma_start3A_759 = tpu.memref_squeeze %dma_start3A_758 : memref<1x8x512xi32, #tpu.memory_space<hbm>> -> memref<8x512xi32, #tpu.memory_space<hbm>>
        tpu.enqueue_dma source(%dma_start3A_759 : memref<8x512xi32, #tpu.memory_space<hbm>>) target(%arg6 : memref<8x512xi32, #tpu.memory_space<vmem>>) target_semaphore(%arg10 : memref<!tpu.dma_semaphore, #tpu.memory_space<semaphore_mem>>)
      } else {
      }
      %add3A_479 = arith.constant 1 : i32
      %add3A_480 = arith.addi %mul3A_196, %add3A_479 : i32
      %mul3A_481 = arith.constant 8 : i32
      %mul3A_482 = arith.muli %add3A_480, %mul3A_481 : i32
      %add3A_483 = arith.addi %mul3A_32, %mul3A_482 : i32
      %dma_wait3A_484 = arith.constant 0 : i32
      %dma_wait3A_485 = arith.constant 0 : i32
      %dma_wait3A_486 = arith.constant 0 : i32
      %dma_wait3A_487 = arith.constant 0 : i32
      %dma_wait3A_488 = tpu.memref_slice %arg7[%dma_wait3A_485, %dma_wait3A_486, %dma_wait3A_487] : memref<8x8x512xf32, #tpu.memory_space<vmem>> -> memref<1x8x512xf32, #tpu.memory_space<vmem>>
      %dma_wait3A_489 = tpu.memref_squeeze %dma_wait3A_488 : memref<1x8x512xf32, #tpu.memory_space<vmem>> -> memref<8x512xf32, #tpu.memory_space<vmem>>
      %dma_wait3A_490 = arith.constant 0 : i32
      %dma_wait3A_491 = tpu.memref_slice %arg2[%select_n3A, %dma_wait3A_484, %add3A_483, %dma_wait3A_490] : memref<4x8x512x512xf32, #tpu.memory_space<hbm>> -> memref<1x1x8x512xf32, #tpu.memory_space<hbm>>
      %dma_wait3A_492 = tpu.memref_squeeze %dma_wait3A_491 : memref<1x1x8x512xf32, #tpu.memory_space<hbm>> -> memref<8x512xf32, #tpu.memory_space<hbm>>
      %dma_wait3A_493 = arith.constant 0 : i32
      %dma_wait3A_494 = arith.constant 0 : i32
      %dma_wait3A_495 = tpu.memref_slice %arg7[%dma_wait3A_485, %dma_wait3A_493, %dma_wait3A_494] : memref<8x8x512xf32, #tpu.memory_space<vmem>> -> memref<1x8x512xf32, #tpu.memory_space<vmem>>
      %dma_wait3A_496 = tpu.memref_squeeze %dma_wait3A_495 : memref<1x8x512xf32, #tpu.memory_space<vmem>> -> memref<8x512xf32, #tpu.memory_space<vmem>>
      %dma_wait3A_497 = arith.constant 0 : i32
      %dma_wait3A_498 = tpu.memref_slice %arg2[%select_n3A, %dma_wait3A_484, %add3A_483, %dma_wait3A_497] : memref<4x8x512x512xf32, #tpu.memory_space<hbm>> -> memref<1x1x8x512xf32, #tpu.memory_space<hbm>>
      %dma_wait3A_499 = tpu.memref_squeeze %dma_wait3A_498 : memref<1x1x8x512xf32, #tpu.memory_space<hbm>> -> memref<8x512xf32, #tpu.memory_space<hbm>>
      tpu.wait_dma2 semaphore(%arg11 : memref<!tpu.dma_semaphore, #tpu.memory_space<semaphore_mem>>) src(%dma_wait3A_499 : memref<8x512xf32, #tpu.memory_space<hbm>>) dst(%dma_wait3A_496 : memref<8x512xf32, #tpu.memory_space<vmem>>)
      %dma_wait3A_500 = arith.constant 1 : i32
      %dma_wait3A_501 = arith.constant 1 : i32
      %dma_wait3A_502 = arith.constant 0 : i32
      %dma_wait3A_503 = arith.constant 0 : i32
      %dma_wait3A_504 = tpu.memref_slice %arg7[%dma_wait3A_501, %dma_wait3A_502, %dma_wait3A_503] : memref<8x8x512xf32, #tpu.memory_space<vmem>> -> memref<1x8x512xf32, #tpu.memory_space<vmem>>
      %dma_wait3A_505 = tpu.memref_squeeze %dma_wait3A_504 : memref<1x8x512xf32, #tpu.memory_space<vmem>> -> memref<8x512xf32, #tpu.memory_space<vmem>>
      %dma_wait3A_506 = arith.constant 0 : i32
      %dma_wait3A_507 = tpu.memref_slice %arg2[%select_n3A, %dma_wait3A_500, %add3A_483, %dma_wait3A_506] : memref<4x8x512x512xf32, #tpu.memory_space<hbm>> -> memref<1x1x8x512xf32, #tpu.memory_space<hbm>>
      %dma_wait3A_508 = tpu.memref_squeeze %dma_wait3A_507 : memref<1x1x8x512xf32, #tpu.memory_space<hbm>> -> memref<8x512xf32, #tpu.memory_space<hbm>>
      %dma_wait3A_509 = arith.constant 0 : i32
      %dma_wait3A_510 = arith.constant 0 : i32
      %dma_wait3A_511 = tpu.memref_slice %arg7[%dma_wait3A_501, %dma_wait3A_509, %dma_wait3A_510] : memref<8x8x512xf32, #tpu.memory_space<vmem>> -> memref<1x8x512xf32, #tpu.memory_space<vmem>>
      %dma_wait3A_512 = tpu.memref_squeeze %dma_wait3A_511 : memref<1x8x512xf32, #tpu.memory_space<vmem>> -> memref<8x512xf32, #tpu.memory_space<vmem>>
      %dma_wait3A_513 = arith.constant 0 : i32
      %dma_wait3A_514 = tpu.memref_slice %arg2[%select_n3A, %dma_wait3A_500, %add3A_483, %dma_wait3A_513] : memref<4x8x512x512xf32, #tpu.memory_space<hbm>> -> memref<1x1x8x512xf32, #tpu.memory_space<hbm>>
      %dma_wait3A_515 = tpu.memref_squeeze %dma_wait3A_514 : memref<1x1x8x512xf32, #tpu.memory_space<hbm>> -> memref<8x512xf32, #tpu.memory_space<hbm>>
      tpu.wait_dma2 semaphore(%arg11 : memref<!tpu.dma_semaphore, #tpu.memory_space<semaphore_mem>>) src(%dma_wait3A_515 : memref<8x512xf32, #tpu.memory_space<hbm>>) dst(%dma_wait3A_512 : memref<8x512xf32, #tpu.memory_space<vmem>>)
      %dma_wait3A_516 = arith.constant 2 : i32
      %dma_wait3A_517 = arith.constant 2 : i32
      %dma_wait3A_518 = arith.constant 0 : i32
      %dma_wait3A_519 = arith.constant 0 : i32
      %dma_wait3A_520 = tpu.memref_slice %arg7[%dma_wait3A_517, %dma_wait3A_518, %dma_wait3A_519] : memref<8x8x512xf32, #tpu.memory_space<vmem>> -> memref<1x8x512xf32, #tpu.memory_space<vmem>>
      %dma_wait3A_521 = tpu.memref_squeeze %dma_wait3A_520 : memref<1x8x512xf32, #tpu.memory_space<vmem>> -> memref<8x512xf32, #tpu.memory_space<vmem>>
      %dma_wait3A_522 = arith.constant 0 : i32
      %dma_wait3A_523 = tpu.memref_slice %arg2[%select_n3A, %dma_wait3A_516, %add3A_483, %dma_wait3A_522] : memref<4x8x512x512xf32, #tpu.memory_space<hbm>> -> memref<1x1x8x512xf32, #tpu.memory_space<hbm>>
      %dma_wait3A_524 = tpu.memref_squeeze %dma_wait3A_523 : memref<1x1x8x512xf32, #tpu.memory_space<hbm>> -> memref<8x512xf32, #tpu.memory_space<hbm>>
      %dma_wait3A_525 = arith.constant 0 : i32
      %dma_wait3A_526 = arith.constant 0 : i32
      %dma_wait3A_527 = tpu.memref_slice %arg7[%dma_wait3A_517, %dma_wait3A_525, %dma_wait3A_526] : memref<8x8x512xf32, #tpu.memory_space<vmem>> -> memref<1x8x512xf32, #tpu.memory_space<vmem>>
      %dma_wait3A_528 = tpu.memref_squeeze %dma_wait3A_527 : memref<1x8x512xf32, #tpu.memory_space<vmem>> -> memref<8x512xf32, #tpu.memory_space<vmem>>
      %dma_wait3A_529 = arith.constant 0 : i32
      %dma_wait3A_530 = tpu.memref_slice %arg2[%select_n3A, %dma_wait3A_516, %add3A_483, %dma_wait3A_529] : memref<4x8x512x512xf32, #tpu.memory_space<hbm>> -> memref<1x1x8x512xf32, #tpu.memory_space<hbm>>
      %dma_wait3A_531 = tpu.memref_squeeze %dma_wait3A_530 : memref<1x1x8x512xf32, #tpu.memory_space<hbm>> -> memref<8x512xf32, #tpu.memory_space<hbm>>
      tpu.wait_dma2 semaphore(%arg11 : memref<!tpu.dma_semaphore, #tpu.memory_space<semaphore_mem>>) src(%dma_wait3A_531 : memref<8x512xf32, #tpu.memory_space<hbm>>) dst(%dma_wait3A_528 : memref<8x512xf32, #tpu.memory_space<vmem>>)
      %dma_wait3A_532 = arith.constant 3 : i32
      %dma_wait3A_533 = arith.constant 3 : i32
      %dma_wait3A_534 = arith.constant 0 : i32
      %dma_wait3A_535 = arith.constant 0 : i32
      %dma_wait3A_536 = tpu.memref_slice %arg7[%dma_wait3A_533, %dma_wait3A_534, %dma_wait3A_535] : memref<8x8x512xf32, #tpu.memory_space<vmem>> -> memref<1x8x512xf32, #tpu.memory_space<vmem>>
      %dma_wait3A_537 = tpu.memref_squeeze %dma_wait3A_536 : memref<1x8x512xf32, #tpu.memory_space<vmem>> -> memref<8x512xf32, #tpu.memory_space<vmem>>
      %dma_wait3A_538 = arith.constant 0 : i32
      %dma_wait3A_539 = tpu.memref_slice %arg2[%select_n3A, %dma_wait3A_532, %add3A_483, %dma_wait3A_538] : memref<4x8x512x512xf32, #tpu.memory_space<hbm>> -> memref<1x1x8x512xf32, #tpu.memory_space<hbm>>
      %dma_wait3A_540 = tpu.memref_squeeze %dma_wait3A_539 : memref<1x1x8x512xf32, #tpu.memory_space<hbm>> -> memref<8x512xf32, #tpu.memory_space<hbm>>
      %dma_wait3A_541 = arith.constant 0 : i32
      %dma_wait3A_542 = arith.constant 0 : i32
      %dma_wait3A_543 = tpu.memref_slice %arg7[%dma_wait3A_533, %dma_wait3A_541, %dma_wait3A_542] : memref<8x8x512xf32, #tpu.memory_space<vmem>> -> memref<1x8x512xf32, #tpu.memory_space<vmem>>
      %dma_wait3A_544 = tpu.memref_squeeze %dma_wait3A_543 : memref<1x8x512xf32, #tpu.memory_space<vmem>> -> memref<8x512xf32, #tpu.memory_space<vmem>>
      %dma_wait3A_545 = arith.constant 0 : i32
      %dma_wait3A_546 = tpu.memref_slice %arg2[%select_n3A, %dma_wait3A_532, %add3A_483, %dma_wait3A_545] : memref<4x8x512x512xf32, #tpu.memory_space<hbm>> -> memref<1x1x8x512xf32, #tpu.memory_space<hbm>>
      %dma_wait3A_547 = tpu.memref_squeeze %dma_wait3A_546 : memref<1x1x8x512xf32, #tpu.memory_space<hbm>> -> memref<8x512xf32, #tpu.memory_space<hbm>>
      tpu.wait_dma2 semaphore(%arg11 : memref<!tpu.dma_semaphore, #tpu.memory_space<semaphore_mem>>) src(%dma_wait3A_547 : memref<8x512xf32, #tpu.memory_space<hbm>>) dst(%dma_wait3A_544 : memref<8x512xf32, #tpu.memory_space<vmem>>)
      %dma_wait3A_548 = arith.constant 4 : i32
      %dma_wait3A_549 = arith.constant 4 : i32
      %dma_wait3A_550 = arith.constant 0 : i32
      %dma_wait3A_551 = arith.constant 0 : i32
      %dma_wait3A_552 = tpu.memref_slice %arg7[%dma_wait3A_549, %dma_wait3A_550, %dma_wait3A_551] : memref<8x8x512xf32, #tpu.memory_space<vmem>> -> memref<1x8x512xf32, #tpu.memory_space<vmem>>
      %dma_wait3A_553 = tpu.memref_squeeze %dma_wait3A_552 : memref<1x8x512xf32, #tpu.memory_space<vmem>> -> memref<8x512xf32, #tpu.memory_space<vmem>>
      %dma_wait3A_554 = arith.constant 0 : i32
      %dma_wait3A_555 = tpu.memref_slice %arg2[%select_n3A, %dma_wait3A_548, %add3A_483, %dma_wait3A_554] : memref<4x8x512x512xf32, #tpu.memory_space<hbm>> -> memref<1x1x8x512xf32, #tpu.memory_space<hbm>>
      %dma_wait3A_556 = tpu.memref_squeeze %dma_wait3A_555 : memref<1x1x8x512xf32, #tpu.memory_space<hbm>> -> memref<8x512xf32, #tpu.memory_space<hbm>>
      %dma_wait3A_557 = arith.constant 0 : i32
      %dma_wait3A_558 = arith.constant 0 : i32
      %dma_wait3A_559 = tpu.memref_slice %arg7[%dma_wait3A_549, %dma_wait3A_557, %dma_wait3A_558] : memref<8x8x512xf32, #tpu.memory_space<vmem>> -> memref<1x8x512xf32, #tpu.memory_space<vmem>>
      %dma_wait3A_560 = tpu.memref_squeeze %dma_wait3A_559 : memref<1x8x512xf32, #tpu.memory_space<vmem>> -> memref<8x512xf32, #tpu.memory_space<vmem>>
      %dma_wait3A_561 = arith.constant 0 : i32
      %dma_wait3A_562 = tpu.memref_slice %arg2[%select_n3A, %dma_wait3A_548, %add3A_483, %dma_wait3A_561] : memref<4x8x512x512xf32, #tpu.memory_space<hbm>> -> memref<1x1x8x512xf32, #tpu.memory_space<hbm>>
      %dma_wait3A_563 = tpu.memref_squeeze %dma_wait3A_562 : memref<1x1x8x512xf32, #tpu.memory_space<hbm>> -> memref<8x512xf32, #tpu.memory_space<hbm>>
      tpu.wait_dma2 semaphore(%arg11 : memref<!tpu.dma_semaphore, #tpu.memory_space<semaphore_mem>>) src(%dma_wait3A_563 : memref<8x512xf32, #tpu.memory_space<hbm>>) dst(%dma_wait3A_560 : memref<8x512xf32, #tpu.memory_space<vmem>>)
      %dma_wait3A_564 = arith.constant 5 : i32
      %dma_wait3A_565 = arith.constant 5 : i32
      %dma_wait3A_566 = arith.constant 0 : i32
      %dma_wait3A_567 = arith.constant 0 : i32
      %dma_wait3A_568 = tpu.memref_slice %arg7[%dma_wait3A_565, %dma_wait3A_566, %dma_wait3A_567] : memref<8x8x512xf32, #tpu.memory_space<vmem>> -> memref<1x8x512xf32, #tpu.memory_space<vmem>>
      %dma_wait3A_569 = tpu.memref_squeeze %dma_wait3A_568 : memref<1x8x512xf32, #tpu.memory_space<vmem>> -> memref<8x512xf32, #tpu.memory_space<vmem>>
      %dma_wait3A_570 = arith.constant 0 : i32
      %dma_wait3A_571 = tpu.memref_slice %arg2[%select_n3A, %dma_wait3A_564, %add3A_483, %dma_wait3A_570] : memref<4x8x512x512xf32, #tpu.memory_space<hbm>> -> memref<1x1x8x512xf32, #tpu.memory_space<hbm>>
      %dma_wait3A_572 = tpu.memref_squeeze %dma_wait3A_571 : memref<1x1x8x512xf32, #tpu.memory_space<hbm>> -> memref<8x512xf32, #tpu.memory_space<hbm>>
      %dma_wait3A_573 = arith.constant 0 : i32
      %dma_wait3A_574 = arith.constant 0 : i32
      %dma_wait3A_575 = tpu.memref_slice %arg7[%dma_wait3A_565, %dma_wait3A_573, %dma_wait3A_574] : memref<8x8x512xf32, #tpu.memory_space<vmem>> -> memref<1x8x512xf32, #tpu.memory_space<vmem>>
      %dma_wait3A_576 = tpu.memref_squeeze %dma_wait3A_575 : memref<1x8x512xf32, #tpu.memory_space<vmem>> -> memref<8x512xf32, #tpu.memory_space<vmem>>
      %dma_wait3A_577 = arith.constant 0 : i32
      %dma_wait3A_578 = tpu.memref_slice %arg2[%select_n3A, %dma_wait3A_564, %add3A_483, %dma_wait3A_577] : memref<4x8x512x512xf32, #tpu.memory_space<hbm>> -> memref<1x1x8x512xf32, #tpu.memory_space<hbm>>
      %dma_wait3A_579 = tpu.memref_squeeze %dma_wait3A_578 : memref<1x1x8x512xf32, #tpu.memory_space<hbm>> -> memref<8x512xf32, #tpu.memory_space<hbm>>
      tpu.wait_dma2 semaphore(%arg11 : memref<!tpu.dma_semaphore, #tpu.memory_space<semaphore_mem>>) src(%dma_wait3A_579 : memref<8x512xf32, #tpu.memory_space<hbm>>) dst(%dma_wait3A_576 : memref<8x512xf32, #tpu.memory_space<vmem>>)
      %dma_wait3A_580 = arith.constant 6 : i32
      %dma_wait3A_581 = arith.constant 6 : i32
      %dma_wait3A_582 = arith.constant 0 : i32
      %dma_wait3A_583 = arith.constant 0 : i32
      %dma_wait3A_584 = tpu.memref_slice %arg7[%dma_wait3A_581, %dma_wait3A_582, %dma_wait3A_583] : memref<8x8x512xf32, #tpu.memory_space<vmem>> -> memref<1x8x512xf32, #tpu.memory_space<vmem>>
      %dma_wait3A_585 = tpu.memref_squeeze %dma_wait3A_584 : memref<1x8x512xf32, #tpu.memory_space<vmem>> -> memref<8x512xf32, #tpu.memory_space<vmem>>
      %dma_wait3A_586 = arith.constant 0 : i32
      %dma_wait3A_587 = tpu.memref_slice %arg2[%select_n3A, %dma_wait3A_580, %add3A_483, %dma_wait3A_586] : memref<4x8x512x512xf32, #tpu.memory_space<hbm>> -> memref<1x1x8x512xf32, #tpu.memory_space<hbm>>
      %dma_wait3A_588 = tpu.memref_squeeze %dma_wait3A_587 : memref<1x1x8x512xf32, #tpu.memory_space<hbm>> -> memref<8x512xf32, #tpu.memory_space<hbm>>
      %dma_wait3A_589 = arith.constant 0 : i32
      %dma_wait3A_590 = arith.constant 0 : i32
      %dma_wait3A_591 = tpu.memref_slice %arg7[%dma_wait3A_581, %dma_wait3A_589, %dma_wait3A_590] : memref<8x8x512xf32, #tpu.memory_space<vmem>> -> memref<1x8x512xf32, #tpu.memory_space<vmem>>
      %dma_wait3A_592 = tpu.memref_squeeze %dma_wait3A_591 : memref<1x8x512xf32, #tpu.memory_space<vmem>> -> memref<8x512xf32, #tpu.memory_space<vmem>>
      %dma_wait3A_593 = arith.constant 0 : i32
      %dma_wait3A_594 = tpu.memref_slice %arg2[%select_n3A, %dma_wait3A_580, %add3A_483, %dma_wait3A_593] : memref<4x8x512x512xf32, #tpu.memory_space<hbm>> -> memref<1x1x8x512xf32, #tpu.memory_space<hbm>>
      %dma_wait3A_595 = tpu.memref_squeeze %dma_wait3A_594 : memref<1x1x8x512xf32, #tpu.memory_space<hbm>> -> memref<8x512xf32, #tpu.memory_space<hbm>>
      tpu.wait_dma2 semaphore(%arg11 : memref<!tpu.dma_semaphore, #tpu.memory_space<semaphore_mem>>) src(%dma_wait3A_595 : memref<8x512xf32, #tpu.memory_space<hbm>>) dst(%dma_wait3A_592 : memref<8x512xf32, #tpu.memory_space<vmem>>)
      %dma_wait3A_596 = arith.constant 7 : i32
      %dma_wait3A_597 = arith.constant 7 : i32
      %dma_wait3A_598 = arith.constant 0 : i32
      %dma_wait3A_599 = arith.constant 0 : i32
      %dma_wait3A_600 = tpu.memref_slice %arg7[%dma_wait3A_597, %dma_wait3A_598, %dma_wait3A_599] : memref<8x8x512xf32, #tpu.memory_space<vmem>> -> memref<1x8x512xf32, #tpu.memory_space<vmem>>
      %dma_wait3A_601 = tpu.memref_squeeze %dma_wait3A_600 : memref<1x8x512xf32, #tpu.memory_space<vmem>> -> memref<8x512xf32, #tpu.memory_space<vmem>>
      %dma_wait3A_602 = arith.constant 0 : i32
      %dma_wait3A_603 = tpu.memref_slice %arg2[%select_n3A, %dma_wait3A_596, %add3A_483, %dma_wait3A_602] : memref<4x8x512x512xf32, #tpu.memory_space<hbm>> -> memref<1x1x8x512xf32, #tpu.memory_space<hbm>>
      %dma_wait3A_604 = tpu.memref_squeeze %dma_wait3A_603 : memref<1x1x8x512xf32, #tpu.memory_space<hbm>> -> memref<8x512xf32, #tpu.memory_space<hbm>>
      %dma_wait3A_605 = arith.constant 0 : i32
      %dma_wait3A_606 = arith.constant 0 : i32
      %dma_wait3A_607 = tpu.memref_slice %arg7[%dma_wait3A_597, %dma_wait3A_605, %dma_wait3A_606] : memref<8x8x512xf32, #tpu.memory_space<vmem>> -> memref<1x8x512xf32, #tpu.memory_space<vmem>>
      %dma_wait3A_608 = tpu.memref_squeeze %dma_wait3A_607 : memref<1x8x512xf32, #tpu.memory_space<vmem>> -> memref<8x512xf32, #tpu.memory_space<vmem>>
      %dma_wait3A_609 = arith.constant 0 : i32
      %dma_wait3A_610 = tpu.memref_slice %arg2[%select_n3A, %dma_wait3A_596, %add3A_483, %dma_wait3A_609] : memref<4x8x512x512xf32, #tpu.memory_space<hbm>> -> memref<1x1x8x512xf32, #tpu.memory_space<hbm>>
      %dma_wait3A_611 = tpu.memref_squeeze %dma_wait3A_610 : memref<1x1x8x512xf32, #tpu.memory_space<hbm>> -> memref<8x512xf32, #tpu.memory_space<hbm>>
      tpu.wait_dma2 semaphore(%arg11 : memref<!tpu.dma_semaphore, #tpu.memory_space<semaphore_mem>>) src(%dma_wait3A_611 : memref<8x512xf32, #tpu.memory_space<hbm>>) dst(%dma_wait3A_608 : memref<8x512xf32, #tpu.memory_space<vmem>>)
      %dma_wait3A_612 = arith.constant 0 : i32
      %dma_wait3A_613 = tpu.memref_slice %arg3[%select_n3A, %add3A_483, %dma_wait3A_612] : memref<4x512x512xi32, #tpu.memory_space<hbm>> -> memref<1x8x512xi32, #tpu.memory_space<hbm>>
      %dma_wait3A_614 = tpu.memref_squeeze %dma_wait3A_613 : memref<1x8x512xi32, #tpu.memory_space<hbm>> -> memref<8x512xi32, #tpu.memory_space<hbm>>
      %dma_wait3A_615 = arith.constant 0 : i32
      %dma_wait3A_616 = tpu.memref_slice %arg3[%select_n3A, %add3A_483, %dma_wait3A_615] : memref<4x512x512xi32, #tpu.memory_space<hbm>> -> memref<1x8x512xi32, #tpu.memory_space<hbm>>
      %dma_wait3A_617 = tpu.memref_squeeze %dma_wait3A_616 : memref<1x8x512xi32, #tpu.memory_space<hbm>> -> memref<8x512xi32, #tpu.memory_space<hbm>>
      tpu.wait_dma2 semaphore(%arg11 : memref<!tpu.dma_semaphore, #tpu.memory_space<semaphore_mem>>) src(%dma_wait3A_617 : memref<8x512xi32, #tpu.memory_space<hbm>>) dst(%arg8 : memref<8x512xi32, #tpu.memory_space<vmem>>)
      %parallel_loop3A_618 = arith.constant 0 : i32
      %parallel_loop3A_619 = arith.constant 256 : i32
      %parallel_loop3A_620 = arith.constant 1 : i32
      scf.for %parallel_loop3A_621 = %parallel_loop3A_618 to %parallel_loop3A_619 step %parallel_loop3A_620  : i32 {
        %parallel_loop3A_622 = arith.constant 5 : i32
        %parallel_loop3A_623 = arith.shrsi %parallel_loop3A_621, %parallel_loop3A_622 : i32
        %parallel_loop3A_624 = arith.constant 31 : i32
        %parallel_loop3A_625 = arith.andi %parallel_loop3A_621, %parallel_loop3A_624 : i32
        %parallel_loop3A_626 = arith.constant 16 : i32
        %parallel_loop3A_627 = arith.muli %parallel_loop3A_625, %parallel_loop3A_626 : i32
        %parallel_loop3A_628 = arith.index_cast %parallel_loop3A_623 : i32 to index
        %parallel_loop3A_629 = arith.index_cast %parallel_loop3A_627 : i32 to index
        %parallel_loop3A_630 = tpu.vector_load %arg8[%parallel_loop3A_628, %parallel_loop3A_629] {strides = array<i32>} : memref<8x512xi32, #tpu.memory_space<vmem>>, vector<16xi32>,
        %parallel_loop3A_631 = arith.constant 0 : i64
        %parallel_loop3A_632 = arith.index_cast %parallel_loop3A_631 : i64 to index
        %parallel_loop3A_633 = arith.index_cast %parallel_loop3A_623 : i32 to index
        %parallel_loop3A_634 = arith.index_cast %parallel_loop3A_627 : i32 to index
        %parallel_loop3A_635 = tpu.vector_load %arg7[%parallel_loop3A_632, %parallel_loop3A_633, %parallel_loop3A_634] {strides = array<i32>} : memref<8x8x512xf32, #tpu.memory_space<vmem>>, vector<16xf32>,
        %parallel_loop3A_636 = math.exp %parallel_loop3A_635 : vector<16xf32>
        %parallel_loop3A_637 = arith.constant 1 : i64
        %parallel_loop3A_638 = arith.index_cast %parallel_loop3A_637 : i64 to index
        %parallel_loop3A_639 = arith.index_cast %parallel_loop3A_623 : i32 to index
        %parallel_loop3A_640 = arith.index_cast %parallel_loop3A_627 : i32 to index
        %parallel_loop3A_641 = tpu.vector_load %arg7[%parallel_loop3A_638, %parallel_loop3A_639, %parallel_loop3A_640] {strides = array<i32>} : memref<8x8x512xf32, #tpu.memory_space<vmem>>, vector<16xf32>,
        %parallel_loop3A_642 = math.exp %parallel_loop3A_641 : vector<16xf32>
        %parallel_loop3A_643 = arith.constant 2 : i64
        %parallel_loop3A_644 = arith.index_cast %parallel_loop3A_643 : i64 to index
        %parallel_loop3A_645 = arith.index_cast %parallel_loop3A_623 : i32 to index
        %parallel_loop3A_646 = arith.index_cast %parallel_loop3A_627 : i32 to index
        %parallel_loop3A_647 = tpu.vector_load %arg7[%parallel_loop3A_644, %parallel_loop3A_645, %parallel_loop3A_646] {strides = array<i32>} : memref<8x8x512xf32, #tpu.memory_space<vmem>>, vector<16xf32>,
        %parallel_loop3A_648 = math.exp %parallel_loop3A_647 : vector<16xf32>
        %parallel_loop3A_649 = arith.constant 3 : i64
        %parallel_loop3A_650 = arith.index_cast %parallel_loop3A_649 : i64 to index
        %parallel_loop3A_651 = arith.index_cast %parallel_loop3A_623 : i32 to index
        %parallel_loop3A_652 = arith.index_cast %parallel_loop3A_627 : i32 to index
        %parallel_loop3A_653 = tpu.vector_load %arg7[%parallel_loop3A_650, %parallel_loop3A_651, %parallel_loop3A_652] {strides = array<i32>} : memref<8x8x512xf32, #tpu.memory_space<vmem>>, vector<16xf32>,
        %parallel_loop3A_654 = math.exp %parallel_loop3A_653 : vector<16xf32>
        %parallel_loop3A_655 = arith.constant 4 : i64
        %parallel_loop3A_656 = arith.index_cast %parallel_loop3A_655 : i64 to index
        %parallel_loop3A_657 = arith.index_cast %parallel_loop3A_623 : i32 to index
        %parallel_loop3A_658 = arith.index_cast %parallel_loop3A_627 : i32 to index
        %parallel_loop3A_659 = tpu.vector_load %arg7[%parallel_loop3A_656, %parallel_loop3A_657, %parallel_loop3A_658] {strides = array<i32>} : memref<8x8x512xf32, #tpu.memory_space<vmem>>, vector<16xf32>,
        %parallel_loop3A_660 = math.exp %parallel_loop3A_659 : vector<16xf32>
        %parallel_loop3A_661 = arith.constant 5 : i64
        %parallel_loop3A_662 = arith.index_cast %parallel_loop3A_661 : i64 to index
        %parallel_loop3A_663 = arith.index_cast %parallel_loop3A_623 : i32 to index
        %parallel_loop3A_664 = arith.index_cast %parallel_loop3A_627 : i32 to index
        %parallel_loop3A_665 = tpu.vector_load %arg7[%parallel_loop3A_662, %parallel_loop3A_663, %parallel_loop3A_664] {strides = array<i32>} : memref<8x8x512xf32, #tpu.memory_space<vmem>>, vector<16xf32>,
        %parallel_loop3A_666 = math.exp %parallel_loop3A_665 : vector<16xf32>
        %parallel_loop3A_667 = arith.constant 6 : i64
        %parallel_loop3A_668 = arith.index_cast %parallel_loop3A_667 : i64 to index
        %parallel_loop3A_669 = arith.index_cast %parallel_loop3A_623 : i32 to index
        %parallel_loop3A_670 = arith.index_cast %parallel_loop3A_627 : i32 to index
        %parallel_loop3A_671 = tpu.vector_load %arg7[%parallel_loop3A_668, %parallel_loop3A_669, %parallel_loop3A_670] {strides = array<i32>} : memref<8x8x512xf32, #tpu.memory_space<vmem>>, vector<16xf32>,
        %parallel_loop3A_672 = math.exp %parallel_loop3A_671 : vector<16xf32>
        %parallel_loop3A_673 = arith.constant 7 : i64
        %parallel_loop3A_674 = arith.index_cast %parallel_loop3A_673 : i64 to index
        %parallel_loop3A_675 = arith.index_cast %parallel_loop3A_623 : i32 to index
        %parallel_loop3A_676 = arith.index_cast %parallel_loop3A_627 : i32 to index
        %parallel_loop3A_677 = tpu.vector_load %arg7[%parallel_loop3A_674, %parallel_loop3A_675, %parallel_loop3A_676] {strides = array<i32>} : memref<8x8x512xf32, #tpu.memory_space<vmem>>, vector<16xf32>,
        %parallel_loop3A_678 = math.exp %parallel_loop3A_677 : vector<16xf32>
        %parallel_loop3A_679 = arith.addf %parallel_loop3A_636, %parallel_loop3A_642 : vector<16xf32>
        %parallel_loop3A_680 = arith.addf %parallel_loop3A_648, %parallel_loop3A_654 : vector<16xf32>
        %parallel_loop3A_681 = arith.addf %parallel_loop3A_679, %parallel_loop3A_680 : vector<16xf32>
        %parallel_loop3A_682 = arith.addf %parallel_loop3A_660, %parallel_loop3A_666 : vector<16xf32>
        %parallel_loop3A_683 = arith.addf %parallel_loop3A_672, %parallel_loop3A_678 : vector<16xf32>
        %parallel_loop3A_684 = arith.addf %parallel_loop3A_682, %parallel_loop3A_683 : vector<16xf32>
        %parallel_loop3A_685 = arith.addf %parallel_loop3A_681, %parallel_loop3A_684 : vector<16xf32>
        %parallel_loop3A_686 = arith.constant 2.048000e+03 : f32
        %parallel_loop3A_687 = vector.broadcast %parallel_loop3A_686 : f32 to vector<16xf32>
        %parallel_loop3A_688 = arith.divf %parallel_loop3A_687, %parallel_loop3A_685 : vector<16xf32>
        %parallel_loop3A_689 = arith.mulf %parallel_loop3A_642, %parallel_loop3A_688 : vector<16xf32>
        %parallel_loop3A_690 = arith.fptosi %parallel_loop3A_689 : vector<16xf32> to vector<16xi32>
        %parallel_loop3A_691 = arith.constant 1 : i32
        %parallel_loop3A_692 = vector.broadcast %parallel_loop3A_691 : i32 to vector<16xi32>
        %parallel_loop3A_693 = arith.cmpi eq, %parallel_loop3A_630, %parallel_loop3A_692 : vector<16xi32>
        %parallel_loop3A_694 = arith.select %parallel_loop3A_693, %broadcast_in_dim3A_37, %broadcast_in_dim3A_35 : vector<16xi1>, vector<16xi32>
        %parallel_loop3A_695 = arith.constant 0 : i32
        %parallel_loop3A_696 = tpu.memref_slice %arg9[%parallel_loop3A_695] : memref<14352xi32, #tpu.memory_space<vmem>> -> memref<2064xi32, #tpu.memory_space<vmem>>
        tpu.vector_store_idx %parallel_loop3A_696[%parallel_loop3A_690], %parallel_loop3A_694 {add = true} : memref<2064xi32, #tpu.memory_space<vmem>>[vector<16xi32>], vector<16xi32>,
        %parallel_loop3A_697 = arith.mulf %parallel_loop3A_648, %parallel_loop3A_688 : vector<16xf32>
        %parallel_loop3A_698 = arith.fptosi %parallel_loop3A_697 : vector<16xf32> to vector<16xi32>
        %parallel_loop3A_699 = arith.constant 2 : i32
        %parallel_loop3A_700 = vector.broadcast %parallel_loop3A_699 : i32 to vector<16xi32>
        %parallel_loop3A_701 = arith.cmpi eq, %parallel_loop3A_630, %parallel_loop3A_700 : vector<16xi32>
        %parallel_loop3A_702 = arith.select %parallel_loop3A_701, %broadcast_in_dim3A_37, %broadcast_in_dim3A_35 : vector<16xi1>, vector<16xi32>
        %parallel_loop3A_703 = arith.constant 2048 : i32
        %parallel_loop3A_704 = tpu.memref_slice %arg9[%parallel_loop3A_703] : memref<14352xi32, #tpu.memory_space<vmem>> -> memref<2064xi32, #tpu.memory_space<vmem>>
        tpu.vector_store_idx %parallel_loop3A_704[%parallel_loop3A_698], %parallel_loop3A_702 {add = true} : memref<2064xi32, #tpu.memory_space<vmem>>[vector<16xi32>], vector<16xi32>,
        %parallel_loop3A_705 = arith.mulf %parallel_loop3A_654, %parallel_loop3A_688 : vector<16xf32>
        %parallel_loop3A_706 = arith.fptosi %parallel_loop3A_705 : vector<16xf32> to vector<16xi32>
        %parallel_loop3A_707 = arith.constant 3 : i32
        %parallel_loop3A_708 = vector.broadcast %parallel_loop3A_707 : i32 to vector<16xi32>
        %parallel_loop3A_709 = arith.cmpi eq, %parallel_loop3A_630, %parallel_loop3A_708 : vector<16xi32>
        %parallel_loop3A_710 = arith.select %parallel_loop3A_709, %broadcast_in_dim3A_37, %broadcast_in_dim3A_35 : vector<16xi1>, vector<16xi32>
        %parallel_loop3A_711 = arith.constant 4096 : i32
        %parallel_loop3A_712 = tpu.memref_slice %arg9[%parallel_loop3A_711] : memref<14352xi32, #tpu.memory_space<vmem>> -> memref<2064xi32, #tpu.memory_space<vmem>>
        tpu.vector_store_idx %parallel_loop3A_712[%parallel_loop3A_706], %parallel_loop3A_710 {add = true} : memref<2064xi32, #tpu.memory_space<vmem>>[vector<16xi32>], vector<16xi32>,
        %parallel_loop3A_713 = arith.mulf %parallel_loop3A_660, %parallel_loop3A_688 : vector<16xf32>
        %parallel_loop3A_714 = arith.fptosi %parallel_loop3A_713 : vector<16xf32> to vector<16xi32>
        %parallel_loop3A_715 = arith.constant 4 : i32
        %parallel_loop3A_716 = vector.broadcast %parallel_loop3A_715 : i32 to vector<16xi32>
        %parallel_loop3A_717 = arith.cmpi eq, %parallel_loop3A_630, %parallel_loop3A_716 : vector<16xi32>
        %parallel_loop3A_718 = arith.select %parallel_loop3A_717, %broadcast_in_dim3A_37, %broadcast_in_dim3A_35 : vector<16xi1>, vector<16xi32>
        %parallel_loop3A_719 = arith.constant 6144 : i32
        %parallel_loop3A_720 = tpu.memref_slice %arg9[%parallel_loop3A_719] : memref<14352xi32, #tpu.memory_space<vmem>> -> memref<2064xi32, #tpu.memory_space<vmem>>
        tpu.vector_store_idx %parallel_loop3A_720[%parallel_loop3A_714], %parallel_loop3A_718 {add = true} : memref<2064xi32, #tpu.memory_space<vmem>>[vector<16xi32>], vector<16xi32>,
        %parallel_loop3A_721 = arith.mulf %parallel_loop3A_666, %parallel_loop3A_688 : vector<16xf32>
        %parallel_loop3A_722 = arith.fptosi %parallel_loop3A_721 : vector<16xf32> to vector<16xi32>
        %parallel_loop3A_723 = arith.constant 5 : i32
        %parallel_loop3A_724 = vector.broadcast %parallel_loop3A_723 : i32 to vector<16xi32>
        %parallel_loop3A_725 = arith.cmpi eq, %parallel_loop3A_630, %parallel_loop3A_724 : vector<16xi32>
        %parallel_loop3A_726 = arith.select %parallel_loop3A_725, %broadcast_in_dim3A_37, %broadcast_in_dim3A_35 : vector<16xi1>, vector<16xi32>
        %parallel_loop3A_727 = arith.constant 8192 : i32
        %parallel_loop3A_728 = tpu.memref_slice %arg9[%parallel_loop3A_727] : memref<14352xi32, #tpu.memory_space<vmem>> -> memref<2064xi32, #tpu.memory_space<vmem>>
        tpu.vector_store_idx %parallel_loop3A_728[%parallel_loop3A_722], %parallel_loop3A_726 {add = true} : memref<2064xi32, #tpu.memory_space<vmem>>[vector<16xi32>], vector<16xi32>,
        %parallel_loop3A_729 = arith.mulf %parallel_loop3A_672, %parallel_loop3A_688 : vector<16xf32>
        %parallel_loop3A_730 = arith.fptosi %parallel_loop3A_729 : vector<16xf32> to vector<16xi32>
        %parallel_loop3A_731 = arith.constant 6 : i32
        %parallel_loop3A_732 = vector.broadcast %parallel_loop3A_731 : i32 to vector<16xi32>
        %parallel_loop3A_733 = arith.cmpi eq, %parallel_loop3A_630, %parallel_loop3A_732 : vector<16xi32>
        %parallel_loop3A_734 = arith.select %parallel_loop3A_733, %broadcast_in_dim3A_37, %broadcast_in_dim3A_35 : vector<16xi1>, vector<16xi32>
        %parallel_loop3A_735 = arith.constant 10240 : i32
        %parallel_loop3A_736 = tpu.memref_slice %arg9[%parallel_loop3A_735] : memref<14352xi32, #tpu.memory_space<vmem>> -> memref<2064xi32, #tpu.memory_space<vmem>>
        tpu.vector_store_idx %parallel_loop3A_736[%parallel_loop3A_730], %parallel_loop3A_734 {add = true} : memref<2064xi32, #tpu.memory_space<vmem>>[vector<16xi32>], vector<16xi32>,
        %parallel_loop3A_737 = arith.mulf %parallel_loop3A_678, %parallel_loop3A_688 : vector<16xf32>
        %parallel_loop3A_738 = arith.fptosi %parallel_loop3A_737 : vector<16xf32> to vector<16xi32>
        %parallel_loop3A_739 = arith.constant 7 : i32
        %parallel_loop3A_740 = vector.broadcast %parallel_loop3A_739 : i32 to vector<16xi32>
        %parallel_loop3A_741 = arith.cmpi eq, %parallel_loop3A_630, %parallel_loop3A_740 : vector<16xi32>
        %parallel_loop3A_742 = arith.select %parallel_loop3A_741, %broadcast_in_dim3A_37, %broadcast_in_dim3A_35 : vector<16xi1>, vector<16xi32>
        %parallel_loop3A_743 = arith.constant 12288 : i32
        %parallel_loop3A_744 = tpu.memref_slice %arg9[%parallel_loop3A_743] : memref<14352xi32, #tpu.memory_space<vmem>> -> memref<2064xi32, #tpu.memory_space<vmem>>
        tpu.vector_store_idx %parallel_loop3A_744[%parallel_loop3A_738], %parallel_loop3A_742 {add = true} : memref<2064xi32, #tpu.memory_space<vmem>>[vector<16xi32>], vector<16xi32>,
      } {sc.loop_unroll_factor = 3 : i64, sc.parallel_access}
    }
    %while3A_193 = arith.constant 1 : i32
    scf.for %while3A_194 = %while3A_191 to %while3A_187 step %while3A_193  : i32 {
      %mul3A_195 = arith.constant 2 : i32
      %mul3A_196 = arith.muli %while3A_194, %mul3A_195 : i32
      %add3A_197 = arith.constant 1 : i32
      %add3A_198 = arith.addi %mul3A_196, %add3A_197 : i32
      %mul3A_199 = arith.constant 8 : i32
      %mul3A_200 = arith.muli %add3A_198, %mul3A_199 : i32
      %add3A_201 = arith.addi %mul3A_32, %mul3A_200 : i32
      %dma_start3A_202 = arith.constant 0 : i32
      %dma_start3A_203 = arith.constant 0 : i32
      %dma_start3A_204 = arith.constant 0 : i32
      %dma_start3A_205 = arith.constant 0 : i32
      %dma_start3A_206 = tpu.memref_slice %arg7[%dma_start3A_203, %dma_start3A_204, %dma_start3A_205] : memref<8x8x512xf32, #tpu.memory_space<vmem>> -> memref<1x8x512xf32, #tpu.memory_space<vmem>>
      %dma_start3A_207 = tpu.memref_squeeze %dma_start3A_206 : memref<1x8x512xf32, #tpu.memory_space<vmem>> -> memref<8x512xf32, #tpu.memory_space<vmem>>
      %dma_start3A_208 = arith.constant 0 : i32
      %dma_start3A_209 = tpu.memref_slice %arg2[%select_n3A, %dma_start3A_202, %add3A_201, %dma_start3A_208] : memref<4x8x512x512xf32, #tpu.memory_space<hbm>> -> memref<1x1x8x512xf32, #tpu.memory_space<hbm>>
      %dma_start3A_210 = tpu.memref_squeeze %dma_start3A_209 : memref<1x1x8x512xf32, #tpu.memory_space<hbm>> -> memref<8x512xf32, #tpu.memory_space<hbm>>
      %dma_start3A_211 = arith.constant 0 : i32
      %dma_start3A_212 = arith.constant 0 : i32
      %dma_start3A_213 = tpu.memref_slice %arg7[%dma_start3A_203, %dma_start3A_211, %dma_start3A_212] : memref<8x8x512xf32, #tpu.memory_space<vmem>> -> memref<1x8x512xf32, #tpu.memory_space<vmem>>
      %dma_start3A_214 = tpu.memref_squeeze %dma_start3A_213 : memref<1x8x512xf32, #tpu.memory_space<vmem>> -> memref<8x512xf32, #tpu.memory_space<vmem>>
      %dma_start3A_215 = arith.constant 0 : i32
      %dma_start3A_216 = tpu.memref_slice %arg2[%select_n3A, %dma_start3A_202, %add3A_201, %dma_start3A_215] : memref<4x8x512x512xf32, #tpu.memory_space<hbm>> -> memref<1x1x8x512xf32, #tpu.memory_space<hbm>>
      %dma_start3A_217 = tpu.memref_squeeze %dma_start3A_216 : memref<1x1x8x512xf32, #tpu.memory_space<hbm>> -> memref<8x512xf32, #tpu.memory_space<hbm>>
      tpu.enqueue_dma source(%dma_start3A_217 : memref<8x512xf32, #tpu.memory_space<hbm>>) target(%dma_start3A_214 : memref<8x512xf32, #tpu.memory_space<vmem>>) target_semaphore(%arg11 : memref<!tpu.dma_semaphore, #tpu.memory_space<semaphore_mem>>)
      %dma_start3A_218 = arith.constant 1 : i32
      %dma_start3A_219 = arith.constant 1 : i32
      %dma_start3A_220 = arith.constant 0 : i32
      %dma_start3A_221 = arith.constant 0 : i32
      %dma_start3A_222 = tpu.memref_slice %arg7[%dma_start3A_219, %dma_start3A_220, %dma_start3A_221] : memref<8x8x512xf32, #tpu.memory_space<vmem>> -> memref<1x8x512xf32, #tpu.memory_space<vmem>>
      %dma_start3A_223 = tpu.memref_squeeze %dma_start3A_222 : memref<1x8x512xf32, #tpu.memory_space<vmem>> -> memref<8x512xf32, #tpu.memory_space<vmem>>
      %dma_start3A_224 = arith.constant 0 : i32
      %dma_start3A_225 = tpu.memref_slice %arg2[%select_n3A, %dma_start3A_218, %add3A_201, %dma_start3A_224] : memref<4x8x512x512xf32, #tpu.memory_space<hbm>> -> memref<1x1x8x512xf32, #tpu.memory_space<hbm>>
      %dma_start3A_226 = tpu.memref_squeeze %dma_start3A_225 : memref<1x1x8x512xf32, #tpu.memory_space<hbm>> -> memref<8x512xf32, #tpu.memory_space<hbm>>
      %dma_start3A_227 = arith.constant 0 : i32
      %dma_start3A_228 = arith.constant 0 : i32
      %dma_start3A_229 = tpu.memref_slice %arg7[%dma_start3A_219, %dma_start3A_227, %dma_start3A_228] : memref<8x8x512xf32, #tpu.memory_space<vmem>> -> memref<1x8x512xf32, #tpu.memory_space<vmem>>
      %dma_start3A_230 = tpu.memref_squeeze %dma_start3A_229 : memref<1x8x512xf32, #tpu.memory_space<vmem>> -> memref<8x512xf32, #tpu.memory_space<vmem>>
      %dma_start3A_231 = arith.constant 0 : i32
      %dma_start3A_232 = tpu.memref_slice %arg2[%select_n3A, %dma_start3A_218, %add3A_201, %dma_start3A_231] : memref<4x8x512x512xf32, #tpu.memory_space<hbm>> -> memref<1x1x8x512xf32, #tpu.memory_space<hbm>>
      %dma_start3A_233 = tpu.memref_squeeze %dma_start3A_232 : memref<1x1x8x512xf32, #tpu.memory_space<hbm>> -> memref<8x512xf32, #tpu.memory_space<hbm>>
      tpu.enqueue_dma source(%dma_start3A_233 : memref<8x512xf32, #tpu.memory_space<hbm>>) target(%dma_start3A_230 : memref<8x512xf32, #tpu.memory_space<vmem>>) target_semaphore(%arg11 : memref<!tpu.dma_semaphore, #tpu.memory_space<semaphore_mem>>)
      %dma_start3A_234 = arith.constant 2 : i32
      %dma_start3A_235 = arith.constant 2 : i32
      %dma_start3A_236 = arith.constant 0 : i32
      %dma_start3A_237 = arith.constant 0 : i32
      %dma_start3A_238 = tpu.memref_slice %arg7[%dma_start3A_235, %dma_start3A_236, %dma_start3A_237] : memref<8x8x512xf32, #tpu.memory_space<vmem>> -> memref<1x8x512xf32, #tpu.memory_space<vmem>>
      %dma_start3A_239 = tpu.memref_squeeze %dma_start3A_238 : memref<1x8x512xf32, #tpu.memory_space<vmem>> -> memref<8x512xf32, #tpu.memory_space<vmem>>
      %dma_start3A_240 = arith.constant 0 : i32
      %dma_start3A_241 = tpu.memref_slice %arg2[%select_n3A, %dma_start3A_234, %add3A_201, %dma_start3A_240] : memref<4x8x512x512xf32, #tpu.memory_space<hbm>> -> memref<1x1x8x512xf32, #tpu.memory_space<hbm>>
      %dma_start3A_242 = tpu.memref_squeeze %dma_start3A_241 : memref<1x1x8x512xf32, #tpu.memory_space<hbm>> -> memref<8x512xf32, #tpu.memory_space<hbm>>
      %dma_start3A_243 = arith.constant 0 : i32
      %dma_start3A_244 = arith.constant 0 : i32
      %dma_start3A_245 = tpu.memref_slice %arg7[%dma_start3A_235, %dma_start3A_243, %dma_start3A_244] : memref<8x8x512xf32, #tpu.memory_space<vmem>> -> memref<1x8x512xf32, #tpu.memory_space<vmem>>
      %dma_start3A_246 = tpu.memref_squeeze %dma_start3A_245 : memref<1x8x512xf32, #tpu.memory_space<vmem>> -> memref<8x512xf32, #tpu.memory_space<vmem>>
      %dma_start3A_247 = arith.constant 0 : i32
      %dma_start3A_248 = tpu.memref_slice %arg2[%select_n3A, %dma_start3A_234, %add3A_201, %dma_start3A_247] : memref<4x8x512x512xf32, #tpu.memory_space<hbm>> -> memref<1x1x8x512xf32, #tpu.memory_space<hbm>>
      %dma_start3A_249 = tpu.memref_squeeze %dma_start3A_248 : memref<1x1x8x512xf32, #tpu.memory_space<hbm>> -> memref<8x512xf32, #tpu.memory_space<hbm>>
      tpu.enqueue_dma source(%dma_start3A_249 : memref<8x512xf32, #tpu.memory_space<hbm>>) target(%dma_start3A_246 : memref<8x512xf32, #tpu.memory_space<vmem>>) target_semaphore(%arg11 : memref<!tpu.dma_semaphore, #tpu.memory_space<semaphore_mem>>)
      %dma_start3A_250 = arith.constant 3 : i32
      %dma_start3A_251 = arith.constant 3 : i32
      %dma_start3A_252 = arith.constant 0 : i32
      %dma_start3A_253 = arith.constant 0 : i32
      %dma_start3A_254 = tpu.memref_slice %arg7[%dma_start3A_251, %dma_start3A_252, %dma_start3A_253] : memref<8x8x512xf32, #tpu.memory_space<vmem>> -> memref<1x8x512xf32, #tpu.memory_space<vmem>>
      %dma_start3A_255 = tpu.memref_squeeze %dma_start3A_254 : memref<1x8x512xf32, #tpu.memory_space<vmem>> -> memref<8x512xf32, #tpu.memory_space<vmem>>
      %dma_start3A_256 = arith.constant 0 : i32
      %dma_start3A_257 = tpu.memref_slice %arg2[%select_n3A, %dma_start3A_250, %add3A_201, %dma_start3A_256] : memref<4x8x512x512xf32, #tpu.memory_space<hbm>> -> memref<1x1x8x512xf32, #tpu.memory_space<hbm>>
      %dma_start3A_258 = tpu.memref_squeeze %dma_start3A_257 : memref<1x1x8x512xf32, #tpu.memory_space<hbm>> -> memref<8x512xf32, #tpu.memory_space<hbm>>
      %dma_start3A_259 = arith.constant 0 : i32
      %dma_start3A_260 = arith.constant 0 : i32
      %dma_start3A_261 = tpu.memref_slice %arg7[%dma_start3A_251, %dma_start3A_259, %dma_start3A_260] : memref<8x8x512xf32, #tpu.memory_space<vmem>> -> memref<1x8x512xf32, #tpu.memory_space<vmem>>
      %dma_start3A_262 = tpu.memref_squeeze %dma_start3A_261 : memref<1x8x512xf32, #tpu.memory_space<vmem>> -> memref<8x512xf32, #tpu.memory_space<vmem>>
      %dma_start3A_263 = arith.constant 0 : i32
      %dma_start3A_264 = tpu.memref_slice %arg2[%select_n3A, %dma_start3A_250, %add3A_201, %dma_start3A_263] : memref<4x8x512x512xf32, #tpu.memory_space<hbm>> -> memref<1x1x8x512xf32, #tpu.memory_space<hbm>>
      %dma_start3A_265 = tpu.memref_squeeze %dma_start3A_264 : memref<1x1x8x512xf32, #tpu.memory_space<hbm>> -> memref<8x512xf32, #tpu.memory_space<hbm>>
      tpu.enqueue_dma source(%dma_start3A_265 : memref<8x512xf32, #tpu.memory_space<hbm>>) target(%dma_start3A_262 : memref<8x512xf32, #tpu.memory_space<vmem>>) target_semaphore(%arg11 : memref<!tpu.dma_semaphore, #tpu.memory_space<semaphore_mem>>)
      %dma_start3A_266 = arith.constant 4 : i32
      %dma_start3A_267 = arith.constant 4 : i32
      %dma_start3A_268 = arith.constant 0 : i32
      %dma_start3A_269 = arith.constant 0 : i32
      %dma_start3A_270 = tpu.memref_slice %arg7[%dma_start3A_267, %dma_start3A_268, %dma_start3A_269] : memref<8x8x512xf32, #tpu.memory_space<vmem>> -> memref<1x8x512xf32, #tpu.memory_space<vmem>>
      %dma_start3A_271 = tpu.memref_squeeze %dma_start3A_270 : memref<1x8x512xf32, #tpu.memory_space<vmem>> -> memref<8x512xf32, #tpu.memory_space<vmem>>
      %dma_start3A_272 = arith.constant 0 : i32
      %dma_start3A_273 = tpu.memref_slice %arg2[%select_n3A, %dma_start3A_266, %add3A_201, %dma_start3A_272] : memref<4x8x512x512xf32, #tpu.memory_space<hbm>> -> memref<1x1x8x512xf32, #tpu.memory_space<hbm>>
      %dma_start3A_274 = tpu.memref_squeeze %dma_start3A_273 : memref<1x1x8x512xf32, #tpu.memory_space<hbm>> -> memref<8x512xf32, #tpu.memory_space<hbm>>
      %dma_start3A_275 = arith.constant 0 : i32
      %dma_start3A_276 = arith.constant 0 : i32
      %dma_start3A_277 = tpu.memref_slice %arg7[%dma_start3A_267, %dma_start3A_275, %dma_start3A_276] : memref<8x8x512xf32, #tpu.memory_space<vmem>> -> memref<1x8x512xf32, #tpu.memory_space<vmem>>
      %dma_start3A_278 = tpu.memref_squeeze %dma_start3A_277 : memref<1x8x512xf32, #tpu.memory_space<vmem>> -> memref<8x512xf32, #tpu.memory_space<vmem>>
      %dma_start3A_279 = arith.constant 0 : i32
      %dma_start3A_280 = tpu.memref_slice %arg2[%select_n3A, %dma_start3A_266, %add3A_201, %dma_start3A_279] : memref<4x8x512x512xf32, #tpu.memory_space<hbm>> -> memref<1x1x8x512xf32, #tpu.memory_space<hbm>>
      %dma_start3A_281 = tpu.memref_squeeze %dma_start3A_280 : memref<1x1x8x512xf32, #tpu.memory_space<hbm>> -> memref<8x512xf32, #tpu.memory_space<hbm>>
      tpu.enqueue_dma source(%dma_start3A_281 : memref<8x512xf32, #tpu.memory_space<hbm>>) target(%dma_start3A_278 : memref<8x512xf32, #tpu.memory_space<vmem>>) target_semaphore(%arg11 : memref<!tpu.dma_semaphore, #tpu.memory_space<semaphore_mem>>)
      %dma_start3A_282 = arith.constant 5 : i32
      %dma_start3A_283 = arith.constant 5 : i32
      %dma_start3A_284 = arith.constant 0 : i32
      %dma_start3A_285 = arith.constant 0 : i32
      %dma_start3A_286 = tpu.memref_slice %arg7[%dma_start3A_283, %dma_start3A_284, %dma_start3A_285] : memref<8x8x512xf32, #tpu.memory_space<vmem>> -> memref<1x8x512xf32, #tpu.memory_space<vmem>>
      %dma_start3A_287 = tpu.memref_squeeze %dma_start3A_286 : memref<1x8x512xf32, #tpu.memory_space<vmem>> -> memref<8x512xf32, #tpu.memory_space<vmem>>
      %dma_start3A_288 = arith.constant 0 : i32
      %dma_start3A_289 = tpu.memref_slice %arg2[%select_n3A, %dma_start3A_282, %add3A_201, %dma_start3A_288] : memref<4x8x512x512xf32, #tpu.memory_space<hbm>> -> memref<1x1x8x512xf32, #tpu.memory_space<hbm>>
      %dma_start3A_290 = tpu.memref_squeeze %dma_start3A_289 : memref<1x1x8x512xf32, #tpu.memory_space<hbm>> -> memref<8x512xf32, #tpu.memory_space<hbm>>
      %dma_start3A_291 = arith.constant 0 : i32
      %dma_start3A_292 = arith.constant 0 : i32
      %dma_start3A_293 = tpu.memref_slice %arg7[%dma_start3A_283, %dma_start3A_291, %dma_start3A_292] : memref<8x8x512xf32, #tpu.memory_space<vmem>> -> memref<1x8x512xf32, #tpu.memory_space<vmem>>
      %dma_start3A_294 = tpu.memref_squeeze %dma_start3A_293 : memref<1x8x512xf32, #tpu.memory_space<vmem>> -> memref<8x512xf32, #tpu.memory_space<vmem>>
      %dma_start3A_295 = arith.constant 0 : i32
      %dma_start3A_296 = tpu.memref_slice %arg2[%select_n3A, %dma_start3A_282, %add3A_201, %dma_start3A_295] : memref<4x8x512x512xf32, #tpu.memory_space<hbm>> -> memref<1x1x8x512xf32, #tpu.memory_space<hbm>>
      %dma_start3A_297 = tpu.memref_squeeze %dma_start3A_296 : memref<1x1x8x512xf32, #tpu.memory_space<hbm>> -> memref<8x512xf32, #tpu.memory_space<hbm>>
      tpu.enqueue_dma source(%dma_start3A_297 : memref<8x512xf32, #tpu.memory_space<hbm>>) target(%dma_start3A_294 : memref<8x512xf32, #tpu.memory_space<vmem>>) target_semaphore(%arg11 : memref<!tpu.dma_semaphore, #tpu.memory_space<semaphore_mem>>)
      %dma_start3A_298 = arith.constant 6 : i32
      %dma_start3A_299 = arith.constant 6 : i32
      %dma_start3A_300 = arith.constant 0 : i32
      %dma_start3A_301 = arith.constant 0 : i32
      %dma_start3A_302 = tpu.memref_slice %arg7[%dma_start3A_299, %dma_start3A_300, %dma_start3A_301] : memref<8x8x512xf32, #tpu.memory_space<vmem>> -> memref<1x8x512xf32, #tpu.memory_space<vmem>>
      %dma_start3A_303 = tpu.memref_squeeze %dma_start3A_302 : memref<1x8x512xf32, #tpu.memory_space<vmem>> -> memref<8x512xf32, #tpu.memory_space<vmem>>
      %dma_start3A_304 = arith.constant 0 : i32
      %dma_start3A_305 = tpu.memref_slice %arg2[%select_n3A, %dma_start3A_298, %add3A_201, %dma_start3A_304] : memref<4x8x512x512xf32, #tpu.memory_space<hbm>> -> memref<1x1x8x512xf32, #tpu.memory_space<hbm>>
      %dma_start3A_306 = tpu.memref_squeeze %dma_start3A_305 : memref<1x1x8x512xf32, #tpu.memory_space<hbm>> -> memref<8x512xf32, #tpu.memory_space<hbm>>
      %dma_start3A_307 = arith.constant 0 : i32
      %dma_start3A_308 = arith.constant 0 : i32
      %dma_start3A_309 = tpu.memref_slice %arg7[%dma_start3A_299, %dma_start3A_307, %dma_start3A_308] : memref<8x8x512xf32, #tpu.memory_space<vmem>> -> memref<1x8x512xf32, #tpu.memory_space<vmem>>
      %dma_start3A_310 = tpu.memref_squeeze %dma_start3A_309 : memref<1x8x512xf32, #tpu.memory_space<vmem>> -> memref<8x512xf32, #tpu.memory_space<vmem>>
      %dma_start3A_311 = arith.constant 0 : i32
      %dma_start3A_312 = tpu.memref_slice %arg2[%select_n3A, %dma_start3A_298, %add3A_201, %dma_start3A_311] : memref<4x8x512x512xf32, #tpu.memory_space<hbm>> -> memref<1x1x8x512xf32, #tpu.memory_space<hbm>>
      %dma_start3A_313 = tpu.memref_squeeze %dma_start3A_312 : memref<1x1x8x512xf32, #tpu.memory_space<hbm>> -> memref<8x512xf32, #tpu.memory_space<hbm>>
      tpu.enqueue_dma source(%dma_start3A_313 : memref<8x512xf32, #tpu.memory_space<hbm>>) target(%dma_start3A_310 : memref<8x512xf32, #tpu.memory_space<vmem>>) target_semaphore(%arg11 : memref<!tpu.dma_semaphore, #tpu.memory_space<semaphore_mem>>)
      %dma_start3A_314 = arith.constant 7 : i32
      %dma_start3A_315 = arith.constant 7 : i32
      %dma_start3A_316 = arith.constant 0 : i32
      %dma_start3A_317 = arith.constant 0 : i32
      %dma_start3A_318 = tpu.memref_slice %arg7[%dma_start3A_315, %dma_start3A_316, %dma_start3A_317] : memref<8x8x512xf32, #tpu.memory_space<vmem>> -> memref<1x8x512xf32, #tpu.memory_space<vmem>>
      %dma_start3A_319 = tpu.memref_squeeze %dma_start3A_318 : memref<1x8x512xf32, #tpu.memory_space<vmem>> -> memref<8x512xf32, #tpu.memory_space<vmem>>
      %dma_start3A_320 = arith.constant 0 : i32
      %dma_start3A_321 = tpu.memref_slice %arg2[%select_n3A, %dma_start3A_314, %add3A_201, %dma_start3A_320] : memref<4x8x512x512xf32, #tpu.memory_space<hbm>> -> memref<1x1x8x512xf32, #tpu.memory_space<hbm>>
      %dma_start3A_322 = tpu.memref_squeeze %dma_start3A_321 : memref<1x1x8x512xf32, #tpu.memory_space<hbm>> -> memref<8x512xf32, #tpu.memory_space<hbm>>
      %dma_start3A_323 = arith.constant 0 : i32
      %dma_start3A_324 = arith.constant 0 : i32
      %dma_start3A_325 = tpu.memref_slice %arg7[%dma_start3A_315, %dma_start3A_323, %dma_start3A_324] : memref<8x8x512xf32, #tpu.memory_space<vmem>> -> memref<1x8x512xf32, #tpu.memory_space<vmem>>
      %dma_start3A_326 = tpu.memref_squeeze %dma_start3A_325 : memref<1x8x512xf32, #tpu.memory_space<vmem>> -> memref<8x512xf32, #tpu.memory_space<vmem>>
      %dma_start3A_327 = arith.constant 0 : i32
      %dma_start3A_328 = tpu.memref_slice %arg2[%select_n3A, %dma_start3A_314, %add3A_201, %dma_start3A_327] : memref<4x8x512x512xf32, #tpu.memory_space<hbm>> -> memref<1x1x8x512xf32, #tpu.memory_space<hbm>>
      %dma_start3A_329 = tpu.memref_squeeze %dma_start3A_328 : memref<1x1x8x512xf32, #tpu.memory_space<hbm>> -> memref<8x512xf32, #tpu.memory_space<hbm>>
      tpu.enqueue_dma source(%dma_start3A_329 : memref<8x512xf32, #tpu.memory_space<hbm>>) target(%dma_start3A_326 : memref<8x512xf32, #tpu.memory_space<vmem>>) target_semaphore(%arg11 : memref<!tpu.dma_semaphore, #tpu.memory_space<semaphore_mem>>)
      %dma_start3A_330 = arith.constant 0 : i32
      %dma_start3A_331 = tpu.memref_slice %arg3[%select_n3A, %add3A_201, %dma_start3A_330] : memref<4x512x512xi32, #tpu.memory_space<hbm>> -> memref<1x8x512xi32, #tpu.memory_space<hbm>>
      %dma_start3A_332 = tpu.memref_squeeze %dma_start3A_331 : memref<1x8x512xi32, #tpu.memory_space<hbm>> -> memref<8x512xi32, #tpu.memory_space<hbm>>
      %dma_start3A_333 = arith.constant 0 : i32
      %dma_start3A_334 = tpu.memref_slice %arg3[%select_n3A, %add3A_201, %dma_start3A_333] : memref<4x512x512xi32, #tpu.memory_space<hbm>> -> memref<1x8x512xi32, #tpu.memory_space<hbm>>
      %dma_start3A_335 = tpu.memref_squeeze %dma_start3A_334 : memref<1x8x512xi32, #tpu.memory_space<hbm>> -> memref<8x512xi32, #tpu.memory_space<hbm>>
      tpu.enqueue_dma source(%dma_start3A_335 : memref<8x512xi32, #tpu.memory_space<hbm>>) target(%arg8 : memref<8x512xi32, #tpu.memory_space<vmem>>) target_semaphore(%arg11 : memref<!tpu.dma_semaphore, #tpu.memory_space<semaphore_mem>>)
      %mul3A_336 = arith.constant 8 : i32
      %mul3A_337 = arith.muli %mul3A_196, %mul3A_336 : i32
      %add3A_338 = arith.addi %mul3A_32, %mul3A_337 : i32
      %dma_wait3A = arith.constant 0 : i32
      %dma_wait3A_339 = arith.constant 0 : i32
      %dma_wait3A_340 = arith.constant 0 : i32
      %dma_wait3A_341 = arith.constant 0 : i32
      %dma_wait3A_342 = tpu.memref_slice %arg5[%dma_wait3A_339, %dma_wait3A_340, %dma_wait3A_341] : memref<8x8x512xf32, #tpu.memory_space<vmem>> -> memref<1x8x512xf32, #tpu.memory_space<vmem>>
      %dma_wait3A_343 = tpu.memref_squeeze %dma_wait3A_342 : memref<1x8x512xf32, #tpu.memory_space<vmem>> -> memref<8x512xf32, #tpu.memory_space<vmem>>
      %dma_wait3A_344 = arith.constant 0 : i32
      %dma_wait3A_345 = tpu.memref_slice %arg2[%select_n3A, %dma_wait3A, %add3A_338, %dma_wait3A_344] : memref<4x8x512x512xf32, #tpu.memory_space<hbm>> -> memref<1x1x8x512xf32, #tpu.memory_space<hbm>>
      %dma_wait3A_346 = tpu.memref_squeeze %dma_wait3A_345 : memref<1x1x8x512xf32, #tpu.memory_space<hbm>> -> memref<8x512xf32, #tpu.memory_space<hbm>>
      %dma_wait3A_347 = arith.constant 0 : i32
      %dma_wait3A_348 = arith.constant 0 : i32
      %dma_wait3A_349 = tpu.memref_slice %arg5[%dma_wait3A_339, %dma_wait3A_347, %dma_wait3A_348] : memref<8x8x512xf32, #tpu.memory_space<vmem>> -> memref<1x8x512xf32, #tpu.memory_space<vmem>>
      %dma_wait3A_350 = tpu.memref_squeeze %dma_wait3A_349 : memref<1x8x512xf32, #tpu.memory_space<vmem>> -> memref<8x512xf32, #tpu.memory_space<vmem>>
      %dma_wait3A_351 = arith.constant 0 : i32
      %dma_wait3A_352 = tpu.memref_slice %arg2[%select_n3A, %dma_wait3A, %add3A_338, %dma_wait3A_351] : memref<4x8x512x512xf32, #tpu.memory_space<hbm>> -> memref<1x1x8x512xf32, #tpu.memory_space<hbm>>
      %dma_wait3A_353 = tpu.memref_squeeze %dma_wait3A_352 : memref<1x1x8x512xf32, #tpu.memory_space<hbm>> -> memref<8x512xf32, #tpu.memory_space<hbm>>
      tpu.wait_dma2 semaphore(%arg10 : memref<!tpu.dma_semaphore, #tpu.memory_space<semaphore_mem>>) src(%dma_wait3A_353 : memref<8x512xf32, #tpu.memory_space<hbm>>) dst(%dma_wait3A_350 : memref<8x512xf32, #tpu.memory_space<vmem>>)
      %dma_wait3A_354 = arith.constant 1 : i32
      %dma_wait3A_355 = arith.constant 1 : i32
      %dma_wait3A_356 = arith.constant 0 : i32
      %dma_wait3A_357 = arith.constant 0 : i32
      %dma_wait3A_358 = tpu.memref_slice %arg5[%dma_wait3A_355, %dma_wait3A_356, %dma_wait3A_357] : memref<8x8x512xf32, #tpu.memory_space<vmem>> -> memref<1x8x512xf32, #tpu.memory_space<vmem>>
      %dma_wait3A_359 = tpu.memref_squeeze %dma_wait3A_358 : memref<1x8x512xf32, #tpu.memory_space<vmem>> -> memref<8x512xf32, #tpu.memory_space<vmem>>
      %dma_wait3A_360 = arith.constant 0 : i32
      %dma_wait3A_361 = tpu.memref_slice %arg2[%select_n3A, %dma_wait3A_354, %add3A_338, %dma_wait3A_360] : memref<4x8x512x512xf32, #tpu.memory_space<hbm>> -> memref<1x1x8x512xf32, #tpu.memory_space<hbm>>
      %dma_wait3A_362 = tpu.memref_squeeze %dma_wait3A_361 : memref<1x1x8x512xf32, #tpu.memory_space<hbm>> -> memref<8x512xf32, #tpu.memory_space<hbm>>
      %dma_wait3A_363 = arith.constant 0 : i32
      %dma_wait3A_364 = arith.constant 0 : i32
      %dma_wait3A_365 = tpu.memref_slice %arg5[%dma_wait3A_355, %dma_wait3A_363, %dma_wait3A_364] : memref<8x8x512xf32, #tpu.memory_space<vmem>> -> memref<1x8x512xf32, #tpu.memory_space<vmem>>
      %dma_wait3A_366 = tpu.memref_squeeze %dma_wait3A_365 : memref<1x8x512xf32, #tpu.memory_space<vmem>> -> memref<8x512xf32, #tpu.memory_space<vmem>>
      %dma_wait3A_367 = arith.constant 0 : i32
      %dma_wait3A_368 = tpu.memref_slice %arg2[%select_n3A, %dma_wait3A_354, %add3A_338, %dma_wait3A_367] : memref<4x8x512x512xf32, #tpu.memory_space<hbm>> -> memref<1x1x8x512xf32, #tpu.memory_space<hbm>>
      %dma_wait3A_369 = tpu.memref_squeeze %dma_wait3A_368 : memref<1x1x8x512xf32, #tpu.memory_space<hbm>> -> memref<8x512xf32, #tpu.memory_space<hbm>>
      tpu.wait_dma2 semaphore(%arg10 : memref<!tpu.dma_semaphore, #tpu.memory_space<semaphore_mem>>) src(%dma_wait3A_369 : memref<8x512xf32, #tpu.memory_space<hbm>>) dst(%dma_wait3A_366 : memref<8x512xf32, #tpu.memory_space<vmem>>)
      %dma_wait3A_370 = arith.constant 2 : i32
      %dma_wait3A_371 = arith.constant 2 : i32
      %dma_wait3A_372 = arith.constant 0 : i32
      %dma_wait3A_373 = arith.constant 0 : i32
      %dma_wait3A_374 = tpu.memref_slice %arg5[%dma_wait3A_371, %dma_wait3A_372, %dma_wait3A_373] : memref<8x8x512xf32, #tpu.memory_space<vmem>> -> memref<1x8x512xf32, #tpu.memory_space<vmem>>
      %dma_wait3A_375 = tpu.memref_squeeze %dma_wait3A_374 : memref<1x8x512xf32, #tpu.memory_space<vmem>> -> memref<8x512xf32, #tpu.memory_space<vmem>>
      %dma_wait3A_376 = arith.constant 0 : i32
      %dma_wait3A_377 = tpu.memref_slice %arg2[%select_n3A, %dma_wait3A_370, %add3A_338, %dma_wait3A_376] : memref<4x8x512x512xf32, #tpu.memory_space<hbm>> -> memref<1x1x8x512xf32, #tpu.memory_space<hbm>>
      %dma_wait3A_378 = tpu.memref_squeeze %dma_wait3A_377 : memref<1x1x8x512xf32, #tpu.memory_space<hbm>> -> memref<8x512xf32, #tpu.memory_space<hbm>>
      %dma_wait3A_379 = arith.constant 0 : i32
      %dma_wait3A_380 = arith.constant 0 : i32
      %dma_wait3A_381 = tpu.memref_slice %arg5[%dma_wait3A_371, %dma_wait3A_379, %dma_wait3A_380] : memref<8x8x512xf32, #tpu.memory_space<vmem>> -> memref<1x8x512xf32, #tpu.memory_space<vmem>>
      %dma_wait3A_382 = tpu.memref_squeeze %dma_wait3A_381 : memref<1x8x512xf32, #tpu.memory_space<vmem>> -> memref<8x512xf32, #tpu.memory_space<vmem>>
      %dma_wait3A_383 = arith.constant 0 : i32
      %dma_wait3A_384 = tpu.memref_slice %arg2[%select_n3A, %dma_wait3A_370, %add3A_338, %dma_wait3A_383] : memref<4x8x512x512xf32, #tpu.memory_space<hbm>> -> memref<1x1x8x512xf32, #tpu.memory_space<hbm>>
      %dma_wait3A_385 = tpu.memref_squeeze %dma_wait3A_384 : memref<1x1x8x512xf32, #tpu.memory_space<hbm>> -> memref<8x512xf32, #tpu.memory_space<hbm>>
      tpu.wait_dma2 semaphore(%arg10 : memref<!tpu.dma_semaphore, #tpu.memory_space<semaphore_mem>>) src(%dma_wait3A_385 : memref<8x512xf32, #tpu.memory_space<hbm>>) dst(%dma_wait3A_382 : memref<8x512xf32, #tpu.memory_space<vmem>>)
      %dma_wait3A_386 = arith.constant 3 : i32
      %dma_wait3A_387 = arith.constant 3 : i32
      %dma_wait3A_388 = arith.constant 0 : i32
      %dma_wait3A_389 = arith.constant 0 : i32
      %dma_wait3A_390 = tpu.memref_slice %arg5[%dma_wait3A_387, %dma_wait3A_388, %dma_wait3A_389] : memref<8x8x512xf32, #tpu.memory_space<vmem>> -> memref<1x8x512xf32, #tpu.memory_space<vmem>>
      %dma_wait3A_391 = tpu.memref_squeeze %dma_wait3A_390 : memref<1x8x512xf32, #tpu.memory_space<vmem>> -> memref<8x512xf32, #tpu.memory_space<vmem>>
      %dma_wait3A_392 = arith.constant 0 : i32
      %dma_wait3A_393 = tpu.memref_slice %arg2[%select_n3A, %dma_wait3A_386, %add3A_338, %dma_wait3A_392] : memref<4x8x512x512xf32, #tpu.memory_space<hbm>> -> memref<1x1x8x512xf32, #tpu.memory_space<hbm>>
      %dma_wait3A_394 = tpu.memref_squeeze %dma_wait3A_393 : memref<1x1x8x512xf32, #tpu.memory_space<hbm>> -> memref<8x512xf32, #tpu.memory_space<hbm>>
      %dma_wait3A_395 = arith.constant 0 : i32
      %dma_wait3A_396 = arith.constant 0 : i32
      %dma_wait3A_397 = tpu.memref_slice %arg5[%dma_wait3A_387, %dma_wait3A_395, %dma_wait3A_396] : memref<8x8x512xf32, #tpu.memory_space<vmem>> -> memref<1x8x512xf32, #tpu.memory_space<vmem>>
      %dma_wait3A_398 = tpu.memref_squeeze %dma_wait3A_397 : memref<1x8x512xf32, #tpu.memory_space<vmem>> -> memref<8x512xf32, #tpu.memory_space<vmem>>
      %dma_wait3A_399 = arith.constant 0 : i32
      %dma_wait3A_400 = tpu.memref_slice %arg2[%select_n3A, %dma_wait3A_386, %add3A_338, %dma_wait3A_399] : memref<4x8x512x512xf32, #tpu.memory_space<hbm>> -> memref<1x1x8x512xf32, #tpu.memory_space<hbm>>
      %dma_wait3A_401 = tpu.memref_squeeze %dma_wait3A_400 : memref<1x1x8x512xf32, #tpu.memory_space<hbm>> -> memref<8x512xf32, #tpu.memory_space<hbm>>
      tpu.wait_dma2 semaphore(%arg10 : memref<!tpu.dma_semaphore, #tpu.memory_space<semaphore_mem>>) src(%dma_wait3A_401 : memref<8x512xf32, #tpu.memory_space<hbm>>) dst(%dma_wait3A_398 : memref<8x512xf32, #tpu.memory_space<vmem>>)
      %dma_wait3A_402 = arith.constant 4 : i32
      %dma_wait3A_403 = arith.constant 4 : i32
      %dma_wait3A_404 = arith.constant 0 : i32
      %dma_wait3A_405 = arith.constant 0 : i32
      %dma_wait3A_406 = tpu.memref_slice %arg5[%dma_wait3A_403, %dma_wait3A_404, %dma_wait3A_405] : memref<8x8x512xf32, #tpu.memory_space<vmem>> -> memref<1x8x512xf32, #tpu.memory_space<vmem>>
      %dma_wait3A_407 = tpu.memref_squeeze %dma_wait3A_406 : memref<1x8x512xf32, #tpu.memory_space<vmem>> -> memref<8x512xf32, #tpu.memory_space<vmem>>
      %dma_wait3A_408 = arith.constant 0 : i32
      %dma_wait3A_409 = tpu.memref_slice %arg2[%select_n3A, %dma_wait3A_402, %add3A_338, %dma_wait3A_408] : memref<4x8x512x512xf32, #tpu.memory_space<hbm>> -> memref<1x1x8x512xf32, #tpu.memory_space<hbm>>
      %dma_wait3A_410 = tpu.memref_squeeze %dma_wait3A_409 : memref<1x1x8x512xf32, #tpu.memory_space<hbm>> -> memref<8x512xf32, #tpu.memory_space<hbm>>
      %dma_wait3A_411 = arith.constant 0 : i32
      %dma_wait3A_412 = arith.constant 0 : i32
      %dma_wait3A_413 = tpu.memref_slice %arg5[%dma_wait3A_403, %dma_wait3A_411, %dma_wait3A_412] : memref<8x8x512xf32, #tpu.memory_space<vmem>> -> memref<1x8x512xf32, #tpu.memory_space<vmem>>
      %dma_wait3A_414 = tpu.memref_squeeze %dma_wait3A_413 : memref<1x8x512xf32, #tpu.memory_space<vmem>> -> memref<8x512xf32, #tpu.memory_space<vmem>>
      %dma_wait3A_415 = arith.constant 0 : i32
      %dma_wait3A_416 = tpu.memref_slice %arg2[%select_n3A, %dma_wait3A_402, %add3A_338, %dma_wait3A_415] : memref<4x8x512x512xf32, #tpu.memory_space<hbm>> -> memref<1x1x8x512xf32, #tpu.memory_space<hbm>>
      %dma_wait3A_417 = tpu.memref_squeeze %dma_wait3A_416 : memref<1x1x8x512xf32, #tpu.memory_space<hbm>> -> memref<8x512xf32, #tpu.memory_space<hbm>>
      tpu.wait_dma2 semaphore(%arg10 : memref<!tpu.dma_semaphore, #tpu.memory_space<semaphore_mem>>) src(%dma_wait3A_417 : memref<8x512xf32, #tpu.memory_space<hbm>>) dst(%dma_wait3A_414 : memref<8x512xf32, #tpu.memory_space<vmem>>)
      %dma_wait3A_418 = arith.constant 5 : i32
      %dma_wait3A_419 = arith.constant 5 : i32
      %dma_wait3A_420 = arith.constant 0 : i32
      %dma_wait3A_421 = arith.constant 0 : i32
      %dma_wait3A_422 = tpu.memref_slice %arg5[%dma_wait3A_419, %dma_wait3A_420, %dma_wait3A_421] : memref<8x8x512xf32, #tpu.memory_space<vmem>> -> memref<1x8x512xf32, #tpu.memory_space<vmem>>
      %dma_wait3A_423 = tpu.memref_squeeze %dma_wait3A_422 : memref<1x8x512xf32, #tpu.memory_space<vmem>> -> memref<8x512xf32, #tpu.memory_space<vmem>>
      %dma_wait3A_424 = arith.constant 0 : i32
      %dma_wait3A_425 = tpu.memref_slice %arg2[%select_n3A, %dma_wait3A_418, %add3A_338, %dma_wait3A_424] : memref<4x8x512x512xf32, #tpu.memory_space<hbm>> -> memref<1x1x8x512xf32, #tpu.memory_space<hbm>>
      %dma_wait3A_426 = tpu.memref_squeeze %dma_wait3A_425 : memref<1x1x8x512xf32, #tpu.memory_space<hbm>> -> memref<8x512xf32, #tpu.memory_space<hbm>>
      %dma_wait3A_427 = arith.constant 0 : i32
      %dma_wait3A_428 = arith.constant 0 : i32
      %dma_wait3A_429 = tpu.memref_slice %arg5[%dma_wait3A_419, %dma_wait3A_427, %dma_wait3A_428] : memref<8x8x512xf32, #tpu.memory_space<vmem>> -> memref<1x8x512xf32, #tpu.memory_space<vmem>>
      %dma_wait3A_430 = tpu.memref_squeeze %dma_wait3A_429 : memref<1x8x512xf32, #tpu.memory_space<vmem>> -> memref<8x512xf32, #tpu.memory_space<vmem>>
      %dma_wait3A_431 = arith.constant 0 : i32
      %dma_wait3A_432 = tpu.memref_slice %arg2[%select_n3A, %dma_wait3A_418, %add3A_338, %dma_wait3A_431] : memref<4x8x512x512xf32, #tpu.memory_space<hbm>> -> memref<1x1x8x512xf32, #tpu.memory_space<hbm>>
      %dma_wait3A_433 = tpu.memref_squeeze %dma_wait3A_432 : memref<1x1x8x512xf32, #tpu.memory_space<hbm>> -> memref<8x512xf32, #tpu.memory_space<hbm>>
      tpu.wait_dma2 semaphore(%arg10 : memref<!tpu.dma_semaphore, #tpu.memory_space<semaphore_mem>>) src(%dma_wait3A_433 : memref<8x512xf32, #tpu.memory_space<hbm>>) dst(%dma_wait3A_430 : memref<8x512xf32, #tpu.memory_space<vmem>>)
      %dma_wait3A_434 = arith.constant 6 : i32
      %dma_wait3A_435 = arith.constant 6 : i32
      %dma_wait3A_436 = arith.constant 0 : i32
      %dma_wait3A_437 = arith.constant 0 : i32
      %dma_wait3A_438 = tpu.memref_slice %arg5[%dma_wait3A_435, %dma_wait3A_436, %dma_wait3A_437] : memref<8x8x512xf32, #tpu.memory_space<vmem>> -> memref<1x8x512xf32, #tpu.memory_space<vmem>>
      %dma_wait3A_439 = tpu.memref_squeeze %dma_wait3A_438 : memref<1x8x512xf32, #tpu.memory_space<vmem>> -> memref<8x512xf32, #tpu.memory_space<vmem>>
      %dma_wait3A_440 = arith.constant 0 : i32
      %dma_wait3A_441 = tpu.memref_slice %arg2[%select_n3A, %dma_wait3A_434, %add3A_338, %dma_wait3A_440] : memref<4x8x512x512xf32, #tpu.memory_space<hbm>> -> memref<1x1x8x512xf32, #tpu.memory_space<hbm>>
      %dma_wait3A_442 = tpu.memref_squeeze %dma_wait3A_441 : memref<1x1x8x512xf32, #tpu.memory_space<hbm>> -> memref<8x512xf32, #tpu.memory_space<hbm>>
      %dma_wait3A_443 = arith.constant 0 : i32
      %dma_wait3A_444 = arith.constant 0 : i32
      %dma_wait3A_445 = tpu.memref_slice %arg5[%dma_wait3A_435, %dma_wait3A_443, %dma_wait3A_444] : memref<8x8x512xf32, #tpu.memory_space<vmem>> -> memref<1x8x512xf32, #tpu.memory_space<vmem>>
      %dma_wait3A_446 = tpu.memref_squeeze %dma_wait3A_445 : memref<1x8x512xf32, #tpu.memory_space<vmem>> -> memref<8x512xf32, #tpu.memory_space<vmem>>
      %dma_wait3A_447 = arith.constant 0 : i32
      %dma_wait3A_448 = tpu.memref_slice %arg2[%select_n3A, %dma_wait3A_434, %add3A_338, %dma_wait3A_447] : memref<4x8x512x512xf32, #tpu.memory_space<hbm>> -> memref<1x1x8x512xf32, #tpu.memory_space<hbm>>
      %dma_wait3A_449 = tpu.memref_squeeze %dma_wait3A_448 : memref<1x1x8x512xf32, #tpu.memory_space<hbm>> -> memref<8x512xf32, #tpu.memory_space<hbm>>
      tpu.wait_dma2 semaphore(%arg10 : memref<!tpu.dma_semaphore, #tpu.memory_space<semaphore_mem>>) src(%dma_wait3A_449 : memref<8x512xf32, #tpu.memory_space<hbm>>) dst(%dma_wait3A_446 : memref<8x512xf32, #tpu.memory_space<vmem>>)
      %dma_wait3A_450 = arith.constant 7 : i32
      %dma_wait3A_451 = arith.constant 7 : i32
      %dma_wait3A_452 = arith.constant 0 : i32
      %dma_wait3A_453 = arith.constant 0 : i32
      %dma_wait3A_454 = tpu.memref_slice %arg5[%dma_wait3A_451, %dma_wait3A_452, %dma_wait3A_453] : memref<8x8x512xf32, #tpu.memory_space<vmem>> -> memref<1x8x512xf32, #tpu.memory_space<vmem>>
      %dma_wait3A_455 = tpu.memref_squeeze %dma_wait3A_454 : memref<1x8x512xf32, #tpu.memory_space<vmem>> -> memref<8x512xf32, #tpu.memory_space<vmem>>
      %dma_wait3A_456 = arith.constant 0 : i32
      %dma_wait3A_457 = tpu.memref_slice %arg2[%select_n3A, %dma_wait3A_450, %add3A_338, %dma_wait3A_456] : memref<4x8x512x512xf32, #tpu.memory_space<hbm>> -> memref<1x1x8x512xf32, #tpu.memory_space<hbm>>
      %dma_wait3A_458 = tpu.memref_squeeze %dma_wait3A_457 : memref<1x1x8x512xf32, #tpu.memory_space<hbm>> -> memref<8x512xf32, #tpu.memory_space<hbm>>
      %dma_wait3A_459 = arith.constant 0 : i32
      %dma_wait3A_460 = arith.constant 0 : i32
      %dma_wait3A_461 = tpu.memref_slice %arg5[%dma_wait3A_451, %dma_wait3A_459, %dma_wait3A_460] : memref<8x8x512xf32, #tpu.memory_space<vmem>> -> memref<1x8x512xf32, #tpu.memory_space<vmem>>
      %dma_wait3A_462 = tpu.memref_squeeze %dma_wait3A_461 : memref<1x8x512xf32, #tpu.memory_space<vmem>> -> memref<8x512xf32, #tpu.memory_space<vmem>>
      %dma_wait3A_463 = arith.constant 0 : i32
      %dma_wait3A_464 = tpu.memref_slice %arg2[%select_n3A, %dma_wait3A_450, %add3A_338, %dma_wait3A_463] : memref<4x8x512x512xf32, #tpu.memory_space<hbm>> -> memref<1x1x8x512xf32, #tpu.memory_space<hbm>>
      %dma_wait3A_465 = tpu.memref_squeeze %dma_wait3A_464 : memref<1x1x8x512xf32, #tpu.memory_space<hbm>> -> memref<8x512xf32, #tpu.memory_space<hbm>>
      tpu.wait_dma2 semaphore(%arg10 : memref<!tpu.dma_semaphore, #tpu.memory_space<semaphore_mem>>) src(%dma_wait3A_465 : memref<8x512xf32, #tpu.memory_space<hbm>>) dst(%dma_wait3A_462 : memref<8x512xf32, #tpu.memory_space<vmem>>)
      %dma_wait3A_466 = arith.constant 0 : i32
      %dma_wait3A_467 = tpu.memref_slice %arg3[%select_n3A, %add3A_338, %dma_wait3A_466] : memref<4x512x512xi32, #tpu.memory_space<hbm>> -> memref<1x8x512xi32, #tpu.memory_space<hbm>>
      %dma_wait3A_468 = tpu.memref_squeeze %dma_wait3A_467 : memref<1x8x512xi32, #tpu.memory_space<hbm>> -> memref<8x512xi32, #tpu.memory_space<hbm>>
      %dma_wait3A_469 = arith.constant 0 : i32
      %dma_wait3A_470 = tpu.memref_slice %arg3[%select_n3A, %add3A_338, %dma_wait3A_469] : memref<4x512x512xi32, #tpu.memory_space<hbm>> -> memref<1x8x512xi32, #tpu.memory_space<hbm>>
      %dma_wait3A_471 = tpu.memref_squeeze %dma_wait3A_470 : memref<1x8x512xi32, #tpu.memory_space<hbm>> -> memref<8x512xi32, #tpu.memory_space<hbm>>
      tpu.wait_dma2 semaphore(%arg10 : memref<!tpu.dma_semaphore, #tpu.memory_space<semaphore_mem>>) src(%dma_wait3A_471 : memref<8x512xi32, #tpu.memory_space<hbm>>) dst(%arg6 : memref<8x512xi32, #tpu.memory_space<vmem>>)
      %parallel_loop3A = arith.constant 0 : i32
      %parallel_loop3A_472 = arith.constant 256 : i32
      %parallel_loop3A_473 = arith.constant 1 : i32
      scf.for %parallel_loop3A_621 = %parallel_loop3A to %parallel_loop3A_472 step %parallel_loop3A_473  : i32 {
        %parallel_loop3A_622 = arith.constant 5 : i32
        %parallel_loop3A_623 = arith.shrsi %parallel_loop3A_621, %parallel_loop3A_622 : i32
        %parallel_loop3A_624 = arith.constant 31 : i32
        %parallel_loop3A_625 = arith.andi %parallel_loop3A_621, %parallel_loop3A_624 : i32
        %parallel_loop3A_626 = arith.constant 16 : i32
        %parallel_loop3A_627 = arith.muli %parallel_loop3A_625, %parallel_loop3A_626 : i32
        %parallel_loop3A_628 = arith.index_cast %parallel_loop3A_623 : i32 to index
        %parallel_loop3A_629 = arith.index_cast %parallel_loop3A_627 : i32 to index
        %parallel_loop3A_630 = tpu.vector_load %arg6[%parallel_loop3A_628, %parallel_loop3A_629] {strides = array<i32>} : memref<8x512xi32, #tpu.memory_space<vmem>>, vector<16xi32>,
        %parallel_loop3A_631 = arith.constant 0 : i64
        %parallel_loop3A_632 = arith.index_cast %parallel_loop3A_631 : i64 to index
        %parallel_loop3A_633 = arith.index_cast %parallel_loop3A_623 : i32 to index
        %parallel_loop3A_634 = arith.index_cast %parallel_loop3A_627 : i32 to index
        %parallel_loop3A_635 = tpu.vector_load %arg5[%parallel_loop3A_632, %parallel_loop3A_633, %parallel_loop3A_634] {strides = array<i32>} : memref<8x8x512xf32, #tpu.memory_space<vmem>>, vector<16xf32>,
        %parallel_loop3A_636 = math.exp %parallel_loop3A_635 : vector<16xf32>
        %parallel_loop3A_637 = arith.constant 1 : i64
        %parallel_loop3A_638 = arith.index_cast %parallel_loop3A_637 : i64 to index
        %parallel_loop3A_639 = arith.index_cast %parallel_loop3A_623 : i32 to index
        %parallel_loop3A_640 = arith.index_cast %parallel_loop3A_627 : i32 to index
        %parallel_loop3A_641 = tpu.vector_load %arg5[%parallel_loop3A_638, %parallel_loop3A_639, %parallel_loop3A_640] {strides = array<i32>} : memref<8x8x512xf32, #tpu.memory_space<vmem>>, vector<16xf32>,
        %parallel_loop3A_642 = math.exp %parallel_loop3A_641 : vector<16xf32>
        %parallel_loop3A_643 = arith.constant 2 : i64
        %parallel_loop3A_644 = arith.index_cast %parallel_loop3A_643 : i64 to index
        %parallel_loop3A_645 = arith.index_cast %parallel_loop3A_623 : i32 to index
        %parallel_loop3A_646 = arith.index_cast %parallel_loop3A_627 : i32 to index
        %parallel_loop3A_647 = tpu.vector_load %arg5[%parallel_loop3A_644, %parallel_loop3A_645, %parallel_loop3A_646] {strides = array<i32>} : memref<8x8x512xf32, #tpu.memory_space<vmem>>, vector<16xf32>,
        %parallel_loop3A_648 = math.exp %parallel_loop3A_647 : vector<16xf32>
        %parallel_loop3A_649 = arith.constant 3 : i64
        %parallel_loop3A_650 = arith.index_cast %parallel_loop3A_649 : i64 to index
        %parallel_loop3A_651 = arith.index_cast %parallel_loop3A_623 : i32 to index
        %parallel_loop3A_652 = arith.index_cast %parallel_loop3A_627 : i32 to index
        %parallel_loop3A_653 = tpu.vector_load %arg5[%parallel_loop3A_650, %parallel_loop3A_651, %parallel_loop3A_652] {strides = array<i32>} : memref<8x8x512xf32, #tpu.memory_space<vmem>>, vector<16xf32>,
        %parallel_loop3A_654 = math.exp %parallel_loop3A_653 : vector<16xf32>
        %parallel_loop3A_655 = arith.constant 4 : i64
        %parallel_loop3A_656 = arith.index_cast %parallel_loop3A_655 : i64 to index
        %parallel_loop3A_657 = arith.index_cast %parallel_loop3A_623 : i32 to index
        %parallel_loop3A_658 = arith.index_cast %parallel_loop3A_627 : i32 to index
        %parallel_loop3A_659 = tpu.vector_load %arg5[%parallel_loop3A_656, %parallel_loop3A_657, %parallel_loop3A_658] {strides = array<i32>} : memref<8x8x512xf32, #tpu.memory_space<vmem>>, vector<16xf32>,
        %parallel_loop3A_660 = math.exp %parallel_loop3A_659 : vector<16xf32>
        %parallel_loop3A_661 = arith.constant 5 : i64
        %parallel_loop3A_662 = arith.index_cast %parallel_loop3A_661 : i64 to index
        %parallel_loop3A_663 = arith.index_cast %parallel_loop3A_623 : i32 to index
        %parallel_loop3A_664 = arith.index_cast %parallel_loop3A_627 : i32 to index
        %parallel_loop3A_665 = tpu.vector_load %arg5[%parallel_loop3A_662, %parallel_loop3A_663, %parallel_loop3A_664] {strides = array<i32>} : memref<8x8x512xf32, #tpu.memory_space<vmem>>, vector<16xf32>,
        %parallel_loop3A_666 = math.exp %parallel_loop3A_665 : vector<16xf32>
        %parallel_loop3A_667 = arith.constant 6 : i64
        %parallel_loop3A_668 = arith.index_cast %parallel_loop3A_667 : i64 to index
        %parallel_loop3A_669 = arith.index_cast %parallel_loop3A_623 : i32 to index
        %parallel_loop3A_670 = arith.index_cast %parallel_loop3A_627 : i32 to index
        %parallel_loop3A_671 = tpu.vector_load %arg5[%parallel_loop3A_668, %parallel_loop3A_669, %parallel_loop3A_670] {strides = array<i32>} : memref<8x8x512xf32, #tpu.memory_space<vmem>>, vector<16xf32>,
        %parallel_loop3A_672 = math.exp %parallel_loop3A_671 : vector<16xf32>
        %parallel_loop3A_673 = arith.constant 7 : i64
        %parallel_loop3A_674 = arith.index_cast %parallel_loop3A_673 : i64 to index
        %parallel_loop3A_675 = arith.index_cast %parallel_loop3A_623 : i32 to index
        %parallel_loop3A_676 = arith.index_cast %parallel_loop3A_627 : i32 to index
        %parallel_loop3A_677 = tpu.vector_load %arg5[%parallel_loop3A_674, %parallel_loop3A_675, %parallel_loop3A_676] {strides = array<i32>} : memref<8x8x512xf32, #tpu.memory_space<vmem>>, vector<16xf32>,
        %parallel_loop3A_678 = math.exp %parallel_loop3A_677 : vector<16xf32>
        %parallel_loop3A_679 = arith.addf %parallel_loop3A_636, %parallel_loop3A_642 : vector<16xf32>
        %parallel_loop3A_680 = arith.addf %parallel_loop3A_648, %parallel_loop3A_654 : vector<16xf32>
        %parallel_loop3A_681 = arith.addf %parallel_loop3A_679, %parallel_loop3A_680 : vector<16xf32>
        %parallel_loop3A_682 = arith.addf %parallel_loop3A_660, %parallel_loop3A_666 : vector<16xf32>
        %parallel_loop3A_683 = arith.addf %parallel_loop3A_672, %parallel_loop3A_678 : vector<16xf32>
        %parallel_loop3A_684 = arith.addf %parallel_loop3A_682, %parallel_loop3A_683 : vector<16xf32>
        %parallel_loop3A_685 = arith.addf %parallel_loop3A_681, %parallel_loop3A_684 : vector<16xf32>
        %parallel_loop3A_686 = arith.constant 2.048000e+03 : f32
        %parallel_loop3A_687 = vector.broadcast %parallel_loop3A_686 : f32 to vector<16xf32>
        %parallel_loop3A_688 = arith.divf %parallel_loop3A_687, %parallel_loop3A_685 : vector<16xf32>
        %parallel_loop3A_689 = arith.mulf %parallel_loop3A_642, %parallel_loop3A_688 : vector<16xf32>
        %parallel_loop3A_690 = arith.fptosi %parallel_loop3A_689 : vector<16xf32> to vector<16xi32>
        %parallel_loop3A_691 = arith.constant 1 : i32
        %parallel_loop3A_692 = vector.broadcast %parallel_loop3A_691 : i32 to vector<16xi32>
        %parallel_loop3A_693 = arith.cmpi eq, %parallel_loop3A_630, %parallel_loop3A_692 : vector<16xi32>
        %parallel_loop3A_694 = arith.select %parallel_loop3A_693, %broadcast_in_dim3A_37, %broadcast_in_dim3A_35 : vector<16xi1>, vector<16xi32>
        %parallel_loop3A_695 = arith.constant 0 : i32
        %parallel_loop3A_696 = tpu.memref_slice %arg9[%parallel_loop3A_695] : memref<14352xi32, #tpu.memory_space<vmem>> -> memref<2064xi32, #tpu.memory_space<vmem>>
        tpu.vector_store_idx %parallel_loop3A_696[%parallel_loop3A_690], %parallel_loop3A_694 {add = true} : memref<2064xi32, #tpu.memory_space<vmem>>[vector<16xi32>], vector<16xi32>,
        %parallel_loop3A_697 = arith.mulf %parallel_loop3A_648, %parallel_loop3A_688 : vector<16xf32>
        %parallel_loop3A_698 = arith.fptosi %parallel_loop3A_697 : vector<16xf32> to vector<16xi32>
        %parallel_loop3A_699 = arith.constant 2 : i32
        %parallel_loop3A_700 = vector.broadcast %parallel_loop3A_699 : i32 to vector<16xi32>
        %parallel_loop3A_701 = arith.cmpi eq, %parallel_loop3A_630, %parallel_loop3A_700 : vector<16xi32>
        %parallel_loop3A_702 = arith.select %parallel_loop3A_701, %broadcast_in_dim3A_37, %broadcast_in_dim3A_35 : vector<16xi1>, vector<16xi32>
        %parallel_loop3A_703 = arith.constant 2048 : i32
        %parallel_loop3A_704 = tpu.memref_slice %arg9[%parallel_loop3A_703] : memref<14352xi32, #tpu.memory_space<vmem>> -> memref<2064xi32, #tpu.memory_space<vmem>>
        tpu.vector_store_idx %parallel_loop3A_704[%parallel_loop3A_698], %parallel_loop3A_702 {add = true} : memref<2064xi32, #tpu.memory_space<vmem>>[vector<16xi32>], vector<16xi32>,
        %parallel_loop3A_705 = arith.mulf %parallel_loop3A_654, %parallel_loop3A_688 : vector<16xf32>
        %parallel_loop3A_706 = arith.fptosi %parallel_loop3A_705 : vector<16xf32> to vector<16xi32>
        %parallel_loop3A_707 = arith.constant 3 : i32
        %parallel_loop3A_708 = vector.broadcast %parallel_loop3A_707 : i32 to vector<16xi32>
        %parallel_loop3A_709 = arith.cmpi eq, %parallel_loop3A_630, %parallel_loop3A_708 : vector<16xi32>
        %parallel_loop3A_710 = arith.select %parallel_loop3A_709, %broadcast_in_dim3A_37, %broadcast_in_dim3A_35 : vector<16xi1>, vector<16xi32>
        %parallel_loop3A_711 = arith.constant 4096 : i32
        %parallel_loop3A_712 = tpu.memref_slice %arg9[%parallel_loop3A_711] : memref<14352xi32, #tpu.memory_space<vmem>> -> memref<2064xi32, #tpu.memory_space<vmem>>
        tpu.vector_store_idx %parallel_loop3A_712[%parallel_loop3A_706], %parallel_loop3A_710 {add = true} : memref<2064xi32, #tpu.memory_space<vmem>>[vector<16xi32>], vector<16xi32>,
        %parallel_loop3A_713 = arith.mulf %parallel_loop3A_660, %parallel_loop3A_688 : vector<16xf32>
        %parallel_loop3A_714 = arith.fptosi %parallel_loop3A_713 : vector<16xf32> to vector<16xi32>
        %parallel_loop3A_715 = arith.constant 4 : i32
        %parallel_loop3A_716 = vector.broadcast %parallel_loop3A_715 : i32 to vector<16xi32>
        %parallel_loop3A_717 = arith.cmpi eq, %parallel_loop3A_630, %parallel_loop3A_716 : vector<16xi32>
        %parallel_loop3A_718 = arith.select %parallel_loop3A_717, %broadcast_in_dim3A_37, %broadcast_in_dim3A_35 : vector<16xi1>, vector<16xi32>
        %parallel_loop3A_719 = arith.constant 6144 : i32
        %parallel_loop3A_720 = tpu.memref_slice %arg9[%parallel_loop3A_719] : memref<14352xi32, #tpu.memory_space<vmem>> -> memref<2064xi32, #tpu.memory_space<vmem>>
        tpu.vector_store_idx %parallel_loop3A_720[%parallel_loop3A_714], %parallel_loop3A_718 {add = true} : memref<2064xi32, #tpu.memory_space<vmem>>[vector<16xi32>], vector<16xi32>,
        %parallel_loop3A_721 = arith.mulf %parallel_loop3A_666, %parallel_loop3A_688 : vector<16xf32>
        %parallel_loop3A_722 = arith.fptosi %parallel_loop3A_721 : vector<16xf32> to vector<16xi32>
        %parallel_loop3A_723 = arith.constant 5 : i32
        %parallel_loop3A_724 = vector.broadcast %parallel_loop3A_723 : i32 to vector<16xi32>
        %parallel_loop3A_725 = arith.cmpi eq, %parallel_loop3A_630, %parallel_loop3A_724 : vector<16xi32>
        %parallel_loop3A_726 = arith.select %parallel_loop3A_725, %broadcast_in_dim3A_37, %broadcast_in_dim3A_35 : vector<16xi1>, vector<16xi32>
        %parallel_loop3A_727 = arith.constant 8192 : i32
        %parallel_loop3A_728 = tpu.memref_slice %arg9[%parallel_loop3A_727] : memref<14352xi32, #tpu.memory_space<vmem>> -> memref<2064xi32, #tpu.memory_space<vmem>>
        tpu.vector_store_idx %parallel_loop3A_728[%parallel_loop3A_722], %parallel_loop3A_726 {add = true} : memref<2064xi32, #tpu.memory_space<vmem>>[vector<16xi32>], vector<16xi32>,
        %parallel_loop3A_729 = arith.mulf %parallel_loop3A_672, %parallel_loop3A_688 : vector<16xf32>
        %parallel_loop3A_730 = arith.fptosi %parallel_loop3A_729 : vector<16xf32> to vector<16xi32>
        %parallel_loop3A_731 = arith.constant 6 : i32
        %parallel_loop3A_732 = vector.broadcast %parallel_loop3A_731 : i32 to vector<16xi32>
        %parallel_loop3A_733 = arith.cmpi eq, %parallel_loop3A_630, %parallel_loop3A_732 : vector<16xi32>
        %parallel_loop3A_734 = arith.select %parallel_loop3A_733, %broadcast_in_dim3A_37, %broadcast_in_dim3A_35 : vector<16xi1>, vector<16xi32>
        %parallel_loop3A_735 = arith.constant 10240 : i32
        %parallel_loop3A_736 = tpu.memref_slice %arg9[%parallel_loop3A_735] : memref<14352xi32, #tpu.memory_space<vmem>> -> memref<2064xi32, #tpu.memory_space<vmem>>
        tpu.vector_store_idx %parallel_loop3A_736[%parallel_loop3A_730], %parallel_loop3A_734 {add = true} : memref<2064xi32, #tpu.memory_space<vmem>>[vector<16xi32>], vector<16xi32>,
        %parallel_loop3A_737 = arith.mulf %parallel_loop3A_678, %parallel_loop3A_688 : vector<16xf32>
        %parallel_loop3A_738 = arith.fptosi %parallel_loop3A_737 : vector<16xf32> to vector<16xi32>
        %parallel_loop3A_739 = arith.constant 7 : i32
        %parallel_loop3A_740 = vector.broadcast %parallel_loop3A_739 : i32 to vector<16xi32>
        %parallel_loop3A_741 = arith.cmpi eq, %parallel_loop3A_630, %parallel_loop3A_740 : vector<16xi32>
        %parallel_loop3A_742 = arith.select %parallel_loop3A_741, %broadcast_in_dim3A_37, %broadcast_in_dim3A_35 : vector<16xi1>, vector<16xi32>
        %parallel_loop3A_743 = arith.constant 12288 : i32
        %parallel_loop3A_744 = tpu.memref_slice %arg9[%parallel_loop3A_743] : memref<14352xi32, #tpu.memory_space<vmem>> -> memref<2064xi32, #tpu.memory_space<vmem>>
        tpu.vector_store_idx %parallel_loop3A_744[%parallel_loop3A_738], %parallel_loop3A_742 {add = true} : memref<2064xi32, #tpu.memory_space<vmem>>[vector<16xi32>], vector<16xi32>,
      } {sc.loop_unroll_factor = 3 : i64, sc.parallel_access}
      %add3A_474 = arith.constant 2 : i32
      %add3A_475 = arith.addi %mul3A_196, %add3A_474 : i32
      %lt3A_476 = arith.constant 8 : i32
      %lt3A_477 = arith.cmpi slt, %add3A_475, %lt3A_476 : i32
      %convert_element_type3A = arith.extui %lt3A_477 : i1 to i32
      %cond3A = arith.constant 0 : i32
      %cond3A_478 = arith.cmpi ne, %convert_element_type3A, %cond3A : i32
      scf.if %cond3A_478 {
        %add3A_621 = arith.constant 2 : i32
        %add3A_622 = arith.addi %mul3A_196, %add3A_621 : i32
        %mul3A_623 = arith.constant 8 : i32
        %mul3A_624 = arith.muli %add3A_622, %mul3A_623 : i32
        %add3A_625 = arith.addi %mul3A_32, %mul3A_624 : i32
        %dma_start3A_626 = arith.constant 0 : i32
        %dma_start3A_627 = arith.constant 0 : i32
        %dma_start3A_628 = arith.constant 0 : i32
        %dma_start3A_629 = arith.constant 0 : i32
        %dma_start3A_630 = tpu.memref_slice %arg5[%dma_start3A_627, %dma_start3A_628, %dma_start3A_629] : memref<8x8x512xf32, #tpu.memory_space<vmem>> -> memref<1x8x512xf32, #tpu.memory_space<vmem>>
        %dma_start3A_631 = tpu.memref_squeeze %dma_start3A_630 : memref<1x8x512xf32, #tpu.memory_space<vmem>> -> memref<8x512xf32, #tpu.memory_space<vmem>>
        %dma_start3A_632 = arith.constant 0 : i32
        %dma_start3A_633 = tpu.memref_slice %arg2[%select_n3A, %dma_start3A_626, %add3A_625, %dma_start3A_632] : memref<4x8x512x512xf32, #tpu.memory_space<hbm>> -> memref<1x1x8x512xf32, #tpu.memory_space<hbm>>
        %dma_start3A_634 = tpu.memref_squeeze %dma_start3A_633 : memref<1x1x8x512xf32, #tpu.memory_space<hbm>> -> memref<8x512xf32, #tpu.memory_space<hbm>>
        %dma_start3A_635 = arith.constant 0 : i32
        %dma_start3A_636 = arith.constant 0 : i32
        %dma_start3A_637 = tpu.memref_slice %arg5[%dma_start3A_627, %dma_start3A_635, %dma_start3A_636] : memref<8x8x512xf32, #tpu.memory_space<vmem>> -> memref<1x8x512xf32, #tpu.memory_space<vmem>>
        %dma_start3A_638 = tpu.memref_squeeze %dma_start3A_637 : memref<1x8x512xf32, #tpu.memory_space<vmem>> -> memref<8x512xf32, #tpu.memory_space<vmem>>
        %dma_start3A_639 = arith.constant 0 : i32
        %dma_start3A_640 = tpu.memref_slice %arg2[%select_n3A, %dma_start3A_626, %add3A_625, %dma_start3A_639] : memref<4x8x512x512xf32, #tpu.memory_space<hbm>> -> memref<1x1x8x512xf32, #tpu.memory_space<hbm>>
        %dma_start3A_641 = tpu.memref_squeeze %dma_start3A_640 : memref<1x1x8x512xf32, #tpu.memory_space<hbm>> -> memref<8x512xf32, #tpu.memory_space<hbm>>
        tpu.enqueue_dma source(%dma_start3A_641 : memref<8x512xf32, #tpu.memory_space<hbm>>) target(%dma_start3A_638 : memref<8x512xf32, #tpu.memory_space<vmem>>) target_semaphore(%arg10 : memref<!tpu.dma_semaphore, #tpu.memory_space<semaphore_mem>>)
        %dma_start3A_642 = arith.constant 1 : i32
        %dma_start3A_643 = arith.constant 1 : i32
        %dma_start3A_644 = arith.constant 0 : i32
        %dma_start3A_645 = arith.constant 0 : i32
        %dma_start3A_646 = tpu.memref_slice %arg5[%dma_start3A_643, %dma_start3A_644, %dma_start3A_645] : memref<8x8x512xf32, #tpu.memory_space<vmem>> -> memref<1x8x512xf32, #tpu.memory_space<vmem>>
        %dma_start3A_647 = tpu.memref_squeeze %dma_start3A_646 : memref<1x8x512xf32, #tpu.memory_space<vmem>> -> memref<8x512xf32, #tpu.memory_space<vmem>>
        %dma_start3A_648 = arith.constant 0 : i32
        %dma_start3A_649 = tpu.memref_slice %arg2[%select_n3A, %dma_start3A_642, %add3A_625, %dma_start3A_648] : memref<4x8x512x512xf32, #tpu.memory_space<hbm>> -> memref<1x1x8x512xf32, #tpu.memory_space<hbm>>
        %dma_start3A_650 = tpu.memref_squeeze %dma_start3A_649 : memref<1x1x8x512xf32, #tpu.memory_space<hbm>> -> memref<8x512xf32, #tpu.memory_space<hbm>>
        %dma_start3A_651 = arith.constant 0 : i32
        %dma_start3A_652 = arith.constant 0 : i32
        %dma_start3A_653 = tpu.memref_slice %arg5[%dma_start3A_643, %dma_start3A_651, %dma_start3A_652] : memref<8x8x512xf32, #tpu.memory_space<vmem>> -> memref<1x8x512xf32, #tpu.memory_space<vmem>>
        %dma_start3A_654 = tpu.memref_squeeze %dma_start3A_653 : memref<1x8x512xf32, #tpu.memory_space<vmem>> -> memref<8x512xf32, #tpu.memory_space<vmem>>
        %dma_start3A_655 = arith.constant 0 : i32
        %dma_start3A_656 = tpu.memref_slice %arg2[%select_n3A, %dma_start3A_642, %add3A_625, %dma_start3A_655] : memref<4x8x512x512xf32, #tpu.memory_space<hbm>> -> memref<1x1x8x512xf32, #tpu.memory_space<hbm>>
        %dma_start3A_657 = tpu.memref_squeeze %dma_start3A_656 : memref<1x1x8x512xf32, #tpu.memory_space<hbm>> -> memref<8x512xf32, #tpu.memory_space<hbm>>
        tpu.enqueue_dma source(%dma_start3A_657 : memref<8x512xf32, #tpu.memory_space<hbm>>) target(%dma_start3A_654 : memref<8x512xf32, #tpu.memory_space<vmem>>) target_semaphore(%arg10 : memref<!tpu.dma_semaphore, #tpu.memory_space<semaphore_mem>>)
        %dma_start3A_658 = arith.constant 2 : i32
        %dma_start3A_659 = arith.constant 2 : i32
        %dma_start3A_660 = arith.constant 0 : i32
        %dma_start3A_661 = arith.constant 0 : i32
        %dma_start3A_662 = tpu.memref_slice %arg5[%dma_start3A_659, %dma_start3A_660, %dma_start3A_661] : memref<8x8x512xf32, #tpu.memory_space<vmem>> -> memref<1x8x512xf32, #tpu.memory_space<vmem>>
        %dma_start3A_663 = tpu.memref_squeeze %dma_start3A_662 : memref<1x8x512xf32, #tpu.memory_space<vmem>> -> memref<8x512xf32, #tpu.memory_space<vmem>>
        %dma_start3A_664 = arith.constant 0 : i32
        %dma_start3A_665 = tpu.memref_slice %arg2[%select_n3A, %dma_start3A_658, %add3A_625, %dma_start3A_664] : memref<4x8x512x512xf32, #tpu.memory_space<hbm>> -> memref<1x1x8x512xf32, #tpu.memory_space<hbm>>
        %dma_start3A_666 = tpu.memref_squeeze %dma_start3A_665 : memref<1x1x8x512xf32, #tpu.memory_space<hbm>> -> memref<8x512xf32, #tpu.memory_space<hbm>>
        %dma_start3A_667 = arith.constant 0 : i32
        %dma_start3A_668 = arith.constant 0 : i32
        %dma_start3A_669 = tpu.memref_slice %arg5[%dma_start3A_659, %dma_start3A_667, %dma_start3A_668] : memref<8x8x512xf32, #tpu.memory_space<vmem>> -> memref<1x8x512xf32, #tpu.memory_space<vmem>>
        %dma_start3A_670 = tpu.memref_squeeze %dma_start3A_669 : memref<1x8x512xf32, #tpu.memory_space<vmem>> -> memref<8x512xf32, #tpu.memory_space<vmem>>
        %dma_start3A_671 = arith.constant 0 : i32
        %dma_start3A_672 = tpu.memref_slice %arg2[%select_n3A, %dma_start3A_658, %add3A_625, %dma_start3A_671] : memref<4x8x512x512xf32, #tpu.memory_space<hbm>> -> memref<1x1x8x512xf32, #tpu.memory_space<hbm>>
        %dma_start3A_673 = tpu.memref_squeeze %dma_start3A_672 : memref<1x1x8x512xf32, #tpu.memory_space<hbm>> -> memref<8x512xf32, #tpu.memory_space<hbm>>
        tpu.enqueue_dma source(%dma_start3A_673 : memref<8x512xf32, #tpu.memory_space<hbm>>) target(%dma_start3A_670 : memref<8x512xf32, #tpu.memory_space<vmem>>) target_semaphore(%arg10 : memref<!tpu.dma_semaphore, #tpu.memory_space<semaphore_mem>>)
        %dma_start3A_674 = arith.constant 3 : i32
        %dma_start3A_675 = arith.constant 3 : i32
        %dma_start3A_676 = arith.constant 0 : i32
        %dma_start3A_677 = arith.constant 0 : i32
        %dma_start3A_678 = tpu.memref_slice %arg5[%dma_start3A_675, %dma_start3A_676, %dma_start3A_677] : memref<8x8x512xf32, #tpu.memory_space<vmem>> -> memref<1x8x512xf32, #tpu.memory_space<vmem>>
        %dma_start3A_679 = tpu.memref_squeeze %dma_start3A_678 : memref<1x8x512xf32, #tpu.memory_space<vmem>> -> memref<8x512xf32, #tpu.memory_space<vmem>>
        %dma_start3A_680 = arith.constant 0 : i32
        %dma_start3A_681 = tpu.memref_slice %arg2[%select_n3A, %dma_start3A_674, %add3A_625, %dma_start3A_680] : memref<4x8x512x512xf32, #tpu.memory_space<hbm>> -> memref<1x1x8x512xf32, #tpu.memory_space<hbm>>
        %dma_start3A_682 = tpu.memref_squeeze %dma_start3A_681 : memref<1x1x8x512xf32, #tpu.memory_space<hbm>> -> memref<8x512xf32, #tpu.memory_space<hbm>>
        %dma_start3A_683 = arith.constant 0 : i32
        %dma_start3A_684 = arith.constant 0 : i32
        %dma_start3A_685 = tpu.memref_slice %arg5[%dma_start3A_675, %dma_start3A_683, %dma_start3A_684] : memref<8x8x512xf32, #tpu.memory_space<vmem>> -> memref<1x8x512xf32, #tpu.memory_space<vmem>>
        %dma_start3A_686 = tpu.memref_squeeze %dma_start3A_685 : memref<1x8x512xf32, #tpu.memory_space<vmem>> -> memref<8x512xf32, #tpu.memory_space<vmem>>
        %dma_start3A_687 = arith.constant 0 : i32
        %dma_start3A_688 = tpu.memref_slice %arg2[%select_n3A, %dma_start3A_674, %add3A_625, %dma_start3A_687] : memref<4x8x512x512xf32, #tpu.memory_space<hbm>> -> memref<1x1x8x512xf32, #tpu.memory_space<hbm>>
        %dma_start3A_689 = tpu.memref_squeeze %dma_start3A_688 : memref<1x1x8x512xf32, #tpu.memory_space<hbm>> -> memref<8x512xf32, #tpu.memory_space<hbm>>
        tpu.enqueue_dma source(%dma_start3A_689 : memref<8x512xf32, #tpu.memory_space<hbm>>) target(%dma_start3A_686 : memref<8x512xf32, #tpu.memory_space<vmem>>) target_semaphore(%arg10 : memref<!tpu.dma_semaphore, #tpu.memory_space<semaphore_mem>>)
        %dma_start3A_690 = arith.constant 4 : i32
        %dma_start3A_691 = arith.constant 4 : i32
        %dma_start3A_692 = arith.constant 0 : i32
        %dma_start3A_693 = arith.constant 0 : i32
        %dma_start3A_694 = tpu.memref_slice %arg5[%dma_start3A_691, %dma_start3A_692, %dma_start3A_693] : memref<8x8x512xf32, #tpu.memory_space<vmem>> -> memref<1x8x512xf32, #tpu.memory_space<vmem>>
        %dma_start3A_695 = tpu.memref_squeeze %dma_start3A_694 : memref<1x8x512xf32, #tpu.memory_space<vmem>> -> memref<8x512xf32, #tpu.memory_space<vmem>>
        %dma_start3A_696 = arith.constant 0 : i32
        %dma_start3A_697 = tpu.memref_slice %arg2[%select_n3A, %dma_start3A_690, %add3A_625, %dma_start3A_696] : memref<4x8x512x512xf32, #tpu.memory_space<hbm>> -> memref<1x1x8x512xf32, #tpu.memory_space<hbm>>
        %dma_start3A_698 = tpu.memref_squeeze %dma_start3A_697 : memref<1x1x8x512xf32, #tpu.memory_space<hbm>> -> memref<8x512xf32, #tpu.memory_space<hbm>>
        %dma_start3A_699 = arith.constant 0 : i32
        %dma_start3A_700 = arith.constant 0 : i32
        %dma_start3A_701 = tpu.memref_slice %arg5[%dma_start3A_691, %dma_start3A_699, %dma_start3A_700] : memref<8x8x512xf32, #tpu.memory_space<vmem>> -> memref<1x8x512xf32, #tpu.memory_space<vmem>>
        %dma_start3A_702 = tpu.memref_squeeze %dma_start3A_701 : memref<1x8x512xf32, #tpu.memory_space<vmem>> -> memref<8x512xf32, #tpu.memory_space<vmem>>
        %dma_start3A_703 = arith.constant 0 : i32
        %dma_start3A_704 = tpu.memref_slice %arg2[%select_n3A, %dma_start3A_690, %add3A_625, %dma_start3A_703] : memref<4x8x512x512xf32, #tpu.memory_space<hbm>> -> memref<1x1x8x512xf32, #tpu.memory_space<hbm>>
        %dma_start3A_705 = tpu.memref_squeeze %dma_start3A_704 : memref<1x1x8x512xf32, #tpu.memory_space<hbm>> -> memref<8x512xf32, #tpu.memory_space<hbm>>
        tpu.enqueue_dma source(%dma_start3A_705 : memref<8x512xf32, #tpu.memory_space<hbm>>) target(%dma_start3A_702 : memref<8x512xf32, #tpu.memory_space<vmem>>) target_semaphore(%arg10 : memref<!tpu.dma_semaphore, #tpu.memory_space<semaphore_mem>>)
        %dma_start3A_706 = arith.constant 5 : i32
        %dma_start3A_707 = arith.constant 5 : i32
        %dma_start3A_708 = arith.constant 0 : i32
        %dma_start3A_709 = arith.constant 0 : i32
        %dma_start3A_710 = tpu.memref_slice %arg5[%dma_start3A_707, %dma_start3A_708, %dma_start3A_709] : memref<8x8x512xf32, #tpu.memory_space<vmem>> -> memref<1x8x512xf32, #tpu.memory_space<vmem>>
        %dma_start3A_711 = tpu.memref_squeeze %dma_start3A_710 : memref<1x8x512xf32, #tpu.memory_space<vmem>> -> memref<8x512xf32, #tpu.memory_space<vmem>>
        %dma_start3A_712 = arith.constant 0 : i32
        %dma_start3A_713 = tpu.memref_slice %arg2[%select_n3A, %dma_start3A_706, %add3A_625, %dma_start3A_712] : memref<4x8x512x512xf32, #tpu.memory_space<hbm>> -> memref<1x1x8x512xf32, #tpu.memory_space<hbm>>
        %dma_start3A_714 = tpu.memref_squeeze %dma_start3A_713 : memref<1x1x8x512xf32, #tpu.memory_space<hbm>> -> memref<8x512xf32, #tpu.memory_space<hbm>>
        %dma_start3A_715 = arith.constant 0 : i32
        %dma_start3A_716 = arith.constant 0 : i32
        %dma_start3A_717 = tpu.memref_slice %arg5[%dma_start3A_707, %dma_start3A_715, %dma_start3A_716] : memref<8x8x512xf32, #tpu.memory_space<vmem>> -> memref<1x8x512xf32, #tpu.memory_space<vmem>>
        %dma_start3A_718 = tpu.memref_squeeze %dma_start3A_717 : memref<1x8x512xf32, #tpu.memory_space<vmem>> -> memref<8x512xf32, #tpu.memory_space<vmem>>
        %dma_start3A_719 = arith.constant 0 : i32
        %dma_start3A_720 = tpu.memref_slice %arg2[%select_n3A, %dma_start3A_706, %add3A_625, %dma_start3A_719] : memref<4x8x512x512xf32, #tpu.memory_space<hbm>> -> memref<1x1x8x512xf32, #tpu.memory_space<hbm>>
        %dma_start3A_721 = tpu.memref_squeeze %dma_start3A_720 : memref<1x1x8x512xf32, #tpu.memory_space<hbm>> -> memref<8x512xf32, #tpu.memory_space<hbm>>
        tpu.enqueue_dma source(%dma_start3A_721 : memref<8x512xf32, #tpu.memory_space<hbm>>) target(%dma_start3A_718 : memref<8x512xf32, #tpu.memory_space<vmem>>) target_semaphore(%arg10 : memref<!tpu.dma_semaphore, #tpu.memory_space<semaphore_mem>>)
        %dma_start3A_722 = arith.constant 6 : i32
        %dma_start3A_723 = arith.constant 6 : i32
        %dma_start3A_724 = arith.constant 0 : i32
        %dma_start3A_725 = arith.constant 0 : i32
        %dma_start3A_726 = tpu.memref_slice %arg5[%dma_start3A_723, %dma_start3A_724, %dma_start3A_725] : memref<8x8x512xf32, #tpu.memory_space<vmem>> -> memref<1x8x512xf32, #tpu.memory_space<vmem>>
        %dma_start3A_727 = tpu.memref_squeeze %dma_start3A_726 : memref<1x8x512xf32, #tpu.memory_space<vmem>> -> memref<8x512xf32, #tpu.memory_space<vmem>>
        %dma_start3A_728 = arith.constant 0 : i32
        %dma_start3A_729 = tpu.memref_slice %arg2[%select_n3A, %dma_start3A_722, %add3A_625, %dma_start3A_728] : memref<4x8x512x512xf32, #tpu.memory_space<hbm>> -> memref<1x1x8x512xf32, #tpu.memory_space<hbm>>
        %dma_start3A_730 = tpu.memref_squeeze %dma_start3A_729 : memref<1x1x8x512xf32, #tpu.memory_space<hbm>> -> memref<8x512xf32, #tpu.memory_space<hbm>>
        %dma_start3A_731 = arith.constant 0 : i32
        %dma_start3A_732 = arith.constant 0 : i32
        %dma_start3A_733 = tpu.memref_slice %arg5[%dma_start3A_723, %dma_start3A_731, %dma_start3A_732] : memref<8x8x512xf32, #tpu.memory_space<vmem>> -> memref<1x8x512xf32, #tpu.memory_space<vmem>>
        %dma_start3A_734 = tpu.memref_squeeze %dma_start3A_733 : memref<1x8x512xf32, #tpu.memory_space<vmem>> -> memref<8x512xf32, #tpu.memory_space<vmem>>
        %dma_start3A_735 = arith.constant 0 : i32
        %dma_start3A_736 = tpu.memref_slice %arg2[%select_n3A, %dma_start3A_722, %add3A_625, %dma_start3A_735] : memref<4x8x512x512xf32, #tpu.memory_space<hbm>> -> memref<1x1x8x512xf32, #tpu.memory_space<hbm>>
        %dma_start3A_737 = tpu.memref_squeeze %dma_start3A_736 : memref<1x1x8x512xf32, #tpu.memory_space<hbm>> -> memref<8x512xf32, #tpu.memory_space<hbm>>
        tpu.enqueue_dma source(%dma_start3A_737 : memref<8x512xf32, #tpu.memory_space<hbm>>) target(%dma_start3A_734 : memref<8x512xf32, #tpu.memory_space<vmem>>) target_semaphore(%arg10 : memref<!tpu.dma_semaphore, #tpu.memory_space<semaphore_mem>>)
        %dma_start3A_738 = arith.constant 7 : i32
        %dma_start3A_739 = arith.constant 7 : i32
        %dma_start3A_740 = arith.constant 0 : i32
        %dma_start3A_741 = arith.constant 0 : i32
        %dma_start3A_742 = tpu.memref_slice %arg5[%dma_start3A_739, %dma_start3A_740, %dma_start3A_741] : memref<8x8x512xf32, #tpu.memory_space<vmem>> -> memref<1x8x512xf32, #tpu.memory_space<vmem>>
        %dma_start3A_743 = tpu.memref_squeeze %dma_start3A_742 : memref<1x8x512xf32, #tpu.memory_space<vmem>> -> memref<8x512xf32, #tpu.memory_space<vmem>>
        %dma_start3A_744 = arith.constant 0 : i32
        %dma_start3A_745 = tpu.memref_slice %arg2[%select_n3A, %dma_start3A_738, %add3A_625, %dma_start3A_744] : memref<4x8x512x512xf32, #tpu.memory_space<hbm>> -> memref<1x1x8x512xf32, #tpu.memory_space<hbm>>
        %dma_start3A_746 = tpu.memref_squeeze %dma_start3A_745 : memref<1x1x8x512xf32, #tpu.memory_space<hbm>> -> memref<8x512xf32, #tpu.memory_space<hbm>>
        %dma_start3A_747 = arith.constant 0 : i32
        %dma_start3A_748 = arith.constant 0 : i32
        %dma_start3A_749 = tpu.memref_slice %arg5[%dma_start3A_739, %dma_start3A_747, %dma_start3A_748] : memref<8x8x512xf32, #tpu.memory_space<vmem>> -> memref<1x8x512xf32, #tpu.memory_space<vmem>>
        %dma_start3A_750 = tpu.memref_squeeze %dma_start3A_749 : memref<1x8x512xf32, #tpu.memory_space<vmem>> -> memref<8x512xf32, #tpu.memory_space<vmem>>
        %dma_start3A_751 = arith.constant 0 : i32
        %dma_start3A_752 = tpu.memref_slice %arg2[%select_n3A, %dma_start3A_738, %add3A_625, %dma_start3A_751] : memref<4x8x512x512xf32, #tpu.memory_space<hbm>> -> memref<1x1x8x512xf32, #tpu.memory_space<hbm>>
        %dma_start3A_753 = tpu.memref_squeeze %dma_start3A_752 : memref<1x1x8x512xf32, #tpu.memory_space<hbm>> -> memref<8x512xf32, #tpu.memory_space<hbm>>
        tpu.enqueue_dma source(%dma_start3A_753 : memref<8x512xf32, #tpu.memory_space<hbm>>) target(%dma_start3A_750 : memref<8x512xf32, #tpu.memory_space<vmem>>) target_semaphore(%arg10 : memref<!tpu.dma_semaphore, #tpu.memory_space<semaphore_mem>>)
        %dma_start3A_754 = arith.constant 0 : i32
        %dma_start3A_755 = tpu.memref_slice %arg3[%select_n3A, %add3A_625, %dma_start3A_754] : memref<4x512x512xi32, #tpu.memory_space<hbm>> -> memref<1x8x512xi32, #tpu.memory_space<hbm>>
        %dma_start3A_756 = tpu.memref_squeeze %dma_start3A_755 : memref<1x8x512xi32, #tpu.memory_space<hbm>> -> memref<8x512xi32, #tpu.memory_space<hbm>>
        %dma_start3A_757 = arith.constant 0 : i32
        %dma_start3A_758 = tpu.memref_slice %arg3[%select_n3A, %add3A_625, %dma_start3A_757] : memref<4x512x512xi32, #tpu.memory_space<hbm>> -> memref<1x8x512xi32, #tpu.memory_space<hbm>>
        %dma_start3A_759 = tpu.memref_squeeze %dma_start3A_758 : memref<1x8x512xi32, #tpu.memory_space<hbm>> -> memref<8x512xi32, #tpu.memory_space<hbm>>
        tpu.enqueue_dma source(%dma_start3A_759 : memref<8x512xi32, #tpu.memory_space<hbm>>) target(%arg6 : memref<8x512xi32, #tpu.memory_space<vmem>>) target_semaphore(%arg10 : memref<!tpu.dma_semaphore, #tpu.memory_space<semaphore_mem>>)
      } else {
      }
      %add3A_479 = arith.constant 1 : i32
      %add3A_480 = arith.addi %mul3A_196, %add3A_479 : i32
      %mul3A_481 = arith.constant 8 : i32
      %mul3A_482 = arith.muli %add3A_480, %mul3A_481 : i32
      %add3A_483 = arith.addi %mul3A_32, %mul3A_482 : i32
      %dma_wait3A_484 = arith.constant 0 : i32
      %dma_wait3A_485 = arith.constant 0 : i32
      %dma_wait3A_486 = arith.constant 0 : i32
      %dma_wait3A_487 = arith.constant 0 : i32
      %dma_wait3A_488 = tpu.memref_slice %arg7[%dma_wait3A_485, %dma_wait3A_486, %dma_wait3A_487] : memref<8x8x512xf32, #tpu.memory_space<vmem>> -> memref<1x8x512xf32, #tpu.memory_space<vmem>>
      %dma_wait3A_489 = tpu.memref_squeeze %dma_wait3A_488 : memref<1x8x512xf32, #tpu.memory_space<vmem>> -> memref<8x512xf32, #tpu.memory_space<vmem>>
      %dma_wait3A_490 = arith.constant 0 : i32
      %dma_wait3A_491 = tpu.memref_slice %arg2[%select_n3A, %dma_wait3A_484, %add3A_483, %dma_wait3A_490] : memref<4x8x512x512xf32, #tpu.memory_space<hbm>> -> memref<1x1x8x512xf32, #tpu.memory_space<hbm>>
      %dma_wait3A_492 = tpu.memref_squeeze %dma_wait3A_491 : memref<1x1x8x512xf32, #tpu.memory_space<hbm>> -> memref<8x512xf32, #tpu.memory_space<hbm>>
      %dma_wait3A_493 = arith.constant 0 : i32
      %dma_wait3A_494 = arith.constant 0 : i32
      %dma_wait3A_495 = tpu.memref_slice %arg7[%dma_wait3A_485, %dma_wait3A_493, %dma_wait3A_494] : memref<8x8x512xf32, #tpu.memory_space<vmem>> -> memref<1x8x512xf32, #tpu.memory_space<vmem>>
      %dma_wait3A_496 = tpu.memref_squeeze %dma_wait3A_495 : memref<1x8x512xf32, #tpu.memory_space<vmem>> -> memref<8x512xf32, #tpu.memory_space<vmem>>
      %dma_wait3A_497 = arith.constant 0 : i32
      %dma_wait3A_498 = tpu.memref_slice %arg2[%select_n3A, %dma_wait3A_484, %add3A_483, %dma_wait3A_497] : memref<4x8x512x512xf32, #tpu.memory_space<hbm>> -> memref<1x1x8x512xf32, #tpu.memory_space<hbm>>
      %dma_wait3A_499 = tpu.memref_squeeze %dma_wait3A_498 : memref<1x1x8x512xf32, #tpu.memory_space<hbm>> -> memref<8x512xf32, #tpu.memory_space<hbm>>
      tpu.wait_dma2 semaphore(%arg11 : memref<!tpu.dma_semaphore, #tpu.memory_space<semaphore_mem>>) src(%dma_wait3A_499 : memref<8x512xf32, #tpu.memory_space<hbm>>) dst(%dma_wait3A_496 : memref<8x512xf32, #tpu.memory_space<vmem>>)
      %dma_wait3A_500 = arith.constant 1 : i32
      %dma_wait3A_501 = arith.constant 1 : i32
      %dma_wait3A_502 = arith.constant 0 : i32
      %dma_wait3A_503 = arith.constant 0 : i32
      %dma_wait3A_504 = tpu.memref_slice %arg7[%dma_wait3A_501, %dma_wait3A_502, %dma_wait3A_503] : memref<8x8x512xf32, #tpu.memory_space<vmem>> -> memref<1x8x512xf32, #tpu.memory_space<vmem>>
      %dma_wait3A_505 = tpu.memref_squeeze %dma_wait3A_504 : memref<1x8x512xf32, #tpu.memory_space<vmem>> -> memref<8x512xf32, #tpu.memory_space<vmem>>
      %dma_wait3A_506 = arith.constant 0 : i32
      %dma_wait3A_507 = tpu.memref_slice %arg2[%select_n3A, %dma_wait3A_500, %add3A_483, %dma_wait3A_506] : memref<4x8x512x512xf32, #tpu.memory_space<hbm>> -> memref<1x1x8x512xf32, #tpu.memory_space<hbm>>
      %dma_wait3A_508 = tpu.memref_squeeze %dma_wait3A_507 : memref<1x1x8x512xf32, #tpu.memory_space<hbm>> -> memref<8x512xf32, #tpu.memory_space<hbm>>
      %dma_wait3A_509 = arith.constant 0 : i32
      %dma_wait3A_510 = arith.constant 0 : i32
      %dma_wait3A_511 = tpu.memref_slice %arg7[%dma_wait3A_501, %dma_wait3A_509, %dma_wait3A_510] : memref<8x8x512xf32, #tpu.memory_space<vmem>> -> memref<1x8x512xf32, #tpu.memory_space<vmem>>
      %dma_wait3A_512 = tpu.memref_squeeze %dma_wait3A_511 : memref<1x8x512xf32, #tpu.memory_space<vmem>> -> memref<8x512xf32, #tpu.memory_space<vmem>>
      %dma_wait3A_513 = arith.constant 0 : i32
      %dma_wait3A_514 = tpu.memref_slice %arg2[%select_n3A, %dma_wait3A_500, %add3A_483, %dma_wait3A_513] : memref<4x8x512x512xf32, #tpu.memory_space<hbm>> -> memref<1x1x8x512xf32, #tpu.memory_space<hbm>>
      %dma_wait3A_515 = tpu.memref_squeeze %dma_wait3A_514 : memref<1x1x8x512xf32, #tpu.memory_space<hbm>> -> memref<8x512xf32, #tpu.memory_space<hbm>>
      tpu.wait_dma2 semaphore(%arg11 : memref<!tpu.dma_semaphore, #tpu.memory_space<semaphore_mem>>) src(%dma_wait3A_515 : memref<8x512xf32, #tpu.memory_space<hbm>>) dst(%dma_wait3A_512 : memref<8x512xf32, #tpu.memory_space<vmem>>)
      %dma_wait3A_516 = arith.constant 2 : i32
      %dma_wait3A_517 = arith.constant 2 : i32
      %dma_wait3A_518 = arith.constant 0 : i32
      %dma_wait3A_519 = arith.constant 0 : i32
      %dma_wait3A_520 = tpu.memref_slice %arg7[%dma_wait3A_517, %dma_wait3A_518, %dma_wait3A_519] : memref<8x8x512xf32, #tpu.memory_space<vmem>> -> memref<1x8x512xf32, #tpu.memory_space<vmem>>
      %dma_wait3A_521 = tpu.memref_squeeze %dma_wait3A_520 : memref<1x8x512xf32, #tpu.memory_space<vmem>> -> memref<8x512xf32, #tpu.memory_space<vmem>>
      %dma_wait3A_522 = arith.constant 0 : i32
      %dma_wait3A_523 = tpu.memref_slice %arg2[%select_n3A, %dma_wait3A_516, %add3A_483, %dma_wait3A_522] : memref<4x8x512x512xf32, #tpu.memory_space<hbm>> -> memref<1x1x8x512xf32, #tpu.memory_space<hbm>>
      %dma_wait3A_524 = tpu.memref_squeeze %dma_wait3A_523 : memref<1x1x8x512xf32, #tpu.memory_space<hbm>> -> memref<8x512xf32, #tpu.memory_space<hbm>>
      %dma_wait3A_525 = arith.constant 0 : i32
      %dma_wait3A_526 = arith.constant 0 : i32
      %dma_wait3A_527 = tpu.memref_slice %arg7[%dma_wait3A_517, %dma_wait3A_525, %dma_wait3A_526] : memref<8x8x512xf32, #tpu.memory_space<vmem>> -> memref<1x8x512xf32, #tpu.memory_space<vmem>>
      %dma_wait3A_528 = tpu.memref_squeeze %dma_wait3A_527 : memref<1x8x512xf32, #tpu.memory_space<vmem>> -> memref<8x512xf32, #tpu.memory_space<vmem>>
      %dma_wait3A_529 = arith.constant 0 : i32
      %dma_wait3A_530 = tpu.memref_slice %arg2[%select_n3A, %dma_wait3A_516, %add3A_483, %dma_wait3A_529] : memref<4x8x512x512xf32, #tpu.memory_space<hbm>> -> memref<1x1x8x512xf32, #tpu.memory_space<hbm>>
      %dma_wait3A_531 = tpu.memref_squeeze %dma_wait3A_530 : memref<1x1x8x512xf32, #tpu.memory_space<hbm>> -> memref<8x512xf32, #tpu.memory_space<hbm>>
      tpu.wait_dma2 semaphore(%arg11 : memref<!tpu.dma_semaphore, #tpu.memory_space<semaphore_mem>>) src(%dma_wait3A_531 : memref<8x512xf32, #tpu.memory_space<hbm>>) dst(%dma_wait3A_528 : memref<8x512xf32, #tpu.memory_space<vmem>>)
      %dma_wait3A_532 = arith.constant 3 : i32
      %dma_wait3A_533 = arith.constant 3 : i32
      %dma_wait3A_534 = arith.constant 0 : i32
      %dma_wait3A_535 = arith.constant 0 : i32
      %dma_wait3A_536 = tpu.memref_slice %arg7[%dma_wait3A_533, %dma_wait3A_534, %dma_wait3A_535] : memref<8x8x512xf32, #tpu.memory_space<vmem>> -> memref<1x8x512xf32, #tpu.memory_space<vmem>>
      %dma_wait3A_537 = tpu.memref_squeeze %dma_wait3A_536 : memref<1x8x512xf32, #tpu.memory_space<vmem>> -> memref<8x512xf32, #tpu.memory_space<vmem>>
      %dma_wait3A_538 = arith.constant 0 : i32
      %dma_wait3A_539 = tpu.memref_slice %arg2[%select_n3A, %dma_wait3A_532, %add3A_483, %dma_wait3A_538] : memref<4x8x512x512xf32, #tpu.memory_space<hbm>> -> memref<1x1x8x512xf32, #tpu.memory_space<hbm>>
      %dma_wait3A_540 = tpu.memref_squeeze %dma_wait3A_539 : memref<1x1x8x512xf32, #tpu.memory_space<hbm>> -> memref<8x512xf32, #tpu.memory_space<hbm>>
      %dma_wait3A_541 = arith.constant 0 : i32
      %dma_wait3A_542 = arith.constant 0 : i32
      %dma_wait3A_543 = tpu.memref_slice %arg7[%dma_wait3A_533, %dma_wait3A_541, %dma_wait3A_542] : memref<8x8x512xf32, #tpu.memory_space<vmem>> -> memref<1x8x512xf32, #tpu.memory_space<vmem>>
      %dma_wait3A_544 = tpu.memref_squeeze %dma_wait3A_543 : memref<1x8x512xf32, #tpu.memory_space<vmem>> -> memref<8x512xf32, #tpu.memory_space<vmem>>
      %dma_wait3A_545 = arith.constant 0 : i32
      %dma_wait3A_546 = tpu.memref_slice %arg2[%select_n3A, %dma_wait3A_532, %add3A_483, %dma_wait3A_545] : memref<4x8x512x512xf32, #tpu.memory_space<hbm>> -> memref<1x1x8x512xf32, #tpu.memory_space<hbm>>
      %dma_wait3A_547 = tpu.memref_squeeze %dma_wait3A_546 : memref<1x1x8x512xf32, #tpu.memory_space<hbm>> -> memref<8x512xf32, #tpu.memory_space<hbm>>
      tpu.wait_dma2 semaphore(%arg11 : memref<!tpu.dma_semaphore, #tpu.memory_space<semaphore_mem>>) src(%dma_wait3A_547 : memref<8x512xf32, #tpu.memory_space<hbm>>) dst(%dma_wait3A_544 : memref<8x512xf32, #tpu.memory_space<vmem>>)
      %dma_wait3A_548 = arith.constant 4 : i32
      %dma_wait3A_549 = arith.constant 4 : i32
      %dma_wait3A_550 = arith.constant 0 : i32
      %dma_wait3A_551 = arith.constant 0 : i32
      %dma_wait3A_552 = tpu.memref_slice %arg7[%dma_wait3A_549, %dma_wait3A_550, %dma_wait3A_551] : memref<8x8x512xf32, #tpu.memory_space<vmem>> -> memref<1x8x512xf32, #tpu.memory_space<vmem>>
      %dma_wait3A_553 = tpu.memref_squeeze %dma_wait3A_552 : memref<1x8x512xf32, #tpu.memory_space<vmem>> -> memref<8x512xf32, #tpu.memory_space<vmem>>
      %dma_wait3A_554 = arith.constant 0 : i32
      %dma_wait3A_555 = tpu.memref_slice %arg2[%select_n3A, %dma_wait3A_548, %add3A_483, %dma_wait3A_554] : memref<4x8x512x512xf32, #tpu.memory_space<hbm>> -> memref<1x1x8x512xf32, #tpu.memory_space<hbm>>
      %dma_wait3A_556 = tpu.memref_squeeze %dma_wait3A_555 : memref<1x1x8x512xf32, #tpu.memory_space<hbm>> -> memref<8x512xf32, #tpu.memory_space<hbm>>
      %dma_wait3A_557 = arith.constant 0 : i32
      %dma_wait3A_558 = arith.constant 0 : i32
      %dma_wait3A_559 = tpu.memref_slice %arg7[%dma_wait3A_549, %dma_wait3A_557, %dma_wait3A_558] : memref<8x8x512xf32, #tpu.memory_space<vmem>> -> memref<1x8x512xf32, #tpu.memory_space<vmem>>
      %dma_wait3A_560 = tpu.memref_squeeze %dma_wait3A_559 : memref<1x8x512xf32, #tpu.memory_space<vmem>> -> memref<8x512xf32, #tpu.memory_space<vmem>>
      %dma_wait3A_561 = arith.constant 0 : i32
      %dma_wait3A_562 = tpu.memref_slice %arg2[%select_n3A, %dma_wait3A_548, %add3A_483, %dma_wait3A_561] : memref<4x8x512x512xf32, #tpu.memory_space<hbm>> -> memref<1x1x8x512xf32, #tpu.memory_space<hbm>>
      %dma_wait3A_563 = tpu.memref_squeeze %dma_wait3A_562 : memref<1x1x8x512xf32, #tpu.memory_space<hbm>> -> memref<8x512xf32, #tpu.memory_space<hbm>>
      tpu.wait_dma2 semaphore(%arg11 : memref<!tpu.dma_semaphore, #tpu.memory_space<semaphore_mem>>) src(%dma_wait3A_563 : memref<8x512xf32, #tpu.memory_space<hbm>>) dst(%dma_wait3A_560 : memref<8x512xf32, #tpu.memory_space<vmem>>)
      %dma_wait3A_564 = arith.constant 5 : i32
      %dma_wait3A_565 = arith.constant 5 : i32
      %dma_wait3A_566 = arith.constant 0 : i32
      %dma_wait3A_567 = arith.constant 0 : i32
      %dma_wait3A_568 = tpu.memref_slice %arg7[%dma_wait3A_565, %dma_wait3A_566, %dma_wait3A_567] : memref<8x8x512xf32, #tpu.memory_space<vmem>> -> memref<1x8x512xf32, #tpu.memory_space<vmem>>
      %dma_wait3A_569 = tpu.memref_squeeze %dma_wait3A_568 : memref<1x8x512xf32, #tpu.memory_space<vmem>> -> memref<8x512xf32, #tpu.memory_space<vmem>>
      %dma_wait3A_570 = arith.constant 0 : i32
      %dma_wait3A_571 = tpu.memref_slice %arg2[%select_n3A, %dma_wait3A_564, %add3A_483, %dma_wait3A_570] : memref<4x8x512x512xf32, #tpu.memory_space<hbm>> -> memref<1x1x8x512xf32, #tpu.memory_space<hbm>>
      %dma_wait3A_572 = tpu.memref_squeeze %dma_wait3A_571 : memref<1x1x8x512xf32, #tpu.memory_space<hbm>> -> memref<8x512xf32, #tpu.memory_space<hbm>>
      %dma_wait3A_573 = arith.constant 0 : i32
      %dma_wait3A_574 = arith.constant 0 : i32
      %dma_wait3A_575 = tpu.memref_slice %arg7[%dma_wait3A_565, %dma_wait3A_573, %dma_wait3A_574] : memref<8x8x512xf32, #tpu.memory_space<vmem>> -> memref<1x8x512xf32, #tpu.memory_space<vmem>>
      %dma_wait3A_576 = tpu.memref_squeeze %dma_wait3A_575 : memref<1x8x512xf32, #tpu.memory_space<vmem>> -> memref<8x512xf32, #tpu.memory_space<vmem>>
      %dma_wait3A_577 = arith.constant 0 : i32
      %dma_wait3A_578 = tpu.memref_slice %arg2[%select_n3A, %dma_wait3A_564, %add3A_483, %dma_wait3A_577] : memref<4x8x512x512xf32, #tpu.memory_space<hbm>> -> memref<1x1x8x512xf32, #tpu.memory_space<hbm>>
      %dma_wait3A_579 = tpu.memref_squeeze %dma_wait3A_578 : memref<1x1x8x512xf32, #tpu.memory_space<hbm>> -> memref<8x512xf32, #tpu.memory_space<hbm>>
      tpu.wait_dma2 semaphore(%arg11 : memref<!tpu.dma_semaphore, #tpu.memory_space<semaphore_mem>>) src(%dma_wait3A_579 : memref<8x512xf32, #tpu.memory_space<hbm>>) dst(%dma_wait3A_576 : memref<8x512xf32, #tpu.memory_space<vmem>>)
      %dma_wait3A_580 = arith.constant 6 : i32
      %dma_wait3A_581 = arith.constant 6 : i32
      %dma_wait3A_582 = arith.constant 0 : i32
      %dma_wait3A_583 = arith.constant 0 : i32
      %dma_wait3A_584 = tpu.memref_slice %arg7[%dma_wait3A_581, %dma_wait3A_582, %dma_wait3A_583] : memref<8x8x512xf32, #tpu.memory_space<vmem>> -> memref<1x8x512xf32, #tpu.memory_space<vmem>>
      %dma_wait3A_585 = tpu.memref_squeeze %dma_wait3A_584 : memref<1x8x512xf32, #tpu.memory_space<vmem>> -> memref<8x512xf32, #tpu.memory_space<vmem>>
      %dma_wait3A_586 = arith.constant 0 : i32
      %dma_wait3A_587 = tpu.memref_slice %arg2[%select_n3A, %dma_wait3A_580, %add3A_483, %dma_wait3A_586] : memref<4x8x512x512xf32, #tpu.memory_space<hbm>> -> memref<1x1x8x512xf32, #tpu.memory_space<hbm>>
      %dma_wait3A_588 = tpu.memref_squeeze %dma_wait3A_587 : memref<1x1x8x512xf32, #tpu.memory_space<hbm>> -> memref<8x512xf32, #tpu.memory_space<hbm>>
      %dma_wait3A_589 = arith.constant 0 : i32
      %dma_wait3A_590 = arith.constant 0 : i32
      %dma_wait3A_591 = tpu.memref_slice %arg7[%dma_wait3A_581, %dma_wait3A_589, %dma_wait3A_590] : memref<8x8x512xf32, #tpu.memory_space<vmem>> -> memref<1x8x512xf32, #tpu.memory_space<vmem>>
      %dma_wait3A_592 = tpu.memref_squeeze %dma_wait3A_591 : memref<1x8x512xf32, #tpu.memory_space<vmem>> -> memref<8x512xf32, #tpu.memory_space<vmem>>
      %dma_wait3A_593 = arith.constant 0 : i32
      %dma_wait3A_594 = tpu.memref_slice %arg2[%select_n3A, %dma_wait3A_580, %add3A_483, %dma_wait3A_593] : memref<4x8x512x512xf32, #tpu.memory_space<hbm>> -> memref<1x1x8x512xf32, #tpu.memory_space<hbm>>
      %dma_wait3A_595 = tpu.memref_squeeze %dma_wait3A_594 : memref<1x1x8x512xf32, #tpu.memory_space<hbm>> -> memref<8x512xf32, #tpu.memory_space<hbm>>
      tpu.wait_dma2 semaphore(%arg11 : memref<!tpu.dma_semaphore, #tpu.memory_space<semaphore_mem>>) src(%dma_wait3A_595 : memref<8x512xf32, #tpu.memory_space<hbm>>) dst(%dma_wait3A_592 : memref<8x512xf32, #tpu.memory_space<vmem>>)
      %dma_wait3A_596 = arith.constant 7 : i32
      %dma_wait3A_597 = arith.constant 7 : i32
      %dma_wait3A_598 = arith.constant 0 : i32
      %dma_wait3A_599 = arith.constant 0 : i32
      %dma_wait3A_600 = tpu.memref_slice %arg7[%dma_wait3A_597, %dma_wait3A_598, %dma_wait3A_599] : memref<8x8x512xf32, #tpu.memory_space<vmem>> -> memref<1x8x512xf32, #tpu.memory_space<vmem>>
      %dma_wait3A_601 = tpu.memref_squeeze %dma_wait3A_600 : memref<1x8x512xf32, #tpu.memory_space<vmem>> -> memref<8x512xf32, #tpu.memory_space<vmem>>
      %dma_wait3A_602 = arith.constant 0 : i32
      %dma_wait3A_603 = tpu.memref_slice %arg2[%select_n3A, %dma_wait3A_596, %add3A_483, %dma_wait3A_602] : memref<4x8x512x512xf32, #tpu.memory_space<hbm>> -> memref<1x1x8x512xf32, #tpu.memory_space<hbm>>
      %dma_wait3A_604 = tpu.memref_squeeze %dma_wait3A_603 : memref<1x1x8x512xf32, #tpu.memory_space<hbm>> -> memref<8x512xf32, #tpu.memory_space<hbm>>
      %dma_wait3A_605 = arith.constant 0 : i32
      %dma_wait3A_606 = arith.constant 0 : i32
      %dma_wait3A_607 = tpu.memref_slice %arg7[%dma_wait3A_597, %dma_wait3A_605, %dma_wait3A_606] : memref<8x8x512xf32, #tpu.memory_space<vmem>> -> memref<1x8x512xf32, #tpu.memory_space<vmem>>
      %dma_wait3A_608 = tpu.memref_squeeze %dma_wait3A_607 : memref<1x8x512xf32, #tpu.memory_space<vmem>> -> memref<8x512xf32, #tpu.memory_space<vmem>>
      %dma_wait3A_609 = arith.constant 0 : i32
      %dma_wait3A_610 = tpu.memref_slice %arg2[%select_n3A, %dma_wait3A_596, %add3A_483, %dma_wait3A_609] : memref<4x8x512x512xf32, #tpu.memory_space<hbm>> -> memref<1x1x8x512xf32, #tpu.memory_space<hbm>>
      %dma_wait3A_611 = tpu.memref_squeeze %dma_wait3A_610 : memref<1x1x8x512xf32, #tpu.memory_space<hbm>> -> memref<8x512xf32, #tpu.memory_space<hbm>>
      tpu.wait_dma2 semaphore(%arg11 : memref<!tpu.dma_semaphore, #tpu.memory_space<semaphore_mem>>) src(%dma_wait3A_611 : memref<8x512xf32, #tpu.memory_space<hbm>>) dst(%dma_wait3A_608 : memref<8x512xf32, #tpu.memory_space<vmem>>)
      %dma_wait3A_612 = arith.constant 0 : i32
      %dma_wait3A_613 = tpu.memref_slice %arg3[%select_n3A, %add3A_483, %dma_wait3A_612] : memref<4x512x512xi32, #tpu.memory_space<hbm>> -> memref<1x8x512xi32, #tpu.memory_space<hbm>>
      %dma_wait3A_614 = tpu.memref_squeeze %dma_wait3A_613 : memref<1x8x512xi32, #tpu.memory_space<hbm>> -> memref<8x512xi32, #tpu.memory_space<hbm>>
      %dma_wait3A_615 = arith.constant 0 : i32
      %dma_wait3A_616 = tpu.memref_slice %arg3[%select_n3A, %add3A_483, %dma_wait3A_615] : memref<4x512x512xi32, #tpu.memory_space<hbm>> -> memref<1x8x512xi32, #tpu.memory_space<hbm>>
      %dma_wait3A_617 = tpu.memref_squeeze %dma_wait3A_616 : memref<1x8x512xi32, #tpu.memory_space<hbm>> -> memref<8x512xi32, #tpu.memory_space<hbm>>
      tpu.wait_dma2 semaphore(%arg11 : memref<!tpu.dma_semaphore, #tpu.memory_space<semaphore_mem>>) src(%dma_wait3A_617 : memref<8x512xi32, #tpu.memory_space<hbm>>) dst(%arg8 : memref<8x512xi32, #tpu.memory_space<vmem>>)
      %parallel_loop3A_618 = arith.constant 0 : i32
      %parallel_loop3A_619 = arith.constant 256 : i32
      %parallel_loop3A_620 = arith.constant 1 : i32
      scf.for %parallel_loop3A_621 = %parallel_loop3A_618 to %parallel_loop3A_619 step %parallel_loop3A_620  : i32 {
        %parallel_loop3A_622 = arith.constant 5 : i32
        %parallel_loop3A_623 = arith.shrsi %parallel_loop3A_621, %parallel_loop3A_622 : i32
        %parallel_loop3A_624 = arith.constant 31 : i32
        %parallel_loop3A_625 = arith.andi %parallel_loop3A_621, %parallel_loop3A_624 : i32
        %parallel_loop3A_626 = arith.constant 16 : i32
        %parallel_loop3A_627 = arith.muli %parallel_loop3A_625, %parallel_loop3A_626 : i32
        %parallel_loop3A_628 = arith.index_cast %parallel_loop3A_623 : i32 to index
        %parallel_loop3A_629 = arith.index_cast %parallel_loop3A_627 : i32 to index
        %parallel_loop3A_630 = tpu.vector_load %arg8[%parallel_loop3A_628, %parallel_loop3A_629] {strides = array<i32>} : memref<8x512xi32, #tpu.memory_space<vmem>>, vector<16xi32>,
        %parallel_loop3A_631 = arith.constant 0 : i64
        %parallel_loop3A_632 = arith.index_cast %parallel_loop3A_631 : i64 to index
        %parallel_loop3A_633 = arith.index_cast %parallel_loop3A_623 : i32 to index
        %parallel_loop3A_634 = arith.index_cast %parallel_loop3A_627 : i32 to index
        %parallel_loop3A_635 = tpu.vector_load %arg7[%parallel_loop3A_632, %parallel_loop3A_633, %parallel_loop3A_634] {strides = array<i32>} : memref<8x8x512xf32, #tpu.memory_space<vmem>>, vector<16xf32>,
        %parallel_loop3A_636 = math.exp %parallel_loop3A_635 : vector<16xf32>
        %parallel_loop3A_637 = arith.constant 1 : i64
        %parallel_loop3A_638 = arith.index_cast %parallel_loop3A_637 : i64 to index
        %parallel_loop3A_639 = arith.index_cast %parallel_loop3A_623 : i32 to index
        %parallel_loop3A_640 = arith.index_cast %parallel_loop3A_627 : i32 to index
        %parallel_loop3A_641 = tpu.vector_load %arg7[%parallel_loop3A_638, %parallel_loop3A_639, %parallel_loop3A_640] {strides = array<i32>} : memref<8x8x512xf32, #tpu.memory_space<vmem>>, vector<16xf32>,
        %parallel_loop3A_642 = math.exp %parallel_loop3A_641 : vector<16xf32>
        %parallel_loop3A_643 = arith.constant 2 : i64
        %parallel_loop3A_644 = arith.index_cast %parallel_loop3A_643 : i64 to index
        %parallel_loop3A_645 = arith.index_cast %parallel_loop3A_623 : i32 to index
        %parallel_loop3A_646 = arith.index_cast %parallel_loop3A_627 : i32 to index
        %parallel_loop3A_647 = tpu.vector_load %arg7[%parallel_loop3A_644, %parallel_loop3A_645, %parallel_loop3A_646] {strides = array<i32>} : memref<8x8x512xf32, #tpu.memory_space<vmem>>, vector<16xf32>,
        %parallel_loop3A_648 = math.exp %parallel_loop3A_647 : vector<16xf32>
        %parallel_loop3A_649 = arith.constant 3 : i64
        %parallel_loop3A_650 = arith.index_cast %parallel_loop3A_649 : i64 to index
        %parallel_loop3A_651 = arith.index_cast %parallel_loop3A_623 : i32 to index
        %parallel_loop3A_652 = arith.index_cast %parallel_loop3A_627 : i32 to index
        %parallel_loop3A_653 = tpu.vector_load %arg7[%parallel_loop3A_650, %parallel_loop3A_651, %parallel_loop3A_652] {strides = array<i32>} : memref<8x8x512xf32, #tpu.memory_space<vmem>>, vector<16xf32>,
        %parallel_loop3A_654 = math.exp %parallel_loop3A_653 : vector<16xf32>
        %parallel_loop3A_655 = arith.constant 4 : i64
        %parallel_loop3A_656 = arith.index_cast %parallel_loop3A_655 : i64 to index
        %parallel_loop3A_657 = arith.index_cast %parallel_loop3A_623 : i32 to index
        %parallel_loop3A_658 = arith.index_cast %parallel_loop3A_627 : i32 to index
        %parallel_loop3A_659 = tpu.vector_load %arg7[%parallel_loop3A_656, %parallel_loop3A_657, %parallel_loop3A_658] {strides = array<i32>} : memref<8x8x512xf32, #tpu.memory_space<vmem>>, vector<16xf32>,
        %parallel_loop3A_660 = math.exp %parallel_loop3A_659 : vector<16xf32>
        %parallel_loop3A_661 = arith.constant 5 : i64
        %parallel_loop3A_662 = arith.index_cast %parallel_loop3A_661 : i64 to index
        %parallel_loop3A_663 = arith.index_cast %parallel_loop3A_623 : i32 to index
        %parallel_loop3A_664 = arith.index_cast %parallel_loop3A_627 : i32 to index
        %parallel_loop3A_665 = tpu.vector_load %arg7[%parallel_loop3A_662, %parallel_loop3A_663, %parallel_loop3A_664] {strides = array<i32>} : memref<8x8x512xf32, #tpu.memory_space<vmem>>, vector<16xf32>,
        %parallel_loop3A_666 = math.exp %parallel_loop3A_665 : vector<16xf32>
        %parallel_loop3A_667 = arith.constant 6 : i64
        %parallel_loop3A_668 = arith.index_cast %parallel_loop3A_667 : i64 to index
        %parallel_loop3A_669 = arith.index_cast %parallel_loop3A_623 : i32 to index
        %parallel_loop3A_670 = arith.index_cast %parallel_loop3A_627 : i32 to index
        %parallel_loop3A_671 = tpu.vector_load %arg7[%parallel_loop3A_668, %parallel_loop3A_669, %parallel_loop3A_670] {strides = array<i32>} : memref<8x8x512xf32, #tpu.memory_space<vmem>>, vector<16xf32>,
        %parallel_loop3A_672 = math.exp %parallel_loop3A_671 : vector<16xf32>
        %parallel_loop3A_673 = arith.constant 7 : i64
        %parallel_loop3A_674 = arith.index_cast %parallel_loop3A_673 : i64 to index
        %parallel_loop3A_675 = arith.index_cast %parallel_loop3A_623 : i32 to index
        %parallel_loop3A_676 = arith.index_cast %parallel_loop3A_627 : i32 to index
        %parallel_loop3A_677 = tpu.vector_load %arg7[%parallel_loop3A_674, %parallel_loop3A_675, %parallel_loop3A_676] {strides = array<i32>} : memref<8x8x512xf32, #tpu.memory_space<vmem>>, vector<16xf32>,
        %parallel_loop3A_678 = math.exp %parallel_loop3A_677 : vector<16xf32>
        %parallel_loop3A_679 = arith.addf %parallel_loop3A_636, %parallel_loop3A_642 : vector<16xf32>
        %parallel_loop3A_680 = arith.addf %parallel_loop3A_648, %parallel_loop3A_654 : vector<16xf32>
        %parallel_loop3A_681 = arith.addf %parallel_loop3A_679, %parallel_loop3A_680 : vector<16xf32>
        %parallel_loop3A_682 = arith.addf %parallel_loop3A_660, %parallel_loop3A_666 : vector<16xf32>
        %parallel_loop3A_683 = arith.addf %parallel_loop3A_672, %parallel_loop3A_678 : vector<16xf32>
        %parallel_loop3A_684 = arith.addf %parallel_loop3A_682, %parallel_loop3A_683 : vector<16xf32>
        %parallel_loop3A_685 = arith.addf %parallel_loop3A_681, %parallel_loop3A_684 : vector<16xf32>
        %parallel_loop3A_686 = arith.constant 2.048000e+03 : f32
        %parallel_loop3A_687 = vector.broadcast %parallel_loop3A_686 : f32 to vector<16xf32>
        %parallel_loop3A_688 = arith.divf %parallel_loop3A_687, %parallel_loop3A_685 : vector<16xf32>
        %parallel_loop3A_689 = arith.mulf %parallel_loop3A_642, %parallel_loop3A_688 : vector<16xf32>
        %parallel_loop3A_690 = arith.fptosi %parallel_loop3A_689 : vector<16xf32> to vector<16xi32>
        %parallel_loop3A_691 = arith.constant 1 : i32
        %parallel_loop3A_692 = vector.broadcast %parallel_loop3A_691 : i32 to vector<16xi32>
        %parallel_loop3A_693 = arith.cmpi eq, %parallel_loop3A_630, %parallel_loop3A_692 : vector<16xi32>
        %parallel_loop3A_694 = arith.select %parallel_loop3A_693, %broadcast_in_dim3A_37, %broadcast_in_dim3A_35 : vector<16xi1>, vector<16xi32>
        %parallel_loop3A_695 = arith.constant 0 : i32
        %parallel_loop3A_696 = tpu.memref_slice %arg9[%parallel_loop3A_695] : memref<14352xi32, #tpu.memory_space<vmem>> -> memref<2064xi32, #tpu.memory_space<vmem>>
        tpu.vector_store_idx %parallel_loop3A_696[%parallel_loop3A_690], %parallel_loop3A_694 {add = true} : memref<2064xi32, #tpu.memory_space<vmem>>[vector<16xi32>], vector<16xi32>,
        %parallel_loop3A_697 = arith.mulf %parallel_loop3A_648, %parallel_loop3A_688 : vector<16xf32>
        %parallel_loop3A_698 = arith.fptosi %parallel_loop3A_697 : vector<16xf32> to vector<16xi32>
        %parallel_loop3A_699 = arith.constant 2 : i32
        %parallel_loop3A_700 = vector.broadcast %parallel_loop3A_699 : i32 to vector<16xi32>
        %parallel_loop3A_701 = arith.cmpi eq, %parallel_loop3A_630, %parallel_loop3A_700 : vector<16xi32>
        %parallel_loop3A_702 = arith.select %parallel_loop3A_701, %broadcast_in_dim3A_37, %broadcast_in_dim3A_35 : vector<16xi1>, vector<16xi32>
        %parallel_loop3A_703 = arith.constant 2048 : i32
        %parallel_loop3A_704 = tpu.memref_slice %arg9[%parallel_loop3A_703] : memref<14352xi32, #tpu.memory_space<vmem>> -> memref<2064xi32, #tpu.memory_space<vmem>>
        tpu.vector_store_idx %parallel_loop3A_704[%parallel_loop3A_698], %parallel_loop3A_702 {add = true} : memref<2064xi32, #tpu.memory_space<vmem>>[vector<16xi32>], vector<16xi32>,
        %parallel_loop3A_705 = arith.mulf %parallel_loop3A_654, %parallel_loop3A_688 : vector<16xf32>
        %parallel_loop3A_706 = arith.fptosi %parallel_loop3A_705 : vector<16xf32> to vector<16xi32>
        %parallel_loop3A_707 = arith.constant 3 : i32
        %parallel_loop3A_708 = vector.broadcast %parallel_loop3A_707 : i32 to vector<16xi32>
        %parallel_loop3A_709 = arith.cmpi eq, %parallel_loop3A_630, %parallel_loop3A_708 : vector<16xi32>
        %parallel_loop3A_710 = arith.select %parallel_loop3A_709, %broadcast_in_dim3A_37, %broadcast_in_dim3A_35 : vector<16xi1>, vector<16xi32>
        %parallel_loop3A_711 = arith.constant 4096 : i32
        %parallel_loop3A_712 = tpu.memref_slice %arg9[%parallel_loop3A_711] : memref<14352xi32, #tpu.memory_space<vmem>> -> memref<2064xi32, #tpu.memory_space<vmem>>
        tpu.vector_store_idx %parallel_loop3A_712[%parallel_loop3A_706], %parallel_loop3A_710 {add = true} : memref<2064xi32, #tpu.memory_space<vmem>>[vector<16xi32>], vector<16xi32>,
        %parallel_loop3A_713 = arith.mulf %parallel_loop3A_660, %parallel_loop3A_688 : vector<16xf32>
        %parallel_loop3A_714 = arith.fptosi %parallel_loop3A_713 : vector<16xf32> to vector<16xi32>
        %parallel_loop3A_715 = arith.constant 4 : i32
        %parallel_loop3A_716 = vector.broadcast %parallel_loop3A_715 : i32 to vector<16xi32>
        %parallel_loop3A_717 = arith.cmpi eq, %parallel_loop3A_630, %parallel_loop3A_716 : vector<16xi32>
        %parallel_loop3A_718 = arith.select %parallel_loop3A_717, %broadcast_in_dim3A_37, %broadcast_in_dim3A_35 : vector<16xi1>, vector<16xi32>
        %parallel_loop3A_719 = arith.constant 6144 : i32
        %parallel_loop3A_720 = tpu.memref_slice %arg9[%parallel_loop3A_719] : memref<14352xi32, #tpu.memory_space<vmem>> -> memref<2064xi32, #tpu.memory_space<vmem>>
        tpu.vector_store_idx %parallel_loop3A_720[%parallel_loop3A_714], %parallel_loop3A_718 {add = true} : memref<2064xi32, #tpu.memory_space<vmem>>[vector<16xi32>], vector<16xi32>,
        %parallel_loop3A_721 = arith.mulf %parallel_loop3A_666, %parallel_loop3A_688 : vector<16xf32>
        %parallel_loop3A_722 = arith.fptosi %parallel_loop3A_721 : vector<16xf32> to vector<16xi32>
        %parallel_loop3A_723 = arith.constant 5 : i32
        %parallel_loop3A_724 = vector.broadcast %parallel_loop3A_723 : i32 to vector<16xi32>
        %parallel_loop3A_725 = arith.cmpi eq, %parallel_loop3A_630, %parallel_loop3A_724 : vector<16xi32>
        %parallel_loop3A_726 = arith.select %parallel_loop3A_725, %broadcast_in_dim3A_37, %broadcast_in_dim3A_35 : vector<16xi1>, vector<16xi32>
        %parallel_loop3A_727 = arith.constant 8192 : i32
        %parallel_loop3A_728 = tpu.memref_slice %arg9[%parallel_loop3A_727] : memref<14352xi32, #tpu.memory_space<vmem>> -> memref<2064xi32, #tpu.memory_space<vmem>>
        tpu.vector_store_idx %parallel_loop3A_728[%parallel_loop3A_722], %parallel_loop3A_726 {add = true} : memref<2064xi32, #tpu.memory_space<vmem>>[vector<16xi32>], vector<16xi32>,
        %parallel_loop3A_729 = arith.mulf %parallel_loop3A_672, %parallel_loop3A_688 : vector<16xf32>
        %parallel_loop3A_730 = arith.fptosi %parallel_loop3A_729 : vector<16xf32> to vector<16xi32>
        %parallel_loop3A_731 = arith.constant 6 : i32
        %parallel_loop3A_732 = vector.broadcast %parallel_loop3A_731 : i32 to vector<16xi32>
        %parallel_loop3A_733 = arith.cmpi eq, %parallel_loop3A_630, %parallel_loop3A_732 : vector<16xi32>
        %parallel_loop3A_734 = arith.select %parallel_loop3A_733, %broadcast_in_dim3A_37, %broadcast_in_dim3A_35 : vector<16xi1>, vector<16xi32>
        %parallel_loop3A_735 = arith.constant 10240 : i32
        %parallel_loop3A_736 = tpu.memref_slice %arg9[%parallel_loop3A_735] : memref<14352xi32, #tpu.memory_space<vmem>> -> memref<2064xi32, #tpu.memory_space<vmem>>
        tpu.vector_store_idx %parallel_loop3A_736[%parallel_loop3A_730], %parallel_loop3A_734 {add = true} : memref<2064xi32, #tpu.memory_space<vmem>>[vector<16xi32>], vector<16xi32>,
        %parallel_loop3A_737 = arith.mulf %parallel_loop3A_678, %parallel_loop3A_688 : vector<16xf32>
        %parallel_loop3A_738 = arith.fptosi %parallel_loop3A_737 : vector<16xf32> to vector<16xi32>
        %parallel_loop3A_739 = arith.constant 7 : i32
        %parallel_loop3A_740 = vector.broadcast %parallel_loop3A_739 : i32 to vector<16xi32>
        %parallel_loop3A_741 = arith.cmpi eq, %parallel_loop3A_630, %parallel_loop3A_740 : vector<16xi32>
        %parallel_loop3A_742 = arith.select %parallel_loop3A_741, %broadcast_in_dim3A_37, %broadcast_in_dim3A_35 : vector<16xi1>, vector<16xi32>
        %parallel_loop3A_743 = arith.constant 12288 : i32
        %parallel_loop3A_744 = tpu.memref_slice %arg9[%parallel_loop3A_743] : memref<14352xi32, #tpu.memory_space<vmem>> -> memref<2064xi32, #tpu.memory_space<vmem>>
        tpu.vector_store_idx %parallel_loop3A_744[%parallel_loop3A_738], %parallel_loop3A_742 {add = true} : memref<2064xi32, #tpu.memory_space<vmem>>[vector<16xi32>], vector<16xi32>,
      } {sc.loop_unroll_factor = 3 : i64, sc.parallel_access}
    }
    "tpu.region"() ({
      %run_scoped3A = tpu.sem_alloc : memref<!tpu.dma_semaphore, #tpu.memory_space<semaphore_mem>>
      %dma_start3A_194 = arith.constant 0 : i32
      %dma_start3A_195 = tpu.memref_slice %arg9[%dma_start3A_194] : memref<14352xi32, #tpu.memory_space<vmem>> -> memref<14336xi32, #tpu.memory_space<vmem>>
      %dma_start3A_196 = arith.constant 0 : i32
      %dma_start3A_197 = tpu.memref_slice %arg4[%add3A, %dma_start3A_196] : memref<32x14336xi32, #tpu.memory_space<hbm>> -> memref<1x14336xi32, #tpu.memory_space<hbm>>
      %dma_start3A_198 = tpu.memref_squeeze %dma_start3A_197 : memref<1x14336xi32, #tpu.memory_space<hbm>> -> memref<14336xi32, #tpu.memory_space<hbm>>
      %dma_start3A_199 = arith.constant 0 : i32
      %dma_start3A_200 = tpu.memref_slice %arg4[%add3A, %dma_start3A_199] : memref<32x14336xi32, #tpu.memory_space<hbm>> -> memref<1x14336xi32, #tpu.memory_space<hbm>>
      %dma_start3A_201 = tpu.memref_squeeze %dma_start3A_200 : memref<1x14336xi32, #tpu.memory_space<hbm>> -> memref<14336xi32, #tpu.memory_space<hbm>>
      %dma_start3A_202 = arith.constant 0 : i32
      %dma_start3A_203 = tpu.memref_slice %arg9[%dma_start3A_202] : memref<14352xi32, #tpu.memory_space<vmem>> -> memref<14336xi32, #tpu.memory_space<vmem>>
      tpu.enqueue_dma source(%dma_start3A_203 : memref<14336xi32, #tpu.memory_space<vmem>>) target(%dma_start3A_201 : memref<14336xi32, #tpu.memory_space<hbm>>) target_semaphore(%run_scoped3A : memref<!tpu.dma_semaphore, #tpu.memory_space<semaphore_mem>>)
      %dma_wait3A = arith.constant 0 : i32
      %dma_wait3A_204 = tpu.memref_slice %arg9[%dma_wait3A] : memref<14352xi32, #tpu.memory_space<vmem>> -> memref<14336xi32, #tpu.memory_space<vmem>>
      %dma_wait3A_205 = arith.constant 0 : i32
      %dma_wait3A_206 = tpu.memref_slice %arg4[%add3A, %dma_wait3A_205] : memref<32x14336xi32, #tpu.memory_space<hbm>> -> memref<1x14336xi32, #tpu.memory_space<hbm>>
      %dma_wait3A_207 = tpu.memref_squeeze %dma_wait3A_206 : memref<1x14336xi32, #tpu.memory_space<hbm>> -> memref<14336xi32, #tpu.memory_space<hbm>>
      %dma_wait3A_208 = arith.constant 0 : i32
      %dma_wait3A_209 = tpu.memref_slice %arg4[%add3A, %dma_wait3A_208] : memref<32x14336xi32, #tpu.memory_space<hbm>> -> memref<1x14336xi32, #tpu.memory_space<hbm>>
      %dma_wait3A_210 = tpu.memref_squeeze %dma_wait3A_209 : memref<1x14336xi32, #tpu.memory_space<hbm>> -> memref<14336xi32, #tpu.memory_space<hbm>>
      %dma_wait3A_211 = arith.constant 0 : i32
      %dma_wait3A_212 = tpu.memref_slice %arg9[%dma_wait3A_211] : memref<14352xi32, #tpu.memory_space<vmem>> -> memref<14336xi32, #tpu.memory_space<vmem>>
      tpu.wait_dma2 semaphore(%run_scoped3A : memref<!tpu.dma_semaphore, #tpu.memory_space<semaphore_mem>>) src(%dma_wait3A_212 : memref<14336xi32, #tpu.memory_space<vmem>>) dst(%dma_wait3A_210 : memref<14336xi32, #tpu.memory_space<hbm>>)
      tpu.yield
    }) : () -> ()
    return
  }
}

module attributes {stable_mosaic.version = 14 : i64} {
  func.func @_tc_reduce_kernel(%arg0: memref<32x14336xi32, #tpu.memory_space<vmem>>, %arg1: memref<1x1xf32, #tpu.memory_space<vmem>>) attributes {dimension_semantics = [], scalar_prefetch = 0 : i64, scratch_operands = 0 : i64, tpu.core_type = #tpu.core_type<tc>} {
    %get3A = arith.constant 0 : index
    %get3A_0 = arith.constant 0 : index
    %get3A_1 = vector.load %arg0[%get3A, %get3A_0] : memref<32x14336xi32, #tpu.memory_space<vmem>>, vector<32x14336xi32>
    %and3A = arith.constant 65535 : i32
    %and3A_2 = vector.broadcast %and3A : i32 to vector<32x14336xi32>
    %and3A_3 = arith.andi %get3A_1, %and3A_2 : vector<32x14336xi32>
    %convert_element_type3A = arith.sitofp %and3A_3 : vector<32x14336xi32> to vector<32x14336xf32>
    %reduce_sum3A = arith.constant dense<0.000000e+00> : vector<14336xf32>
    %reduce_sum3A_4 = vector.multi_reduction <add>, %convert_element_type3A, %reduce_sum3A [0] : vector<32x14336xf32> to vector<14336xf32>
    %broadcast_in_dim3A = vector.shape_cast %reduce_sum3A_4 : vector<14336xf32> to vector<1x14336xf32>
    %shift_right_arithmetic3A = arith.constant 16 : i32
    %shift_right_arithmetic3A_5 = vector.broadcast %shift_right_arithmetic3A : i32 to vector<32x14336xi32>
    %shift_right_arithmetic3A_6 = arith.shrsi %get3A_1, %shift_right_arithmetic3A_5 : vector<32x14336xi32>
    %and3A_7 = arith.constant 65535 : i32
    %and3A_8 = vector.broadcast %and3A_7 : i32 to vector<32x14336xi32>
    %and3A_9 = arith.andi %shift_right_arithmetic3A_6, %and3A_8 : vector<32x14336xi32>
    %convert_element_type3A_10 = arith.sitofp %and3A_9 : vector<32x14336xi32> to vector<32x14336xf32>
    %reduce_sum3A_11 = arith.constant dense<0.000000e+00> : vector<14336xf32>
    %reduce_sum3A_12 = vector.multi_reduction <add>, %convert_element_type3A_10, %reduce_sum3A_11 [0] : vector<32x14336xf32> to vector<14336xf32>
    %broadcast_in_dim3A_13 = vector.shape_cast %reduce_sum3A_12 : vector<14336xf32> to vector<1x14336xf32>
    %slice3A = vector.extract_strided_slice %broadcast_in_dim3A {offsets = [0, 0], sizes = [1, 2048], strides = [1, 1]} : vector<1x14336xf32> to vector<1x2048xf32>
    %slice3A_14 = vector.extract_strided_slice %broadcast_in_dim3A {offsets = [0, 2048], sizes = [1, 2048], strides = [1, 1]} : vector<1x14336xf32> to vector<1x2048xf32>
    %slice3A_15 = vector.extract_strided_slice %broadcast_in_dim3A {offsets = [0, 4096], sizes = [1, 2048], strides = [1, 1]} : vector<1x14336xf32> to vector<1x2048xf32>
    %slice3A_16 = vector.extract_strided_slice %broadcast_in_dim3A {offsets = [0, 6144], sizes = [1, 2048], strides = [1, 1]} : vector<1x14336xf32> to vector<1x2048xf32>
    %slice3A_17 = vector.extract_strided_slice %broadcast_in_dim3A {offsets = [0, 8192], sizes = [1, 2048], strides = [1, 1]} : vector<1x14336xf32> to vector<1x2048xf32>
    %slice3A_18 = vector.extract_strided_slice %broadcast_in_dim3A {offsets = [0, 10240], sizes = [1, 2048], strides = [1, 1]} : vector<1x14336xf32> to vector<1x2048xf32>
    %slice3A_19 = vector.extract_strided_slice %broadcast_in_dim3A {offsets = [0, 12288], sizes = [1, 2048], strides = [1, 1]} : vector<1x14336xf32> to vector<1x2048xf32>
    %concatenate3A = tpu.concatenate %slice3A, %slice3A_14, %slice3A_15, %slice3A_16, %slice3A_17, %slice3A_18, %slice3A_19 in 0 : vector<1x2048xf32>, vector<1x2048xf32>, vector<1x2048xf32>, vector<1x2048xf32>, vector<1x2048xf32>, vector<1x2048xf32>, vector<1x2048xf32> -> vector<7x2048xf32>
    %slice3A_20 = vector.extract_strided_slice %broadcast_in_dim3A_13 {offsets = [0, 0], sizes = [1, 2048], strides = [1, 1]} : vector<1x14336xf32> to vector<1x2048xf32>
    %slice3A_21 = vector.extract_strided_slice %broadcast_in_dim3A_13 {offsets = [0, 2048], sizes = [1, 2048], strides = [1, 1]} : vector<1x14336xf32> to vector<1x2048xf32>
    %slice3A_22 = vector.extract_strided_slice %broadcast_in_dim3A_13 {offsets = [0, 4096], sizes = [1, 2048], strides = [1, 1]} : vector<1x14336xf32> to vector<1x2048xf32>
    %slice3A_23 = vector.extract_strided_slice %broadcast_in_dim3A_13 {offsets = [0, 6144], sizes = [1, 2048], strides = [1, 1]} : vector<1x14336xf32> to vector<1x2048xf32>
    %slice3A_24 = vector.extract_strided_slice %broadcast_in_dim3A_13 {offsets = [0, 8192], sizes = [1, 2048], strides = [1, 1]} : vector<1x14336xf32> to vector<1x2048xf32>
    %slice3A_25 = vector.extract_strided_slice %broadcast_in_dim3A_13 {offsets = [0, 10240], sizes = [1, 2048], strides = [1, 1]} : vector<1x14336xf32> to vector<1x2048xf32>
    %slice3A_26 = vector.extract_strided_slice %broadcast_in_dim3A_13 {offsets = [0, 12288], sizes = [1, 2048], strides = [1, 1]} : vector<1x14336xf32> to vector<1x2048xf32>
    %concatenate3A_27 = tpu.concatenate %slice3A_20, %slice3A_21, %slice3A_22, %slice3A_23, %slice3A_24, %slice3A_25, %slice3A_26 in 0 : vector<1x2048xf32>, vector<1x2048xf32>, vector<1x2048xf32>, vector<1x2048xf32>, vector<1x2048xf32>, vector<1x2048xf32>, vector<1x2048xf32> -> vector<7x2048xf32>
    %iota3A = tpu.iota {dimensions = array<i32: 1>} : vector<7x2048xi32>
    %and3A_28 = arith.constant 1 : i32
    %and3A_29 = vector.broadcast %and3A_28 : i32 to vector<7x2048xi32>
    %and3A_30 = arith.andi %iota3A, %and3A_29 : vector<7x2048xi32>
    %ne3A = arith.constant 0 : i32
    %ne3A_31 = vector.broadcast %ne3A : i32 to vector<7x2048xi32>
    %ne3A_32 = arith.cmpi ne, %and3A_30, %ne3A_31 : vector<7x2048xi32>
    %roll3A = arith.constant 1 : i32
    %roll3A_33 = tpu.dynamic_rotate %concatenate3A_27 by %roll3A dim 1 : vector<7x2048xf32>, i32 -> vector<7x2048xf32>
    %roll3A_34 = arith.constant 2047 : i32
    %roll3A_35 = tpu.dynamic_rotate %concatenate3A_27 by %roll3A_34 dim 1 : vector<7x2048xf32>, i32 -> vector<7x2048xf32>
    %select_n3A = arith.select %ne3A_32, %roll3A_33, %roll3A_35 : vector<7x2048xi1>, vector<7x2048xf32>
    %and3A_36 = arith.constant 2 : i32
    %and3A_37 = vector.broadcast %and3A_36 : i32 to vector<7x2048xi32>
    %and3A_38 = arith.andi %iota3A, %and3A_37 : vector<7x2048xi32>
    %ne3A_39 = arith.constant 0 : i32
    %ne3A_40 = vector.broadcast %ne3A_39 : i32 to vector<7x2048xi32>
    %ne3A_41 = arith.cmpi ne, %and3A_38, %ne3A_40 : vector<7x2048xi32>
    %roll3A_42 = arith.constant 2 : i32
    %roll3A_43 = tpu.dynamic_rotate %select_n3A by %roll3A_42 dim 1 : vector<7x2048xf32>, i32 -> vector<7x2048xf32>
    %roll3A_44 = arith.constant 2046 : i32
    %roll3A_45 = tpu.dynamic_rotate %select_n3A by %roll3A_44 dim 1 : vector<7x2048xf32>, i32 -> vector<7x2048xf32>
    %select_n3A_46 = arith.select %ne3A_41, %roll3A_43, %roll3A_45 : vector<7x2048xi1>, vector<7x2048xf32>
    %and3A_47 = arith.constant 4 : i32
    %and3A_48 = vector.broadcast %and3A_47 : i32 to vector<7x2048xi32>
    %and3A_49 = arith.andi %iota3A, %and3A_48 : vector<7x2048xi32>
    %ne3A_50 = arith.constant 0 : i32
    %ne3A_51 = vector.broadcast %ne3A_50 : i32 to vector<7x2048xi32>
    %ne3A_52 = arith.cmpi ne, %and3A_49, %ne3A_51 : vector<7x2048xi32>
    %roll3A_53 = arith.constant 4 : i32
    %roll3A_54 = tpu.dynamic_rotate %select_n3A_46 by %roll3A_53 dim 1 : vector<7x2048xf32>, i32 -> vector<7x2048xf32>
    %roll3A_55 = arith.constant 2044 : i32
    %roll3A_56 = tpu.dynamic_rotate %select_n3A_46 by %roll3A_55 dim 1 : vector<7x2048xf32>, i32 -> vector<7x2048xf32>
    %select_n3A_57 = arith.select %ne3A_52, %roll3A_54, %roll3A_56 : vector<7x2048xi1>, vector<7x2048xf32>
    %and3A_58 = arith.constant 8 : i32
    %and3A_59 = vector.broadcast %and3A_58 : i32 to vector<7x2048xi32>
    %and3A_60 = arith.andi %iota3A, %and3A_59 : vector<7x2048xi32>
    %ne3A_61 = arith.constant 0 : i32
    %ne3A_62 = vector.broadcast %ne3A_61 : i32 to vector<7x2048xi32>
    %ne3A_63 = arith.cmpi ne, %and3A_60, %ne3A_62 : vector<7x2048xi32>
    %roll3A_64 = arith.constant 8 : i32
    %roll3A_65 = tpu.dynamic_rotate %select_n3A_57 by %roll3A_64 dim 1 : vector<7x2048xf32>, i32 -> vector<7x2048xf32>
    %roll3A_66 = arith.constant 2040 : i32
    %roll3A_67 = tpu.dynamic_rotate %select_n3A_57 by %roll3A_66 dim 1 : vector<7x2048xf32>, i32 -> vector<7x2048xf32>
    %select_n3A_68 = arith.select %ne3A_63, %roll3A_65, %roll3A_67 : vector<7x2048xi1>, vector<7x2048xf32>
    %and3A_69 = arith.constant 16 : i32
    %and3A_70 = vector.broadcast %and3A_69 : i32 to vector<7x2048xi32>
    %and3A_71 = arith.andi %iota3A, %and3A_70 : vector<7x2048xi32>
    %ne3A_72 = arith.constant 0 : i32
    %ne3A_73 = vector.broadcast %ne3A_72 : i32 to vector<7x2048xi32>
    %ne3A_74 = arith.cmpi ne, %and3A_71, %ne3A_73 : vector<7x2048xi32>
    %roll3A_75 = arith.constant 16 : i32
    %roll3A_76 = tpu.dynamic_rotate %select_n3A_68 by %roll3A_75 dim 1 : vector<7x2048xf32>, i32 -> vector<7x2048xf32>
    %roll3A_77 = arith.constant 2032 : i32
    %roll3A_78 = tpu.dynamic_rotate %select_n3A_68 by %roll3A_77 dim 1 : vector<7x2048xf32>, i32 -> vector<7x2048xf32>
    %select_n3A_79 = arith.select %ne3A_74, %roll3A_76, %roll3A_78 : vector<7x2048xi1>, vector<7x2048xf32>
    %and3A_80 = arith.constant 32 : i32
    %and3A_81 = vector.broadcast %and3A_80 : i32 to vector<7x2048xi32>
    %and3A_82 = arith.andi %iota3A, %and3A_81 : vector<7x2048xi32>
    %ne3A_83 = arith.constant 0 : i32
    %ne3A_84 = vector.broadcast %ne3A_83 : i32 to vector<7x2048xi32>
    %ne3A_85 = arith.cmpi ne, %and3A_82, %ne3A_84 : vector<7x2048xi32>
    %roll3A_86 = arith.constant 32 : i32
    %roll3A_87 = tpu.dynamic_rotate %select_n3A_79 by %roll3A_86 dim 1 : vector<7x2048xf32>, i32 -> vector<7x2048xf32>
    %roll3A_88 = arith.constant 2016 : i32
    %roll3A_89 = tpu.dynamic_rotate %select_n3A_79 by %roll3A_88 dim 1 : vector<7x2048xf32>, i32 -> vector<7x2048xf32>
    %select_n3A_90 = arith.select %ne3A_85, %roll3A_87, %roll3A_89 : vector<7x2048xi1>, vector<7x2048xf32>
    %and3A_91 = arith.constant 64 : i32
    %and3A_92 = vector.broadcast %and3A_91 : i32 to vector<7x2048xi32>
    %and3A_93 = arith.andi %iota3A, %and3A_92 : vector<7x2048xi32>
    %ne3A_94 = arith.constant 0 : i32
    %ne3A_95 = vector.broadcast %ne3A_94 : i32 to vector<7x2048xi32>
    %ne3A_96 = arith.cmpi ne, %and3A_93, %ne3A_95 : vector<7x2048xi32>
    %roll3A_97 = arith.constant 64 : i32
    %roll3A_98 = tpu.dynamic_rotate %select_n3A_90 by %roll3A_97 dim 1 : vector<7x2048xf32>, i32 -> vector<7x2048xf32>
    %roll3A_99 = arith.constant 1984 : i32
    %roll3A_100 = tpu.dynamic_rotate %select_n3A_90 by %roll3A_99 dim 1 : vector<7x2048xf32>, i32 -> vector<7x2048xf32>
    %select_n3A_101 = arith.select %ne3A_96, %roll3A_98, %roll3A_100 : vector<7x2048xi1>, vector<7x2048xf32>
    %and3A_102 = arith.constant 128 : i32
    %and3A_103 = vector.broadcast %and3A_102 : i32 to vector<7x2048xi32>
    %and3A_104 = arith.andi %iota3A, %and3A_103 : vector<7x2048xi32>
    %ne3A_105 = arith.constant 0 : i32
    %ne3A_106 = vector.broadcast %ne3A_105 : i32 to vector<7x2048xi32>
    %ne3A_107 = arith.cmpi ne, %and3A_104, %ne3A_106 : vector<7x2048xi32>
    %roll3A_108 = arith.constant 128 : i32
    %roll3A_109 = tpu.dynamic_rotate %select_n3A_101 by %roll3A_108 dim 1 : vector<7x2048xf32>, i32 -> vector<7x2048xf32>
    %roll3A_110 = arith.constant 1920 : i32
    %roll3A_111 = tpu.dynamic_rotate %select_n3A_101 by %roll3A_110 dim 1 : vector<7x2048xf32>, i32 -> vector<7x2048xf32>
    %select_n3A_112 = arith.select %ne3A_107, %roll3A_109, %roll3A_111 : vector<7x2048xi1>, vector<7x2048xf32>
    %and3A_113 = arith.constant 256 : i32
    %and3A_114 = vector.broadcast %and3A_113 : i32 to vector<7x2048xi32>
    %and3A_115 = arith.andi %iota3A, %and3A_114 : vector<7x2048xi32>
    %ne3A_116 = arith.constant 0 : i32
    %ne3A_117 = vector.broadcast %ne3A_116 : i32 to vector<7x2048xi32>
    %ne3A_118 = arith.cmpi ne, %and3A_115, %ne3A_117 : vector<7x2048xi32>
    %roll3A_119 = arith.constant 256 : i32
    %roll3A_120 = tpu.dynamic_rotate %select_n3A_112 by %roll3A_119 dim 1 : vector<7x2048xf32>, i32 -> vector<7x2048xf32>
    %roll3A_121 = arith.constant 1792 : i32
    %roll3A_122 = tpu.dynamic_rotate %select_n3A_112 by %roll3A_121 dim 1 : vector<7x2048xf32>, i32 -> vector<7x2048xf32>
    %select_n3A_123 = arith.select %ne3A_118, %roll3A_120, %roll3A_122 : vector<7x2048xi1>, vector<7x2048xf32>
    %and3A_124 = arith.constant 512 : i32
    %and3A_125 = vector.broadcast %and3A_124 : i32 to vector<7x2048xi32>
    %and3A_126 = arith.andi %iota3A, %and3A_125 : vector<7x2048xi32>
    %ne3A_127 = arith.constant 0 : i32
    %ne3A_128 = vector.broadcast %ne3A_127 : i32 to vector<7x2048xi32>
    %ne3A_129 = arith.cmpi ne, %and3A_126, %ne3A_128 : vector<7x2048xi32>
    %roll3A_130 = arith.constant 512 : i32
    %roll3A_131 = tpu.dynamic_rotate %select_n3A_123 by %roll3A_130 dim 1 : vector<7x2048xf32>, i32 -> vector<7x2048xf32>
    %roll3A_132 = arith.constant 1536 : i32
    %roll3A_133 = tpu.dynamic_rotate %select_n3A_123 by %roll3A_132 dim 1 : vector<7x2048xf32>, i32 -> vector<7x2048xf32>
    %select_n3A_134 = arith.select %ne3A_129, %roll3A_131, %roll3A_133 : vector<7x2048xi1>, vector<7x2048xf32>
    %and3A_135 = arith.constant 1024 : i32
    %and3A_136 = vector.broadcast %and3A_135 : i32 to vector<7x2048xi32>
    %and3A_137 = arith.andi %iota3A, %and3A_136 : vector<7x2048xi32>
    %ne3A_138 = arith.constant 0 : i32
    %ne3A_139 = vector.broadcast %ne3A_138 : i32 to vector<7x2048xi32>
    %ne3A_140 = arith.cmpi ne, %and3A_137, %ne3A_139 : vector<7x2048xi32>
    %roll3A_141 = arith.constant 1024 : i32
    %roll3A_142 = tpu.dynamic_rotate %select_n3A_134 by %roll3A_141 dim 1 : vector<7x2048xf32>, i32 -> vector<7x2048xf32>
    %roll3A_143 = arith.constant 1024 : i32
    %roll3A_144 = tpu.dynamic_rotate %select_n3A_134 by %roll3A_143 dim 1 : vector<7x2048xf32>, i32 -> vector<7x2048xf32>
    %select_n3A_145 = arith.select %ne3A_140, %roll3A_142, %roll3A_144 : vector<7x2048xi1>, vector<7x2048xf32>
    %add3A = arith.addf %concatenate3A, %select_n3A_145 : vector<7x2048xf32>
    %concatenate3A_146 = tpu.concatenate %add3A, %select_n3A_145 in 0 : vector<7x2048xf32>, vector<7x2048xf32> -> vector<14x2048xf32>
    %iota3A_147 = tpu.iota {dimensions = array<i32: 1>} : vector<14x2048xi32>
    %ge3A = arith.constant 1 : i32
    %ge3A_148 = vector.broadcast %ge3A : i32 to vector<14x2048xi32>
    %ge3A_149 = arith.cmpi sge, %iota3A_147, %ge3A_148 : vector<14x2048xi32>
    %roll3A_150 = arith.constant 1 : i32
    %roll3A_151 = tpu.dynamic_rotate %concatenate3A_146 by %roll3A_150 dim 1 : vector<14x2048xf32>, i32 -> vector<14x2048xf32>
    %jit3A = arith.constant 0.000000e+00 : f64
    %convert_element_type3A_152 = arith.truncf %jit3A : f64 to f32
    %broadcast_in_dim3A_153 = vector.broadcast %convert_element_type3A_152 : f32 to vector<14x2048xf32>
    %select_n3A_154 = arith.select %ge3A_149, %roll3A_151, %broadcast_in_dim3A_153 : vector<14x2048xi1>, vector<14x2048xf32>
    %add3A_155 = arith.addf %concatenate3A_146, %select_n3A_154 : vector<14x2048xf32>
    %ge3A_156 = arith.constant 2 : i32
    %ge3A_157 = vector.broadcast %ge3A_156 : i32 to vector<14x2048xi32>
    %ge3A_158 = arith.cmpi sge, %iota3A_147, %ge3A_157 : vector<14x2048xi32>
    %roll3A_159 = arith.constant 2 : i32
    %roll3A_160 = tpu.dynamic_rotate %add3A_155 by %roll3A_159 dim 1 : vector<14x2048xf32>, i32 -> vector<14x2048xf32>
    %jit3A_161 = arith.constant 0.000000e+00 : f64
    %convert_element_type3A_162 = arith.truncf %jit3A_161 : f64 to f32
    %broadcast_in_dim3A_163 = vector.broadcast %convert_element_type3A_162 : f32 to vector<14x2048xf32>
    %select_n3A_164 = arith.select %ge3A_158, %roll3A_160, %broadcast_in_dim3A_163 : vector<14x2048xi1>, vector<14x2048xf32>
    %add3A_165 = arith.addf %add3A_155, %select_n3A_164 : vector<14x2048xf32>
    %ge3A_166 = arith.constant 4 : i32
    %ge3A_167 = vector.broadcast %ge3A_166 : i32 to vector<14x2048xi32>
    %ge3A_168 = arith.cmpi sge, %iota3A_147, %ge3A_167 : vector<14x2048xi32>
    %roll3A_169 = arith.constant 4 : i32
    %roll3A_170 = tpu.dynamic_rotate %add3A_165 by %roll3A_169 dim 1 : vector<14x2048xf32>, i32 -> vector<14x2048xf32>
    %jit3A_171 = arith.constant 0.000000e+00 : f64
    %convert_element_type3A_172 = arith.truncf %jit3A_171 : f64 to f32
    %broadcast_in_dim3A_173 = vector.broadcast %convert_element_type3A_172 : f32 to vector<14x2048xf32>
    %select_n3A_174 = arith.select %ge3A_168, %roll3A_170, %broadcast_in_dim3A_173 : vector<14x2048xi1>, vector<14x2048xf32>
    %add3A_175 = arith.addf %add3A_165, %select_n3A_174 : vector<14x2048xf32>
    %ge3A_176 = arith.constant 8 : i32
    %ge3A_177 = vector.broadcast %ge3A_176 : i32 to vector<14x2048xi32>
    %ge3A_178 = arith.cmpi sge, %iota3A_147, %ge3A_177 : vector<14x2048xi32>
    %roll3A_179 = arith.constant 8 : i32
    %roll3A_180 = tpu.dynamic_rotate %add3A_175 by %roll3A_179 dim 1 : vector<14x2048xf32>, i32 -> vector<14x2048xf32>
    %jit3A_181 = arith.constant 0.000000e+00 : f64
    %convert_element_type3A_182 = arith.truncf %jit3A_181 : f64 to f32
    %broadcast_in_dim3A_183 = vector.broadcast %convert_element_type3A_182 : f32 to vector<14x2048xf32>
    %select_n3A_184 = arith.select %ge3A_178, %roll3A_180, %broadcast_in_dim3A_183 : vector<14x2048xi1>, vector<14x2048xf32>
    %add3A_185 = arith.addf %add3A_175, %select_n3A_184 : vector<14x2048xf32>
    %ge3A_186 = arith.constant 16 : i32
    %ge3A_187 = vector.broadcast %ge3A_186 : i32 to vector<14x2048xi32>
    %ge3A_188 = arith.cmpi sge, %iota3A_147, %ge3A_187 : vector<14x2048xi32>
    %roll3A_189 = arith.constant 16 : i32
    %roll3A_190 = tpu.dynamic_rotate %add3A_185 by %roll3A_189 dim 1 : vector<14x2048xf32>, i32 -> vector<14x2048xf32>
    %jit3A_191 = arith.constant 0.000000e+00 : f64
    %convert_element_type3A_192 = arith.truncf %jit3A_191 : f64 to f32
    %broadcast_in_dim3A_193 = vector.broadcast %convert_element_type3A_192 : f32 to vector<14x2048xf32>
    %select_n3A_194 = arith.select %ge3A_188, %roll3A_190, %broadcast_in_dim3A_193 : vector<14x2048xi1>, vector<14x2048xf32>
    %add3A_195 = arith.addf %add3A_185, %select_n3A_194 : vector<14x2048xf32>
    %ge3A_196 = arith.constant 32 : i32
    %ge3A_197 = vector.broadcast %ge3A_196 : i32 to vector<14x2048xi32>
    %ge3A_198 = arith.cmpi sge, %iota3A_147, %ge3A_197 : vector<14x2048xi32>
    %roll3A_199 = arith.constant 32 : i32
    %roll3A_200 = tpu.dynamic_rotate %add3A_195 by %roll3A_199 dim 1 : vector<14x2048xf32>, i32 -> vector<14x2048xf32>
    %jit3A_201 = arith.constant 0.000000e+00 : f64
    %convert_element_type3A_202 = arith.truncf %jit3A_201 : f64 to f32
    %broadcast_in_dim3A_203 = vector.broadcast %convert_element_type3A_202 : f32 to vector<14x2048xf32>
    %select_n3A_204 = arith.select %ge3A_198, %roll3A_200, %broadcast_in_dim3A_203 : vector<14x2048xi1>, vector<14x2048xf32>
    %add3A_205 = arith.addf %add3A_195, %select_n3A_204 : vector<14x2048xf32>
    %ge3A_206 = arith.constant 64 : i32
    %ge3A_207 = vector.broadcast %ge3A_206 : i32 to vector<14x2048xi32>
    %ge3A_208 = arith.cmpi sge, %iota3A_147, %ge3A_207 : vector<14x2048xi32>
    %roll3A_209 = arith.constant 64 : i32
    %roll3A_210 = tpu.dynamic_rotate %add3A_205 by %roll3A_209 dim 1 : vector<14x2048xf32>, i32 -> vector<14x2048xf32>
    %jit3A_211 = arith.constant 0.000000e+00 : f64
    %convert_element_type3A_212 = arith.truncf %jit3A_211 : f64 to f32
    %broadcast_in_dim3A_213 = vector.broadcast %convert_element_type3A_212 : f32 to vector<14x2048xf32>
    %select_n3A_214 = arith.select %ge3A_208, %roll3A_210, %broadcast_in_dim3A_213 : vector<14x2048xi1>, vector<14x2048xf32>
    %add3A_215 = arith.addf %add3A_205, %select_n3A_214 : vector<14x2048xf32>
    %ge3A_216 = arith.constant 128 : i32
    %ge3A_217 = vector.broadcast %ge3A_216 : i32 to vector<14x2048xi32>
    %ge3A_218 = arith.cmpi sge, %iota3A_147, %ge3A_217 : vector<14x2048xi32>
    %roll3A_219 = arith.constant 128 : i32
    %roll3A_220 = tpu.dynamic_rotate %add3A_215 by %roll3A_219 dim 1 : vector<14x2048xf32>, i32 -> vector<14x2048xf32>
    %jit3A_221 = arith.constant 0.000000e+00 : f64
    %convert_element_type3A_222 = arith.truncf %jit3A_221 : f64 to f32
    %broadcast_in_dim3A_223 = vector.broadcast %convert_element_type3A_222 : f32 to vector<14x2048xf32>
    %select_n3A_224 = arith.select %ge3A_218, %roll3A_220, %broadcast_in_dim3A_223 : vector<14x2048xi1>, vector<14x2048xf32>
    %add3A_225 = arith.addf %add3A_215, %select_n3A_224 : vector<14x2048xf32>
    %ge3A_226 = arith.constant 256 : i32
    %ge3A_227 = vector.broadcast %ge3A_226 : i32 to vector<14x2048xi32>
    %ge3A_228 = arith.cmpi sge, %iota3A_147, %ge3A_227 : vector<14x2048xi32>
    %roll3A_229 = arith.constant 256 : i32
    %roll3A_230 = tpu.dynamic_rotate %add3A_225 by %roll3A_229 dim 1 : vector<14x2048xf32>, i32 -> vector<14x2048xf32>
    %jit3A_231 = arith.constant 0.000000e+00 : f64
    %convert_element_type3A_232 = arith.truncf %jit3A_231 : f64 to f32
    %broadcast_in_dim3A_233 = vector.broadcast %convert_element_type3A_232 : f32 to vector<14x2048xf32>
    %select_n3A_234 = arith.select %ge3A_228, %roll3A_230, %broadcast_in_dim3A_233 : vector<14x2048xi1>, vector<14x2048xf32>
    %add3A_235 = arith.addf %add3A_225, %select_n3A_234 : vector<14x2048xf32>
    %ge3A_236 = arith.constant 512 : i32
    %ge3A_237 = vector.broadcast %ge3A_236 : i32 to vector<14x2048xi32>
    %ge3A_238 = arith.cmpi sge, %iota3A_147, %ge3A_237 : vector<14x2048xi32>
    %roll3A_239 = arith.constant 512 : i32
    %roll3A_240 = tpu.dynamic_rotate %add3A_235 by %roll3A_239 dim 1 : vector<14x2048xf32>, i32 -> vector<14x2048xf32>
    %jit3A_241 = arith.constant 0.000000e+00 : f64
    %convert_element_type3A_242 = arith.truncf %jit3A_241 : f64 to f32
    %broadcast_in_dim3A_243 = vector.broadcast %convert_element_type3A_242 : f32 to vector<14x2048xf32>
    %select_n3A_244 = arith.select %ge3A_238, %roll3A_240, %broadcast_in_dim3A_243 : vector<14x2048xi1>, vector<14x2048xf32>
    %add3A_245 = arith.addf %add3A_235, %select_n3A_244 : vector<14x2048xf32>
    %ge3A_246 = arith.constant 1024 : i32
    %ge3A_247 = vector.broadcast %ge3A_246 : i32 to vector<14x2048xi32>
    %ge3A_248 = arith.cmpi sge, %iota3A_147, %ge3A_247 : vector<14x2048xi32>
    %roll3A_249 = arith.constant 1024 : i32
    %roll3A_250 = tpu.dynamic_rotate %add3A_245 by %roll3A_249 dim 1 : vector<14x2048xf32>, i32 -> vector<14x2048xf32>
    %jit3A_251 = arith.constant 0.000000e+00 : f64
    %convert_element_type3A_252 = arith.truncf %jit3A_251 : f64 to f32
    %broadcast_in_dim3A_253 = vector.broadcast %convert_element_type3A_252 : f32 to vector<14x2048xf32>
    %select_n3A_254 = arith.select %ge3A_248, %roll3A_250, %broadcast_in_dim3A_253 : vector<14x2048xi1>, vector<14x2048xf32>
    %add3A_255 = arith.addf %add3A_245, %select_n3A_254 : vector<14x2048xf32>
    %slice3A_256 = vector.extract_strided_slice %add3A_255 {offsets = [0, 0], sizes = [7, 2048], strides = [1, 1]} : vector<14x2048xf32> to vector<7x2048xf32>
    %slice3A_257 = vector.extract_strided_slice %add3A_255 {offsets = [7, 0], sizes = [7, 2048], strides = [1, 1]} : vector<14x2048xf32> to vector<7x2048xf32>
    %slice3A_258 = vector.extract_strided_slice %slice3A_256 {offsets = [0, 2047], sizes = [7, 1], strides = [1, 1]} : vector<7x2048xf32> to vector<7x1xf32>
    %slice3A_259 = vector.extract_strided_slice %slice3A_257 {offsets = [0, 2047], sizes = [7, 1], strides = [1, 1]} : vector<7x2048xf32> to vector<7x1xf32>
    %sub3A = vector.broadcast %slice3A_258 : vector<7x1xf32> to vector<7x2048xf32>
    %sub3A_260 = arith.subf %sub3A, %slice3A_256 : vector<7x2048xf32>
    %sub3A_261 = vector.broadcast %slice3A_259 : vector<7x1xf32> to vector<7x2048xf32>
    %sub3A_262 = arith.subf %sub3A_261, %slice3A_257 : vector<7x2048xf32>
    %add3A_263 = arith.addf %sub3A_260, %add3A : vector<7x2048xf32>
    %add3A_264 = arith.addf %sub3A_262, %select_n3A_145 : vector<7x2048xf32>
    %add3A_265 = vector.broadcast %slice3A_259 : vector<7x1xf32> to vector<7x2048xf32>
    %add3A_266 = arith.addf %add3A_265, %sub3A_260 : vector<7x2048xf32>
    %sub3A_267 = arith.subf %add3A_266, %sub3A_262 : vector<7x2048xf32>
    %add3A_268 = vector.broadcast %slice3A_259 : vector<7x1xf32> to vector<7x2048xf32>
    %add3A_269 = arith.addf %add3A_268, %add3A_263 : vector<7x2048xf32>
    %sub3A_270 = arith.subf %add3A_269, %add3A_264 : vector<7x2048xf32>
    %gt3A = arith.constant 0.000000e+00 : f32
    %gt3A_271 = vector.broadcast %gt3A : f32 to vector<7x2048xf32>
    %gt3A_272 = arith.cmpf ogt, %sub3A_267, %gt3A_271 : vector<7x2048xf32>
    %sub3A_273 = vector.broadcast %slice3A_259 : vector<7x1xf32> to vector<7x2048xf32>
    %sub3A_274 = arith.subf %sub3A_273, %sub3A_262 : vector<7x2048xf32>
    %gt3A_275 = arith.constant 0.000000e+00 : f32
    %gt3A_276 = vector.broadcast %gt3A_275 : f32 to vector<7x2048xf32>
    %gt3A_277 = arith.cmpf ogt, %sub3A_267, %gt3A_276 : vector<7x2048xf32>
    %jit3A_278 = arith.constant 1.000000e+00 : f64
    %convert_element_type3A_279 = arith.truncf %jit3A_278 : f64 to f32
    %broadcast_in_dim3A_280 = vector.broadcast %convert_element_type3A_279 : f32 to vector<7x2048xf32>
    %select_n3A_281 = arith.select %gt3A_277, %sub3A_267, %broadcast_in_dim3A_280 : vector<7x2048xi1>, vector<7x2048xf32>
    %div3A = arith.divf %sub3A_274, %select_n3A_281 : vector<7x2048xf32>
    %sub3A_282 = arith.constant 1.000000e+00 : f32
    %sub3A_283 = vector.broadcast %sub3A_282 : f32 to vector<7x2048xf32>
    %sub3A_284 = arith.subf %sub3A_283, %div3A : vector<7x2048xf32>
    %jit3A_285 = arith.constant 0.000000e+00 : f64
    %convert_element_type3A_286 = arith.truncf %jit3A_285 : f64 to f32
    %broadcast_in_dim3A_287 = vector.broadcast %convert_element_type3A_286 : f32 to vector<7x2048xf32>
    %select_n3A_288 = arith.select %gt3A_272, %sub3A_284, %broadcast_in_dim3A_287 : vector<7x2048xi1>, vector<7x2048xf32>
    %gt3A_289 = arith.constant 0.000000e+00 : f32
    %gt3A_290 = vector.broadcast %gt3A_289 : f32 to vector<7x2048xf32>
    %gt3A_291 = arith.cmpf ogt, %sub3A_270, %gt3A_290 : vector<7x2048xf32>
    %sub3A_292 = vector.broadcast %slice3A_259 : vector<7x1xf32> to vector<7x2048xf32>
    %sub3A_293 = arith.subf %sub3A_292, %add3A_264 : vector<7x2048xf32>
    %gt3A_294 = arith.constant 0.000000e+00 : f32
    %gt3A_295 = vector.broadcast %gt3A_294 : f32 to vector<7x2048xf32>
    %gt3A_296 = arith.cmpf ogt, %sub3A_270, %gt3A_295 : vector<7x2048xf32>
    %jit3A_297 = arith.constant 1.000000e+00 : f64
    %convert_element_type3A_298 = arith.truncf %jit3A_297 : f64 to f32
    %broadcast_in_dim3A_299 = vector.broadcast %convert_element_type3A_298 : f32 to vector<7x2048xf32>
    %select_n3A_300 = arith.select %gt3A_296, %sub3A_270, %broadcast_in_dim3A_299 : vector<7x2048xi1>, vector<7x2048xf32>
    %div3A_301 = arith.divf %sub3A_293, %select_n3A_300 : vector<7x2048xf32>
    %sub3A_302 = arith.constant 1.000000e+00 : f32
    %sub3A_303 = vector.broadcast %sub3A_302 : f32 to vector<7x2048xf32>
    %sub3A_304 = arith.subf %sub3A_303, %div3A_301 : vector<7x2048xf32>
    %jit3A_305 = arith.constant 0.000000e+00 : f64
    %convert_element_type3A_306 = arith.truncf %jit3A_305 : f64 to f32
    %broadcast_in_dim3A_307 = vector.broadcast %convert_element_type3A_306 : f32 to vector<7x2048xf32>
    %select_n3A_308 = arith.select %gt3A_291, %sub3A_304, %broadcast_in_dim3A_307 : vector<7x2048xi1>, vector<7x2048xf32>
    %iota3A_309 = tpu.iota {dimensions = array<i32: 1>} : vector<7x2048xi32>
    %convert_element_type3A_310 = arith.sitofp %iota3A_309 : vector<7x2048xi32> to vector<7x2048xf32>
    %add3A_311 = arith.constant 5.000000e-01 : f32
    %add3A_312 = vector.broadcast %add3A_311 : f32 to vector<7x2048xf32>
    %add3A_313 = arith.addf %convert_element_type3A_310, %add3A_312 : vector<7x2048xf32>
    %mul3A = arith.constant 4.8828125E-4 : f32
    %mul3A_314 = vector.broadcast %mul3A : f32 to vector<7x2048xf32>
    %mul3A_315 = arith.mulf %add3A_313, %mul3A_314 : vector<7x2048xf32>
    %mul3A_316 = arith.mulf %mul3A_315, %add3A : vector<7x2048xf32>
    %mul3A_317 = arith.constant 5.000000e-01 : f32
    %mul3A_318 = vector.broadcast %mul3A_317 : f32 to vector<7x2048xf32>
    %mul3A_319 = arith.mulf %mul3A_316, %mul3A_318 : vector<7x2048xf32>
    %add3A_320 = arith.addf %select_n3A_288, %select_n3A_308 : vector<7x2048xf32>
    %mul3A_321 = arith.mulf %mul3A_319, %add3A_320 : vector<7x2048xf32>
    %reduce_sum3A_322 = arith.constant dense<0.000000e+00> : vector<7xf32>
    %reduce_sum3A_323 = vector.multi_reduction <add>, %mul3A_321, %reduce_sum3A_322 [1] : vector<7x2048xf32> to vector<7xf32>
    %broadcast_in_dim3A_324 = vector.shape_cast %reduce_sum3A_323 : vector<7xf32> to vector<7x1xf32>
    %gt3A_325 = arith.constant 0.000000e+00 : f32
    %gt3A_326 = vector.broadcast %gt3A_325 : f32 to vector<7x1xf32>
    %gt3A_327 = arith.cmpf ogt, %slice3A_259, %gt3A_326 : vector<7x1xf32>
    %convert_element_type3A_328 = arith.extui %gt3A_327 : vector<7x1xi1> to vector<7x1xi32>
    %convert_element_type3A_329 = arith.sitofp %convert_element_type3A_328 : vector<7x1xi32> to vector<7x1xf32>
    %mul3A_330 = arith.mulf %broadcast_in_dim3A_324, %convert_element_type3A_329 : vector<7x1xf32>
    %reduce_sum3A_331 = vector.shape_cast %mul3A_330 : vector<7x1xf32> to vector<1x7x1xf32>
    %reduce_sum3A_332 = arith.constant dense<0.000000e+00> : vector<1xf32>
    %reduce_sum3A_333 = vector.multi_reduction <add>, %reduce_sum3A_331, %reduce_sum3A_332 [1, 2] : vector<1x7x1xf32> to vector<1xf32>
    %reduce_sum3A_334 = vector.shape_cast %reduce_sum3A_333 : vector<1xf32> to vector<1x1x1xf32>
    %reduce_sum3A_335 = vector.extract %reduce_sum3A_334[0, 0, 0] : f32 from vector<1x1x1xf32>
    %reduce_sum3A_336 = vector.shape_cast %convert_element_type3A_329 : vector<7x1xf32> to vector<1x7x1xf32>
    %reduce_sum3A_337 = arith.constant dense<0.000000e+00> : vector<1xf32>
    %reduce_sum3A_338 = vector.multi_reduction <add>, %reduce_sum3A_336, %reduce_sum3A_337 [1, 2] : vector<1x7x1xf32> to vector<1xf32>
    %reduce_sum3A_339 = vector.shape_cast %reduce_sum3A_338 : vector<1xf32> to vector<1x1x1xf32>
    %reduce_sum3A_340 = vector.extract %reduce_sum3A_339[0, 0, 0] : f32 from vector<1x1x1xf32>
    %max3A = arith.constant 1.000000e+00 : f32
    %max3A_341 = arith.maximumf %reduce_sum3A_340, %max3A : f32
    %div3A_342 = arith.divf %reduce_sum3A_335, %max3A_341 : f32
    %broadcast_in_dim3A_343 = vector.broadcast %div3A_342 : f32 to vector<1x1xf32>
    %swap3A = arith.constant 0 : index
    %swap3A_344 = arith.constant 0 : index
    %swap3A_345 = vector.load %arg1[%swap3A, %swap3A_344] : memref<1x1xf32, #tpu.memory_space<vmem>>, vector<1x1xf32>
    tpu.vector_store %arg1[%swap3A, %swap3A_344], %broadcast_in_dim3A_343 {strides = array<i32>} : memref<1x1xf32, #tpu.memory_space<vmem>>, vector<1x1xf32>,
    return
  }
}

</mosaic_0001>

<sc_bundles>
// kernel: kernel.4.cloned.1.call-start
scs
__scs_entry_jumppad:
0x0: {  	(pc) =	sbr.rel $0x88, $3  }
0x1: {  	(tag) =	ssettag $0x0;
	lr =	simm.s32 $0x1  }
0x2: {  	[smem:$0x3F9F] =	sst lr;
	_ =	strace $0xD0000000  }
0x3: {  	_ = 	snop  }
0x4: {  	_ = 	snop  }
0x5: {  	_ = 	snop  }
0x6: {  	_ = 	snop  }
0x7: {  	_ = 	snop  }
__scs_overlays_trampoline_lowered:
0x8: {  	[smem:$0x3FAE] =	sst s0  }
0x9: {  	[smem:$0x3FAF] =	sst s1  }
0xa: {  	[smem:$0x3FB0] =	sst s2  }
0xb: {  	[smem:$0x3FB1] =	sst s3  }
0xc: {  	[smem:$0x3FB2] =	sst s4  }
0xd: {  	[smem:$0x3FB3] =	sst s5  }
0xe: {  	[smem:$0x3FB4] =	sst s6  }
0xf: {  	[smem:$0x3FB5] =	sst s7  }
0x10: {  	[smem:$0x3FB6] =	sst s8  }
0x11: {  	[smem:$0x3FB7] =	sst s9;
	s0 =	simm.s32 @!p0 $0x0  }
0x12: {  	s1 =	sld [smem:$0x3F9D];
	s0 =	simm.s32 @p0 $0x1  }
0x13: {  	[smem:$0x3FB8] =	sst s0;
	s0 =	simm.s32 @!p1 $0x0  }
0x14: {  	s2 =	sld [smem:$0x3F9C];
	s0 =	simm.s32 @p1 $0x1  }
0x15: {  	[smem:$0x3FB9] =	sst s0;
	s0 =	simm.s32 @!p2 $0x0  }
0x16: {  	s3 =	sld [smem:$0x3FDB];
	s0 =	simm.s32 @p2 $0x1  }
0x17: {  	s4 =	simm.s32 $0x1BF5;
	[smem:$0x3FBB] =	sst s0  }
0x18: {  	s0 =	sld [smem:$0x3F9E];
	_ =	swait.ge [sflag:s4], $0x0  }
0x19: {  	s7 =	sld [smem:$0x3F9F]  }
0x1a: {  	s8 =	sadd.s32 $0xFFFFE003, lr  }
0x1b: {  	s9 =	sadd.s32 $0xFFFFFEF7, lr;
	s5 =	simm.s32 $0xFFFFFFFF;
	p2 =	slt.u32 s8, $0xFFFFF086  }
0x1c: {  	p1 =	slt.u32 s9, $0xF7A;
	s5 =	simm.s32 @!p2 $0x0  }
0x1d: {  	s5 =	simm.s32 @p1 $0x1;
	p0 =	seq.s32 s7, s2  }
0x1e: {  	s7 =	smul.u32 @!p0 $0xF7A, s2;
	p2 =	seq.s32 @!p0 s5, $0x0  }
0x1f: {  	s9 =	smul.u32 $0xF7A, s1;
	s8 =	simm.s32 @!p0 $0x1BF5;
	p2 =	por !p2, p0  }
0x20: {  	[sflag:s8] =	ssyncset.s32 @!p0 $0xFFFFF086;
	s6 =	sadd.s32 @!p0 s3, s7;
	s7 =	simm.s32 @!p0 $0x108  }
0x21: {  	s3 =	sadd.s32 s3, s9;
	s6 =	sadd.s32 @!p0 $0x88, s6;
	s7 =	simm.s32 @p2 $0x1082  }
0x22: {  	[simem:s7], [sflag:s8] =	dma.local @!p0 [hbm:s6], $0xF7A  }
0x23: {  	s9 =	sor.u32 $0xD0000000, s2;
	s6 =	simm.s32 $0x108;
	_ =	swait.ge @!p0 [sflag:s8], $0x0  }
0x24: {  	s3 =	sadd.s32 $0x88, s3;
	s6 =	simm.s32 @!p1 $0x1082;
	[sflag:s4] =	ssyncset.s32 $0xFFFFF086  }
0x25: {  	[simem:s6], [sflag:s4] =	dma.local [hbm:s3], $0xF7A  }
0x26: {  	[smem:$0x3F9F] =	sst s1;
	(tag) =	ssettag s2;
	_ =	strace s9  }
0x27: {  	s1 =	sld [smem:$0x3FAF]  }
0x28: {  	s2 =	sld [smem:$0x3FB0]  }
0x29: {  	s4 =	sld [smem:$0x3FB2]  }
0x2a: {  	p0 =	seq.s32 s5, $0x0;
	s5 =	sld [smem:$0x3FB3]  }
0x2b: {  	s6 =	sld [smem:$0x3FB4]  }
0x2c: {  	s7 =	sld [smem:$0x3FB5]  }
0x2d: {  	s3 =	simm.s32 $0x108;
	s8 =	sld [smem:$0x3FB6]  }
0x2e: {  	s3 =	simm.s32 @!p0 $0x1082;
	s9 =	sld [smem:$0x3FB7]  }
0x2f: {  	lr =	sadd.s32 s0, s3;
	s0 =	sld [smem:$0x3FAE]  }
0x30: {  	s3 =	sld [smem:$0x3FB1]  }
0x31: {  	[smem:$0x3FBA] =	sst s10  }
0x32: {  	s10 =	sld [smem:$0x3FB8];
	_ =	sdelay $0x3  }
0x33: {  	p0 =	seq.s32 s10, $0x1;
	s10 =	sld [smem:$0x3FBA];
	_ =	sdelay $0x3  }
0x34: {  	[smem:$0x3FBA] =	sst s10  }
0x35: {  	s10 =	sld [smem:$0x3FB9];
	_ =	sdelay $0x3  }
0x36: {  	p1 =	seq.s32 s10, $0x1;
	s10 =	sld [smem:$0x3FBA];
	_ =	sdelay $0x3  }
0x37: {  	[smem:$0x3FBA] =	sst s10  }
0x38: {  	s10 =	sld [smem:$0x3FBB]  }
0x39: {  	_ = 	snop;
	(pc) =	sbr.ind lr, $3  }
0x3a: {  	_ = 	snop  }
0x3b: {  	_ = 	snop  }
0x3c: {  	p2 =	seq.s32 s10, $0x1;
	s10 =	sld [smem:$0x3FBA]  }
0x3d: {  	_ =	shalt  }
0x3e: {  	_ =	shalt  }
0x3f: {  	_ =	shalt  }
0x40: {  	_ =	shalt  }
0x41: {  	_ =	shalt  }
0x42: {  	_ =	shalt  }
0x43: {  	_ =	shalt  }
0x44: {  	_ =	shalt  }
0x45: {  	_ =	shalt  }
0x46: {  	_ =	shalt  }
0x47: {  	_ =	shalt  }
0x48: {  	_ =	shalt  }
0x49: {  	_ =	shalt  }
0x4a: {  	_ =	shalt  }
0x4b: {  	_ =	shalt  }
0x4c: {  	_ =	shalt  }
0x4d: {  	_ =	shalt  }
0x4e: {  	_ =	shalt  }
0x4f: {  	_ =	shalt  }
0x50: {  	_ =	shalt  }
0x51: {  	_ =	shalt  }
0x52: {  	_ =	shalt  }
0x53: {  	_ =	shalt  }
0x54: {  	_ =	shalt  }
0x55: {  	_ =	shalt  }
0x56: {  	_ =	shalt  }
0x57: {  	_ =	shalt  }
0x58: {  	_ =	shalt  }
0x59: {  	_ =	shalt  }
0x5a: {  	_ =	shalt  }
0x5b: {  	_ =	shalt  }
0x5c: {  	_ =	shalt  }
0x5d: {  	_ =	shalt  }
0x5e: {  	_ =	shalt  }
0x5f: {  	_ =	shalt  }
0x60: {  	_ =	shalt  }
0x61: {  	_ =	shalt  }
0x62: {  	_ =	shalt  }
0x63: {  	_ =	shalt  }
0x64: {  	_ =	shalt  }
0x65: {  	_ =	shalt  }
0x66: {  	_ =	shalt  }
0x67: {  	_ =	shalt  }
0x68: {  	_ =	shalt  }
0x69: {  	_ =	shalt  }
0x6a: {  	_ =	shalt  }
0x6b: {  	_ =	shalt  }
0x6c: {  	_ =	shalt  }
0x6d: {  	_ =	shalt  }
0x6e: {  	_ =	shalt  }
0x6f: {  	_ =	shalt  }
0x70: {  	_ =	shalt  }
0x71: {  	_ =	shalt  }
0x72: {  	_ =	shalt  }
0x73: {  	_ =	shalt  }
0x74: {  	_ =	shalt  }
0x75: {  	_ =	shalt  }
0x76: {  	_ =	shalt  }
0x77: {  	_ =	shalt  }
0x78: {  	_ =	shalt  }
0x79: {  	_ =	shalt  }
0x7a: {  	_ =	shalt  }
0x7b: {  	_ =	shalt  }
0x7c: {  	_ =	shalt  }
0x7d: {  	_ =	shalt  }
0x7e: {  	_ =	shalt  }
0x7f: {  	_ =	shalt  }
0x80: {  	_ =	shalt  }
0x81: {  	_ =	shalt  }
0x82: {  	_ =	shalt  }
0x83: {  	_ =	shalt  }
0x84: {  	_ =	shalt  }
0x85: {  	_ =	shalt  }
0x86: {  	_ =	shalt  }
0x87: {  	_ =	shalt  }
.Lfunc_end0:
.L_simem_size_0:
called_computation_lowered:
.L_overlay_start_0:
0x88: {  	s2 =	sld [smem:$0x3FD9]  }
0x89: {  	s3 =	sld [smem:$0x3FFE];
	_ =	sdelay $0x1  }
0x8a: {  	s1 =	srdreg.scid  }
0x8b: {  	s0 =	sand.u32 $0x1, s1  }
0x8c: {  	s17 =	sshll.u32 s0, $0xA;
	s2 =	sadd.s32 s3, s2  }
0x8d: {  	s2 =	sadd.s32 s2, s17  }
0x8e: {  	[smem:$0x3FC6] =	sst s2  }
0x8f: {  	_ = 	snop  }
0x90: {  	s2 =	sld [smem:$0x3FC9];
	(tm) =	ssettm $0x1  }
0x91: {  	s18 =	sld [smem:$0x3FFB];
	_ =	sdelay $0x3  }
0x92: {  	_ =	strace s18  }
0x93: {  	s3 =	sld [smem:$0x3FFC];
	_ =	sdelay $0x3  }
0x94: {  	_ =	strace s3  }
0x95: {  	s3 =	sld [smem:$0x3FFD];
	_ =	sdelay $0x3  }
0x96: {  	_ =	strace s3  }
0x97: {  	_ =	strace $0x8FFFFFFF  }
0x98: {  	s19 =	sld [smem:$0x3FDB];
	_ =	sdelay $0x1  }
0x99: {  	s4 =	simm.s32 $_scs_section_size  }
0x9a: {  	s5 =	simm.s32 $_size__tile_overlayer_lowered;
	s6 =	simm.s32 $_tile_overlayer_lowered  }
0x9b: {  	s22 =	simm.s32 $0x1BFF;
	s21 =	sshll.u32 s6, $0x1;
	s3 =	sadd.s32 s4, s19  }
0x9c: {  	s7 =	simm.s32 $0x0;
	s20 =	sshll.u32 s5, $0x1;
	s5 =	sadd.s32 s21, s3  }
0x9d: {  	[timem:s7], [sflag:s22] =	dma.local [hbm:s5], s20  }
0x9e: {  	_ =	swait.ge [sflag:s22], s20  }
0x9f: {  	s4 =	ssub.s32 $0x0, s20;
	[sflag:s22] =	ssyncset.done $0x0  }
0xa0: {  	[sflag:s22] =	ssyncadd.s32 s4;
	_ =	sdelay $0x1  }
0xa1: {  	s23 =	simm.s32 $0x1B8B  }
0xa2: {  	_ =	swait.ge [sflag:s23], $0x1  }
0xa3: {  	[sflag:s23] =	ssyncset.done $0x0  }
0xa4: {  	s25 =	simm.s32 $0x1B8E;
	s24 =	sld [smem:$0x3FFE];
	[sflag:s23] =	ssyncadd.s32 $0xFFFFFFFF  }
0xa5: {  	s26 =	simm.s32 $execute0_lowered;
	[smem:$0x3FD2] =	sst s25  }
0xa6: {  	s5 =	sshll.u32 s26, $0x1;
	_ =	strace $0x80000046;
	[dreg:$0x1] =	wrdreg $0xFFFFFFFF  }
0xa7: {  	s28 =	simm.s32 $_size_execute0_lowered;
	s3 =	sadd.s32 s3, s5;
	[dreg:$0x0] =	wrdreg $0x0  }
0xa8: {  	s5 =	sshll.u32 s28, $0x1;
	[dreg:$0x2] =	wrdreg s3  }
0xa9: {  	[dreg:$0x3] =	wrdreg s5  }
0xaa: {  	[dreg:$0x4] =	wrdreg $0xC0  }
0xab: {  	_ =	task [dreg:s7], $0x5FFFF  }
0xac: {  	[dreg:$0x1] =	wrdreg $0xFFFFFFFF  }
0xad: {  	[dreg:$0x0] =	wrdreg $0x60  }
0xae: {  	[dreg:$0x2] =	wrdreg s2  }
0xaf: {  	[dreg:$0x3] =	wrdreg s24  }
0xb0: {  	[dreg:$0x4] =	wrdreg $0x9  }
0xb1: {  	_ =	task.clear_ibuf [dreg:s7], $0x5FFFF;
	_ =	strace $0x90000046  }
0xb2: {  	s29 =	simm.s32 $0x9;
	_ =	strace $0x80000048  }
0xb3: {  	_ =	swait.ge [sflag:s29], $0x1  }
0xb4: {  	[sflag:s29] =	ssyncadd.s32 $0xFFFFFFFF  }
0xb5: {  	_ =	strace $0x90000048  }
0xb6: {  	_ =	sfence  }
0xb7: {  	s30 =	sld [smem:$0x0];
	_ =	sdelay $0x2  }
0xb8: {  	s31 =	sshll.u32 s1, $0xD;
	s1 =	sshrl.u32 s1, $0x2  }
0xb9: {  	s3 =	sand.u32 $0x4000, s31;
	s1 =	sadd.s32 s1, s30  }
0xba: {  	s0 =	sor.u32 s3, s0;
	s1 =	sshll.u32 s1, $0x11  }
0xbb: {  	s0 =	sor.u32 s1, s0  }
0xbc: {  	s0 =	sadd.s32 $0x8F2B, s0  }
0xbd: {  	[sflag:s0] =	ssyncadd.remote.s32 $0x1  }
0xbe: {  	_ =	sfence.sel $0xFFFF  }
0xbf: {  	[dreg:$0x0] =	wrdreg $0xFFFFFFFF;
	(pc) =	sbr.abs _section_cstart, $3  }
0xc0: {  	[dreg:$0x1] =	wrdreg $0xFFFFFFFF  }
0xc1: {  	_ =	task.clear_ibuf [dreg:s7], $0x2FFFF;
	_ =	strace $0x9FFFFFFF  }
0xc2: {  	(tm) =	ssettm $0x7FFFFFFF  }
0xc3: {  	_ =	shalt  }
tec
execute0_lowered:
.L_overlay_start_1:
0x0: {  	(tag) =	ssettag $0x1  }
0x1: {  	s1 =	rddreg [dreg:$0x0]  }
0x2: {  	s0 =	rddreg [dreg:$0x1]  }
0x3: {  	s2 =	simm.s32 $0x0;
	s18 =	srdreg.scid;
	s5 =	stileid.u32  }
0x4: {  	[smem:$0x7FF] =	sst s2;
	s2 =	sand.u32 $0x1, s18;
	s3 =	sshll.u32 s5, $0x1  }
0x5: {  	s4 =	sadd.s32 $0x600, s0;
	s6 =	sshrl.u32 s5, $0x2;
	_ =	strace $0x80000047  }
0x6: {  	s3 =	sor.u32 s2, s3;
	s7 =	smul.u32 $0x1C000, s6;
	s5 =	sshll.u32 s6, $0x15  }
0x7: {  	s2 =	ssub.s32 $0x2, s2;
	s19 =	sshll.u32 s3, $0x7;
	s3 =	sshll.u32 s3, $0xF  }
0x8: {  	s9 =	sshrl.u32 s2, $0x1;
	s8 =	sand.u32 $0x380, s19;
	s3 =	sand.u32 $0x38000, s3  }
0x9: {  	s2 =	ssub.s32 s2, s9;
	s9 =	sshll.u32 s6, $0x12;
	s7 =	sor.u32 s7, s8  }
0xa: {  	s20 =	sor.u32 s5, s3;
	s25 =	sor.u32 s9, s3;
	s30 =	sor.u32 $0x1000, s3  }
0xb: {  	s31 =	smax.u32 s2, $0x1;
	s8 =	sshrl.u32 s20, $0x3;
	[dreg:$0xc] =	wrdreg s30  }
0xc: {  	s6 =	sshrl.u32 s25, $0x3;
	[dreg:$0xe] =	wrdreg s31;
	s21 =	sadd.s32 s1, s8  }
0xd: {  	s28 =	simm.s32 $0x13000;
	s6 =	sadd.s32 s4, s6;
	[dreg:$0x3] =	wrdreg s21  }
0xe: {  	s10 =	simm.s32 $0x14800;
	s8 =	sadd.s32 $0x8000, s21;
	[dreg:$0xb] =	wrdreg s6  }
0xf: {  	s11 =	simm.s32 $0x15000;
	s22 =	sadd.s32 $0x10000, s21;
	[dreg:$0x4] =	wrdreg s8  }
0x10: {  	s12 =	simm.s32 $0x2;
	s23 =	sadd.s32 $0x18000, s21;
	[dreg:$0x5] =	wrdreg s22  }
0x11: {  	s15 =	simm.s32 $0x0;
	s24 =	sadd.s32 $0x20000, s21;
	[dreg:$0x6] =	wrdreg s23  }
0x12: {  	s17 =	sor.u32 $0x2000, s3;
	s26 =	sadd.s32 $0x28000, s21;
	[dreg:$0x7] =	wrdreg s24  }
0x13: {  	s7 =	sshrl.u32 s7, $0x3;
	s29 =	sadd.s32 $0x30000, s21;
	[dreg:$0x8] =	wrdreg s26  }
0x14: {  	s0 =	sadd.s32 s7, s0;
	s7 =	sadd.s32 $0x38000, s21;
	[dreg:$0x9] =	wrdreg s29  }
0x15: {  	s3 =	simm.s32 $0x0;
	s0 =	sadd.s32 $0x20600, s0;
	[dreg:$0xa] =	wrdreg s7  }
0x16: {  	s25 =	simm.s32 $0x12000;
	[dreg:$0xd] =	wrdreg s0;
	s24 =	simm.s32 $0x1  }
0x17: {  	v0 =	vimm.s32 $0x0;
	v1 =	vimm.s32 $0x1;
	s26 =	simm.s32 $0x12800;
	s7 =	simm.s32 $0x13800;
	s8 =	simm.s32 $0x14000  }
.LBB2_1:
0x18: {  	[dreg:$0xf] =	wrdreg s3  }
0x19: {  	s0 =	simm.s32 $0x0;
	s2 =	rddreg [dreg:$0x3]  }
0x1a: {  	[tilespmem:s0], [sflag:$0x1] =	stream.linear.gather [hbm4b:s2+s0], $0x1000, $0x38;
	[tilespmem:$0x15880] =	vst v63  }
0x1b: {  	s30 =	rddreg [dreg:$0x4];
	s31 =	simm.s32 $0x1000  }
0x1c: {  	[tilespmem:s31], [sflag:$0x1] =	stream.linear.gather [hbm4b:s30+s0], $0x1000, $0x38;
	[tilespmem:$0x15880] =	vst v63  }
0x1d: {  	s3 =	rddreg [dreg:$0x5];
	s6 =	simm.s32 $0x2000  }
0x1e: {  	[tilespmem:s6], [sflag:$0x1] =	stream.linear.gather [hbm4b:s3+s0], $0x1000, $0x38;
	[tilespmem:$0x15880] =	vst v63  }
0x1f: {  	s13 =	rddreg [dreg:$0x6];
	s14 =	simm.s32 $0x3000  }
0x20: {  	[tilespmem:s14], [sflag:$0x1] =	stream.linear.gather [hbm4b:s13+s0], $0x1000, $0x38;
	[tilespmem:$0x15880] =	vst v63  }
0x21: {  	s16 =	rddreg [dreg:$0x7];
	s18 =	simm.s32 $0x4000  }
0x22: {  	[tilespmem:s18], [sflag:$0x1] =	stream.linear.gather [hbm4b:s16+s0], $0x1000, $0x38;
	[tilespmem:$0x15880] =	vst v63  }
0x23: {  	s19 =	rddreg [dreg:$0x8];
	s20 =	simm.s32 $0x5000  }
0x24: {  	[tilespmem:s20], [sflag:$0x1] =	stream.linear.gather [hbm4b:s19+s0], $0x1000, $0x38;
	[tilespmem:$0x15880] =	vst v63  }
0x25: {  	s21 =	rddreg [dreg:$0x9];
	s22 =	simm.s32 $0x6000  }
0x26: {  	[tilespmem:s22], [sflag:$0x1] =	stream.linear.gather [hbm4b:s21+s0], $0x1000, $0x38;
	[tilespmem:$0x15880] =	vst v63  }
0x27: {  	s23 =	rddreg [dreg:$0xa];
	s29 =	simm.s32 $0x7000  }
0x28: {  	[tilespmem:s29], [sflag:$0x1] =	stream.linear.gather [hbm4b:s23+s0], $0x1000, $0x38;
	[tilespmem:$0x15880] =	vst v63  }
0x29: {  	s30 =	rddreg [dreg:$0xb];
	s31 =	simm.s32 $0x8000  }
0x2a: {  	[tilespmem:s31], [sflag:$0x1] =	stream.linear.gather [hbm4b:s30+s0], $0x1000, $0x38;
	[tilespmem:$0x15880] =	vst v63  }
0x2b: {  	s3 =	simm.s32 $0x0;
	s0 =	simm.s32 $0x40  }
.LBB2_2:
0x2c: {  	p0 =	sne.s32 s0, $0xE000;
	[tilespmem:s3+$0x12000] =	vst v0;
	s3 =	smov.u32 s0;
	s0 =	sadd.s32 $0x40, s0  }
.Ltmp0:
0x2d: {  	(pc) =	sbr.rel @p0 .LBB2_2-.Ltmp0, $2  }
0x2e: {  	_ =	sdelay $0x2  }
0x2f: {  	s3 =	sshra.s32 s3, $0x2  }
0x30: {  	[tilespmem:s3+$0x12000] =	vst v0;
	s18 =	simm.s32 $0x0  }
.LBB2_4:
0x31: {  	s19 =	sshll.u32 s18, $0xD;
	s0 =	rddreg [dreg:$0xc]  }
0x32: {  	s0 =	sadd.s32 s0, s19  }
0x33: {  	s3 =	sor.u32 s5, s0  }
0x34: {  	s2 =	simm.s32 $0x9000;
	s3 =	sshrl.u32 s3, $0x3  }
0x35: {  	s14 =	simm.s32 $0xA000;
	s6 =	sadd.s32 s1, s3;
	s13 =	sor.u32 $0x8000, s3  }
0x36: {  	[tilespmem:s2], [sflag:$0x2] =	stream.linear.gather [hbm4b:s6+s15], $0x1000, $0x38;
	[tilespmem:$0x15880] =	vst v63  }
0x37: {  	s20 =	simm.s32 $0xB000;
	s16 =	sor.u32 $0x10000, s3;
	s6 =	sadd.s32 s1, s13  }
0x38: {  	[tilespmem:s14], [sflag:$0x2] =	stream.linear.gather [hbm4b:s6+s15], $0x1000, $0x38;
	[tilespmem:$0x15880] =	vst v63  }
0x39: {  	s22 =	simm.s32 $0xC000;
	s21 =	sor.u32 $0x18000, s3;
	s6 =	sadd.s32 s1, s16  }
0x3a: {  	[tilespmem:s20], [sflag:$0x2] =	stream.linear.gather [hbm4b:s6+s15], $0x1000, $0x38;
	[tilespmem:$0x15880] =	vst v63  }
0x3b: {  	s29 =	simm.s32 $0xD000;
	s23 =	sor.u32 $0x20000, s3;
	s6 =	sadd.s32 s1, s21  }
0x3c: {  	[tilespmem:s22], [sflag:$0x2] =	stream.linear.gather [hbm4b:s6+s15], $0x1000, $0x38;
	[tilespmem:$0x15880] =	vst v63  }
0x3d: {  	s31 =	simm.s32 $0xE000;
	s30 =	sor.u32 $0x28000, s3;
	s6 =	sadd.s32 s1, s23  }
0x3e: {  	[tilespmem:s29], [sflag:$0x2] =	stream.linear.gather [hbm4b:s6+s15], $0x1000, $0x38;
	[tilespmem:$0x15880] =	vst v63  }
0x3f: {  	s0 =	sor.u32 s9, s0;
	s2 =	sor.u32 $0x30000, s3;
	s6 =	sadd.s32 s1, s30  }
0x40: {  	[tilespmem:s31], [sflag:$0x2] =	stream.linear.gather [hbm4b:s6+s15], $0x1000, $0x38;
	[tilespmem:$0x15880] =	vst v63  }
0x41: {  	s13 =	simm.s32 $0xF000;
	s3 =	sor.u32 $0x38000, s3;
	s6 =	sadd.s32 s1, s2  }
0x42: {  	[tilespmem:s13], [sflag:$0x2] =	stream.linear.gather [hbm4b:s6+s15], $0x1000, $0x38;
	[tilespmem:$0x15880] =	vst v63  }
0x43: {  	s0 =	sshrl.u32 s0, $0x3;
	s3 =	sadd.s32 s1, s3;
	s14 =	simm.s32 $0x10000  }
0x44: {  	[tilespmem:s14], [sflag:$0x2] =	stream.linear.gather [hbm4b:s3+s15], $0x1000, $0x38;
	[tilespmem:$0x15880] =	vst v63  }
0x45: {  	s0 =	sadd.s32 s4, s0;
	s16 =	simm.s32 $0x11000  }
0x46: {  	[tilespmem:s16], [sflag:$0x2] =	stream.linear.gather [hbm4b:s0+s15], $0x1000, $0x38;
	[tilespmem:$0x15880] =	vst v63  }
0x47: {  	_ =	swait.ge [sflag:s24], $0x1000  }
0x48: {  	[sflag:s24] =	ssyncset.done $0x0  }
0x49: {  	[sflag:s24] =	ssyncadd.s32 $0xFFFFF000  }
0x4a: {  	_ =	swait.ge [sflag:s24], $0x1000  }
0x4b: {  	[sflag:s24] =	ssyncset.done $0x0  }
0x4c: {  	[sflag:s24] =	ssyncadd.s32 $0xFFFFF000  }
0x4d: {  	_ =	swait.ge [sflag:s24], $0x1000  }
0x4e: {  	[sflag:s24] =	ssyncset.done $0x0  }
0x4f: {  	[sflag:s24] =	ssyncadd.s32 $0xFFFFF000  }
0x50: {  	_ =	swait.ge [sflag:s24], $0x1000  }
0x51: {  	[sflag:s24] =	ssyncset.done $0x0  }
0x52: {  	[sflag:s24] =	ssyncadd.s32 $0xFFFFF000  }
0x53: {  	_ =	swait.ge [sflag:s24], $0x1000  }
0x54: {  	[sflag:s24] =	ssyncset.done $0x0  }
0x55: {  	[sflag:s24] =	ssyncadd.s32 $0xFFFFF000  }
0x56: {  	_ =	swait.ge [sflag:s24], $0x1000  }
0x57: {  	[sflag:s24] =	ssyncset.done $0x0  }
0x58: {  	[sflag:s24] =	ssyncadd.s32 $0xFFFFF000  }
0x59: {  	_ =	swait.ge [sflag:s24], $0x1000  }
0x5a: {  	[sflag:s24] =	ssyncset.done $0x0  }
0x5b: {  	s21 =	simm.s32 $0x20;
	[sflag:s24] =	ssyncadd.s32 $0xFFFFF000  }
0x5c: {  	s20 =	simm.s32 $0x100;
	s22 =	sand.u32 $0x70, s21;
	_ =	swait.ge [sflag:s24], $0x1000  }
0x5d: {  	s23 =	simm.s32 $0x20;
	s13 =	simm.s32 $0x8;
	[sflag:s24] =	ssyncset.done $0x0  }
0x5e: {  	s13 =	sand.u32 $0x380, s13;
	s0 =	sand.u32 $0xC00, s20;
	[sflag:s24] =	ssyncadd.s32 $0xFFFFF000  }
0x5f: {  	s3 =	sand.u32 $0x1000, s23;
	s14 =	sor.u32 s0, s22;
	_ =	swait.ge [sflag:s24], $0x1000  }
0x60: {  	s0 =	sor.u32 s0, s3;
	s14 =	sor.u32 s3, s14;
	[sflag:s24] =	ssyncset.done $0x0  }
0x61: {  	s0 =	sor.u32 s13, s0;
	s3 =	sor.u32 s13, s14;
	[sflag:s24] =	ssyncadd.s32 $0xFFFFF000  }
0x62: {  	s0 =	sor.u32 s22, s0;
	v2 =	vld [tilespmem:s3+$0x0]  }
0x63: {  	v3 =	vld [tilespmem:s0+$0x1000]  }
0x64: {  	v4 =	vld [tilespmem:s0+$0x2000]  }
0x65: {  	v5 =	vld [tilespmem:s0+$0x3000]  }
0x66: {  	v6 =	vld [tilespmem:s0+$0x4000]  }
0x67: {  	s29 =	simm.s32 $0x10;
	s30 =	simm.s32 $0x80;
	v7 =	vld [tilespmem:s0+$0x5000];
	v2 =	vmul.f32 $1.442695020e+00, v2  }
0x68: {  	s31 =	simm.s32 $0x4;
	s6 =	sand.u32 $0x1000, s29;
	s13 =	sand.u32 $0xC00, s30;
	v8 =	vld [tilespmem:s0+$0x6000];
	v3 =	vmul.f32 $1.442695020e+00, v3  }
0x69: {  	s29 =	simm.s32 $0x10;
	s14 =	sand.u32 $0x380, s31;
	s30 =	sor.u32 s13, s6;
	v9 =	vld [tilespmem:s0+$0x7000];
	v4 =	vmul.f32 $1.442695020e+00, v4;
	(erf) = vpow2.f32 v2  }
0x6a: {  	s29 =	sand.u32 $0x70, s29;
	s30 =	sor.u32 s14, s30;
	v2 =	vmul.f32 $1.442695020e+00, v5;
	(erf) = vpow2.f32 v3  }
0x6b: {  	s2 =	sor.u32 s29, s30;
	v5 =	vmul.f32 $1.442695020e+00, v6;
	(erf) = vpow2.f32 v4  }
0x6c: {  	v6 =	vmul.f32 $1.442695020e+00, v7;
	v3 =	vld [tilespmem:s2+$0x1000];
	(erf) = vpow2.f32 v2  }
0x6d: {  	v7 =	vmul.f32 $1.442695020e+00, v8;
	v4 =	vld [tilespmem:s2+$0x2000];
	(erf) = vpow2.f32 v5  }
0x6e: {  	v8 =	vmul.f32 $1.442695020e+00, v9;
	v2 =	vld [tilespmem:s2+$0x3000];
	(erf) = vpow2.f32 v6  }
0x6f: {  	s31 =	simm.s32 $0x0;
	v5 =	vld [tilespmem:s2+$0x4000];
	(erf) = vpow2.f32 v7  }
0x70: {  	s16 =	sand.u32 $0x380, s15;
	s20 =	simm.s32 $0x0;
	s31 =	sand.u32 $0xC00, s31;
	v6 =	vld [tilespmem:s2+$0x5000];
	(erf) = vpow2.f32 v8  }
0x71: {  	s22 =	sand.u32 $0x70, s20;
	s13 =	sor.u32 s13, s29;
	s21 =	sor.u32 s16, s31;
	v7 =	vld [tilespmem:s2+$0x6000];
	v3 =	vmul.f32 $1.442695020e+00, v3  }
0x72: {  	s6 =	sor.u32 s6, s13;
	v8 =	vld [tilespmem:s2+$0x7000];
	s2 =	sor.u32 s22, s21;
	v4 =	vmul.f32 $1.442695020e+00, v4;
	v10 =	vpop (erf)  }
0x73: {  	s23 =	sor.u32 s14, s6;
	v2 =	vmul.f32 $1.442695020e+00, v2;
	(erf) = vpow2.f32 v3;
	v3 =	vld [tilespmem:s2+$0x0];
	v11 =	vpop (erf)  }
0x74: {  	v9 =	vld [tilespmem:s23+$0x0];
	v5 =	vmul.f32 $1.442695020e+00, v5;
	(erf) = vpow2.f32 v4;
	v12 =	vpop (erf)  }
0x75: {  	v4 =	vmul.f32 $1.442695020e+00, v6;
	(erf) = vpow2.f32 v2;
	v13 =	vpop (erf)  }
0x76: {  	v6 =	vld [tilespmem:s2+$0x1000];
	v2 =	vmul.f32 $1.442695020e+00, v7;
	(erf) = vpow2.f32 v5;
	v14 =	vpop (erf)  }
0x77: {  	v7 =	vld [tilespmem:s2+$0x2000];
	v5 =	vmul.f32 $1.442695020e+00, v8;
	(erf) = vpow2.f32 v4;
	v15 =	vpop (erf)  }
0x78: {  	(erf) = vpow2.f32 v2;
	v2 =	vmul.f32 $1.442695020e+00, v3;
	v3 =	vpop (erf)  }
0x79: {  	v8 =	vld [tilespmem:s2+$0x3000];
	v4 =	vmul.f32 $1.442695020e+00, v9;
	v16 =	vpop (erf)  }
0x7a: {  	v19 =	vld [tilespmem:s2+$0x5000];
	v9 =	vadd.f32 v13, v12;
	(erf) = vpow2.f32 v5;
	v18 =	vadd.f32 v16, v3  }
0x7b: {  	v5 =	vadd.f32 v11, v10;
	v10 =	vld [tilespmem:s2+$0x4000];
	v6 =	vmul.f32 $1.442695020e+00, v6;
	v17 =	vadd.f32 v15, v14  }
0x7c: {  	(erf) = vpow2.f32 v4;
	v4 =	vmul.f32 $1.442695020e+00, v7;
	v7 =	vld [tilespmem:s2+$0x6000]  }
0x7d: {  	(erf) = vpow2.f32 v2;
	v2 =	vadd.f32 v9, v5;
	v9 =	vld [tilespmem:s2+$0x7000];
	v5 =	vadd.f32 v18, v17  }
0x7e: {  	v8 =	vmul.f32 $1.442695020e+00, v8;
	v18 =	vpop (erf);
	(erf) = vpow2.f32 v6  }
0x7f: {  	v2 =	vadd.f32 v5, v2;
	v5 =	vmul.f32 $1.442695020e+00, v19;
	v20 =	vpop (erf);
	(erf) = vpow2.f32 v4  }
0x80: {  	v4 =	vmul.f32 $1.442695020e+00, v10;
	v21 =	vpop (erf);
	(erf) = vpow2.f32 v8  }
0x81: {  	v19 =	vpop (erf);
	(erf) = vrcp.f32 v2;
	v2 =	vmul.f32 $1.442695020e+00, v7  }
0x82: {  	v22 =	vpop (erf);
	(erf) = vpow2.f32 v4;
	v4 =	vmul.f32 $1.442695020e+00, v9  }
0x83: {  	v23 =	vpop (erf);
	(erf) = vpow2.f32 v5  }
0x84: {  	v24 =	vpop (erf);
	(erf) = vpow2.f32 v2  }
0x85: {  	v2 =	vpop (erf);
	(erf) = vpow2.f32 v4  }
0x86: {  	v5 =	vadd.f32 v21, v20;
	v6 =	vadd.f32 v22, v19;
	v4 =	vpop (erf)  }
0x87: {  	v7 =	vadd.f32 v24, v23;
	v2 =	vadd.f32 v18, v2;
	v27 =	vpop (erf)  }
0x88: {  	v10 =	vpop (erf)  }
0x89: {  	v7 =	vadd.f32 v7, v6;
	v2 =	vadd.f32 v5, v2;
	v9 =	vpop (erf)  }
0x8a: {  	v5 =	vadd.f32 v27, v4;
	v17 =	vpop (erf)  }
0x8b: {  	v2 =	vadd.f32 v7, v2;
	v25 =	vadd.f32 v9, v10;
	v8 =	vpop (erf)  }
0x8c: {  	v17 =	vmul.f32 $2.048000000e+03, v17;
	v6 =	vpop (erf)  }
0x8d: {  	(erf) = vrcp.f32 v2;
	v2 =	vadd.f32 v25, v5;
	v7 =	vpop (erf)  }
0x8e: {  	v26 =	vadd.f32 v6, v8;
	v5 =	vmul.f32 v17, v11;
	v11 =	vmul.f32 v17, v12;
	v4 =	vpop (erf)  }
0x8f: {  	v12 =	vmul.f32 v17, v13;
	v14 =	vmul.f32 v17, v14;
	v28 =	vadd.f32 v4, v7  }
0x90: {  	v15 =	vmul.f32 v17, v15;
	v25 =	vmul.f32 v17, v3  }
0x91: {  	v16 =	vmul.f32 v17, v16;
	v3 =	vtrunc.f32 v5;
	v13 =	vadd.f32 v28, v26  }
0x92: {  	v5 =	vtrunc.f32 v11;
	v11 =	vtrunc.f32 v14  }
0x93: {  	v2 =	vadd.f32 v13, v2;
	v13 =	vcvt.f32.s32 v11;
	v11 =	vtrunc.f32 v15  }
0x94: {  	v3 =	vcvt.f32.s32 v3;
	v14 =	vcvt.f32.s32 v11  }
0x95: {  	v11 =	vtrunc.f32 v25;
	v25 =	vtrunc.f32 v16  }
0x96: {  	(erf) = vrcp.f32 v2;
	v2 =	vcvt.f32.s32 v5;
	v15 =	vpop (erf)  }
0x97: {  	s16 =	simm.s32 $0x50;
	s6 =	simm.s32 $0x280;
	v5 =	vtrunc.f32 v12;
	v26 =	vmul.f32 $2.048000000e+03, v15  }
0x98: {  	s20 =	sand.u32 $0xC00, s6;
	s21 =	sand.u32 $0x1000, s16;
	s22 =	simm.s32 $0x14;
	v12 =	vld [tilespmem:s23+$0x8000];
	v16 =	vcvt.f32.s32 v11;
	v5 =	vcvt.f32.s32 v5  }
0x99: {  	s13 =	simm.s32 $0x50;
	s30 =	sand.u32 $0x380, s22;
	s29 =	sor.u32 s20, s21;
	v15 =	vcvt.f32.s32 v25;
	v28 =	vmul.f32 v26, v18  }
0x9a: {  	s0 =	sand.u32 $0x70, s13;
	v32 =	vld [tilespmem:s3+$0x8000];
	s16 =	sor.u32 s30, s29;
	v25 =	vmul.f32 v26, v20;
	v18 =	vmul.f32 v26, v21  }
0x9b: {  	s22 =	simm.s32 $0x10;
	v17 =	vld [tilespmem:s2+$0x8000];
	s23 =	sor.u32 s20, s0;
	s0 =	sor.u32 s0, s16;
	v19 =	vmul.f32 v26, v19;
	v21 =	vmul.f32 v26, v22  }
0x9c: {  	s20 =	simm.s32 $0x40;
	s2 =	sor.u32 s21, s23;
	v30 =	vld [tilespmem:s0+$0x2000];
	s21 =	simm.s32 $0x200;
	v20 =	vmul.f32 v26, v23;
	v22 =	vmul.f32 v26, v24  }
0x9d: {  	v31 =	vld [tilespmem:s0+$0x3000];
	s14 =	sor.u32 s30, s2;
	s2 =	sand.u32 $0x1000, s20;
	s3 =	sand.u32 $0xC00, s21;
	vm0 =	veq.s32 v12, $0x1;
	vm1 =	veq.s32 v12, $0x2;
	vm2 =	veq.s32 v12, $0x3  }
0x9e: {  	s29 =	sand.u32 $0x380, s22;
	s23 =	simm.s32 $0x40;
	v11 =	vld [tilespmem:s14+$0x0];
	s16 =	sor.u32 s3, s2;
	v26 =	vtrunc.f32 v28;
	vm3 =	veq.s32 v12, $0x4;
	v25 =	vtrunc.f32 v25  }
0x9f: {  	s30 =	sand.u32 $0x70, s23;
	v24 =	vld [tilespmem:s0+$0x4000];
	s31 =	sor.u32 s29, s16;
	vm4 =	veq.s32 v12, $0x5;
	v18 =	vtrunc.f32 v18;
	v19 =	vtrunc.f32 v19  }
0xa0: {  	v28 =	vld [tilespmem:s0+$0x5000];
	s20 =	sor.u32 s30, s31;
	vm5 =	veq.s32 v12, $0x6;
	v21 =	vtrunc.f32 v21;
	v20 =	vtrunc.f32 v20  }
0xa1: {  	vm6 =	veq.s32 v12, $0x7;
	v22 =	vtrunc.f32 v22;
	v30 =	vmul.f32 $1.442695020e+00, v30;
	v12 =	vld [tilespmem:s20+$0x2000]  }
0xa2: {  	v29 =	vld [tilespmem:s0+$0x1000];
	v31 =	vmul.f32 $1.442695020e+00, v31;
	v25 =	vcvt.f32.s32 v25  }
0xa3: {  	v18 =	vcvt.f32.s32 v18;
	v11 =	vmul.f32 $1.442695020e+00, v11;
	v23 =	vpop (erf)  }
0xa4: {  	v24 =	vmul.f32 $1.442695020e+00, v24;
	v36 =	vmul.f32 $2.048000000e+03, v23  }
0xa5: {  	(erf) = vpow2.f32 v11;
	v28 =	vmul.f32 $1.442695020e+00, v28  }
0xa6: {  	v12 =	vmul.f32 $1.442695020e+00, v12;
	v23 =	vmul.f32 v36, v27  }
0xa7: {  	v27 =	vmul.f32 $1.442695020e+00, v29;
	v29 =	vld [tilespmem:s0+$0x6000];
	v41 =	vmul.f32 v36, v10  }
0xa8: {  	vm7 =	veq.s32 v32, $0x1;
	v34 =	vld [tilespmem:s0+$0x7000];
	v62 =	vmul.f32 v36, v9;
	v42 =	vmul.f32 v36, v8  }
0xa9: {  	vm8 =	veq.s32 v32, $0x2;
	v11 =	vld [tilespmem:s20+$0x1000];
	v43 =	vmul.f32 v36, v6;
	(erf) = vpow2.f32 v27  }
0xaa: {  	v33 =	vsel vm7, $0x10000, v1;
	v44 =	vmul.f32 v36, v7;
	v27 =	vld [tilespmem:s20+$0x3000];
	(erf) = vpow2.f32 v30  }
0xab: {  	v61 =	vsel vm8, $0x10000, v1;
	v36 =	vmul.f32 v36, v4;
	(erf) = vpow2.f32 v31  }
0xac: {  	vm7 =	veq.s32 v32, $0x3;
	v30 =	vld [tilespmem:s20+$0x4000];
	v29 =	vmul.f32 $1.442695020e+00, v29;
	(erf) = vpow2.f32 v24  }
0xad: {  	vm8 =	veq.s32 v32, $0x5;
	v31 =	vmul.f32 $1.442695020e+00, v34;
	v24 =	vld [tilespmem:s20+$0x5000];
	(erf) = vpow2.f32 v28  }
0xae: {  	v35 =	vsel vm7, $0x10000, v1;
	v11 =	vmul.f32 $1.442695020e+00, v11;
	v28 =	vld [tilespmem:s20+$0x6000];
	(erf) = vpow2.f32 v29  }
0xaf: {  	vm7 =	veq.s32 v32, $0x4;
	s22 =	simm.s32 $0x180;
	s30 =	sor.u32 s3, s30;
	v29 =	vld [tilespmem:s20+$0x7000];
	v27 =	vmul.f32 $1.442695020e+00, v27;
	(erf) = vpow2.f32 v31  }
0xb0: {  	v40 =	vsel vm8, $0x10000, v1;
	s23 =	simm.s32 $0x30;
	s3 =	simm.s32 $0xC;
	s2 =	sor.u32 s2, s30;
	v23 =	vtrunc.f32 v23;
	(erf) = vpow2.f32 v11  }
0xb1: {  	vm8 =	veq.s32 v32, $0x6;
	[tilespmem:v3+s25+$0x0] =	vst.idx.add.s32.msk $0xffff, v33;
	s31 =	sand.u32 $0xC00, s22;
	s21 =	sand.u32 $0x380, s3;
	s30 =	sor.u32 s29, s2;
	v11 =	vmul.f32 $1.442695020e+00, v30;
	(erf) = vpow2.f32 v12;
	v12 =	vpop (erf)  }
0xb2: {  	v37 =	vsel vm7, $0x10000, v1;
	s2 =	sand.u32 $0x70, s23;
	s0 =	sor.u32 s21, s31;
	v31 =	vld [tilespmem:s30+$0x0];
	v30 =	vmul.f32 $1.442695020e+00, v24;
	(erf) = vpow2.f32 v27;
	v24 =	vpop (erf)  }
0xb3: {  	vm7 =	veq.s32 v17, $0x1;
	[tilespmem:v2+s26+$0x0] =	vst.idx.add.s32.msk $0xffff, v61;
	s29 =	sor.u32 s2, s0;
	v38 =	vmul.f32 $1.442695020e+00, v28;
	(erf) = vpow2.f32 v11;
	v27 =	vpop (erf)  }
0xb4: {  	vm9 =	veq.s32 v17, $0x3;
	v11 =	vld [tilespmem:s29+$0x0];
	v39 =	vmul.f32 $1.442695020e+00, v29;
	(erf) = vpow2.f32 v30;
	v28 =	vpop (erf)  }
0xb5: {  	vm10 =	veq.s32 v17, $0x4;
	v10 =	vld [tilespmem:s29+$0x1000];
	v33 =	vtrunc.f32 v41;
	(erf) = vpow2.f32 v38;
	v29 =	vpop (erf)  }
0xb6: {  	vm11 =	veq.s32 v17, $0x5;
	[tilespmem:v5+s28+$0x0] =	vst.idx.add.s32.msk $0xffff, v35;
	v59 =	vtrunc.f32 v43;
	(erf) = vpow2.f32 v39;
	v30 =	vpop (erf)  }
0xb7: {  	vm12 =	veq.s32 v17, $0x6;
	v9 =	vld [tilespmem:s29+$0x2000];
	v5 =	vtrunc.f32 v44;
	v8 =	vmul.f32 $1.442695020e+00, v31;
	v31 =	vpop (erf)  }
0xb8: {  	v45 =	vld [tilespmem:s29+$0x3000];
	v60 =	vtrunc.f32 v36;
	v39 =	vsel vm8, $0x10000, v1;
	vm8 =	veq.s32 v32, $0x7;
	v32 =	vpop (erf)  }
0xb9: {  	v12 =	vadd.f32 v24, v12;
	v46 =	vadd.f32 v28, v27;
	v11 =	vmul.f32 $1.442695020e+00, v11;
	v6 =	vpop (erf)  }
0xba: {  	v10 =	vmul.f32 $1.442695020e+00, v10;
	v48 =	vadd.f32 v30, v29;
	v49 =	vadd.f32 v32, v31;
	v7 =	vpop (erf)  }
0xbb: {  	v47 =	vld [tilespmem:s29+$0x4000];
	v23 =	vcvt.f32.s32 v23;
	v12 =	vadd.f32 v46, v12;
	(erf) = vpow2.f32 v8;
	v8 =	vpop (erf)  }
0xbc: {  	v52 =	vld [tilespmem:s29+$0x5000];
	v51 =	vmul.f32 $1.442695020e+00, v9;
	(erf) = vpow2.f32 v11;
	v63 =	vadd.f32 v49, v48;
	v9 =	vpop (erf)  }
0xbd: {  	vm13 =	veq.s32 v17, $0x7;
	v45 =	vmul.f32 $1.442695020e+00, v45;
	(erf) = vpow2.f32 v10;
	v11 =	vpop (erf)  }
0xbe: {  	v33 =	vcvt.f32.s32 v33;
	(erf) = vpow2.f32 v51;
	v4 =	vadd.f32 v63, v12;
	v10 =	vpop (erf)  }
0xbf: {  	v3 =	vsel vm12, $0x10000, v1;
	v34 =	vtrunc.f32 v42;
	(erf) = vpow2.f32 v45;
	v12 =	vpop (erf)  }
0xc0: {  	v34 =	vcvt.f32.s32 v34;
	(erf) = vrcp.f32 v4;
	v4 =	vadd.f32 v12, v10  }
0xc1: {  	v2 =	vsel vm13, $0x10000, v1;
	v53 =	vld [tilespmem:s29+$0x6000];
	v54 =	vmul.f32 $1.442695020e+00, v47;
	v56 =	vmul.f32 $1.442695020e+00, v52  }
0xc2: {  	v57 =	vld [tilespmem:s29+$0x7000];
	v52 =	vsel vm4, $0x10000, v1;
	v38 =	vtrunc.f32 v62;
	v55 =	vadd.f32 v11, v9  }
0xc3: {  	v62 =	vcvt.f32.s32 v19;
	v38 =	vcvt.f32.s32 v38;
	v50 =	vsel vm8, $0x10000, v1  }
0xc4: {  	vm8 =	veq.s32 v17, $0x2;
	v17 =	vcvt.f32.s32 v26;
	v45 =	vadd.f32 v4, v55;
	v4 =	vpop (erf)  }
0xc5: {  	v26 =	vsel vm0, $0x10000, v1;
	v58 =	vadd.f32 v8, v7;
	v51 =	vld [tilespmem:s30+$0x8000];
	v4 =	vadd.f32 v6, v4  }
0xc6: {  	v46 =	vsel vm1, $0x10000, v1;
	v48 =	vmul.f32 $1.442695020e+00, v53;
	(erf) = vpow2.f32 v54  }
0xc7: {  	(erf) = vpow2.f32 v56;
	v47 =	vadd.f32 v58, v4;
	v4 =	vmul.f32 $1.442695020e+00, v57  }
0xc8: {  	v49 =	vsel vm3, $0x10000, v1;
	v63 =	vcvt.f32.s32 v21;
	(erf) = vpow2.f32 v48  }
0xc9: {  	[tilespmem:v13+s7+$0x0] =	vst.idx.add.s32.msk $0xffff, v37;
	v53 =	vsel vm5, $0x10000, v1;
	v21 =	vcvt.f32.s32 v5;
	v61 =	vpop (erf);
	(erf) = vpow2.f32 v4  }
0xca: {  	[tilespmem:v14+s8+$0x0] =	vst.idx.add.s32.msk $0xffff, v40;
	v54 =	vsel vm6, $0x10000, v1;
	v56 =	vsel vm8, $0x10000, v1;
	vm0 =	veq.s32 v51, $0x1;
	v13 =	vpop (erf)  }
0xcb: {  	[tilespmem:v16+s10+$0x0] =	vst.idx.add.s32.msk $0xffff, v39;
	vm1 =	veq.s32 v51, $0x2;
	vm3 =	veq.s32 v51, $0x4;
	v14 =	vpop (erf);
	v19 =	vadd.f32 v45, v47  }
0xcc: {  	[tilespmem:v15+s11+$0x0] =	vst.idx.add.s32.msk $0xffff, v50;
	vm4 =	veq.s32 v51, $0x5;
	vm5 =	veq.s32 v51, $0x6;
	v16 =	vadd.f32 v13, v61;
	v15 =	vpop (erf)  }
0xcd: {  	[tilespmem:v17+s25+$0x0] =	vst.idx.add.s32.msk $0xffff, v26;
	v45 =	vcvt.f32.s32 v20;
	v17 =	vpop (erf);
	(erf) = vrcp.f32 v19;
	v19 =	vadd.f32 v15, v14  }
0xce: {  	[tilespmem:v25+s26+$0x0] =	vst.idx.add.s32.msk $0xffff, v46;
	vm6 =	veq.s32 v51, $0x7;
	v47 =	vcvt.f32.s32 v22;
	v25 =	vmul.f32 $2.048000000e+03, v17  }
0xcf: {  	v48 =	vsel vm2, $0x10000, v1;
	v22 =	vcvt.f32.s32 v59;
	v20 =	vcvt.f32.s32 v60;
	v17 =	vpop (erf)  }
0xd0: {  	v5 =	vld [tilespmem:s29+$0x8000];
	v24 =	vmul.f32 v25, v24;
	v27 =	vmul.f32 v25, v27;
	v59 =	vadd.f32 v19, v16;
	v16 =	vpop (erf)  }
0xd1: {  	v55 =	vsel vm7, $0x10000, v1;
	[tilespmem:v18+s28+$0x0] =	vst.idx.add.s32.msk $0xffff, v48;
	v28 =	vmul.f32 v25, v28;
	v29 =	vmul.f32 v25, v29;
	v19 =	vpop (erf)  }
0xd2: {  	vm2 =	veq.s32 v51, $0x3;
	[tilespmem:v23+s25+$0x0] =	vst.idx.add.s32.msk $0xffff, v55;
	v30 =	vmul.f32 v25, v30;
	v31 =	vmul.f32 v25, v31;
	v18 =	vpop (erf)  }
0xd3: {  	v26 =	vld [tilespmem:s14+$0x8000];
	v32 =	vmul.f32 v25, v32;
	v60 =	vadd.f32 v16, v17;
	v61 =	vadd.f32 v18, v19  }
0xd4: {  	[tilespmem:v62+s7+$0x0] =	vst.idx.add.s32.msk $0xffff, v49;
	v57 =	vsel vm9, $0x10000, v1;
	v24 =	vtrunc.f32 v24;
	v27 =	vtrunc.f32 v27  }
0xd5: {  	[tilespmem:v33+s26+$0x0] =	vst.idx.add.s32.msk $0xffff, v56;
	v23 =	vtrunc.f32 v30;
	v24 =	vcvt.f32.s32 v24;
	v25 =	vadd.f32 v61, v60  }
0xd6: {  	[tilespmem:v63+s8+$0x0] =	vst.idx.add.s32.msk $0xffff, v52;
	v58 =	vsel vm10, $0x10000, v1;
	v62 =	vcvt.f32.s32 v27;
	v27 =	vtrunc.f32 v28  }
0xd7: {  	[tilespmem:v38+s28+$0x0] =	vst.idx.add.s32.msk $0xffff, v57;
	v63 =	vcvt.f32.s32 v27;
	v28 =	vadd.f32 v25, v59;
	v25 =	vtrunc.f32 v29  }
0xd8: {  	vm7 =	veq.s32 v26, $0x1;
	[tilespmem:v34+s7+$0x0] =	vst.idx.add.s32.msk $0xffff, v58;
	v30 =	vtrunc.f32 v32;
	v27 =	vcvt.f32.s32 v25  }
0xd9: {  	vm8 =	veq.s32 v26, $0x2;
	[tilespmem:v45+s10+$0x0] =	vst.idx.add.s32.msk $0xffff, v53;
	v25 =	vcvt.f32.s32 v23;
	v23 =	vtrunc.f32 v31  }
0xda: {  	v4 =	vsel vm11, $0x10000, v1;
	[tilespmem:v47+s11+$0x0] =	vst.idx.add.s32.msk $0xffff, v54;
	v29 =	vsel vm7, $0x10000, v1;
	v23 =	vcvt.f32.s32 v23  }
0xdb: {  	vm7 =	veq.s32 v26, $0x3;
	[tilespmem:v24+s25+$0x0] =	vst.idx.add.s32.msk $0xffff, v29;
	v29 =	vsel vm8, $0x10000, v1;
	v24 =	vcvt.f32.s32 v30  }
0xdc: {  	v30 =	vpop (erf);
	[tilespmem:v62+s26+$0x0] =	vst.idx.add.s32.msk $0xffff, v29;
	v29 =	vsel vm7, $0x10000, v1;
	vm7 =	veq.s32 v26, $0x4;
	(erf) = vrcp.f32 v28  }
0xdd: {  	s14 =	simm.s32 $0x3;
	vm8 =	veq.s32 v26, $0x5;
	v28 =	vmul.f32 $2.048000000e+03, v30;
	[tilespmem:v63+s28+$0x0] =	vst.idx.add.s32.msk $0xffff, v29;
	v29 =	vsel vm7, $0x10000, v1  }
.LBB2_5:
0xde: {  	s0 =	sadd.s32 $0x4, s14;
	vm7 =	veq.s32 v5, $0x1;
	[tilespmem:v27+s7+$0x0] =	vst.idx.add.s32.msk $0xffff, v29;
	v27 =	vsel vm8, $0x10000, v1;
	vm8 =	veq.s32 v26, $0x6  }
0xdf: {  	s3 =	sadd.s32 $0xC, s3;
	s2 =	sshll.u32 s0, $0x4;
	s29 =	sshll.u32 s0, $0x2;
	v6 =	vmul.f32 v28, v6;
	[tilespmem:v25+s8+$0x0] =	vst.idx.add.s32.msk $0xffff, v27;
	v25 =	vsel vm8, $0x10000, v1;
	vm8 =	veq.s32 v26, $0x7  }
0xe0: {  	s31 =	sand.u32 $0x380, s3;
	v7 =	vmul.f32 v28, v7;
	v8 =	vmul.f32 v28, v8;
	s0 =	sand.u32 $0x1000, s2;
	s30 =	sand.u32 $0x380, s29;
	[tilespmem:v23+s10+$0x0] =	vst.idx.add.s32.msk $0xffff, v25;
	v23 =	vsel vm8, $0x10000, v1  }
0xe1: {  	s6 =	sadd.s32 $0x180, s6;
	s13 =	sadd.s32 $0x30, s13;
	v9 =	vmul.f32 v28, v9;
	v11 =	vmul.f32 v28, v11;
	s2 =	sadd.s32 $0x5, s14;
	vm8 =	veq.s32 v5, $0x2;
	[tilespmem:v24+s11+$0x0] =	vst.idx.add.s32.msk $0xffff, v23  }
0xe2: {  	vm9 =	veq.s32 v5, $0x3;
	s20 =	sand.u32 $0x70, s13;
	s21 =	sand.u32 $0xC00, s6;
	v10 =	vmul.f32 v28, v10;
	v12 =	vmul.f32 v28, v12;
	s29 =	sshll.u32 s2, $0x4;
	[tilespmem:v22+s8+$0x0] =	vst.idx.add.s32.msk $0xffff, v4  }
0xe3: {  	vm10 =	veq.s32 v5, $0x4;
	s22 =	sor.u32 s21, s20;
	s2 =	sshll.u32 s2, $0x2;
	s29 =	sand.u32 $0x1000, s29;
	v4 =	vtrunc.f32 v6;
	v6 =	vtrunc.f32 v7;
	[tilespmem:v21+s10+$0x0] =	vst.idx.add.s32.msk $0xffff, v3  }
0xe4: {  	vm11 =	veq.s32 v5, $0x5;
	s2 =	sand.u32 $0x380, s2;
	v22 =	vtrunc.f32 v9;
	s22 =	sor.u32 s29, s22;
	s21 =	sor.u32 s21, s29;
	v21 =	vtrunc.f32 v8;
	[tilespmem:v20+s11+$0x0] =	vst.idx.add.s32.msk $0xffff, v2  }
0xe5: {  	vm12 =	veq.s32 v5, $0x6;
	s23 =	sadd.s32 $0xFFFFFFF0, s13;
	v26 =	vtrunc.f32 v10;
	s29 =	sor.u32 s2, s22;
	s2 =	sor.u32 s2, s21;
	v20 =	vtrunc.f32 v11;
	v2 =	vpop (erf)  }
0xe6: {  	vm13 =	veq.s32 v5, $0x7;
	v32 =	vtrunc.f32 v12;
	s21 =	sand.u32 $0x70, s23;
	s22 =	sadd.s32 $0xFFFFFF80, s6;
	s2 =	sor.u32 s20, s2;
	v3 =	vld [tilespmem:s29+$0x0];
	v2 =	vmul.f32 $2.048000000e+03, v2  }
0xe7: {  	v9 =	vcvt.f32.s32 v4;
	v10 =	vcvt.f32.s32 v6;
	s23 =	sadd.s32 $0xFFFFFF00, s6;
	v11 =	vsel vm0, $0x10000, v1;
	s20 =	sadd.s32 $0xFFFFFFE0, s13;
	s22 =	sand.u32 $0xC00, s22;
	v5 =	vld [tilespmem:s2+$0x1000]  }
0xe8: {  	v35 =	vsel vm1, $0x10000, v1;
	s23 =	sand.u32 $0xC00, s23;
	s16 =	sor.u32 s22, s21;
	s22 =	sor.u32 s22, s0;
	v4 =	vld [tilespmem:s2+$0x2000];
	v6 =	vmul.f32 v2, v13;
	v12 =	vmul.f32 v2, v14  }
0xe9: {  	v33 =	vsel vm2, $0x10000, v1;
	s23 =	sor.u32 s31, s23;
	s0 =	sor.u32 s0, s16;
	s16 =	sor.u32 s30, s22;
	v34 =	vmul.f32 v2, v15;
	v13 =	vmul.f32 v2, v17;
	v7 =	vld [tilespmem:s2+$0x3000]  }
0xea: {  	v31 =	vsel vm3, $0x10000, v1;
	s20 =	sand.u32 $0x70, s20;
	s30 =	sor.u32 s30, s0;
	s0 =	sor.u32 s21, s16;
	v17 =	vmul.f32 v2, v16;
	v14 =	vmul.f32 v2, v19;
	v8 =	vld [tilespmem:s2+$0x4000]  }
0xeb: {  	v25 =	vsel vm4, $0x10000, v1;
	s31 =	sor.u32 s20, s23;
	v16 =	vmul.f32 v2, v18;
	v3 =	vmul.f32 $1.442695020e+00, v3;
	v19 =	vld [tilespmem:s2+$0x5000]  }
0xec: {  	v27 =	vsel vm5, $0x10000, v1;
	v15 =	vtrunc.f32 v6;
	v2 =	vmul.f32 $1.442695020e+00, v5;
	v5 =	vld [tilespmem:s2+$0x6000]  }
0xed: {  	v23 =	vsel vm6, $0x10000, v1;
	v4 =	vmul.f32 $1.442695020e+00, v4;
	v6 =	vld [tilespmem:s2+$0x7000];
	(erf) = vpow2.f32 v3  }
0xee: {  	s14 =	sadd.s32 $0x3, s14;
	v24 =	vsel vm7, $0x10000, v1;
	v3 =	vld [tilespmem:s0+$0x1000];
	v7 =	vmul.f32 $1.442695020e+00, v7;
	(erf) = vpow2.f32 v2  }
0xef: {  	p0 =	slt.u32 s14, $0xFC;
	v28 =	vsel vm8, $0x10000, v1;
	v2 =	vld [tilespmem:s0+$0x2000];
	v8 =	vmul.f32 $1.442695020e+00, v8;
	(erf) = vpow2.f32 v4  }
0xf0: {  	v29 =	vsel vm9, $0x10000, v1;
	v18 =	vld [tilespmem:s0+$0x3000];
	v4 =	vmul.f32 $1.442695020e+00, v19;
	(erf) = vpow2.f32 v7  }
0xf1: {  	v30 =	vsel vm10, $0x10000, v1;
	v7 =	vld [tilespmem:s0+$0x4000];
	v5 =	vmul.f32 $1.442695020e+00, v5;
	(erf) = vpow2.f32 v8  }
0xf2: {  	v8 =	vld [tilespmem:s0+$0x5000];
	v6 =	vmul.f32 $1.442695020e+00, v6;
	(erf) = vpow2.f32 v4;
	v4 =	vsel vm11, $0x10000, v1  }
0xf3: {  	v19 =	vmul.f32 $1.442695020e+00, v3;
	v36 =	vld [tilespmem:s0+$0x6000];
	(erf) = vpow2.f32 v5;
	v3 =	vsel vm12, $0x10000, v1  }
0xf4: {  	v38 =	vmul.f32 $1.442695020e+00, v2;
	v37 =	vld [tilespmem:s0+$0x7000];
	(erf) = vpow2.f32 v6;
	v2 =	vsel vm13, $0x10000, v1  }
0xf5: {  	v6 =	vld [tilespmem:s30+$0x0];
	v39 =	vmul.f32 $1.442695020e+00, v18;
	(erf) = vpow2.f32 v19  }
0xf6: {  	v19 =	vld [tilespmem:s31+$0x0];
	v7 =	vmul.f32 $1.442695020e+00, v7;
	(erf) = vpow2.f32 v38;
	v5 =	vpop (erf)  }
0xf7: {  	v38 =	vld [tilespmem:s31+$0x1000];
	v8 =	vmul.f32 $1.442695020e+00, v8;
	(erf) = vpow2.f32 v39;
	v18 =	vpop (erf)  }
0xf8: {  	v39 =	vld [tilespmem:s31+$0x2000];
	v42 =	vmul.f32 $1.442695020e+00, v36;
	(erf) = vpow2.f32 v7;
	v40 =	vpop (erf)  }
0xf9: {  	v7 =	vld [tilespmem:s31+$0x3000];
	v43 =	vmul.f32 $1.442695020e+00, v37;
	(erf) = vpow2.f32 v8;
	v41 =	vpop (erf)  }
0xfa: {  	v8 =	vld [tilespmem:s31+$0x4000];
	v6 =	vmul.f32 $1.442695020e+00, v6;
	(erf) = vpow2.f32 v42;
	v36 =	vpop (erf)  }
0xfb: {  	v19 =	vmul.f32 $1.442695020e+00, v19;
	v42 =	vld [tilespmem:s31+$0x5000];
	(erf) = vpow2.f32 v43;
	v37 =	vpop (erf)  }
0xfc: {  	v38 =	vmul.f32 $1.442695020e+00, v38;
	v43 =	vld [tilespmem:s31+$0x6000];
	(erf) = vpow2.f32 v6;
	v44 =	vpop (erf)  }
0xfd: {  	v46 =	vadd.f32 v18, v5;
	v47 =	vadd.f32 v41, v40;
	v39 =	vmul.f32 $1.442695020e+00, v39;
	v45 =	vld [tilespmem:s31+$0x7000];
	v48 =	vpop (erf)  }
0xfe: {  	v51 =	vadd.f32 v37, v36;
	v49 =	vmul.f32 $1.442695020e+00, v7;
	v50 =	vld [tilespmem:s30+$0x8000];
	v52 =	vadd.f32 v48, v44;
	v6 =	vpop (erf)  }
0xff: {  	v5 =	vld [tilespmem:s31+$0x8000];
	v53 =	vmul.f32 $1.442695020e+00, v8;
	(erf) = vpow2.f32 v19;
	v7 =	vpop (erf)  }
0x100: {  	v19 =	vmul.f32 $1.442695020e+00, v42;
	v42 =	vadd.f32 v47, v46;
	v46 =	vadd.f32 v52, v51;
	v8 =	vpop (erf);
	[tilespmem:v9+s25+$0x0] =	vst.idx.add.s32.msk $0xffff, v11  }
0x101: {  	v43 =	vmul.f32 $1.442695020e+00, v43;
	v47 =	vadd.f32 v8, v7;
	(erf) = vpow2.f32 v38;
	v9 =	vpop (erf);
	[tilespmem:v10+s26+$0x0] =	vst.idx.add.s32.msk $0xffff, v35  }
0x102: {  	v35 =	vmul.f32 $1.442695020e+00, v45;
	v38 =	vadd.f32 v46, v42;
	(erf) = vpow2.f32 v39;
	v11 =	vpop (erf)  }
0x103: {  	v42 =	vtrunc.f32 v12;
	v39 =	vadd.f32 v11, v9;
	(erf) = vpow2.f32 v49;
	v10 =	vpop (erf)  }
0x104: {  	v34 =	vtrunc.f32 v34;
	vm0 =	veq.s32 v50, $0x1;
	v12 =	vpop (erf);
	(erf) = vrcp.f32 v38  }
0x105: {  	v46 =	vtrunc.f32 v13;
	v38 =	vadd.f32 v12, v10;
	(erf) = vpow2.f32 v53;
	v45 =	vpop (erf)  }
0x106: {  	v13 =	vadd.f32 v6, v45;
	(erf) = vpow2.f32 v19;
	v19 =	vtrunc.f32 v17  }
0x107: {  	v17 =	vadd.f32 v38, v39;
	(erf) = vpow2.f32 v43;
	v38 =	vtrunc.f32 v14  }
0x108: {  	v45 =	vadd.f32 v47, v13;
	v14 =	vpop (erf);
	(erf) = vpow2.f32 v35;
	v35 =	vtrunc.f32 v16  }
0x109: {  	vm1 =	veq.s32 v50, $0x2;
	v39 =	vcvt.f32.s32 v21;
	v43 =	vcvt.f32.s32 v22  }
0x10a: {  	v47 =	vcvt.f32.s32 v26;
	v16 =	vadd.f32 v17, v45;
	v13 =	vpop (erf);
	v45 =	vcvt.f32.s32 v20  }
0x10b: {  	v32 =	vcvt.f32.s32 v32;
	v49 =	vcvt.f32.s32 v15;
	v20 =	vadd.f32 v13, v14;
	v14 =	vpop (erf)  }
0x10c: {  	vm2 =	veq.s32 v50, $0x3;
	v42 =	vcvt.f32.s32 v42;
	v15 =	vpop (erf);
	(erf) = vrcp.f32 v16  }
0x10d: {  	v34 =	vcvt.f32.s32 v34;
	v46 =	vcvt.f32.s32 v46;
	v21 =	vadd.f32 v15, v14;
	v17 =	vpop (erf)  }
0x10e: {  	vm3 =	veq.s32 v50, $0x4;
	v22 =	vcvt.f32.s32 v19;
	v51 =	vmul.f32 $2.048000000e+03, v17;
	v17 =	vpop (erf)  }
0x10f: {  	v52 =	vadd.f32 v21, v20;
	v16 =	vpop (erf);
	v21 =	vcvt.f32.s32 v38;
	v20 =	vcvt.f32.s32 v35;
	[tilespmem:v39+s28+$0x0] =	vst.idx.add.s32.msk $0xffff, v33  }
0x110: {  	v33 =	vadd.f32 v16, v17;
	v35 =	vmul.f32 v51, v18;
	v38 =	vmul.f32 v51, v40;
	v19 =	vpop (erf)  }
0x111: {  	vm4 =	veq.s32 v50, $0x5;
	v39 =	vmul.f32 v51, v41;
	v36 =	vmul.f32 v51, v36;
	v18 =	vpop (erf);
	[tilespmem:v43+s7+$0x0] =	vst.idx.add.s32.msk $0xffff, v31  }
0x112: {  	v37 =	vmul.f32 v51, v37;
	v40 =	vmul.f32 v51, v44;
	v31 =	vadd.f32 v18, v19;
	v26 =	vld [tilespmem:s29+$0x8000]  }
0x113: {  	vm5 =	veq.s32 v50, $0x6;
	v41 =	vmul.f32 v51, v48;
	v43 =	vtrunc.f32 v35;
	[tilespmem:v45+s8+$0x0] =	vst.idx.add.s32.msk $0xffff, v25  }
0x114: {  	v25 =	vadd.f32 v31, v33;
	v31 =	vcvt.f32.s32 v43;
	v33 =	vtrunc.f32 v38;
	[tilespmem:v47+s10+$0x0] =	vst.idx.add.s32.msk $0xffff, v27  }
0x115: {  	vm6 =	veq.s32 v50, $0x7;
	v27 =	vtrunc.f32 v39;
	v33 =	vcvt.f32.s32 v33;
	v35 =	vpop (erf);
	[tilespmem:v32+s11+$0x0] =	vst.idx.add.s32.msk $0xffff, v23  }
0x116: {  	v38 =	vcvt.f32.s32 v27;
	v23 =	vtrunc.f32 v36;
	v32 =	vadd.f32 v25, v52;
	[tilespmem:v49+s25+$0x0] =	vst.idx.add.s32.msk $0xffff, v24  }
0x117: {  	v27 =	vcvt.f32.s32 v23;
	v23 =	vtrunc.f32 v37;
	vm7 =	veq.s32 v26, $0x1;
	[tilespmem:v42+s26+$0x0] =	vst.idx.add.s32.msk $0xffff, v28  }
.Ltmp1:
0x118: {  	vm8 =	veq.s32 v26, $0x2;
	v25 =	vcvt.f32.s32 v23;
	v23 =	vtrunc.f32 v40;
	[tilespmem:v34+s28+$0x0] =	vst.idx.add.s32.msk $0xffff, v29;
	(pc) =	sbr.rel @p0 .LBB2_5-.Ltmp1, $4  }
0x119: {  	v28 =	vtrunc.f32 v41;
	v24 =	vsel vm7, $0x10000, v1;
	v23 =	vcvt.f32.s32 v23;
	[tilespmem:v46+s7+$0x0] =	vst.idx.add.s32.msk $0xffff, v30  }
0x11a: {  	v29 =	vsel vm8, $0x10000, v1;
	vm7 =	veq.s32 v26, $0x3;
	[tilespmem:v31+s25+$0x0] =	vst.idx.add.s32.msk $0xffff, v24;
	v24 =	vcvt.f32.s32 v28  }
0x11b: {  	[tilespmem:v33+s26+$0x0] =	vst.idx.add.s32.msk $0xffff, v29;
	v29 =	vsel vm7, $0x10000, v1;
	vm7 =	veq.s32 v26, $0x4;
	(erf) = vrcp.f32 v32  }
0x11c: {  	vm8 =	veq.s32 v26, $0x5;
	v28 =	vmul.f32 $2.048000000e+03, v35;
	[tilespmem:v38+s28+$0x0] =	vst.idx.add.s32.msk $0xffff, v29;
	v29 =	vsel vm7, $0x10000, v1  }
0x11d: {  	_ = 	snop  }
0x11e: {  	v6 =	vmul.f32 v28, v6;
	v7 =	vmul.f32 v28, v7  }
0x11f: {  	v8 =	vmul.f32 v28, v8;
	v9 =	vmul.f32 v28, v9  }
0x120: {  	v11 =	vmul.f32 v28, v11;
	v10 =	vmul.f32 v28, v10  }
0x121: {  	v12 =	vmul.f32 v28, v12;
	v6 =	vtrunc.f32 v6  }
0x122: {  	v7 =	vtrunc.f32 v7;
	v8 =	vtrunc.f32 v8  }
0x123: {  	v9 =	vtrunc.f32 v9;
	v11 =	vtrunc.f32 v11  }
0x124: {  	vm7 =	veq.s32 v26, $0x6;
	v10 =	vtrunc.f32 v10;
	v12 =	vtrunc.f32 v12  }
0x125: {  	[tilespmem:v27+s7+$0x0] =	vst.idx.add.s32.msk $0xffff, v29;
	v28 =	vsel vm8, $0x10000, v1;
	v6 =	vcvt.f32.s32 v6;
	v7 =	vcvt.f32.s32 v7;
	v30 =	vpop (erf)  }
0x126: {  	[tilespmem:v22+s8+$0x0] =	vst.idx.add.s32.msk $0xffff, v4;
	v27 =	vsel vm7, $0x10000, v1;
	v8 =	vcvt.f32.s32 v8;
	v30 =	vmul.f32 $2.048000000e+03, v30  }
0x127: {  	vm7 =	veq.s32 v26, $0x7;
	[tilespmem:v21+s10+$0x0] =	vst.idx.add.s32.msk $0xffff, v3;
	v9 =	vcvt.f32.s32 v9;
	v11 =	vcvt.f32.s32 v11  }
0x128: {  	vm8 =	veq.s32 v5, $0x1;
	[tilespmem:v25+s8+$0x0] =	vst.idx.add.s32.msk $0xffff, v28;
	v10 =	vcvt.f32.s32 v10;
	v13 =	vmul.f32 v30, v13  }
0x129: {  	[tilespmem:v20+s11+$0x0] =	vst.idx.add.s32.msk $0xffff, v2;
	v2 =	vsel vm0, $0x10000, v1;
	v14 =	vmul.f32 v30, v14;
	v15 =	vmul.f32 v30, v15  }
0x12a: {  	[tilespmem:v23+s10+$0x0] =	vst.idx.add.s32.msk $0xffff, v27;
	v23 =	vsel vm7, $0x10000, v1;
	v17 =	vmul.f32 v30, v17;
	v4 =	vmul.f32 v30, v16  }
0x12b: {  	vm7 =	veq.s32 v5, $0x2;
	[tilespmem:v24+s11+$0x0] =	vst.idx.add.s32.msk $0xffff, v23;
	v3 =	vmul.f32 v30, v19;
	v16 =	vmul.f32 v30, v18  }
0x12c: {  	v18 =	vsel vm1, $0x10000, v1;
	[tilespmem:v6+s25+$0x0] =	vst.idx.add.s32.msk $0xffff, v2;
	v2 =	vcvt.f32.s32 v12;
	v13 =	vtrunc.f32 v13  }
0x12d: {  	v6 =	vsel vm2, $0x10000, v1;
	[tilespmem:v7+s26+$0x0] =	vst.idx.add.s32.msk $0xffff, v18;
	v7 =	vtrunc.f32 v14;
	v12 =	vcvt.f32.s32 v13  }
0x12e: {  	v14 =	vtrunc.f32 v15;
	[tilespmem:v8+s28+$0x0] =	vst.idx.add.s32.msk $0xffff, v6;
	v13 =	vsel vm3, $0x10000, v1;
	v7 =	vcvt.f32.s32 v7  }
0x12f: {  	v6 =	vsel vm4, $0x10000, v1;
	v8 =	vtrunc.f32 v17;
	v14 =	vcvt.f32.s32 v14;
	[tilespmem:v9+s7+$0x0] =	vst.idx.add.s32.msk $0xffff, v13  }
0x130: {  	v4 =	vtrunc.f32 v4;
	v8 =	vcvt.f32.s32 v8;
	v9 =	vsel vm5, $0x10000, v1;
	[tilespmem:v11+s8+$0x0] =	vst.idx.add.s32.msk $0xffff, v6  }
0x131: {  	v3 =	vtrunc.f32 v3;
	v4 =	vcvt.f32.s32 v4;
	v6 =	vsel vm6, $0x10000, v1;
	[tilespmem:v10+s10+$0x0] =	vst.idx.add.s32.msk $0xffff, v9  }
0x132: {  	v3 =	vcvt.f32.s32 v3;
	v9 =	vsel vm8, $0x10000, v1;
	v10 =	vtrunc.f32 v16;
	[tilespmem:v2+s11+$0x0] =	vst.idx.add.s32.msk $0xffff, v6  }
0x133: {  	vm0 =	veq.s32 v5, $0x3;
	v2 =	vsel vm7, $0x10000, v1;
	v6 =	vcvt.f32.s32 v10;
	[tilespmem:v12+s25+$0x0] =	vst.idx.add.s32.msk $0xffff, v9  }
0x134: {  	vm1 =	veq.s32 v5, $0x4;
	v9 =	vsel vm0, $0x10000, v1;
	[tilespmem:v7+s26+$0x0] =	vst.idx.add.s32.msk $0xffff, v2  }
0x135: {  	vm0 =	veq.s32 v5, $0x5;
	v2 =	vsel vm1, $0x10000, v1;
	[tilespmem:v14+s28+$0x0] =	vst.idx.add.s32.msk $0xffff, v9  }
0x136: {  	vm1 =	veq.s32 v5, $0x6;
	v7 =	vsel vm0, $0x10000, v1;
	[tilespmem:v8+s7+$0x0] =	vst.idx.add.s32.msk $0xffff, v2  }
0x137: {  	vm0 =	veq.s32 v5, $0x7;
	v2 =	vsel vm1, $0x10000, v1;
	[tilespmem:v4+s8+$0x0] =	vst.idx.add.s32.msk $0xffff, v7  }
0x138: {  	v4 =	vsel vm0, $0x10000, v1;
	[tilespmem:v3+s10+$0x0] =	vst.idx.add.s32.msk $0xffff, v2  }
0x139: {  	[tilespmem:v6+s11+$0x0] =	vst.idx.add.s32.msk $0xffff, v4  }
0x13a: {  	v2 =	vld [tilespmem:$0xFF0]  }
0x13b: {  	v3 =	vld [tilespmem:$0x1FF0]  }
0x13c: {  	v4 =	vld [tilespmem:$0x2FF0]  }
0x13d: {  	v5 =	vld [tilespmem:$0x3FF0]  }
0x13e: {  	v6 =	vld [tilespmem:$0x4FF0]  }
0x13f: {  	v7 =	vld [tilespmem:$0x5FF0];
	v2 =	vmul.f32 $1.442695020e+00, v2  }
0x140: {  	v8 =	vld [tilespmem:$0x6FF0];
	v3 =	vmul.f32 $1.442695020e+00, v3  }
0x141: {  	(erf) = vpow2.f32 v2;
	v2 =	vmul.f32 $1.442695020e+00, v4;
	v4 =	vld [tilespmem:$0x7FF0]  }
0x142: {  	(erf) = vpow2.f32 v3;
	v3 =	vmul.f32 $1.442695020e+00, v5  }
0x143: {  	(erf) = vpow2.f32 v2;
	v2 =	vmul.f32 $1.442695020e+00, v6  }
0x144: {  	(erf) = vpow2.f32 v3;
	v3 =	vmul.f32 $1.442695020e+00, v7  }
0x145: {  	(erf) = vpow2.f32 v2;
	v2 =	vmul.f32 $1.442695020e+00, v8  }
0x146: {  	(erf) = vpow2.f32 v3;
	v3 =	vmul.f32 $1.442695020e+00, v4  }
0x147: {  	(erf) = vpow2.f32 v2  }
0x148: {  	(erf) = vpow2.f32 v3;
	_ =	sdelay $0x1  }
0x149: {  	v2 =	vpop (erf)  }
0x14a: {  	v3 =	vpop (erf)  }
0x14b: {  	v4 =	vpop (erf)  }
0x14c: {  	v5 =	vpop (erf)  }
0x14d: {  	v6 =	vpop (erf)  }
0x14e: {  	v7 =	vpop (erf)  }
0x14f: {  	v8 =	vpop (erf)  }
0x150: {  	v2 =	vadd.f32 v3, v2;
	v10 =	vadd.f32 v5, v4;
	v9 =	vpop (erf)  }
0x151: {  	v11 =	vadd.f32 v7, v6;
	v12 =	vadd.f32 v9, v8;
	_ =	sdelay $0x1  }
0x152: {  	v2 =	vadd.f32 v10, v2;
	v10 =	vadd.f32 v12, v11;
	_ =	sdelay $0x1  }
0x153: {  	v2 =	vadd.f32 v10, v2;
	_ =	sdelay $0x1  }
0x154: {  	(erf) = vrcp.f32 v2;
	_ =	sdelay $0x8  }
0x155: {  	v2 =	vpop (erf)  }
0x156: {  	v2 =	vmul.f32 $2.048000000e+03, v2;
	_ =	sdelay $0x1  }
0x157: {  	v3 =	vmul.f32 v2, v3;
	v4 =	vmul.f32 v2, v4  }
0x158: {  	v5 =	vmul.f32 v2, v5;
	v6 =	vmul.f32 v2, v6  }
0x159: {  	v10 =	vld [tilespmem:$0x8FF0];
	v7 =	vmul.f32 v2, v7;
	v8 =	vmul.f32 v2, v8  }
0x15a: {  	v2 =	vmul.f32 v2, v9;
	v3 =	vtrunc.f32 v3  }
0x15b: {  	v4 =	vtrunc.f32 v4;
	v3 =	vcvt.f32.s32 v3  }
0x15c: {  	v5 =	vtrunc.f32 v5;
	v4 =	vcvt.f32.s32 v4  }
0x15d: {  	v6 =	vtrunc.f32 v6;
	v5 =	vcvt.f32.s32 v5  }
0x15e: {  	vm0 =	veq.s32 v10, $0x1;
	v7 =	vtrunc.f32 v7;
	v6 =	vcvt.f32.s32 v6  }
0x15f: {  	v9 =	vsel vm0, $0x10000, v1;
	v8 =	vtrunc.f32 v8;
	v7 =	vcvt.f32.s32 v7  }
0x160: {  	vm0 =	veq.s32 v10, $0x2;
	v2 =	vtrunc.f32 v2;
	v8 =	vcvt.f32.s32 v8  }
0x161: {  	v2 =	vcvt.f32.s32 v2;
	[tilespmem:v3+s25+$0x0] =	vst.idx.add.s32.msk $0xffff, v9;
	v3 =	vsel vm0, $0x10000, v1;
	vm0 =	veq.s32 v10, $0x3  }
0x162: {  	[tilespmem:v4+s26+$0x0] =	vst.idx.add.s32.msk $0xffff, v3;
	v3 =	vsel vm0, $0x10000, v1;
	vm0 =	veq.s32 v10, $0x4  }
0x163: {  	p0 =	seq.s32 s18, $0x3;
	[tilespmem:v5+s28+$0x0] =	vst.idx.add.s32.msk $0xffff, v3;
	v3 =	vsel vm0, $0x10000, v1;
	vm0 =	veq.s32 v10, $0x5  }
0x164: {  	s0 =	sadd.s32 @!p0 s19, s17;
	[tilespmem:v6+s7+$0x0] =	vst.idx.add.s32.msk $0xffff, v3;
	v3 =	vsel vm0, $0x10000, v1;
	vm0 =	veq.s32 v10, $0x6  }
0x165: {  	s2 =	sor.u32 @!p0 s5, s0;
	[tilespmem:v7+s8+$0x0] =	vst.idx.add.s32.msk $0xffff, v3;
	v3 =	vsel vm0, $0x10000, v1;
	vm0 =	veq.s32 v10, $0x7  }
0x166: {  	s2 =	sshrl.u32 @!p0 s2, $0x3;
	[tilespmem:v8+s10+$0x0] =	vst.idx.add.s32.msk $0xffff, v3;
	v3 =	vsel vm0, $0x10000, v1  }
0x167: {  	s6 =	simm.s32 @!p0 $0x0;
	s3 =	sadd.s32 @!p0 s1, s2;
	[tilespmem:v2+s11+$0x0] =	vst.idx.add.s32.msk $0xffff, v3  }
0x168: {  	[tilespmem:s6], [sflag:$0x1] =	stream.linear.gather @!p0 [hbm4b:s3+s6], $0x1000, $0x38;
	[tilespmem:$0x15880] =	vst v63  }
0x169: {  	s14 =	simm.s32 @!p0 $0x1000;
	s13 =	sadd.s32 @!p0 $0x8000, s3  }
0x16a: {  	[tilespmem:s14], [sflag:$0x1] =	stream.linear.gather @!p0 [hbm4b:s13+s6], $0x1000, $0x38;
	[tilespmem:$0x15880] =	vst v63  }
0x16b: {  	s13 =	sor.u32 @!p0 $0x10000, s2  }
0x16c: {  	s14 =	simm.s32 @!p0 $0x2000;
	s13 =	sadd.s32 @!p0 s1, s13  }
0x16d: {  	[tilespmem:s14], [sflag:$0x1] =	stream.linear.gather @!p0 [hbm4b:s13+s6], $0x1000, $0x38;
	[tilespmem:$0x15880] =	vst v63  }
0x16e: {  	s13 =	sadd.s32 @!p0 $0x18000, s3;
	s14 =	simm.s32 @!p0 $0x3000  }
0x16f: {  	[tilespmem:s14], [sflag:$0x1] =	stream.linear.gather @!p0 [hbm4b:s13+s6], $0x1000, $0x38;
	[tilespmem:$0x15880] =	vst v63  }
0x170: {  	s13 =	sor.u32 @!p0 $0x20000, s2  }
0x171: {  	s14 =	simm.s32 @!p0 $0x4000;
	s13 =	sadd.s32 @!p0 s1, s13  }
0x172: {  	[tilespmem:s14], [sflag:$0x1] =	stream.linear.gather @!p0 [hbm4b:s13+s6], $0x1000, $0x38;
	[tilespmem:$0x15880] =	vst v63  }
0x173: {  	s2 =	sor.u32 @!p0 $0x30000, s2;
	s13 =	sadd.s32 @!p0 $0x28000, s3;
	s14 =	simm.s32 @!p0 $0x5000  }
0x174: {  	[tilespmem:s14], [sflag:$0x1] =	stream.linear.gather @!p0 [hbm4b:s13+s6], $0x1000, $0x38;
	[tilespmem:$0x15880] =	vst v63  }
0x175: {  	s0 =	sadd.s32 @!p0 s9, s0;
	s2 =	sadd.s32 @!p0 s1, s2;
	s13 =	simm.s32 @!p0 $0x6000  }
0x176: {  	[tilespmem:s13], [sflag:$0x1] =	stream.linear.gather @!p0 [hbm4b:s2+s6], $0x1000, $0x38;
	[tilespmem:$0x15880] =	vst v63  }
0x177: {  	s0 =	sshrl.u32 @!p0 s0, $0x3;
	s2 =	sadd.s32 @!p0 $0x38000, s3;
	s3 =	simm.s32 @!p0 $0x7000  }
0x178: {  	[tilespmem:s3], [sflag:$0x1] =	stream.linear.gather @!p0 [hbm4b:s2+s6], $0x1000, $0x38;
	[tilespmem:$0x15880] =	vst v63  }
0x179: {  	s0 =	sadd.s32 @!p0 s4, s0;
	s2 =	simm.s32 @!p0 $0x8000  }
0x17a: {  	[tilespmem:s2], [sflag:$0x1] =	stream.linear.gather @!p0 [hbm4b:s0+s6], $0x1000, $0x38;
	[tilespmem:$0x15880] =	vst v63  }
0x17b: {  	_ =	swait.ge [sflag:s12], $0x1000  }
0x17c: {  	[sflag:s12] =	ssyncset.done $0x0  }
0x17d: {  	[sflag:s12] =	ssyncadd.s32 $0xFFFFF000  }
0x17e: {  	_ =	swait.ge [sflag:s12], $0x1000  }
0x17f: {  	[sflag:s12] =	ssyncset.done $0x0  }
0x180: {  	[sflag:s12] =	ssyncadd.s32 $0xFFFFF000  }
0x181: {  	_ =	swait.ge [sflag:s12], $0x1000  }
0x182: {  	[sflag:s12] =	ssyncset.done $0x0  }
0x183: {  	[sflag:s12] =	ssyncadd.s32 $0xFFFFF000  }
0x184: {  	_ =	swait.ge [sflag:s12], $0x1000  }
0x185: {  	[sflag:s12] =	ssyncset.done $0x0  }
0x186: {  	[sflag:s12] =	ssyncadd.s32 $0xFFFFF000  }
0x187: {  	_ =	swait.ge [sflag:s12], $0x1000  }
0x188: {  	[sflag:s12] =	ssyncset.done $0x0  }
0x189: {  	[sflag:s12] =	ssyncadd.s32 $0xFFFFF000  }
0x18a: {  	_ =	swait.ge [sflag:s12], $0x1000  }
0x18b: {  	[sflag:s12] =	ssyncset.done $0x0  }
0x18c: {  	[sflag:s12] =	ssyncadd.s32 $0xFFFFF000  }
0x18d: {  	_ =	swait.ge [sflag:s12], $0x1000  }
0x18e: {  	[sflag:s12] =	ssyncset.done $0x0  }
0x18f: {  	s16 =	simm.s32 $0x8;
	[sflag:s12] =	ssyncadd.s32 $0xFFFFF000  }
0x190: {  	s14 =	simm.s32 $0x20;
	s13 =	simm.s32 $0x20;
	_ =	swait.ge [sflag:s12], $0x1000  }
0x191: {  	s3 =	sand.u32 $0x1000, s14;
	s6 =	simm.s32 $0x100;
	[sflag:s12] =	ssyncset.done $0x0  }
0x192: {  	s2 =	sand.u32 $0x70, s13;
	s0 =	sand.u32 $0xC00, s6;
	[sflag:s12] =	ssyncadd.s32 $0xFFFFF000  }
0x193: {  	s6 =	sand.u32 $0x380, s16;
	s19 =	sor.u32 s0, s2;
	_ =	swait.ge [sflag:s12], $0x1000  }
0x194: {  	s0 =	sor.u32 s0, s3;
	s13 =	sor.u32 s3, s19;
	[sflag:s12] =	ssyncset.done $0x0  }
0x195: {  	s0 =	sor.u32 s6, s0;
	s3 =	sor.u32 s6, s13;
	[sflag:s12] =	ssyncadd.s32 $0xFFFFF000  }
0x196: {  	s0 =	sor.u32 s2, s0;
	v2 =	vld [tilespmem:s3+$0x9000]  }
0x197: {  	v3 =	vld [tilespmem:s0+$0xA000]  }
0x198: {  	v4 =	vld [tilespmem:s0+$0xB000]  }
0x199: {  	v5 =	vld [tilespmem:s0+$0xC000]  }
0x19a: {  	v6 =	vld [tilespmem:s0+$0xD000]  }
0x19b: {  	s20 =	simm.s32 $0x10;
	s21 =	simm.s32 $0x80;
	v7 =	vld [tilespmem:s0+$0xE000];
	v2 =	vmul.f32 $1.442695020e+00, v2  }
0x19c: {  	s22 =	simm.s32 $0x4;
	s2 =	sand.u32 $0x1000, s20;
	s6 =	sand.u32 $0xC00, s21;
	v8 =	vld [tilespmem:s0+$0xF000];
	v3 =	vmul.f32 $1.442695020e+00, v3  }
0x19d: {  	s23 =	simm.s32 $0x10;
	s13 =	sand.u32 $0x380, s22;
	s16 =	sor.u32 s6, s2;
	v9 =	vld [tilespmem:s0+$0x10000];
	v4 =	vmul.f32 $1.442695020e+00, v4;
	(erf) = vpow2.f32 v2  }
0x19e: {  	s14 =	sand.u32 $0x70, s23;
	s16 =	sor.u32 s13, s16;
	v2 =	vmul.f32 $1.442695020e+00, v5;
	(erf) = vpow2.f32 v3  }
0x19f: {  	s29 =	sor.u32 s14, s16;
	v5 =	vmul.f32 $1.442695020e+00, v6;
	(erf) = vpow2.f32 v4  }
0x1a0: {  	v6 =	vmul.f32 $1.442695020e+00, v7;
	v3 =	vld [tilespmem:s29+$0xA000];
	(erf) = vpow2.f32 v2  }
0x1a1: {  	v7 =	vmul.f32 $1.442695020e+00, v8;
	v4 =	vld [tilespmem:s29+$0xB000];
	(erf) = vpow2.f32 v5  }
0x1a2: {  	v8 =	vmul.f32 $1.442695020e+00, v9;
	v2 =	vld [tilespmem:s29+$0xC000];
	(erf) = vpow2.f32 v6  }
0x1a3: {  	s30 =	simm.s32 $0x0;
	s31 =	simm.s32 $0x0;
	v5 =	vld [tilespmem:s29+$0xD000];
	(erf) = vpow2.f32 v7  }
0x1a4: {  	s19 =	sand.u32 $0xC00, s31;
	s20 =	simm.s32 $0x0;
	s16 =	sand.u32 $0x380, s30;
	v6 =	vld [tilespmem:s29+$0xE000];
	(erf) = vpow2.f32 v8  }
0x1a5: {  	s6 =	sor.u32 s6, s14;
	s14 =	sand.u32 $0x70, s20;
	s21 =	sor.u32 s16, s19;
	v7 =	vld [tilespmem:s29+$0xF000];
	v3 =	vmul.f32 $1.442695020e+00, v3  }
0x1a6: {  	s2 =	sor.u32 s2, s6;
	s14 =	sor.u32 s14, s21;
	v8 =	vld [tilespmem:s29+$0x10000];
	v4 =	vmul.f32 $1.442695020e+00, v4;
	v10 =	vpop (erf)  }
0x1a7: {  	s22 =	sor.u32 s13, s2;
	v2 =	vmul.f32 $1.442695020e+00, v2;
	(erf) = vpow2.f32 v3;
	v3 =	vld [tilespmem:s14+$0x9000];
	v11 =	vpop (erf)  }
0x1a8: {  	v9 =	vld [tilespmem:s22+$0x9000];
	v5 =	vmul.f32 $1.442695020e+00, v5;
	(erf) = vpow2.f32 v4;
	v12 =	vpop (erf)  }
0x1a9: {  	v4 =	vmul.f32 $1.442695020e+00, v6;
	(erf) = vpow2.f32 v2;
	v13 =	vpop (erf)  }
0x1aa: {  	v6 =	vld [tilespmem:s14+$0xA000];
	v2 =	vmul.f32 $1.442695020e+00, v7;
	(erf) = vpow2.f32 v5;
	v14 =	vpop (erf)  }
0x1ab: {  	v7 =	vld [tilespmem:s14+$0xB000];
	v5 =	vmul.f32 $1.442695020e+00, v8;
	(erf) = vpow2.f32 v4;
	v15 =	vpop (erf)  }
0x1ac: {  	(erf) = vpow2.f32 v2;
	v2 =	vmul.f32 $1.442695020e+00, v3;
	v3 =	vpop (erf)  }
0x1ad: {  	v4 =	vmul.f32 $1.442695020e+00, v9;
	v8 =	vld [tilespmem:s14+$0xC000];
	v16 =	vpop (erf)  }
0x1ae: {  	v19 =	vld [tilespmem:s14+$0xE000];
	v9 =	vadd.f32 v13, v12;
	(erf) = vpow2.f32 v5;
	v18 =	vadd.f32 v16, v3  }
0x1af: {  	v5 =	vadd.f32 v11, v10;
	v10 =	vld [tilespmem:s14+$0xD000];
	v6 =	vmul.f32 $1.442695020e+00, v6;
	v17 =	vadd.f32 v15, v14  }
0x1b0: {  	(erf) = vpow2.f32 v4;
	v4 =	vmul.f32 $1.442695020e+00, v7;
	v7 =	vld [tilespmem:s14+$0xF000]  }
0x1b1: {  	(erf) = vpow2.f32 v2;
	v2 =	vadd.f32 v9, v5;
	v9 =	vld [tilespmem:s14+$0x10000];
	v5 =	vadd.f32 v18, v17  }
0x1b2: {  	v8 =	vmul.f32 $1.442695020e+00, v8;
	v18 =	vpop (erf);
	(erf) = vpow2.f32 v6  }
0x1b3: {  	v2 =	vadd.f32 v5, v2;
	v5 =	vmul.f32 $1.442695020e+00, v19;
	v20 =	vpop (erf);
	(erf) = vpow2.f32 v4  }
0x1b4: {  	v4 =	vmul.f32 $1.442695020e+00, v10;
	v21 =	vpop (erf);
	(erf) = vpow2.f32 v8  }
0x1b5: {  	s6 =	simm.s32 $0x280;
	s13 =	simm.s32 $0x50;
	v19 =	vpop (erf);
	(erf) = vrcp.f32 v2;
	v2 =	vmul.f32 $1.442695020e+00, v7  }
0x1b6: {  	s30 =	sand.u32 $0xC00, s6;
	s23 =	sand.u32 $0x70, s13;
	s29 =	simm.s32 $0x50;
	v22 =	vpop (erf);
	(erf) = vpow2.f32 v4;
	v4 =	vmul.f32 $1.442695020e+00, v9  }
0x1b7: {  	s31 =	simm.s32 $0x14;
	s20 =	sor.u32 s30, s23;
	s2 =	sand.u32 $0x1000, s29;
	v23 =	vpop (erf);
	(erf) = vpow2.f32 v5  }
0x1b8: {  	s19 =	sand.u32 $0x380, s31;
	s21 =	sor.u32 s2, s20;
	s2 =	sor.u32 s30, s2;
	v24 =	vpop (erf);
	(erf) = vpow2.f32 v2  }
0x1b9: {  	s2 =	sor.u32 s19, s2;
	v2 =	vpop (erf);
	(erf) = vpow2.f32 v4  }
0x1ba: {  	s0 =	sor.u32 s23, s2;
	v5 =	vadd.f32 v21, v20;
	v6 =	vadd.f32 v22, v19;
	v4 =	vpop (erf)  }
0x1bb: {  	v30 =	vld [tilespmem:s0+$0xB000];
	v7 =	vadd.f32 v24, v23;
	v2 =	vadd.f32 v18, v2;
	v27 =	vpop (erf)  }
0x1bc: {  	v31 =	vld [tilespmem:s0+$0xC000];
	v10 =	vpop (erf)  }
0x1bd: {  	v7 =	vadd.f32 v7, v6;
	v2 =	vadd.f32 v5, v2;
	v9 =	vpop (erf)  }
0x1be: {  	v5 =	vadd.f32 v27, v4;
	v17 =	vpop (erf)  }
0x1bf: {  	v2 =	vadd.f32 v7, v2;
	v25 =	vadd.f32 v9, v10;
	v8 =	vpop (erf)  }
0x1c0: {  	v30 =	vmul.f32 $1.442695020e+00, v30;
	v17 =	vmul.f32 $2.048000000e+03, v17;
	v6 =	vpop (erf)  }
0x1c1: {  	v31 =	vmul.f32 $1.442695020e+00, v31;
	(erf) = vrcp.f32 v2;
	v2 =	vadd.f32 v25, v5;
	v7 =	vpop (erf)  }
0x1c2: {  	v26 =	vadd.f32 v6, v8;
	v5 =	vmul.f32 v17, v11;
	v11 =	vmul.f32 v17, v12;
	v4 =	vpop (erf)  }
0x1c3: {  	v12 =	vmul.f32 v17, v13;
	v14 =	vmul.f32 v17, v14;
	v28 =	vadd.f32 v4, v7  }
0x1c4: {  	v15 =	vmul.f32 v17, v15;
	v25 =	vmul.f32 v17, v3  }
0x1c5: {  	v16 =	vmul.f32 v17, v16;
	v3 =	vtrunc.f32 v5;
	v13 =	vadd.f32 v28, v26  }
0x1c6: {  	v5 =	vtrunc.f32 v11;
	v11 =	vtrunc.f32 v14  }
0x1c7: {  	v2 =	vadd.f32 v13, v2;
	v13 =	vcvt.f32.s32 v11;
	v11 =	vtrunc.f32 v15  }
0x1c8: {  	v3 =	vcvt.f32.s32 v3;
	v14 =	vcvt.f32.s32 v11  }
0x1c9: {  	v11 =	vtrunc.f32 v25;
	v25 =	vtrunc.f32 v16  }
0x1ca: {  	(erf) = vrcp.f32 v2;
	v2 =	vcvt.f32.s32 v5;
	v15 =	vpop (erf)  }
0x1cb: {  	v5 =	vtrunc.f32 v12;
	v12 =	vld [tilespmem:s22+$0x11000];
	v26 =	vmul.f32 $2.048000000e+03, v15  }
0x1cc: {  	v17 =	vld [tilespmem:s14+$0x11000];
	s14 =	sor.u32 s19, s21;
	v16 =	vcvt.f32.s32 v11;
	v5 =	vcvt.f32.s32 v5  }
0x1cd: {  	v11 =	vld [tilespmem:s14+$0x9000];
	v15 =	vcvt.f32.s32 v25;
	v28 =	vmul.f32 v26, v18  }
0x1ce: {  	v25 =	vmul.f32 v26, v20;
	v18 =	vmul.f32 v26, v21  }
0x1cf: {  	s23 =	simm.s32 $0x200;
	s22 =	simm.s32 $0x40;
	v19 =	vmul.f32 v26, v19;
	v21 =	vmul.f32 v26, v22  }
0x1d0: {  	v32 =	vld [tilespmem:s3+$0x11000];
	s29 =	simm.s32 $0x10;
	s3 =	sand.u32 $0xC00, s23;
	s2 =	sand.u32 $0x1000, s22;
	v20 =	vmul.f32 v26, v23;
	v22 =	vmul.f32 v26, v24;
	vm0 =	veq.s32 v12, $0x1  }
0x1d1: {  	s16 =	sand.u32 $0x380, s29;
	s30 =	simm.s32 $0x40;
	v29 =	vld [tilespmem:s0+$0xA000];
	s31 =	sor.u32 s3, s2;
	vm1 =	veq.s32 v12, $0x2;
	vm2 =	veq.s32 v12, $0x3;
	v26 =	vtrunc.f32 v28  }
0x1d2: {  	s19 =	sand.u32 $0x70, s30;
	v24 =	vld [tilespmem:s0+$0xD000];
	s20 =	sor.u32 s16, s31;
	v11 =	vmul.f32 $1.442695020e+00, v11;
	vm3 =	veq.s32 v12, $0x4;
	vm4 =	veq.s32 v12, $0x5  }
0x1d3: {  	s20 =	sor.u32 s19, s20;
	v28 =	vld [tilespmem:s0+$0xE000];
	vm5 =	veq.s32 v12, $0x6;
	v25 =	vtrunc.f32 v25;
	v18 =	vtrunc.f32 v18  }
0x1d4: {  	vm6 =	veq.s32 v12, $0x7;
	v12 =	vld [tilespmem:s20+$0xB000];
	v19 =	vtrunc.f32 v19;
	v21 =	vtrunc.f32 v21  }
0x1d5: {  	v20 =	vtrunc.f32 v20;
	(erf) = vpow2.f32 v11;
	v11 =	vld [tilespmem:s20+$0xA000]  }
0x1d6: {  	v22 =	vtrunc.f32 v22;
	v25 =	vcvt.f32.s32 v25;
	v23 =	vpop (erf)  }
0x1d7: {  	v18 =	vcvt.f32.s32 v18;
	v36 =	vmul.f32 $2.048000000e+03, v23  }
0x1d8: {  	v24 =	vmul.f32 $1.442695020e+00, v24;
	v28 =	vmul.f32 $1.442695020e+00, v28  }
0x1d9: {  	v12 =	vmul.f32 $1.442695020e+00, v12;
	v23 =	vmul.f32 v36, v27  }
0x1da: {  	v27 =	vmul.f32 $1.442695020e+00, v29;
	v29 =	vld [tilespmem:s0+$0xF000];
	v11 =	vmul.f32 $1.442695020e+00, v11  }
0x1db: {  	vm7 =	veq.s32 v32, $0x1;
	v34 =	vld [tilespmem:s0+$0x10000];
	v41 =	vmul.f32 v36, v10;
	v62 =	vmul.f32 v36, v9  }
0x1dc: {  	vm8 =	veq.s32 v32, $0x2;
	v42 =	vmul.f32 v36, v8;
	(erf) = vpow2.f32 v27  }
0x1dd: {  	v33 =	vsel vm7, $0x10000, v1;
	v43 =	vmul.f32 v36, v6;
	v27 =	vld [tilespmem:s20+$0xC000];
	(erf) = vpow2.f32 v30  }
0x1de: {  	v61 =	vsel vm8, $0x10000, v1;
	v44 =	vmul.f32 v36, v7;
	(erf) = vpow2.f32 v31  }
0x1df: {  	vm7 =	veq.s32 v32, $0x3;
	v30 =	vld [tilespmem:s20+$0xD000];
	v29 =	vmul.f32 $1.442695020e+00, v29;
	(erf) = vpow2.f32 v24  }
0x1e0: {  	vm8 =	veq.s32 v32, $0x5;
	v31 =	vmul.f32 $1.442695020e+00, v34;
	v24 =	vld [tilespmem:s20+$0xE000];
	(erf) = vpow2.f32 v28  }
0x1e1: {  	v35 =	vsel vm7, $0x10000, v1;
	v36 =	vmul.f32 v36, v4;
	v28 =	vld [tilespmem:s20+$0xF000];
	(erf) = vpow2.f32 v29  }
0x1e2: {  	vm7 =	veq.s32 v32, $0x4;
	s23 =	simm.s32 $0x30;
	s19 =	sor.u32 s3, s19;
	v29 =	vld [tilespmem:s20+$0x10000];
	v27 =	vmul.f32 $1.442695020e+00, v27;
	(erf) = vpow2.f32 v31  }
0x1e3: {  	v40 =	vsel vm8, $0x10000, v1;
	s22 =	simm.s32 $0x180;
	s3 =	simm.s32 $0xC;
	s2 =	sor.u32 s2, s19;
	v23 =	vtrunc.f32 v23;
	(erf) = vpow2.f32 v11  }
0x1e4: {  	vm8 =	veq.s32 v32, $0x6;
	[tilespmem:v3+s25+$0x0] =	vst.idx.add.s32.msk $0xffff, v33;
	s30 =	sand.u32 $0xC00, s22;
	s21 =	sand.u32 $0x380, s3;
	s29 =	sor.u32 s16, s2;
	v11 =	vmul.f32 $1.442695020e+00, v30;
	(erf) = vpow2.f32 v12;
	v12 =	vpop (erf)  }
0x1e5: {  	v37 =	vsel vm7, $0x10000, v1;
	s2 =	sand.u32 $0x70, s23;
	s0 =	sor.u32 s21, s30;
	v31 =	vld [tilespmem:s29+$0x9000];
	v30 =	vmul.f32 $1.442695020e+00, v24;
	(erf) = vpow2.f32 v27;
	v24 =	vpop (erf)  }
0x1e6: {  	vm7 =	veq.s32 v17, $0x1;
	[tilespmem:v2+s26+$0x0] =	vst.idx.add.s32.msk $0xffff, v61;
	s31 =	sor.u32 s2, s0;
	v38 =	vmul.f32 $1.442695020e+00, v28;
	(erf) = vpow2.f32 v11;
	v27 =	vpop (erf)  }
0x1e7: {  	vm9 =	veq.s32 v17, $0x3;
	v11 =	vld [tilespmem:s31+$0x9000];
	v39 =	vmul.f32 $1.442695020e+00, v29;
	(erf) = vpow2.f32 v30;
	v28 =	vpop (erf)  }
0x1e8: {  	vm10 =	veq.s32 v17, $0x4;
	v10 =	vld [tilespmem:s31+$0xA000];
	v33 =	vtrunc.f32 v41;
	(erf) = vpow2.f32 v38;
	v29 =	vpop (erf)  }
0x1e9: {  	vm11 =	veq.s32 v17, $0x5;
	[tilespmem:v5+s28+$0x0] =	vst.idx.add.s32.msk $0xffff, v35;
	v59 =	vtrunc.f32 v43;
	(erf) = vpow2.f32 v39;
	v30 =	vpop (erf)  }
0x1ea: {  	vm12 =	veq.s32 v17, $0x6;
	v9 =	vld [tilespmem:s31+$0xB000];
	v5 =	vtrunc.f32 v44;
	v8 =	vmul.f32 $1.442695020e+00, v31;
	v31 =	vpop (erf)  }
0x1eb: {  	v45 =	vld [tilespmem:s31+$0xC000];
	v60 =	vtrunc.f32 v36;
	v39 =	vsel vm8, $0x10000, v1;
	vm8 =	veq.s32 v32, $0x7;
	v32 =	vpop (erf)  }
0x1ec: {  	v12 =	vadd.f32 v24, v12;
	v46 =	vadd.f32 v28, v27;
	v11 =	vmul.f32 $1.442695020e+00, v11;
	v6 =	vpop (erf)  }
0x1ed: {  	v10 =	vmul.f32 $1.442695020e+00, v10;
	v48 =	vadd.f32 v30, v29;
	v49 =	vadd.f32 v32, v31;
	v7 =	vpop (erf)  }
0x1ee: {  	v47 =	vld [tilespmem:s31+$0xD000];
	v23 =	vcvt.f32.s32 v23;
	v12 =	vadd.f32 v46, v12;
	(erf) = vpow2.f32 v8;
	v8 =	vpop (erf)  }
0x1ef: {  	v52 =	vld [tilespmem:s31+$0xE000];
	v51 =	vmul.f32 $1.442695020e+00, v9;
	(erf) = vpow2.f32 v11;
	v63 =	vadd.f32 v49, v48;
	v9 =	vpop (erf)  }
0x1f0: {  	vm13 =	veq.s32 v17, $0x7;
	v45 =	vmul.f32 $1.442695020e+00, v45;
	(erf) = vpow2.f32 v10;
	v11 =	vpop (erf)  }
0x1f1: {  	v33 =	vcvt.f32.s32 v33;
	(erf) = vpow2.f32 v51;
	v4 =	vadd.f32 v63, v12;
	v10 =	vpop (erf)  }
0x1f2: {  	v3 =	vsel vm12, $0x10000, v1;
	v34 =	vtrunc.f32 v42;
	(erf) = vpow2.f32 v45;
	v12 =	vpop (erf)  }
0x1f3: {  	v34 =	vcvt.f32.s32 v34;
	(erf) = vrcp.f32 v4;
	v4 =	vadd.f32 v12, v10  }
0x1f4: {  	v2 =	vsel vm13, $0x10000, v1;
	v53 =	vld [tilespmem:s31+$0xF000];
	v54 =	vmul.f32 $1.442695020e+00, v47;
	v56 =	vmul.f32 $1.442695020e+00, v52  }
0x1f5: {  	v57 =	vld [tilespmem:s31+$0x10000];
	v52 =	vsel vm4, $0x10000, v1;
	v38 =	vtrunc.f32 v62;
	v55 =	vadd.f32 v11, v9  }
0x1f6: {  	v62 =	vcvt.f32.s32 v19;
	v38 =	vcvt.f32.s32 v38;
	v50 =	vsel vm8, $0x10000, v1  }
0x1f7: {  	vm8 =	veq.s32 v17, $0x2;
	v17 =	vcvt.f32.s32 v26;
	v45 =	vadd.f32 v4, v55;
	v4 =	vpop (erf)  }
0x1f8: {  	v26 =	vsel vm0, $0x10000, v1;
	v58 =	vadd.f32 v8, v7;
	v51 =	vld [tilespmem:s29+$0x11000];
	v4 =	vadd.f32 v6, v4  }
0x1f9: {  	v46 =	vsel vm1, $0x10000, v1;
	v48 =	vmul.f32 $1.442695020e+00, v53;
	(erf) = vpow2.f32 v54  }
0x1fa: {  	(erf) = vpow2.f32 v56;
	v47 =	vadd.f32 v58, v4;
	v4 =	vmul.f32 $1.442695020e+00, v57  }
0x1fb: {  	v49 =	vsel vm3, $0x10000, v1;
	v63 =	vcvt.f32.s32 v21;
	(erf) = vpow2.f32 v48  }
0x1fc: {  	[tilespmem:v13+s7+$0x0] =	vst.idx.add.s32.msk $0xffff, v37;
	v53 =	vsel vm5, $0x10000, v1;
	v21 =	vcvt.f32.s32 v5;
	v61 =	vpop (erf);
	(erf) = vpow2.f32 v4  }
0x1fd: {  	[tilespmem:v14+s8+$0x0] =	vst.idx.add.s32.msk $0xffff, v40;
	v54 =	vsel vm6, $0x10000, v1;
	v56 =	vsel vm8, $0x10000, v1;
	vm0 =	veq.s32 v51, $0x1;
	v13 =	vpop (erf)  }
0x1fe: {  	[tilespmem:v16+s10+$0x0] =	vst.idx.add.s32.msk $0xffff, v39;
	vm1 =	veq.s32 v51, $0x2;
	vm3 =	veq.s32 v51, $0x4;
	v14 =	vpop (erf);
	v19 =	vadd.f32 v45, v47  }
0x1ff: {  	[tilespmem:v15+s11+$0x0] =	vst.idx.add.s32.msk $0xffff, v50;
	vm4 =	veq.s32 v51, $0x5;
	vm5 =	veq.s32 v51, $0x6;
	v16 =	vadd.f32 v13, v61;
	v15 =	vpop (erf)  }
0x200: {  	[tilespmem:v17+s25+$0x0] =	vst.idx.add.s32.msk $0xffff, v26;
	v45 =	vcvt.f32.s32 v20;
	v17 =	vpop (erf);
	(erf) = vrcp.f32 v19;
	v19 =	vadd.f32 v15, v14  }
0x201: {  	[tilespmem:v25+s26+$0x0] =	vst.idx.add.s32.msk $0xffff, v46;
	vm6 =	veq.s32 v51, $0x7;
	v47 =	vcvt.f32.s32 v22;
	v25 =	vmul.f32 $2.048000000e+03, v17  }
0x202: {  	v48 =	vsel vm2, $0x10000, v1;
	v22 =	vcvt.f32.s32 v59;
	v20 =	vcvt.f32.s32 v60;
	v17 =	vpop (erf)  }
0x203: {  	v5 =	vld [tilespmem:s31+$0x11000];
	v24 =	vmul.f32 v25, v24;
	v27 =	vmul.f32 v25, v27;
	v59 =	vadd.f32 v19, v16;
	v16 =	vpop (erf)  }
0x204: {  	v55 =	vsel vm7, $0x10000, v1;
	[tilespmem:v18+s28+$0x0] =	vst.idx.add.s32.msk $0xffff, v48;
	v28 =	vmul.f32 v25, v28;
	v29 =	vmul.f32 v25, v29;
	v19 =	vpop (erf)  }
0x205: {  	vm2 =	veq.s32 v51, $0x3;
	[tilespmem:v23+s25+$0x0] =	vst.idx.add.s32.msk $0xffff, v55;
	v30 =	vmul.f32 v25, v30;
	v31 =	vmul.f32 v25, v31;
	v18 =	vpop (erf)  }
0x206: {  	v26 =	vld [tilespmem:s14+$0x11000];
	v32 =	vmul.f32 v25, v32;
	v60 =	vadd.f32 v16, v17;
	v61 =	vadd.f32 v18, v19  }
0x207: {  	[tilespmem:v62+s7+$0x0] =	vst.idx.add.s32.msk $0xffff, v49;
	v57 =	vsel vm9, $0x10000, v1;
	v24 =	vtrunc.f32 v24;
	v27 =	vtrunc.f32 v27  }
0x208: {  	[tilespmem:v33+s26+$0x0] =	vst.idx.add.s32.msk $0xffff, v56;
	v23 =	vtrunc.f32 v30;
	v24 =	vcvt.f32.s32 v24;
	v25 =	vadd.f32 v61, v60  }
0x209: {  	[tilespmem:v63+s8+$0x0] =	vst.idx.add.s32.msk $0xffff, v52;
	v58 =	vsel vm10, $0x10000, v1;
	v62 =	vcvt.f32.s32 v27;
	v27 =	vtrunc.f32 v28  }
0x20a: {  	[tilespmem:v38+s28+$0x0] =	vst.idx.add.s32.msk $0xffff, v57;
	v63 =	vcvt.f32.s32 v27;
	v28 =	vadd.f32 v25, v59;
	v25 =	vtrunc.f32 v29  }
0x20b: {  	vm7 =	veq.s32 v26, $0x1;
	[tilespmem:v34+s7+$0x0] =	vst.idx.add.s32.msk $0xffff, v58;
	v30 =	vtrunc.f32 v32;
	v27 =	vcvt.f32.s32 v25  }
0x20c: {  	vm8 =	veq.s32 v26, $0x2;
	[tilespmem:v45+s10+$0x0] =	vst.idx.add.s32.msk $0xffff, v53;
	v25 =	vcvt.f32.s32 v23;
	v23 =	vtrunc.f32 v31  }
0x20d: {  	v4 =	vsel vm11, $0x10000, v1;
	[tilespmem:v47+s11+$0x0] =	vst.idx.add.s32.msk $0xffff, v54;
	v29 =	vsel vm7, $0x10000, v1;
	v23 =	vcvt.f32.s32 v23  }
0x20e: {  	vm7 =	veq.s32 v26, $0x3;
	[tilespmem:v24+s25+$0x0] =	vst.idx.add.s32.msk $0xffff, v29;
	v29 =	vsel vm8, $0x10000, v1;
	v24 =	vcvt.f32.s32 v30  }
0x20f: {  	v30 =	vpop (erf);
	[tilespmem:v62+s26+$0x0] =	vst.idx.add.s32.msk $0xffff, v29;
	v29 =	vsel vm7, $0x10000, v1;
	vm7 =	veq.s32 v26, $0x4;
	(erf) = vrcp.f32 v28  }
0x210: {  	s14 =	simm.s32 $0x3;
	vm8 =	veq.s32 v26, $0x5;
	v28 =	vmul.f32 $2.048000000e+03, v30;
	[tilespmem:v63+s28+$0x0] =	vst.idx.add.s32.msk $0xffff, v29;
	v29 =	vsel vm7, $0x10000, v1  }
.LBB2_7:
0x211: {  	s0 =	sadd.s32 $0x4, s14;
	vm7 =	veq.s32 v5, $0x1;
	[tilespmem:v27+s7+$0x0] =	vst.idx.add.s32.msk $0xffff, v29;
	v27 =	vsel vm8, $0x10000, v1;
	vm8 =	veq.s32 v26, $0x6  }
0x212: {  	s3 =	sadd.s32 $0xC, s3;
	s2 =	sshll.u32 s0, $0x4;
	s16 =	sshll.u32 s0, $0x2;
	v6 =	vmul.f32 v28, v6;
	[tilespmem:v25+s8+$0x0] =	vst.idx.add.s32.msk $0xffff, v27;
	v25 =	vsel vm8, $0x10000, v1;
	vm8 =	veq.s32 v26, $0x7  }
0x213: {  	s0 =	sand.u32 $0x380, s3;
	v7 =	vmul.f32 v28, v7;
	v8 =	vmul.f32 v28, v8;
	s30 =	sand.u32 $0x1000, s2;
	s29 =	sand.u32 $0x380, s16;
	[tilespmem:v23+s10+$0x0] =	vst.idx.add.s32.msk $0xffff, v25;
	v23 =	vsel vm8, $0x10000, v1  }
0x214: {  	s6 =	sadd.s32 $0x180, s6;
	s13 =	sadd.s32 $0x30, s13;
	v9 =	vmul.f32 v28, v9;
	v11 =	vmul.f32 v28, v11;
	s2 =	sadd.s32 $0x5, s14;
	vm8 =	veq.s32 v5, $0x2;
	[tilespmem:v24+s11+$0x0] =	vst.idx.add.s32.msk $0xffff, v23  }
0x215: {  	vm9 =	veq.s32 v5, $0x3;
	s20 =	sand.u32 $0xC00, s6;
	v10 =	vmul.f32 v28, v10;
	v12 =	vmul.f32 v28, v12;
	s16 =	sand.u32 $0x70, s13;
	s19 =	sshll.u32 s2, $0x4;
	[tilespmem:v22+s8+$0x0] =	vst.idx.add.s32.msk $0xffff, v4  }
0x216: {  	vm10 =	veq.s32 v5, $0x4;
	s2 =	sshll.u32 s2, $0x2;
	s21 =	sor.u32 s20, s16;
	s19 =	sand.u32 $0x1000, s19;
	v4 =	vtrunc.f32 v6;
	v6 =	vtrunc.f32 v7;
	[tilespmem:v21+s10+$0x0] =	vst.idx.add.s32.msk $0xffff, v3  }
0x217: {  	vm11 =	veq.s32 v5, $0x5;
	s2 =	sand.u32 $0x380, s2;
	v22 =	vtrunc.f32 v9;
	s21 =	sor.u32 s19, s21;
	s20 =	sor.u32 s20, s19;
	v21 =	vtrunc.f32 v8;
	[tilespmem:v20+s11+$0x0] =	vst.idx.add.s32.msk $0xffff, v2  }
0x218: {  	vm12 =	veq.s32 v5, $0x6;
	s22 =	sadd.s32 $0xFFFFFFF0, s13;
	v26 =	vtrunc.f32 v10;
	s19 =	sor.u32 s2, s21;
	s2 =	sor.u32 s2, s20;
	v20 =	vtrunc.f32 v11;
	v2 =	vpop (erf)  }
0x219: {  	vm13 =	veq.s32 v5, $0x7;
	v32 =	vtrunc.f32 v12;
	s20 =	sand.u32 $0x70, s22;
	s21 =	sadd.s32 $0xFFFFFF80, s6;
	s2 =	sor.u32 s16, s2;
	v3 =	vld [tilespmem:s19+$0x9000];
	v2 =	vmul.f32 $2.048000000e+03, v2  }
0x21a: {  	v9 =	vcvt.f32.s32 v4;
	v10 =	vcvt.f32.s32 v6;
	s22 =	sadd.s32 $0xFFFFFF00, s6;
	v11 =	vsel vm0, $0x10000, v1;
	s16 =	sadd.s32 $0xFFFFFFE0, s13;
	s21 =	sand.u32 $0xC00, s21;
	v5 =	vld [tilespmem:s2+$0xA000]  }
0x21b: {  	v35 =	vsel vm1, $0x10000, v1;
	s22 =	sand.u32 $0xC00, s22;
	s23 =	sor.u32 s21, s20;
	s21 =	sor.u32 s21, s30;
	v4 =	vld [tilespmem:s2+$0xB000];
	v6 =	vmul.f32 v2, v13;
	v12 =	vmul.f32 v2, v14  }
0x21c: {  	v33 =	vsel vm2, $0x10000, v1;
	s0 =	sor.u32 s0, s22;
	s22 =	sor.u32 s30, s23;
	s21 =	sor.u32 s29, s21;
	v34 =	vmul.f32 v2, v15;
	v13 =	vmul.f32 v2, v17;
	v7 =	vld [tilespmem:s2+$0xC000]  }
0x21d: {  	v31 =	vsel vm3, $0x10000, v1;
	s16 =	sand.u32 $0x70, s16;
	s29 =	sor.u32 s29, s22;
	s20 =	sor.u32 s20, s21;
	v17 =	vmul.f32 v2, v16;
	v14 =	vmul.f32 v2, v19;
	v8 =	vld [tilespmem:s2+$0xD000]  }
0x21e: {  	v25 =	vsel vm4, $0x10000, v1;
	s30 =	sor.u32 s16, s0;
	v16 =	vmul.f32 v2, v18;
	v3 =	vmul.f32 $1.442695020e+00, v3;
	v19 =	vld [tilespmem:s2+$0xE000]  }
0x21f: {  	v27 =	vsel vm5, $0x10000, v1;
	v15 =	vtrunc.f32 v6;
	v2 =	vmul.f32 $1.442695020e+00, v5;
	v5 =	vld [tilespmem:s2+$0xF000]  }
0x220: {  	v23 =	vsel vm6, $0x10000, v1;
	v4 =	vmul.f32 $1.442695020e+00, v4;
	v6 =	vld [tilespmem:s2+$0x10000];
	(erf) = vpow2.f32 v3  }
0x221: {  	s14 =	sadd.s32 $0x3, s14;
	v24 =	vsel vm7, $0x10000, v1;
	v3 =	vld [tilespmem:s20+$0xA000];
	v7 =	vmul.f32 $1.442695020e+00, v7;
	(erf) = vpow2.f32 v2  }
0x222: {  	p0 =	slt.u32 s14, $0xFC;
	v28 =	vsel vm8, $0x10000, v1;
	v2 =	vld [tilespmem:s20+$0xB000];
	v8 =	vmul.f32 $1.442695020e+00, v8;
	(erf) = vpow2.f32 v4  }
0x223: {  	v29 =	vsel vm9, $0x10000, v1;
	v18 =	vld [tilespmem:s20+$0xC000];
	v4 =	vmul.f32 $1.442695020e+00, v19;
	(erf) = vpow2.f32 v7  }
0x224: {  	v30 =	vsel vm10, $0x10000, v1;
	v7 =	vld [tilespmem:s20+$0xD000];
	v5 =	vmul.f32 $1.442695020e+00, v5;
	(erf) = vpow2.f32 v8  }
0x225: {  	v8 =	vld [tilespmem:s20+$0xE000];
	v6 =	vmul.f32 $1.442695020e+00, v6;
	(erf) = vpow2.f32 v4;
	v4 =	vsel vm11, $0x10000, v1  }
0x226: {  	v19 =	vmul.f32 $1.442695020e+00, v3;
	v36 =	vld [tilespmem:s20+$0xF000];
	(erf) = vpow2.f32 v5;
	v3 =	vsel vm12, $0x10000, v1  }
0x227: {  	v38 =	vmul.f32 $1.442695020e+00, v2;
	v37 =	vld [tilespmem:s20+$0x10000];
	(erf) = vpow2.f32 v6;
	v2 =	vsel vm13, $0x10000, v1  }
0x228: {  	v6 =	vld [tilespmem:s29+$0x9000];
	v39 =	vmul.f32 $1.442695020e+00, v18;
	(erf) = vpow2.f32 v19  }
0x229: {  	v19 =	vld [tilespmem:s30+$0x9000];
	v7 =	vmul.f32 $1.442695020e+00, v7;
	(erf) = vpow2.f32 v38;
	v5 =	vpop (erf)  }
0x22a: {  	v38 =	vld [tilespmem:s30+$0xA000];
	v8 =	vmul.f32 $1.442695020e+00, v8;
	(erf) = vpow2.f32 v39;
	v18 =	vpop (erf)  }
0x22b: {  	v39 =	vld [tilespmem:s30+$0xB000];
	v42 =	vmul.f32 $1.442695020e+00, v36;
	(erf) = vpow2.f32 v7;
	v40 =	vpop (erf)  }
0x22c: {  	v7 =	vld [tilespmem:s30+$0xC000];
	v43 =	vmul.f32 $1.442695020e+00, v37;
	(erf) = vpow2.f32 v8;
	v41 =	vpop (erf)  }
0x22d: {  	v8 =	vld [tilespmem:s30+$0xD000];
	v6 =	vmul.f32 $1.442695020e+00, v6;
	(erf) = vpow2.f32 v42;
	v36 =	vpop (erf)  }
0x22e: {  	v19 =	vmul.f32 $1.442695020e+00, v19;
	v42 =	vld [tilespmem:s30+$0xE000];
	(erf) = vpow2.f32 v43;
	v37 =	vpop (erf)  }
0x22f: {  	v38 =	vmul.f32 $1.442695020e+00, v38;
	v43 =	vld [tilespmem:s30+$0xF000];
	(erf) = vpow2.f32 v6;
	v44 =	vpop (erf)  }
0x230: {  	v46 =	vadd.f32 v18, v5;
	v47 =	vadd.f32 v41, v40;
	v39 =	vmul.f32 $1.442695020e+00, v39;
	v45 =	vld [tilespmem:s30+$0x10000];
	v48 =	vpop (erf)  }
0x231: {  	v51 =	vadd.f32 v37, v36;
	v49 =	vmul.f32 $1.442695020e+00, v7;
	v50 =	vld [tilespmem:s29+$0x11000];
	v52 =	vadd.f32 v48, v44;
	v6 =	vpop (erf)  }
0x232: {  	v5 =	vld [tilespmem:s30+$0x11000];
	v53 =	vmul.f32 $1.442695020e+00, v8;
	(erf) = vpow2.f32 v19;
	v7 =	vpop (erf)  }
0x233: {  	v19 =	vmul.f32 $1.442695020e+00, v42;
	v42 =	vadd.f32 v47, v46;
	v46 =	vadd.f32 v52, v51;
	v8 =	vpop (erf);
	[tilespmem:v9+s25+$0x0] =	vst.idx.add.s32.msk $0xffff, v11  }
0x234: {  	v43 =	vmul.f32 $1.442695020e+00, v43;
	v47 =	vadd.f32 v8, v7;
	(erf) = vpow2.f32 v38;
	v9 =	vpop (erf);
	[tilespmem:v10+s26+$0x0] =	vst.idx.add.s32.msk $0xffff, v35  }
0x235: {  	v35 =	vmul.f32 $1.442695020e+00, v45;
	v38 =	vadd.f32 v46, v42;
	(erf) = vpow2.f32 v39;
	v11 =	vpop (erf)  }
0x236: {  	v42 =	vtrunc.f32 v12;
	v39 =	vadd.f32 v11, v9;
	(erf) = vpow2.f32 v49;
	v10 =	vpop (erf)  }
0x237: {  	v34 =	vtrunc.f32 v34;
	vm0 =	veq.s32 v50, $0x1;
	v12 =	vpop (erf);
	(erf) = vrcp.f32 v38  }
0x238: {  	v46 =	vtrunc.f32 v13;
	v38 =	vadd.f32 v12, v10;
	(erf) = vpow2.f32 v53;
	v45 =	vpop (erf)  }
0x239: {  	v13 =	vadd.f32 v6, v45;
	(erf) = vpow2.f32 v19;
	v19 =	vtrunc.f32 v17  }
0x23a: {  	v17 =	vadd.f32 v38, v39;
	(erf) = vpow2.f32 v43;
	v38 =	vtrunc.f32 v14  }
0x23b: {  	v45 =	vadd.f32 v47, v13;
	v14 =	vpop (erf);
	(erf) = vpow2.f32 v35;
	v35 =	vtrunc.f32 v16  }
0x23c: {  	vm1 =	veq.s32 v50, $0x2;
	v39 =	vcvt.f32.s32 v21;
	v43 =	vcvt.f32.s32 v22  }
0x23d: {  	v47 =	vcvt.f32.s32 v26;
	v16 =	vadd.f32 v17, v45;
	v13 =	vpop (erf);
	v45 =	vcvt.f32.s32 v20  }
0x23e: {  	v32 =	vcvt.f32.s32 v32;
	v49 =	vcvt.f32.s32 v15;
	v20 =	vadd.f32 v13, v14;
	v14 =	vpop (erf)  }
0x23f: {  	vm2 =	veq.s32 v50, $0x3;
	v42 =	vcvt.f32.s32 v42;
	v15 =	vpop (erf);
	(erf) = vrcp.f32 v16  }
0x240: {  	v34 =	vcvt.f32.s32 v34;
	v46 =	vcvt.f32.s32 v46;
	v21 =	vadd.f32 v15, v14;
	v17 =	vpop (erf)  }
0x241: {  	vm3 =	veq.s32 v50, $0x4;
	v22 =	vcvt.f32.s32 v19;
	v51 =	vmul.f32 $2.048000000e+03, v17;
	v17 =	vpop (erf)  }
0x242: {  	v52 =	vadd.f32 v21, v20;
	v16 =	vpop (erf);
	v21 =	vcvt.f32.s32 v38;
	v20 =	vcvt.f32.s32 v35;
	[tilespmem:v39+s28+$0x0] =	vst.idx.add.s32.msk $0xffff, v33  }
0x243: {  	v33 =	vadd.f32 v16, v17;
	v35 =	vmul.f32 v51, v18;
	v38 =	vmul.f32 v51, v40;
	v19 =	vpop (erf)  }
0x244: {  	vm4 =	veq.s32 v50, $0x5;
	v39 =	vmul.f32 v51, v41;
	v36 =	vmul.f32 v51, v36;
	v18 =	vpop (erf);
	[tilespmem:v43+s7+$0x0] =	vst.idx.add.s32.msk $0xffff, v31  }
0x245: {  	v37 =	vmul.f32 v51, v37;
	v40 =	vmul.f32 v51, v44;
	v31 =	vadd.f32 v18, v19;
	v26 =	vld [tilespmem:s19+$0x11000]  }
0x246: {  	vm5 =	veq.s32 v50, $0x6;
	v41 =	vmul.f32 v51, v48;
	v43 =	vtrunc.f32 v35;
	[tilespmem:v45+s8+$0x0] =	vst.idx.add.s32.msk $0xffff, v25  }
0x247: {  	v25 =	vadd.f32 v31, v33;
	v31 =	vcvt.f32.s32 v43;
	v33 =	vtrunc.f32 v38;
	[tilespmem:v47+s10+$0x0] =	vst.idx.add.s32.msk $0xffff, v27  }
0x248: {  	vm6 =	veq.s32 v50, $0x7;
	v27 =	vtrunc.f32 v39;
	v33 =	vcvt.f32.s32 v33;
	v35 =	vpop (erf);
	[tilespmem:v32+s11+$0x0] =	vst.idx.add.s32.msk $0xffff, v23  }
0x249: {  	v38 =	vcvt.f32.s32 v27;
	v23 =	vtrunc.f32 v36;
	v32 =	vadd.f32 v25, v52;
	[tilespmem:v49+s25+$0x0] =	vst.idx.add.s32.msk $0xffff, v24  }
0x24a: {  	v27 =	vcvt.f32.s32 v23;
	v23 =	vtrunc.f32 v37;
	vm7 =	veq.s32 v26, $0x1;
	[tilespmem:v42+s26+$0x0] =	vst.idx.add.s32.msk $0xffff, v28  }
.Ltmp2:
0x24b: {  	vm8 =	veq.s32 v26, $0x2;
	v25 =	vcvt.f32.s32 v23;
	v23 =	vtrunc.f32 v40;
	[tilespmem:v34+s28+$0x0] =	vst.idx.add.s32.msk $0xffff, v29;
	(pc) =	sbr.rel @p0 .LBB2_7-.Ltmp2, $4  }
0x24c: {  	v28 =	vtrunc.f32 v41;
	v24 =	vsel vm7, $0x10000, v1;
	v23 =	vcvt.f32.s32 v23;
	[tilespmem:v46+s7+$0x0] =	vst.idx.add.s32.msk $0xffff, v30  }
0x24d: {  	v29 =	vsel vm8, $0x10000, v1;
	vm7 =	veq.s32 v26, $0x3;
	[tilespmem:v31+s25+$0x0] =	vst.idx.add.s32.msk $0xffff, v24;
	v24 =	vcvt.f32.s32 v28  }
0x24e: {  	[tilespmem:v33+s26+$0x0] =	vst.idx.add.s32.msk $0xffff, v29;
	v29 =	vsel vm7, $0x10000, v1;
	vm7 =	veq.s32 v26, $0x4;
	(erf) = vrcp.f32 v32  }
0x24f: {  	vm8 =	veq.s32 v26, $0x5;
	v28 =	vmul.f32 $2.048000000e+03, v35;
	[tilespmem:v38+s28+$0x0] =	vst.idx.add.s32.msk $0xffff, v29;
	v29 =	vsel vm7, $0x10000, v1  }
0x250: {  	_ = 	snop  }
0x251: {  	v6 =	vmul.f32 v28, v6;
	v7 =	vmul.f32 v28, v7  }
0x252: {  	v8 =	vmul.f32 v28, v8;
	v9 =	vmul.f32 v28, v9  }
0x253: {  	v11 =	vmul.f32 v28, v11;
	v10 =	vmul.f32 v28, v10  }
0x254: {  	v12 =	vmul.f32 v28, v12;
	v6 =	vtrunc.f32 v6  }
0x255: {  	v7 =	vtrunc.f32 v7;
	v8 =	vtrunc.f32 v8  }
0x256: {  	v9 =	vtrunc.f32 v9;
	v11 =	vtrunc.f32 v11  }
0x257: {  	v62 =	vsel vm8, $0x10000, v1;
	v10 =	vtrunc.f32 v10;
	v12 =	vtrunc.f32 v12  }
0x258: {  	vm7 =	veq.s32 v26, $0x6;
	[tilespmem:v27+s7+$0x0] =	vst.idx.add.s32.msk $0xffff, v29;
	v6 =	vcvt.f32.s32 v6;
	v7 =	vcvt.f32.s32 v7;
	v30 =	vpop (erf)  }
0x259: {  	vm13 =	veq.s32 v26, $0x7;
	[tilespmem:v22+s8+$0x0] =	vst.idx.add.s32.msk $0xffff, v4;
	v8 =	vcvt.f32.s32 v8;
	v30 =	vmul.f32 $2.048000000e+03, v30  }
0x25a: {  	vm14 =	veq.s32 v5, $0x1;
	[tilespmem:v25+s8+$0x0] =	vst.idx.add.s32.msk $0xffff, v62;
	v9 =	vcvt.f32.s32 v9;
	v11 =	vcvt.f32.s32 v11  }
0x25b: {  	v63 =	vsel vm7, $0x10000, v1;
	[tilespmem:v21+s10+$0x0] =	vst.idx.add.s32.msk $0xffff, v3;
	v10 =	vcvt.f32.s32 v10;
	v13 =	vmul.f32 v30, v13  }
0x25c: {  	vm15 =	veq.s32 v5, $0x2;
	[tilespmem:v23+s10+$0x0] =	vst.idx.add.s32.msk $0xffff, v63;
	v14 =	vmul.f32 v30, v14;
	v15 =	vmul.f32 v30, v15  }
0x25d: {  	v31 =	vsel vm13, $0x10000, v1;
	[tilespmem:v20+s11+$0x0] =	vst.idx.add.s32.msk $0xffff, v2;
	v17 =	vmul.f32 v30, v17;
	v32 =	vmul.f32 v30, v16  }
0x25e: {  	v2 =	vsel vm0, $0x10000, v1;
	[tilespmem:v24+s11+$0x0] =	vst.idx.add.s32.msk $0xffff, v31;
	v3 =	vmul.f32 v30, v19;
	v33 =	vmul.f32 v30, v18  }
0x25f: {  	v34 =	vsel vm1, $0x10000, v1;
	[tilespmem:v6+s25+$0x0] =	vst.idx.add.s32.msk $0xffff, v2;
	v2 =	vcvt.f32.s32 v12;
	v13 =	vtrunc.f32 v13  }
0x260: {  	v35 =	vsel vm2, $0x10000, v1;
	[tilespmem:v7+s26+$0x0] =	vst.idx.add.s32.msk $0xffff, v34;
	v36 =	vtrunc.f32 v14;
	v37 =	vcvt.f32.s32 v13  }
0x261: {  	v38 =	vsel vm3, $0x10000, v1;
	v39 =	vtrunc.f32 v15;
	[tilespmem:v8+s28+$0x0] =	vst.idx.add.s32.msk $0xffff, v35;
	v7 =	vcvt.f32.s32 v36  }
0x262: {  	v40 =	vsel vm4, $0x10000, v1;
	v41 =	vtrunc.f32 v17;
	v14 =	vcvt.f32.s32 v39;
	[tilespmem:v9+s7+$0x0] =	vst.idx.add.s32.msk $0xffff, v38  }
0x263: {  	v42 =	vsel vm5, $0x10000, v1;
	v4 =	vtrunc.f32 v32;
	v8 =	vcvt.f32.s32 v41;
	[tilespmem:v11+s8+$0x0] =	vst.idx.add.s32.msk $0xffff, v40  }
0x264: {  	v43 =	vsel vm6, $0x10000, v1;
	v3 =	vtrunc.f32 v3;
	v4 =	vcvt.f32.s32 v4;
	[tilespmem:v10+s10+$0x0] =	vst.idx.add.s32.msk $0xffff, v42  }
0x265: {  	v44 =	vsel vm14, $0x10000, v1;
	v45 =	vtrunc.f32 v33;
	v3 =	vcvt.f32.s32 v3;
	[tilespmem:v2+s11+$0x0] =	vst.idx.add.s32.msk $0xffff, v43  }
0x266: {  	vm4 =	veq.s32 v5, $0x3;
	v46 =	vcvt.f32.s32 v45;
	v2 =	vsel vm15, $0x10000, v1;
	[tilespmem:v37+s25+$0x0] =	vst.idx.add.s32.msk $0xffff, v44  }
0x267: {  	vm5 =	veq.s32 v5, $0x4;
	v47 =	vsel vm4, $0x10000, v1;
	[tilespmem:v7+s26+$0x0] =	vst.idx.add.s32.msk $0xffff, v2  }
0x268: {  	vm6 =	veq.s32 v5, $0x5;
	v2 =	vsel vm5, $0x10000, v1;
	[tilespmem:v14+s28+$0x0] =	vst.idx.add.s32.msk $0xffff, v47  }
0x269: {  	vm7 =	veq.s32 v5, $0x6;
	v48 =	vsel vm6, $0x10000, v1;
	[tilespmem:v8+s7+$0x0] =	vst.idx.add.s32.msk $0xffff, v2  }
0x26a: {  	vm8 =	veq.s32 v5, $0x7;
	v2 =	vsel vm7, $0x10000, v1;
	[tilespmem:v4+s8+$0x0] =	vst.idx.add.s32.msk $0xffff, v48  }
0x26b: {  	v49 =	vsel vm8, $0x10000, v1;
	[tilespmem:v3+s10+$0x0] =	vst.idx.add.s32.msk $0xffff, v2  }
0x26c: {  	[tilespmem:v46+s11+$0x0] =	vst.idx.add.s32.msk $0xffff, v49  }
0x26d: {  	v2 =	vld [tilespmem:$0x9FF0]  }
0x26e: {  	v3 =	vld [tilespmem:$0xAFF0]  }
0x26f: {  	v4 =	vld [tilespmem:$0xBFF0]  }
0x270: {  	v50 =	vld [tilespmem:$0xCFF0]  }
0x271: {  	v6 =	vld [tilespmem:$0xDFF0]  }
0x272: {  	v7 =	vld [tilespmem:$0xEFF0];
	v2 =	vmul.f32 $1.442695020e+00, v2  }
0x273: {  	v8 =	vld [tilespmem:$0xFFF0];
	v3 =	vmul.f32 $1.442695020e+00, v3  }
0x274: {  	v51 =	vld [tilespmem:$0x10FF0];
	(erf) = vpow2.f32 v2;
	v2 =	vmul.f32 $1.442695020e+00, v4  }
0x275: {  	(erf) = vpow2.f32 v3;
	v3 =	vmul.f32 $1.442695020e+00, v50  }
0x276: {  	(erf) = vpow2.f32 v2;
	v2 =	vmul.f32 $1.442695020e+00, v6  }
0x277: {  	(erf) = vpow2.f32 v3;
	v3 =	vmul.f32 $1.442695020e+00, v7  }
0x278: {  	(erf) = vpow2.f32 v2;
	v2 =	vmul.f32 $1.442695020e+00, v8  }
0x279: {  	(erf) = vpow2.f32 v3;
	v3 =	vmul.f32 $1.442695020e+00, v51  }
0x27a: {  	(erf) = vpow2.f32 v2  }
0x27b: {  	(erf) = vpow2.f32 v3;
	_ =	sdelay $0x1  }
0x27c: {  	v2 =	vpop (erf)  }
0x27d: {  	v3 =	vpop (erf)  }
0x27e: {  	v52 =	vpop (erf)  }
0x27f: {  	v53 =	vpop (erf)  }
0x280: {  	v54 =	vpop (erf)  }
0x281: {  	v55 =	vpop (erf)  }
0x282: {  	v56 =	vpop (erf)  }
0x283: {  	v2 =	vadd.f32 v3, v2;
	v58 =	vadd.f32 v53, v52;
	v57 =	vpop (erf)  }
0x284: {  	v59 =	vadd.f32 v55, v54;
	v60 =	vadd.f32 v57, v56;
	_ =	sdelay $0x1  }
0x285: {  	v2 =	vadd.f32 v58, v2;
	v61 =	vadd.f32 v60, v59;
	_ =	sdelay $0x1  }
0x286: {  	v2 =	vadd.f32 v61, v2;
	_ =	sdelay $0x1  }
0x287: {  	(erf) = vrcp.f32 v2;
	_ =	sdelay $0x8  }
0x288: {  	v2 =	vpop (erf)  }
0x289: {  	v2 =	vmul.f32 $2.048000000e+03, v2;
	_ =	sdelay $0x1  }
0x28a: {  	v3 =	vmul.f32 v2, v3;
	v4 =	vmul.f32 v2, v52  }
0x28b: {  	v5 =	vmul.f32 v2, v53;
	v6 =	vmul.f32 v2, v54  }
0x28c: {  	v62 =	vld [tilespmem:$0x11FF0];
	v7 =	vmul.f32 v2, v55;
	v8 =	vmul.f32 v2, v56  }
0x28d: {  	v2 =	vmul.f32 v2, v57;
	v3 =	vtrunc.f32 v3  }
0x28e: {  	v4 =	vtrunc.f32 v4;
	v3 =	vcvt.f32.s32 v3  }
0x28f: {  	v5 =	vtrunc.f32 v5;
	v4 =	vcvt.f32.s32 v4  }
0x290: {  	v6 =	vtrunc.f32 v6;
	v5 =	vcvt.f32.s32 v5  }
0x291: {  	vm9 =	veq.s32 v62, $0x1;
	v7 =	vtrunc.f32 v7;
	v6 =	vcvt.f32.s32 v6  }
0x292: {  	vm10 =	veq.s32 v62, $0x2;
	v8 =	vtrunc.f32 v8;
	v7 =	vcvt.f32.s32 v7  }
0x293: {  	v63 =	vsel vm9, $0x10000, v1;
	v2 =	vtrunc.f32 v2;
	v8 =	vcvt.f32.s32 v8  }
0x294: {  	s18 =	sadd.s32 $0x1, s18;
	vm11 =	veq.s32 v62, $0x3;
	v2 =	vcvt.f32.s32 v2;
	[tilespmem:v3+s25+$0x0] =	vst.idx.add.s32.msk $0xffff, v63;
	v3 =	vsel vm10, $0x10000, v1  }
0x295: {  	p0 =	sne.s32 s18, $0x4;
	vm12 =	veq.s32 v62, $0x4;
	[tilespmem:v4+s26+$0x0] =	vst.idx.add.s32.msk $0xffff, v3;
	v3 =	vsel vm11, $0x10000, v1  }
.Ltmp3:
0x296: {  	vm13 =	veq.s32 v62, $0x5;
	[tilespmem:v5+s28+$0x0] =	vst.idx.add.s32.msk $0xffff, v3;
	v3 =	vsel vm12, $0x10000, v1;
	(pc) =	sbr.rel @p0 .LBB2_4-.Ltmp3, $4  }
0x297: {  	vm14 =	veq.s32 v62, $0x6;
	[tilespmem:v6+s7+$0x0] =	vst.idx.add.s32.msk $0xffff, v3;
	v3 =	vsel vm13, $0x10000, v1  }
0x298: {  	vm15 =	veq.s32 v62, $0x7;
	[tilespmem:v7+s8+$0x0] =	vst.idx.add.s32.msk $0xffff, v3;
	v3 =	vsel vm14, $0x10000, v1  }
0x299: {  	[tilespmem:v8+s10+$0x0] =	vst.idx.add.s32.msk $0xffff, v3;
	v3 =	vsel vm15, $0x10000, v1  }
0x29a: {  	[tilespmem:v2+s11+$0x0] =	vst.idx.add.s32.msk $0xffff, v3  }
0x29b: {  	s0 =	rddreg [dreg:$0xd]  }
0x29c: {  	s2 =	simm.s32 $0x80;
	s3 =	simm.s32 $0x400;
	s29 =	simm.s32 $0x3  }
0x29d: {  	[hbm4b:s0+s2] =	stream.strided.scatter [tilespmem:s25], [sflag:$0x3], $0x3800, s3, s2, $0x38;
	[tilespmem:$0x15880] =	vst v63  }
0x29e: {  	_ =	swait.ge [sflag:s29], $0x3800  }
0x29f: {  	s30 =	rddreg [dreg:$0xf]  }
0x2a0: {  	s31 =	rddreg [dreg:$0xe];
	s3 =	sadd.s32 $0x1, s30  }
0x2a1: {  	p0 =	sne.s32 s3, s31  }
.Ltmp4:
0x2a2: {  	_ = 	snop;
	(pc) =	sbr.rel @p0 .LBB2_1-.Ltmp4, $3  }
0x2a3: {  	_ =	sdelay $0x1  }
0x2a4: {  	[sflag:s29] =	ssyncset.done $0x0  }
0x2a5: {  	[sflag:s29] =	ssyncadd.s32 $0xFFFFC800  }
0x2a6: {  	_ =	sfence.sel $0x180000  }
0x2a7: {  	[bflag:$0x0] =	sbarrier.arrive $0xFFFF  }
0x2a8: {  	_ =	strace $0x90000047  }
0x2a9: {  	s0 =	stileid.u32;
	[bflag:$0x2] =	sbarrier.arrive $0xFFFF  }
0x2aa: {  	p0 =	sne.s32 s0, $0x0;
	s0 =	rddreg [dreg:$0x2]  }
0x2ab: {  	s0 =	sadd.s32 @!p0 $0x100000, s0  }
0x2ac: {  	[sflag:s0] =	ssyncadd.tile.s32 @!p0 $0x1;
	_ =	shalt  }
.Lfunc_end2:
_tile_overlayer_lowered:
.L_overlay_start_2:
0x2ad: {  	(tag) =	ssettag $0x2  }
0x2ae: {  	s0 =	rddreg [dreg:$0x0];
	s2 =	stileid.u32  }
0x2af: {  	s1 =	rddreg [dreg:$0x1];
	p0 =	sne.s32 s2, $0x0  }
0x2b0: {  	s3 =	rddreg [dreg:$0x2];
	[bflag:$0x3] =	sbarrier.arrive $0xFFFF;
	s2 =	simm.s32 @!p0 $0x1C03  }
0x2b1: {  	[timem:s3], [sflag:s2] =	dma.local @!p0 [hbm:s0], s1  }
0x2b2: {  	s0 =	simm.s32 @!p0 $0x3  }
0x2b3: {  	_ =	swait.ge @!p0 [sflag:s0], s1  }
0x2b4: {  	s1 =	ssub.s32 @!p0 $0x0, s1;
	[sflag:s0] =	ssyncset.done @!p0 $0x0  }
0x2b5: {  	[sflag:s0] =	ssyncadd.s32 @!p0 s1  }
0x2b6: {  	[bflag:$0x3] =	sbarrier.arrive $0xFFFF  }
0x2b7: {  	_ =	shalt  }

</sc_bundles>
